<compile_context>
chip_gen: v7x
topology: tpu7x:2x2x1
jax: 0.10.2.dev20260603
libtpu: 0.0.44.dev20260713+nightly
codegen_flags: <defaults>
</compile_context>

<pallas_src>
import functools

import jax
import jax.numpy as jnp
from jax import lax
from jax.experimental import pallas as pl
from jax.experimental.pallas import tpu as pltpu
from jax.experimental.pallas import tpu_sc as plsc

_N = 8192
_K = 4
_E = _N * _K

_SC_CORES = 2
_SC_SUBCORES = 16
_SC_WORKERS = _SC_CORES * _SC_SUBCORES

_KNN_ROWS = 512
_BE = 4096
_GW = 128
_GCHUNK = 512



def _knn_body(pc_blk_ref, pcT_ref, idx_ref):
    pcb = pc_blk_ref[...]
    pcT = pcT_ref[...]
    r = pcb.shape[0]
    sq_c = jnp.sum(pcT * pcT, axis=0, keepdims=True)
    sq_r = jnp.sum(pcb * pcb, axis=1, keepdims=True)
    dot = jnp.dot(pcb.astype(jnp.bfloat16), pcT.astype(jnp.bfloat16),
                  preferred_element_type=jnp.float32)
    d = sq_r + sq_c - 2.0 * dot
    lane = lax.broadcasted_iota(jnp.int32, (r, 128), 1)
    big_i = jnp.int32(2**30)
    inf = jnp.float32(jnp.inf)
    v0 = d[:, 0:128]
    i0 = jnp.zeros((r, 128), jnp.int32)
    v1 = jnp.full((r, 128), inf)
    i1 = jnp.zeros((r, 128), jnp.int32)
    v2 = jnp.full((r, 128), inf)
    i2 = jnp.zeros((r, 128), jnp.int32)
    for c in range(1, _N // 128):
        dc = d[:, c * 128:(c + 1) * 128]
        cc = jnp.int32(c)
        c0 = dc < v0
        c1 = dc < v1
        c2 = dc < v2
        v2 = jnp.where(c1, v1, jnp.where(c2, dc, v2))
        i2 = jnp.where(c1, i1, jnp.where(c2, cc, i2))
        v1 = jnp.where(c0, v0, jnp.where(c1, dc, v1))
        i1 = jnp.where(c0, i0, jnp.where(c1, cc, i1))
        v0 = jnp.where(c0, dc, v0)
        i0 = jnp.where(c0, cc, i0)
    w = jnp.concatenate([v0, v1, v2], axis=1)
    jf = jnp.concatenate(
        [i0 * 128 + lane, i1 * 128 + lane, i2 * 128 + lane], axis=1)
    cols = []
    for t in range(_K):
        m = jnp.min(w, axis=1, keepdims=True)
        j = jnp.min(jnp.where(w == m, jf, big_i), axis=1, keepdims=True)
        cols.append(j)
        if t < _K - 1:
            w = jnp.where(jf == j, inf, w)
    idx_ref[...] = jnp.concatenate(cols, axis=1)


def _knn(pc2d):
    pcT = pc2d.T
    return pl.pallas_call(
        _knn_body,
        grid=(_N // _KNN_ROWS,),
        in_specs=[
            pl.BlockSpec((_KNN_ROWS, 3), lambda i: (i, 0)),
            pl.BlockSpec((3, _N), lambda i: (0, 0)),
        ],
        out_specs=pl.BlockSpec((_KNN_ROWS, _K), lambda i: (i, 0)),
        out_shape=jax.ShapeDtypeStruct((_N, _K), jnp.int32),
    )(pc2d, pcT)



def _sc_gather(table, idx):
    b_per_w = _E // _SC_WORKERS
    n_chunks = b_per_w // _GCHUNK
    mesh = plsc.VectorSubcoreMesh(core_axis_name="c", subcore_axis_name="s")

    @functools.partial(
        pl.kernel,
        mesh=mesh,
        out_type=jax.ShapeDtypeStruct((_E, _GW), jnp.float32),
        scratch_types=[
            pltpu.VMEM((b_per_w,), jnp.int32),
            pltpu.VMEM((_GCHUNK, _GW), jnp.float32),
            pltpu.SemaphoreType.DMA,
        ],
    )
    def k(table_hbm, idx_hbm, out_hbm, idx_v, rows_v, sem):
        wid = lax.axis_index("s") * _SC_CORES + lax.axis_index("c")
        base = wid * b_per_w
        pltpu.sync_copy(idx_hbm.at[pl.ds(base, b_per_w)], idx_v)
        for c in range(n_chunks):
            pltpu.async_copy(
                table_hbm.at[idx_v.at[pl.ds(c * _GCHUNK, _GCHUNK)]],
                rows_v, sem).wait()
            pltpu.sync_copy(rows_v,
                            out_hbm.at[pl.ds(base + c * _GCHUNK, _GCHUNK)])

    return k(table, idx)



_PB = _E // _BE
_BN2 = _N // _PB


def _bdot(x, w):
    return jnp.dot(x.astype(jnp.bfloat16), w.astype(jnp.bfloat16),
                   preferred_element_type=jnp.float32)


def _norm_lrelu(h, s, pack, c):
    mean = s[0:1, :] * (1.0 / _E)
    var = s[1:2, :] * (1.0 / _E) - mean * mean
    g = pack[:, c:2 * c]
    be = pack[:, 2 * c:3 * c]
    h = (h - mean) / jnp.sqrt(var + 1e-5) * g + be
    return jnp.where(h >= 0, h, 0.1 * h)


def _accum(s_ref, h, b):
    c = h.shape[1]
    part = jnp.concatenate(
        [jnp.sum(h, axis=0, keepdims=True),
         jnp.sum(h * h, axis=0, keepdims=True),
         jnp.zeros((6, c), jnp.float32)], axis=0)

    @pl.when(b == 0)
    def _():
        s_ref[...] = part

    @pl.when(b != 0)
    def _():
        s_ref[...] = s_ref[...] + part


def _layer_kernel_body(g_ref, aux_ref, flow_ref, w1, p1, w2, p2, w3, p3,
                       fcw_ref, fcb_ref, out_ref, ef_ref, h_scr, s0, s1, s2,
                       *, c, cin, first, last):
    p = pl.program_id(0)
    b = pl.program_id(1)

    @pl.when(p == 0)
    def _():
        g = g_ref[...]
        if first:
            ef = g[:, 3:6] - aux_ref[...][:, 0:3]
            x = jnp.concatenate([g[:, 0:3], ef], axis=1)
            ef_ref[...] = jnp.concatenate(
                [ef, jnp.zeros((_BE, 1), jnp.float32)], axis=1)
        else:
            x = jnp.concatenate([g[:, 0:cin], aux_ref[...][:, 0:3]], axis=1)
        h = _bdot(x, w1[...]) + p1[...][:, 0:c]
        h_scr[pl.ds(b * _BE, _BE), :] = h
        _accum(s0, h, b)

    @pl.when(p == 1)
    def _():
        h = _norm_lrelu(h_scr[pl.ds(b * _BE, _BE), :], s0[...], p1[...], c)
        h = _bdot(h, w2[...]) + p2[...][:, 0:c]
        h_scr[pl.ds(b * _BE, _BE), :] = h
        _accum(s1, h, b)

    @pl.when(p == 2)
    def _():
        h = _norm_lrelu(h_scr[pl.ds(b * _BE, _BE), :], s1[...], p2[...], c)
        h = _bdot(h, w3[...]) + p3[...][:, 0:c]
        h_scr[pl.ds(b * _BE, _BE), :] = h
        _accum(s2, h, b)

    @pl.when(p == 3)
    def _():
        s = s2[...]
        pk = p3[...]
        hs = [_norm_lrelu(h_scr[pl.ds(k * _N + b * _BN2, _BN2), :], s, pk, c)
              for k in range(_K)]
        m = jnp.maximum(jnp.maximum(hs[0], hs[1]), jnp.maximum(hs[2], hs[3]))
        if last:
            y = _bdot(m, fcw_ref[...]) + fcb_ref[...]
            out_ref[...] = flow_ref[...] + y
        else:
            out_ref[...] = jnp.concatenate(
                [m, jnp.zeros((_BN2, _GW - c), jnp.float32)], axis=1)


def _pack_layer_params(pp, w):
    def pack(i):
        return jnp.concatenate(
            [pp['fc%d_b' % i], pp['bn%d_g' % i], pp['bn%d_b' % i]]
        ).reshape(1, 3 * w)
    return (pp['fc1_w'].T, pack(1), pp['fc2_w'].T, pack(2),
            pp['fc3_w'].T, pack(3))


def _setconv_layer(gathered, aux, flow2d, fcw, fcb, pp, cin, c, first, last):
    wt1, pk1, wt2, pk2, wt3, pk3 = _pack_layer_params(pp, c)

    def g_map(p, b):
        return (jnp.where(p == 0, b, _PB - 1), 0)

    def aux_map(p, b):
        nb = _PB - 1 if not first else 1
        sel = b if not first else b % (_N // _BE)
        return (jnp.where(p == 0, sel, nb), 0)

    def out_map(p, b):
        return (jnp.where(p == 3, b, 0), 0)

    in_specs = [
        pl.BlockSpec((_BE, _GW), g_map),
        pl.BlockSpec((_BE, 4) if not first else (_BE, 3), aux_map),
        pl.BlockSpec((_BN2, 3), out_map),
        pl.BlockSpec(wt1.shape, lambda p, b: (0, 0)),
        pl.BlockSpec(pk1.shape, lambda p, b: (0, 0)),
        pl.BlockSpec(wt2.shape, lambda p, b: (0, 0)),
        pl.BlockSpec(pk2.shape, lambda p, b: (0, 0)),
        pl.BlockSpec(wt3.shape, lambda p, b: (0, 0)),
        pl.BlockSpec(pk3.shape, lambda p, b: (0, 0)),
        pl.BlockSpec(fcw.shape, lambda p, b: (0, 0)),
        pl.BlockSpec(fcb.shape, lambda p, b: (0, 0)),
    ]
    if last:
        out_shape = [jax.ShapeDtypeStruct((_N, 3), jnp.float32)]
        out_specs = [pl.BlockSpec((_BN2, 3), out_map)]
    else:
        out_shape = [jax.ShapeDtypeStruct((_N, _GW), jnp.float32)]
        out_specs = [pl.BlockSpec((_BN2, _GW), out_map)]
    out_shape.append(jax.ShapeDtypeStruct((_E, 4), jnp.float32))
    out_specs.append(pl.BlockSpec((_BE, 4), g_map))

    res = pl.pallas_call(
        functools.partial(_layer_kernel_body, c=c, cin=cin,
                          first=first, last=last),
        grid=(4, _PB),
        in_specs=in_specs,
        out_specs=out_specs,
        out_shape=tuple(out_shape),
        scratch_shapes=[
            pltpu.VMEM((_E, c), jnp.float32),
            pltpu.VMEM((8, c), jnp.float32),
            pltpu.VMEM((8, c), jnp.float32),
            pltpu.VMEM((8, c), jnp.float32),
        ],
    )(gathered, aux, flow2d, wt1, pk1, wt2, pk2, wt3, pk3, fcw, fcb)
    return res


def kernel(pc, flow, params):
    pc2d = pc.reshape(_N, 3)
    flow2d = flow.reshape(_N, 3)

    idx = _knn(pc2d)
    edges = idx.T.reshape(_E)

    fcw = params['fc_w'].T
    fcb = params['fc_b'].reshape(1, 3)

    table0 = jnp.concatenate(
        [flow2d, pc2d, jnp.zeros((_N, _GW - 6), jnp.float32)], axis=1)
    g0 = _sc_gather(table0, edges)
    x1, ef = _setconv_layer(g0, pc2d, flow2d, fcw, fcb, params['sc1'],
                            3, 16, True, False)

    g1 = _sc_gather(x1, edges)
    x2, _ = _setconv_layer(g1, ef, flow2d, fcw, fcb, params['sc2'],
                           16, 32, False, False)

    g2 = _sc_gather(x2, edges)
    out, _ = _setconv_layer(g2, ef, flow2d, fcw, fcb, params['sc3'],
                            32, 64, False, True)

    return out.reshape(1, _N, 3)

# --- scband reference (transcript-rebuilt; emitter-appended) ---
"""Pipeline reference for scband-dmr-flot-refine-67327907332134 (READ-ONLY COPY).

The authoritative reference and input builder live on the scoring server;
editing this copy changes nothing except your own understanding.
"""

import jax, jax.numpy as jnp
import numpy as np

NUM_NEIGHBORS = 4


def _init_linear(key, fin, fout):
    k1, k2 = jax.random.split(key)
    lim = 1.0 / np.sqrt(fin)
    W = jax.random.uniform(k1, (fout, fin), minval=-lim, maxval=lim, dtype=jnp.float32)
    b = jax.random.uniform(k2, (fout,), minval=-lim, maxval=lim, dtype=jnp.float32)
    return W, b


def _setconv_params(key, fin, fout):
    ks = jax.random.split(key, 3)
    p = {}
    p['fc1_w'], p['fc1_b'] = _init_linear(ks[0], fin + 3, fout)
    p['fc2_w'], p['fc2_b'] = _init_linear(ks[1], fout, fout)
    p['fc3_w'], p['fc3_b'] = _init_linear(ks[2], fout, fout)
    for i in (1, 2, 3):
        p['bn%d_g' % i] = jnp.ones((fout,), dtype=jnp.float32)
        p['bn%d_b' % i] = jnp.zeros((fout,), dtype=jnp.float32)
    return p


def setup_inputs(seed: int = 0):
    key = jax.random.key(seed)
    kpc, kflow, k1, k2, k3, k4 = jax.random.split(key, 6)
    pc = jax.random.normal(kpc, (1, 8192, 3), dtype=jnp.float32)
    flow = jax.random.normal(kflow, (1, 8192, 3), dtype=jnp.float32)
    params = {
        'sc1': _setconv_params(k1, 3, 16),
        'sc2': _setconv_params(k2, 16, 32),
        'sc3': _setconv_params(k3, 32, 64),
    }
    fw, fb = _init_linear(k4, 64, 3)
    params['fc_w'] = fw
    params['fc_b'] = fb
    return {'pc': pc, 'flow': flow, 'params': params}


def construct_graph(pc, nb_neighbors):
    # Faithful port of FLOT Graph.construct_graph
    b, n, _ = pc.shape
    sq = jnp.sum(pc ** 2, axis=-1, keepdims=True)            # [b, n, 1]
    dist = sq + jnp.swapaxes(sq, 1, 2) - 2.0 * jnp.einsum('bnd,bmd->bnm', pc, pc)
    neighbors = jnp.argsort(dist, axis=-1)[..., :nb_neighbors]  # [b, n, k]
    neighbors = neighbors.reshape(b, n * nb_neighbors)
    idx = jnp.repeat(jnp.arange(n), nb_neighbors)            # edge origins
    # edge features: neighbor coord - origin coord (per batch)
    nb_xyz = jnp.take_along_axis(pc, neighbors[..., None], axis=1)  # [b, n*k, 3]
    edge_feats = (nb_xyz - pc[:, idx, :]).reshape(b * n * nb_neighbors, 3)
    # batch offsets so edges index into flattened [b*n, c] signal
    offsets = (jnp.arange(b) * n)[:, None]
    edges = (neighbors + offsets).reshape(-1)
    return edges, edge_feats


def _instance_norm(x, g, beta, eps=1e-5):
    # x: [b, L, C]; normalize over L per (batch, channel) == torch InstanceNorm1d(affine=True)
    mean = jnp.mean(x, axis=1, keepdims=True)
    var = jnp.var(x, axis=1, keepdims=True)
    return (x - mean) / jnp.sqrt(var + eps) * g + beta


def _lrelu(x):
    return jnp.where(x >= 0, x, 0.1 * x)


def _set_conv(p, signal, edges, edge_feats, k_neighbors, size0):
    b, n, c = signal.shape
    n_out = size0 // b
    sig = signal.reshape(b * n, c)
    sig = jnp.concatenate([sig[edges], edge_feats], axis=-1)   # gather on edges
    sig = sig.reshape(b, n_out * k_neighbors, c + 3)
    for i, (W, bb) in enumerate([(p['fc1_w'], p['fc1_b']), (p['fc2_w'], p['fc2_b']), (p['fc3_w'], p['fc3_b'])], 1):
        sig = sig @ W.T + bb
        sig = _instance_norm(sig, p['bn%d_g' % i], p['bn%d_b' % i])
        sig = _lrelu(sig)
    sig = sig.reshape(b, n_out, k_neighbors, -1)
    return jnp.max(sig, axis=2)


def reference(pc, flow, params):
    b, n, _ = pc.shape
    edges, edge_feats = construct_graph(pc, NUM_NEIGHBORS)
    size0 = b * n
    x = _set_conv(params['sc1'], flow, edges, edge_feats, NUM_NEIGHBORS, size0)
    x = _set_conv(params['sc2'], x, edges, edge_feats, NUM_NEIGHBORS, size0)
    x = _set_conv(params['sc3'], x, edges, edge_feats, NUM_NEIGHBORS, size0)
    x = x @ params['fc_w'].T + params['fc_b']
    return flow + x

if __name__ == "__main__":
    import jax
    _d = setup_inputs()
    print(jax.jit(kernel)(*tuple(_d.values())))

</pallas_src>

<mosaic_0001>
#map = affine_map<(d0, d1) -> (0, 0)>
#map1 = affine_map<(d0, d1) -> (0)>
module attributes {stable_mosaic.version = 14 : i64} {
  func.func @k(%arg0: i32, %arg1: i32, %arg2: memref<8192x128xf32, #tpu.memory_space<hbm>>, %arg3: memref<32768xi32, #tpu.memory_space<hbm>>, %arg4: memref<32768x128xf32, #tpu.memory_space<hbm>>, %arg5: memref<1024xi32, #tpu.memory_space<vmem>>, %arg6: memref<512x128xf32, #tpu.memory_space<vmem>>, %arg7: memref<!tpu.dma_semaphore, #tpu.memory_space<semaphore_mem>>) attributes {dimension_semantics = [#tpu.dimension_semantics<core_parallel>, #tpu.dimension_semantics<subcore_parallel>], iteration_bounds = array<i64: 2, 16>, scalar_prefetch = 0 : i64, scratch_operands = 3 : i64, tpu.core_type = #tpu.core_type<sc_vector_subcore>, window_params = [{transform_indices = #map}, {transform_indices = #map1}, {transform_indices = #map}]} {
    %mul3A = arith.constant 2 : i32
    %mul3A_0 = arith.muli %arg1, %mul3A : i32
    %add3A = arith.addi %mul3A_0, %arg0 : i32
    %mul3A_1 = arith.constant 1024 : i32
    %mul3A_2 = arith.muli %add3A, %mul3A_1 : i32
    "tpu.region"() ({
      %run_scoped3A = tpu.sem_alloc : memref<!tpu.dma_semaphore, #tpu.memory_space<semaphore_mem>>
      %dma_start3A_25 = tpu.memref_slice %arg3[%mul3A_2] : memref<32768xi32, #tpu.memory_space<hbm>> -> memref<1024xi32, #tpu.memory_space<hbm>>
      %dma_start3A_26 = tpu.memref_slice %arg3[%mul3A_2] : memref<32768xi32, #tpu.memory_space<hbm>> -> memref<1024xi32, #tpu.memory_space<hbm>>
      tpu.enqueue_dma source(%dma_start3A_26 : memref<1024xi32, #tpu.memory_space<hbm>>) target(%arg5 : memref<1024xi32, #tpu.memory_space<vmem>>) target_semaphore(%run_scoped3A : memref<!tpu.dma_semaphore, #tpu.memory_space<semaphore_mem>>)
      %dma_wait3A_27 = tpu.memref_slice %arg3[%mul3A_2] : memref<32768xi32, #tpu.memory_space<hbm>> -> memref<1024xi32, #tpu.memory_space<hbm>>
      %dma_wait3A_28 = tpu.memref_slice %arg3[%mul3A_2] : memref<32768xi32, #tpu.memory_space<hbm>> -> memref<1024xi32, #tpu.memory_space<hbm>>
      tpu.wait_dma2 semaphore(%run_scoped3A : memref<!tpu.dma_semaphore, #tpu.memory_space<semaphore_mem>>) src(%dma_wait3A_28 : memref<1024xi32, #tpu.memory_space<hbm>>) dst(%arg5 : memref<1024xi32, #tpu.memory_space<vmem>>)
      tpu.yield
    }) : () -> ()
    %dma_start3A = arith.constant 0 : i32
    %dma_start3A_3 = tpu.memref_slice %arg5[%dma_start3A] : memref<1024xi32, #tpu.memory_space<vmem>> -> memref<512xi32, #tpu.memory_space<vmem>>
    %dma_start3A_4 = arith.constant 0 : i32
    %dma_start3A_5 = arith.constant 0 : i32
    %dma_start3A_6 = tpu.memref_slice %arg2[%dma_start3A_4, %dma_start3A_5] : memref<8192x128xf32, #tpu.memory_space<hbm>> -> memref<8192x128xf32, #tpu.memory_space<hbm>>
    tpu.enqueue_indirect_dma source(%dma_start3A_6 : memref<8192x128xf32, #tpu.memory_space<hbm>>) target(%arg6 : memref<512x128xf32, #tpu.memory_space<vmem>>) offsets(%dma_start3A_3 : memref<512xi32, #tpu.memory_space<vmem>>) semaphore(%arg7 : memref<!tpu.dma_semaphore, #tpu.memory_space<semaphore_mem>>)
    %dma_wait3A = arith.constant 0 : i32
    %dma_wait3A_7 = tpu.memref_slice %arg5[%dma_wait3A] : memref<1024xi32, #tpu.memory_space<vmem>> -> memref<512xi32, #tpu.memory_space<vmem>>
    %dma_wait3A_8 = arith.constant 0 : i32
    %dma_wait3A_9 = arith.constant 0 : i32
    %dma_wait3A_10 = tpu.memref_slice %arg2[%dma_wait3A_8, %dma_wait3A_9] : memref<8192x128xf32, #tpu.memory_space<hbm>> -> memref<8192x128xf32, #tpu.memory_space<hbm>>
    tpu.wait_indirect_dma semaphore(%arg7 : memref<!tpu.dma_semaphore, #tpu.memory_space<semaphore_mem>>) src(%dma_wait3A_10 : memref<8192x128xf32, #tpu.memory_space<hbm>>) dst(%arg6 : memref<512x128xf32, #tpu.memory_space<vmem>>)
    %add3A_11 = arith.constant 0 : i32
    %add3A_12 = arith.addi %mul3A_2, %add3A_11 : i32
    "tpu.region"() ({
      %run_scoped3A = tpu.sem_alloc : memref<!tpu.dma_semaphore, #tpu.memory_space<semaphore_mem>>
      %dma_start3A_25 = arith.constant 0 : i32
      %dma_start3A_26 = tpu.memref_slice %arg4[%add3A_12, %dma_start3A_25] : memref<32768x128xf32, #tpu.memory_space<hbm>> -> memref<512x128xf32, #tpu.memory_space<hbm>>
      %dma_start3A_27 = arith.constant 0 : i32
      %dma_start3A_28 = tpu.memref_slice %arg4[%add3A_12, %dma_start3A_27] : memref<32768x128xf32, #tpu.memory_space<hbm>> -> memref<512x128xf32, #tpu.memory_space<hbm>>
      tpu.enqueue_dma source(%arg6 : memref<512x128xf32, #tpu.memory_space<vmem>>) target(%dma_start3A_28 : memref<512x128xf32, #tpu.memory_space<hbm>>) target_semaphore(%run_scoped3A : memref<!tpu.dma_semaphore, #tpu.memory_space<semaphore_mem>>)
      %dma_wait3A_29 = arith.constant 0 : i32
      %dma_wait3A_30 = tpu.memref_slice %arg4[%add3A_12, %dma_wait3A_29] : memref<32768x128xf32, #tpu.memory_space<hbm>> -> memref<512x128xf32, #tpu.memory_space<hbm>>
      %dma_wait3A_31 = arith.constant 0 : i32
      %dma_wait3A_32 = tpu.memref_slice %arg4[%add3A_12, %dma_wait3A_31] : memref<32768x128xf32, #tpu.memory_space<hbm>> -> memref<512x128xf32, #tpu.memory_space<hbm>>
      tpu.wait_dma2 semaphore(%run_scoped3A : memref<!tpu.dma_semaphore, #tpu.memory_space<semaphore_mem>>) src(%arg6 : memref<512x128xf32, #tpu.memory_space<vmem>>) dst(%dma_wait3A_32 : memref<512x128xf32, #tpu.memory_space<hbm>>)
      tpu.yield
    }) : () -> ()
    %dma_start3A_13 = arith.constant 512 : i32
    %dma_start3A_14 = tpu.memref_slice %arg5[%dma_start3A_13] : memref<1024xi32, #tpu.memory_space<vmem>> -> memref<512xi32, #tpu.memory_space<vmem>>
    %dma_start3A_15 = arith.constant 0 : i32
    %dma_start3A_16 = arith.constant 0 : i32
    %dma_start3A_17 = tpu.memref_slice %arg2[%dma_start3A_15, %dma_start3A_16] : memref<8192x128xf32, #tpu.memory_space<hbm>> -> memref<8192x128xf32, #tpu.memory_space<hbm>>
    tpu.enqueue_indirect_dma source(%dma_start3A_17 : memref<8192x128xf32, #tpu.memory_space<hbm>>) target(%arg6 : memref<512x128xf32, #tpu.memory_space<vmem>>) offsets(%dma_start3A_14 : memref<512xi32, #tpu.memory_space<vmem>>) semaphore(%arg7 : memref<!tpu.dma_semaphore, #tpu.memory_space<semaphore_mem>>)
    %dma_wait3A_18 = arith.constant 512 : i32
    %dma_wait3A_19 = tpu.memref_slice %arg5[%dma_wait3A_18] : memref<1024xi32, #tpu.memory_space<vmem>> -> memref<512xi32, #tpu.memory_space<vmem>>
    %dma_wait3A_20 = arith.constant 0 : i32
    %dma_wait3A_21 = arith.constant 0 : i32
    %dma_wait3A_22 = tpu.memref_slice %arg2[%dma_wait3A_20, %dma_wait3A_21] : memref<8192x128xf32, #tpu.memory_space<hbm>> -> memref<8192x128xf32, #tpu.memory_space<hbm>>
    tpu.wait_indirect_dma semaphore(%arg7 : memref<!tpu.dma_semaphore, #tpu.memory_space<semaphore_mem>>) src(%dma_wait3A_22 : memref<8192x128xf32, #tpu.memory_space<hbm>>) dst(%arg6 : memref<512x128xf32, #tpu.memory_space<vmem>>)
    %add3A_23 = arith.constant 512 : i32
    %add3A_24 = arith.addi %mul3A_2, %add3A_23 : i32
    "tpu.region"() ({
      %run_scoped3A = tpu.sem_alloc : memref<!tpu.dma_semaphore, #tpu.memory_space<semaphore_mem>>
      %dma_start3A_25 = arith.constant 0 : i32
      %dma_start3A_26 = tpu.memref_slice %arg4[%add3A_24, %dma_start3A_25] : memref<32768x128xf32, #tpu.memory_space<hbm>> -> memref<512x128xf32, #tpu.memory_space<hbm>>
      %dma_start3A_27 = arith.constant 0 : i32
      %dma_start3A_28 = tpu.memref_slice %arg4[%add3A_24, %dma_start3A_27] : memref<32768x128xf32, #tpu.memory_space<hbm>> -> memref<512x128xf32, #tpu.memory_space<hbm>>
      tpu.enqueue_dma source(%arg6 : memref<512x128xf32, #tpu.memory_space<vmem>>) target(%dma_start3A_28 : memref<512x128xf32, #tpu.memory_space<hbm>>) target_semaphore(%run_scoped3A : memref<!tpu.dma_semaphore, #tpu.memory_space<semaphore_mem>>)
      %dma_wait3A_29 = arith.constant 0 : i32
      %dma_wait3A_30 = tpu.memref_slice %arg4[%add3A_24, %dma_wait3A_29] : memref<32768x128xf32, #tpu.memory_space<hbm>> -> memref<512x128xf32, #tpu.memory_space<hbm>>
      %dma_wait3A_31 = arith.constant 0 : i32
      %dma_wait3A_32 = tpu.memref_slice %arg4[%add3A_24, %dma_wait3A_31] : memref<32768x128xf32, #tpu.memory_space<hbm>> -> memref<512x128xf32, #tpu.memory_space<hbm>>
      tpu.wait_dma2 semaphore(%run_scoped3A : memref<!tpu.dma_semaphore, #tpu.memory_space<semaphore_mem>>) src(%arg6 : memref<512x128xf32, #tpu.memory_space<vmem>>) dst(%dma_wait3A_32 : memref<512x128xf32, #tpu.memory_space<hbm>>)
      tpu.yield
    }) : () -> ()
    return
  }
}

#map = affine_map<(d0, d1) -> (0, 0)>
#map1 = affine_map<(d0, d1) -> (0)>
module attributes {stable_mosaic.version = 14 : i64} {
  func.func @k(%arg0: i32, %arg1: i32, %arg2: memref<8192x128xf32, #tpu.memory_space<hbm>>, %arg3: memref<32768xi32, #tpu.memory_space<hbm>>, %arg4: memref<32768x128xf32, #tpu.memory_space<hbm>>, %arg5: memref<1024xi32, #tpu.memory_space<vmem>>, %arg6: memref<512x128xf32, #tpu.memory_space<vmem>>, %arg7: memref<!tpu.dma_semaphore, #tpu.memory_space<semaphore_mem>>) attributes {dimension_semantics = [#tpu.dimension_semantics<core_parallel>, #tpu.dimension_semantics<subcore_parallel>], iteration_bounds = array<i64: 2, 16>, scalar_prefetch = 0 : i64, scratch_operands = 3 : i64, tpu.core_type = #tpu.core_type<sc_vector_subcore>, window_params = [{transform_indices = #map}, {transform_indices = #map1}, {transform_indices = #map}]} {
    %mul3A = arith.constant 2 : i32
    %mul3A_0 = arith.muli %arg1, %mul3A : i32
    %add3A = arith.addi %mul3A_0, %arg0 : i32
    %mul3A_1 = arith.constant 1024 : i32
    %mul3A_2 = arith.muli %add3A, %mul3A_1 : i32
    "tpu.region"() ({
      %run_scoped3A = tpu.sem_alloc : memref<!tpu.dma_semaphore, #tpu.memory_space<semaphore_mem>>
      %dma_start3A_25 = tpu.memref_slice %arg3[%mul3A_2] : memref<32768xi32, #tpu.memory_space<hbm>> -> memref<1024xi32, #tpu.memory_space<hbm>>
      %dma_start3A_26 = tpu.memref_slice %arg3[%mul3A_2] : memref<32768xi32, #tpu.memory_space<hbm>> -> memref<1024xi32, #tpu.memory_space<hbm>>
      tpu.enqueue_dma source(%dma_start3A_26 : memref<1024xi32, #tpu.memory_space<hbm>>) target(%arg5 : memref<1024xi32, #tpu.memory_space<vmem>>) target_semaphore(%run_scoped3A : memref<!tpu.dma_semaphore, #tpu.memory_space<semaphore_mem>>)
      %dma_wait3A_27 = tpu.memref_slice %arg3[%mul3A_2] : memref<32768xi32, #tpu.memory_space<hbm>> -> memref<1024xi32, #tpu.memory_space<hbm>>
      %dma_wait3A_28 = tpu.memref_slice %arg3[%mul3A_2] : memref<32768xi32, #tpu.memory_space<hbm>> -> memref<1024xi32, #tpu.memory_space<hbm>>
      tpu.wait_dma2 semaphore(%run_scoped3A : memref<!tpu.dma_semaphore, #tpu.memory_space<semaphore_mem>>) src(%dma_wait3A_28 : memref<1024xi32, #tpu.memory_space<hbm>>) dst(%arg5 : memref<1024xi32, #tpu.memory_space<vmem>>)
      tpu.yield
    }) : () -> ()
    %dma_start3A = arith.constant 0 : i32
    %dma_start3A_3 = tpu.memref_slice %arg5[%dma_start3A] : memref<1024xi32, #tpu.memory_space<vmem>> -> memref<512xi32, #tpu.memory_space<vmem>>
    %dma_start3A_4 = arith.constant 0 : i32
    %dma_start3A_5 = arith.constant 0 : i32
    %dma_start3A_6 = tpu.memref_slice %arg2[%dma_start3A_4, %dma_start3A_5] : memref<8192x128xf32, #tpu.memory_space<hbm>> -> memref<8192x128xf32, #tpu.memory_space<hbm>>
    tpu.enqueue_indirect_dma source(%dma_start3A_6 : memref<8192x128xf32, #tpu.memory_space<hbm>>) target(%arg6 : memref<512x128xf32, #tpu.memory_space<vmem>>) offsets(%dma_start3A_3 : memref<512xi32, #tpu.memory_space<vmem>>) semaphore(%arg7 : memref<!tpu.dma_semaphore, #tpu.memory_space<semaphore_mem>>)
    %dma_wait3A = arith.constant 0 : i32
    %dma_wait3A_7 = tpu.memref_slice %arg5[%dma_wait3A] : memref<1024xi32, #tpu.memory_space<vmem>> -> memref<512xi32, #tpu.memory_space<vmem>>
    %dma_wait3A_8 = arith.constant 0 : i32
    %dma_wait3A_9 = arith.constant 0 : i32
    %dma_wait3A_10 = tpu.memref_slice %arg2[%dma_wait3A_8, %dma_wait3A_9] : memref<8192x128xf32, #tpu.memory_space<hbm>> -> memref<8192x128xf32, #tpu.memory_space<hbm>>
    tpu.wait_indirect_dma semaphore(%arg7 : memref<!tpu.dma_semaphore, #tpu.memory_space<semaphore_mem>>) src(%dma_wait3A_10 : memref<8192x128xf32, #tpu.memory_space<hbm>>) dst(%arg6 : memref<512x128xf32, #tpu.memory_space<vmem>>)
    %add3A_11 = arith.constant 0 : i32
    %add3A_12 = arith.addi %mul3A_2, %add3A_11 : i32
    "tpu.region"() ({
      %run_scoped3A = tpu.sem_alloc : memref<!tpu.dma_semaphore, #tpu.memory_space<semaphore_mem>>
      %dma_start3A_25 = arith.constant 0 : i32
      %dma_start3A_26 = tpu.memref_slice %arg4[%add3A_12, %dma_start3A_25] : memref<32768x128xf32, #tpu.memory_space<hbm>> -> memref<512x128xf32, #tpu.memory_space<hbm>>
      %dma_start3A_27 = arith.constant 0 : i32
      %dma_start3A_28 = tpu.memref_slice %arg4[%add3A_12, %dma_start3A_27] : memref<32768x128xf32, #tpu.memory_space<hbm>> -> memref<512x128xf32, #tpu.memory_space<hbm>>
      tpu.enqueue_dma source(%arg6 : memref<512x128xf32, #tpu.memory_space<vmem>>) target(%dma_start3A_28 : memref<512x128xf32, #tpu.memory_space<hbm>>) target_semaphore(%run_scoped3A : memref<!tpu.dma_semaphore, #tpu.memory_space<semaphore_mem>>)
      %dma_wait3A_29 = arith.constant 0 : i32
      %dma_wait3A_30 = tpu.memref_slice %arg4[%add3A_12, %dma_wait3A_29] : memref<32768x128xf32, #tpu.memory_space<hbm>> -> memref<512x128xf32, #tpu.memory_space<hbm>>
      %dma_wait3A_31 = arith.constant 0 : i32
      %dma_wait3A_32 = tpu.memref_slice %arg4[%add3A_12, %dma_wait3A_31] : memref<32768x128xf32, #tpu.memory_space<hbm>> -> memref<512x128xf32, #tpu.memory_space<hbm>>
      tpu.wait_dma2 semaphore(%run_scoped3A : memref<!tpu.dma_semaphore, #tpu.memory_space<semaphore_mem>>) src(%arg6 : memref<512x128xf32, #tpu.memory_space<vmem>>) dst(%dma_wait3A_32 : memref<512x128xf32, #tpu.memory_space<hbm>>)
      tpu.yield
    }) : () -> ()
    %dma_start3A_13 = arith.constant 512 : i32
    %dma_start3A_14 = tpu.memref_slice %arg5[%dma_start3A_13] : memref<1024xi32, #tpu.memory_space<vmem>> -> memref<512xi32, #tpu.memory_space<vmem>>
    %dma_start3A_15 = arith.constant 0 : i32
    %dma_start3A_16 = arith.constant 0 : i32
    %dma_start3A_17 = tpu.memref_slice %arg2[%dma_start3A_15, %dma_start3A_16] : memref<8192x128xf32, #tpu.memory_space<hbm>> -> memref<8192x128xf32, #tpu.memory_space<hbm>>
    tpu.enqueue_indirect_dma source(%dma_start3A_17 : memref<8192x128xf32, #tpu.memory_space<hbm>>) target(%arg6 : memref<512x128xf32, #tpu.memory_space<vmem>>) offsets(%dma_start3A_14 : memref<512xi32, #tpu.memory_space<vmem>>) semaphore(%arg7 : memref<!tpu.dma_semaphore, #tpu.memory_space<semaphore_mem>>)
    %dma_wait3A_18 = arith.constant 512 : i32
    %dma_wait3A_19 = tpu.memref_slice %arg5[%dma_wait3A_18] : memref<1024xi32, #tpu.memory_space<vmem>> -> memref<512xi32, #tpu.memory_space<vmem>>
    %dma_wait3A_20 = arith.constant 0 : i32
    %dma_wait3A_21 = arith.constant 0 : i32
    %dma_wait3A_22 = tpu.memref_slice %arg2[%dma_wait3A_20, %dma_wait3A_21] : memref<8192x128xf32, #tpu.memory_space<hbm>> -> memref<8192x128xf32, #tpu.memory_space<hbm>>
    tpu.wait_indirect_dma semaphore(%arg7 : memref<!tpu.dma_semaphore, #tpu.memory_space<semaphore_mem>>) src(%dma_wait3A_22 : memref<8192x128xf32, #tpu.memory_space<hbm>>) dst(%arg6 : memref<512x128xf32, #tpu.memory_space<vmem>>)
    %add3A_23 = arith.constant 512 : i32
    %add3A_24 = arith.addi %mul3A_2, %add3A_23 : i32
    "tpu.region"() ({
      %run_scoped3A = tpu.sem_alloc : memref<!tpu.dma_semaphore, #tpu.memory_space<semaphore_mem>>
      %dma_start3A_25 = arith.constant 0 : i32
      %dma_start3A_26 = tpu.memref_slice %arg4[%add3A_24, %dma_start3A_25] : memref<32768x128xf32, #tpu.memory_space<hbm>> -> memref<512x128xf32, #tpu.memory_space<hbm>>
      %dma_start3A_27 = arith.constant 0 : i32
      %dma_start3A_28 = tpu.memref_slice %arg4[%add3A_24, %dma_start3A_27] : memref<32768x128xf32, #tpu.memory_space<hbm>> -> memref<512x128xf32, #tpu.memory_space<hbm>>
      tpu.enqueue_dma source(%arg6 : memref<512x128xf32, #tpu.memory_space<vmem>>) target(%dma_start3A_28 : memref<512x128xf32, #tpu.memory_space<hbm>>) target_semaphore(%run_scoped3A : memref<!tpu.dma_semaphore, #tpu.memory_space<semaphore_mem>>)
      %dma_wait3A_29 = arith.constant 0 : i32
      %dma_wait3A_30 = tpu.memref_slice %arg4[%add3A_24, %dma_wait3A_29] : memref<32768x128xf32, #tpu.memory_space<hbm>> -> memref<512x128xf32, #tpu.memory_space<hbm>>
      %dma_wait3A_31 = arith.constant 0 : i32
      %dma_wait3A_32 = tpu.memref_slice %arg4[%add3A_24, %dma_wait3A_31] : memref<32768x128xf32, #tpu.memory_space<hbm>> -> memref<512x128xf32, #tpu.memory_space<hbm>>
      tpu.wait_dma2 semaphore(%run_scoped3A : memref<!tpu.dma_semaphore, #tpu.memory_space<semaphore_mem>>) src(%arg6 : memref<512x128xf32, #tpu.memory_space<vmem>>) dst(%dma_wait3A_32 : memref<512x128xf32, #tpu.memory_space<hbm>>)
      tpu.yield
    }) : () -> ()
    return
  }
}

#map = affine_map<(d0, d1) -> (0, 0)>
#map1 = affine_map<(d0, d1) -> (0)>
module attributes {stable_mosaic.version = 14 : i64} {
  func.func @k(%arg0: i32, %arg1: i32, %arg2: memref<8192x128xf32, #tpu.memory_space<hbm>>, %arg3: memref<32768xi32, #tpu.memory_space<hbm>>, %arg4: memref<32768x128xf32, #tpu.memory_space<hbm>>, %arg5: memref<1024xi32, #tpu.memory_space<vmem>>, %arg6: memref<512x128xf32, #tpu.memory_space<vmem>>, %arg7: memref<!tpu.dma_semaphore, #tpu.memory_space<semaphore_mem>>) attributes {dimension_semantics = [#tpu.dimension_semantics<core_parallel>, #tpu.dimension_semantics<subcore_parallel>], iteration_bounds = array<i64: 2, 16>, scalar_prefetch = 0 : i64, scratch_operands = 3 : i64, tpu.core_type = #tpu.core_type<sc_vector_subcore>, window_params = [{transform_indices = #map}, {transform_indices = #map1}, {transform_indices = #map}]} {
    %mul3A = arith.constant 2 : i32
    %mul3A_0 = arith.muli %arg1, %mul3A : i32
    %add3A = arith.addi %mul3A_0, %arg0 : i32
    %mul3A_1 = arith.constant 1024 : i32
    %mul3A_2 = arith.muli %add3A, %mul3A_1 : i32
    "tpu.region"() ({
      %run_scoped3A = tpu.sem_alloc : memref<!tpu.dma_semaphore, #tpu.memory_space<semaphore_mem>>
      %dma_start3A_25 = tpu.memref_slice %arg3[%mul3A_2] : memref<32768xi32, #tpu.memory_space<hbm>> -> memref<1024xi32, #tpu.memory_space<hbm>>
      %dma_start3A_26 = tpu.memref_slice %arg3[%mul3A_2] : memref<32768xi32, #tpu.memory_space<hbm>> -> memref<1024xi32, #tpu.memory_space<hbm>>
      tpu.enqueue_dma source(%dma_start3A_26 : memref<1024xi32, #tpu.memory_space<hbm>>) target(%arg5 : memref<1024xi32, #tpu.memory_space<vmem>>) target_semaphore(%run_scoped3A : memref<!tpu.dma_semaphore, #tpu.memory_space<semaphore_mem>>)
      %dma_wait3A_27 = tpu.memref_slice %arg3[%mul3A_2] : memref<32768xi32, #tpu.memory_space<hbm>> -> memref<1024xi32, #tpu.memory_space<hbm>>
      %dma_wait3A_28 = tpu.memref_slice %arg3[%mul3A_2] : memref<32768xi32, #tpu.memory_space<hbm>> -> memref<1024xi32, #tpu.memory_space<hbm>>
      tpu.wait_dma2 semaphore(%run_scoped3A : memref<!tpu.dma_semaphore, #tpu.memory_space<semaphore_mem>>) src(%dma_wait3A_28 : memref<1024xi32, #tpu.memory_space<hbm>>) dst(%arg5 : memref<1024xi32, #tpu.memory_space<vmem>>)
      tpu.yield
    }) : () -> ()
    %dma_start3A = arith.constant 0 : i32
    %dma_start3A_3 = tpu.memref_slice %arg5[%dma_start3A] : memref<1024xi32, #tpu.memory_space<vmem>> -> memref<512xi32, #tpu.memory_space<vmem>>
    %dma_start3A_4 = arith.constant 0 : i32
    %dma_start3A_5 = arith.constant 0 : i32
    %dma_start3A_6 = tpu.memref_slice %arg2[%dma_start3A_4, %dma_start3A_5] : memref<8192x128xf32, #tpu.memory_space<hbm>> -> memref<8192x128xf32, #tpu.memory_space<hbm>>
    tpu.enqueue_indirect_dma source(%dma_start3A_6 : memref<8192x128xf32, #tpu.memory_space<hbm>>) target(%arg6 : memref<512x128xf32, #tpu.memory_space<vmem>>) offsets(%dma_start3A_3 : memref<512xi32, #tpu.memory_space<vmem>>) semaphore(%arg7 : memref<!tpu.dma_semaphore, #tpu.memory_space<semaphore_mem>>)
    %dma_wait3A = arith.constant 0 : i32
    %dma_wait3A_7 = tpu.memref_slice %arg5[%dma_wait3A] : memref<1024xi32, #tpu.memory_space<vmem>> -> memref<512xi32, #tpu.memory_space<vmem>>
    %dma_wait3A_8 = arith.constant 0 : i32
    %dma_wait3A_9 = arith.constant 0 : i32
    %dma_wait3A_10 = tpu.memref_slice %arg2[%dma_wait3A_8, %dma_wait3A_9] : memref<8192x128xf32, #tpu.memory_space<hbm>> -> memref<8192x128xf32, #tpu.memory_space<hbm>>
    tpu.wait_indirect_dma semaphore(%arg7 : memref<!tpu.dma_semaphore, #tpu.memory_space<semaphore_mem>>) src(%dma_wait3A_10 : memref<8192x128xf32, #tpu.memory_space<hbm>>) dst(%arg6 : memref<512x128xf32, #tpu.memory_space<vmem>>)
    %add3A_11 = arith.constant 0 : i32
    %add3A_12 = arith.addi %mul3A_2, %add3A_11 : i32
    "tpu.region"() ({
      %run_scoped3A = tpu.sem_alloc : memref<!tpu.dma_semaphore, #tpu.memory_space<semaphore_mem>>
      %dma_start3A_25 = arith.constant 0 : i32
      %dma_start3A_26 = tpu.memref_slice %arg4[%add3A_12, %dma_start3A_25] : memref<32768x128xf32, #tpu.memory_space<hbm>> -> memref<512x128xf32, #tpu.memory_space<hbm>>
      %dma_start3A_27 = arith.constant 0 : i32
      %dma_start3A_28 = tpu.memref_slice %arg4[%add3A_12, %dma_start3A_27] : memref<32768x128xf32, #tpu.memory_space<hbm>> -> memref<512x128xf32, #tpu.memory_space<hbm>>
      tpu.enqueue_dma source(%arg6 : memref<512x128xf32, #tpu.memory_space<vmem>>) target(%dma_start3A_28 : memref<512x128xf32, #tpu.memory_space<hbm>>) target_semaphore(%run_scoped3A : memref<!tpu.dma_semaphore, #tpu.memory_space<semaphore_mem>>)
      %dma_wait3A_29 = arith.constant 0 : i32
      %dma_wait3A_30 = tpu.memref_slice %arg4[%add3A_12, %dma_wait3A_29] : memref<32768x128xf32, #tpu.memory_space<hbm>> -> memref<512x128xf32, #tpu.memory_space<hbm>>
      %dma_wait3A_31 = arith.constant 0 : i32
      %dma_wait3A_32 = tpu.memref_slice %arg4[%add3A_12, %dma_wait3A_31] : memref<32768x128xf32, #tpu.memory_space<hbm>> -> memref<512x128xf32, #tpu.memory_space<hbm>>
      tpu.wait_dma2 semaphore(%run_scoped3A : memref<!tpu.dma_semaphore, #tpu.memory_space<semaphore_mem>>) src(%arg6 : memref<512x128xf32, #tpu.memory_space<vmem>>) dst(%dma_wait3A_32 : memref<512x128xf32, #tpu.memory_space<hbm>>)
      tpu.yield
    }) : () -> ()
    %dma_start3A_13 = arith.constant 512 : i32
    %dma_start3A_14 = tpu.memref_slice %arg5[%dma_start3A_13] : memref<1024xi32, #tpu.memory_space<vmem>> -> memref<512xi32, #tpu.memory_space<vmem>>
    %dma_start3A_15 = arith.constant 0 : i32
    %dma_start3A_16 = arith.constant 0 : i32
    %dma_start3A_17 = tpu.memref_slice %arg2[%dma_start3A_15, %dma_start3A_16] : memref<8192x128xf32, #tpu.memory_space<hbm>> -> memref<8192x128xf32, #tpu.memory_space<hbm>>
    tpu.enqueue_indirect_dma source(%dma_start3A_17 : memref<8192x128xf32, #tpu.memory_space<hbm>>) target(%arg6 : memref<512x128xf32, #tpu.memory_space<vmem>>) offsets(%dma_start3A_14 : memref<512xi32, #tpu.memory_space<vmem>>) semaphore(%arg7 : memref<!tpu.dma_semaphore, #tpu.memory_space<semaphore_mem>>)
    %dma_wait3A_18 = arith.constant 512 : i32
    %dma_wait3A_19 = tpu.memref_slice %arg5[%dma_wait3A_18] : memref<1024xi32, #tpu.memory_space<vmem>> -> memref<512xi32, #tpu.memory_space<vmem>>
    %dma_wait3A_20 = arith.constant 0 : i32
    %dma_wait3A_21 = arith.constant 0 : i32
    %dma_wait3A_22 = tpu.memref_slice %arg2[%dma_wait3A_20, %dma_wait3A_21] : memref<8192x128xf32, #tpu.memory_space<hbm>> -> memref<8192x128xf32, #tpu.memory_space<hbm>>
    tpu.wait_indirect_dma semaphore(%arg7 : memref<!tpu.dma_semaphore, #tpu.memory_space<semaphore_mem>>) src(%dma_wait3A_22 : memref<8192x128xf32, #tpu.memory_space<hbm>>) dst(%arg6 : memref<512x128xf32, #tpu.memory_space<vmem>>)
    %add3A_23 = arith.constant 512 : i32
    %add3A_24 = arith.addi %mul3A_2, %add3A_23 : i32
    "tpu.region"() ({
      %run_scoped3A = tpu.sem_alloc : memref<!tpu.dma_semaphore, #tpu.memory_space<semaphore_mem>>
      %dma_start3A_25 = arith.constant 0 : i32
      %dma_start3A_26 = tpu.memref_slice %arg4[%add3A_24, %dma_start3A_25] : memref<32768x128xf32, #tpu.memory_space<hbm>> -> memref<512x128xf32, #tpu.memory_space<hbm>>
      %dma_start3A_27 = arith.constant 0 : i32
      %dma_start3A_28 = tpu.memref_slice %arg4[%add3A_24, %dma_start3A_27] : memref<32768x128xf32, #tpu.memory_space<hbm>> -> memref<512x128xf32, #tpu.memory_space<hbm>>
      tpu.enqueue_dma source(%arg6 : memref<512x128xf32, #tpu.memory_space<vmem>>) target(%dma_start3A_28 : memref<512x128xf32, #tpu.memory_space<hbm>>) target_semaphore(%run_scoped3A : memref<!tpu.dma_semaphore, #tpu.memory_space<semaphore_mem>>)
      %dma_wait3A_29 = arith.constant 0 : i32
      %dma_wait3A_30 = tpu.memref_slice %arg4[%add3A_24, %dma_wait3A_29] : memref<32768x128xf32, #tpu.memory_space<hbm>> -> memref<512x128xf32, #tpu.memory_space<hbm>>
      %dma_wait3A_31 = arith.constant 0 : i32
      %dma_wait3A_32 = tpu.memref_slice %arg4[%add3A_24, %dma_wait3A_31] : memref<32768x128xf32, #tpu.memory_space<hbm>> -> memref<512x128xf32, #tpu.memory_space<hbm>>
      tpu.wait_dma2 semaphore(%run_scoped3A : memref<!tpu.dma_semaphore, #tpu.memory_space<semaphore_mem>>) src(%arg6 : memref<512x128xf32, #tpu.memory_space<vmem>>) dst(%dma_wait3A_32 : memref<512x128xf32, #tpu.memory_space<hbm>>)
      tpu.yield
    }) : () -> ()
    return
  }
}

module attributes {stable_mosaic.version = 14 : i64} {
  func.func @_knn_body(%arg0: i32, %arg1: memref<512x3xf32, #tpu.memory_space<vmem>>, %arg2: memref<3x8192xf32, #tpu.memory_space<vmem>>, %arg3: memref<512x4xi32, #tpu.memory_space<vmem>>) attributes {dimension_semantics = [#tpu.dimension_semantics<arbitrary>], iteration_bounds = array<i64: 16>, scalar_prefetch = 0 : i64, scratch_operands = 0 : i64, tpu.core_type = #tpu.core_type<tc>, window_params = [{transform_indices = @transform_0, window_bounds = array<i64: 512, 3>}, {pipeline_mode = #tpu.pipeline_mode<synchronous>, transform_indices = @transform_1, window_bounds = array<i64: 3, 8192>}, {transform_indices = @transform_2, window_bounds = array<i64: 512, 4>}]} {
    %get3A = arith.constant 0 : index
    %get3A_0 = arith.constant 0 : index
    %get3A_1 = vector.load %arg1[%get3A, %get3A_0] : memref<512x3xf32, #tpu.memory_space<vmem>>, vector<512x3xf32>
    %get3A_2 = arith.constant 0 : index
    %get3A_3 = arith.constant 0 : index
    %get3A_4 = vector.load %arg2[%get3A_2, %get3A_3] : memref<3x8192xf32, #tpu.memory_space<vmem>>, vector<3x8192xf32>
    %mul3A = arith.mulf %get3A_4, %get3A_4 : vector<3x8192xf32>
    %reduce_sum3A = arith.constant dense<0.000000e+00> : vector<8192xf32>
    %reduce_sum3A_5 = vector.multi_reduction <add>, %mul3A, %reduce_sum3A [0] : vector<3x8192xf32> to vector<8192xf32>
    %broadcast_in_dim3A = vector.shape_cast %reduce_sum3A_5 : vector<8192xf32> to vector<1x8192xf32>
    %mul3A_6 = arith.mulf %get3A_1, %get3A_1 : vector<512x3xf32>
    %reduce_sum3A_7 = arith.constant dense<0.000000e+00> : vector<512xf32>
    %reduce_sum3A_8 = vector.multi_reduction <add>, %mul3A_6, %reduce_sum3A_7 [1] : vector<512x3xf32> to vector<512xf32>
    %broadcast_in_dim3A_9 = vector.shape_cast %reduce_sum3A_8 : vector<512xf32> to vector<512x1xf32>
    %convert_element_type3A = arith.truncf %get3A_1 : vector<512x3xf32> to vector<512x3xbf16>
    %convert_element_type3A_10 = arith.truncf %get3A_4 : vector<3x8192xf32> to vector<3x8192xbf16>
    %dot_general3A = arith.constant dense<0.000000e+00> : vector<512x8192xf32>
    %dot_general3A_11 = tpu.matmul %convert_element_type3A, %convert_element_type3A_10, %dot_general3A {dimension_numbers = #tpu.dot_dimension_numbers<[1], [0], [0], [1], [0, 0, 1, 1], [], []>, transpose_lhs_hint = false} : vector<512x3xbf16>, vector<3x8192xbf16>, vector<512x8192xf32> -> vector<512x8192xf32>
    %add3A = vector.broadcast %broadcast_in_dim3A_9 : vector<512x1xf32> to vector<512x8192xf32>
    %add3A_12 = vector.broadcast %broadcast_in_dim3A : vector<1x8192xf32> to vector<512x8192xf32>
    %add3A_13 = arith.addf %add3A, %add3A_12 : vector<512x8192xf32>
    %mul3A_14 = arith.constant 2.000000e+00 : f32
    %mul3A_15 = vector.broadcast %mul3A_14 : f32 to vector<512x8192xf32>
    %mul3A_16 = arith.mulf %mul3A_15, %dot_general3A_11 : vector<512x8192xf32>
    %sub3A = arith.subf %add3A_13, %mul3A_16 : vector<512x8192xf32>
    %iota3A = tpu.iota {dimensions = array<i32: 1>} : vector<512x128xi32>
    %slice3A = vector.extract_strided_slice %sub3A {offsets = [0, 0], sizes = [512, 128], strides = [1, 1]} : vector<512x8192xf32> to vector<512x128xf32>
    %broadcast_in_dim3A_17 = arith.constant 0 : i32
    %broadcast_in_dim3A_18 = vector.broadcast %broadcast_in_dim3A_17 : i32 to vector<512x128xi32>
    %broadcast_in_dim3A_19 = arith.constant 0x7F800000 : f32
    %broadcast_in_dim3A_20 = vector.broadcast %broadcast_in_dim3A_19 : f32 to vector<512x128xf32>
    %broadcast_in_dim3A_21 = arith.constant 0 : i32
    %broadcast_in_dim3A_22 = vector.broadcast %broadcast_in_dim3A_21 : i32 to vector<512x128xi32>
    %broadcast_in_dim3A_23 = arith.constant 0x7F800000 : f32
    %broadcast_in_dim3A_24 = vector.broadcast %broadcast_in_dim3A_23 : f32 to vector<512x128xf32>
    %broadcast_in_dim3A_25 = arith.constant 0 : i32
    %broadcast_in_dim3A_26 = vector.broadcast %broadcast_in_dim3A_25 : i32 to vector<512x128xi32>
    %slice3A_27 = vector.extract_strided_slice %sub3A {offsets = [0, 128], sizes = [512, 128], strides = [1, 1]} : vector<512x8192xf32> to vector<512x128xf32>
    %lt3A = arith.cmpf olt, %slice3A_27, %slice3A : vector<512x128xf32>
    %lt3A_28 = arith.cmpf olt, %slice3A_27, %broadcast_in_dim3A_20 : vector<512x128xf32>
    %lt3A_29 = arith.cmpf olt, %slice3A_27, %broadcast_in_dim3A_24 : vector<512x128xf32>
    %select_n3A = arith.select %lt3A_29, %slice3A_27, %broadcast_in_dim3A_24 : vector<512x128xi1>, vector<512x128xf32>
    %select_n3A_30 = arith.select %lt3A_28, %broadcast_in_dim3A_20, %select_n3A : vector<512x128xi1>, vector<512x128xf32>
    %jit3A = arith.constant 1 : i32
    %broadcast_in_dim3A_31 = vector.broadcast %jit3A : i32 to vector<512x128xi32>
    %select_n3A_32 = arith.select %lt3A_29, %broadcast_in_dim3A_31, %broadcast_in_dim3A_26 : vector<512x128xi1>, vector<512x128xi32>
    %select_n3A_33 = arith.select %lt3A_28, %broadcast_in_dim3A_22, %select_n3A_32 : vector<512x128xi1>, vector<512x128xi32>
    %select_n3A_34 = arith.select %lt3A_28, %slice3A_27, %broadcast_in_dim3A_20 : vector<512x128xi1>, vector<512x128xf32>
    %select_n3A_35 = arith.select %lt3A, %slice3A, %select_n3A_34 : vector<512x128xi1>, vector<512x128xf32>
    %jit3A_36 = arith.constant 1 : i32
    %broadcast_in_dim3A_37 = vector.broadcast %jit3A_36 : i32 to vector<512x128xi32>
    %select_n3A_38 = arith.select %lt3A_28, %broadcast_in_dim3A_37, %broadcast_in_dim3A_22 : vector<512x128xi1>, vector<512x128xi32>
    %select_n3A_39 = arith.select %lt3A, %broadcast_in_dim3A_18, %select_n3A_38 : vector<512x128xi1>, vector<512x128xi32>
    %select_n3A_40 = arith.select %lt3A, %slice3A_27, %slice3A : vector<512x128xi1>, vector<512x128xf32>
    %jit3A_41 = arith.constant 1 : i32
    %broadcast_in_dim3A_42 = vector.broadcast %jit3A_41 : i32 to vector<512x128xi32>
    %select_n3A_43 = arith.select %lt3A, %broadcast_in_dim3A_42, %broadcast_in_dim3A_18 : vector<512x128xi1>, vector<512x128xi32>
    %slice3A_44 = vector.extract_strided_slice %sub3A {offsets = [0, 256], sizes = [512, 128], strides = [1, 1]} : vector<512x8192xf32> to vector<512x128xf32>
    %lt3A_45 = arith.cmpf olt, %slice3A_44, %select_n3A_40 : vector<512x128xf32>
    %lt3A_46 = arith.cmpf olt, %slice3A_44, %select_n3A_35 : vector<512x128xf32>
    %lt3A_47 = arith.cmpf olt, %slice3A_44, %select_n3A_30 : vector<512x128xf32>
    %select_n3A_48 = arith.select %lt3A_47, %slice3A_44, %select_n3A_30 : vector<512x128xi1>, vector<512x128xf32>
    %select_n3A_49 = arith.select %lt3A_46, %select_n3A_35, %select_n3A_48 : vector<512x128xi1>, vector<512x128xf32>
    %jit3A_50 = arith.constant 2 : i32
    %broadcast_in_dim3A_51 = vector.broadcast %jit3A_50 : i32 to vector<512x128xi32>
    %select_n3A_52 = arith.select %lt3A_47, %broadcast_in_dim3A_51, %select_n3A_33 : vector<512x128xi1>, vector<512x128xi32>
    %select_n3A_53 = arith.select %lt3A_46, %select_n3A_39, %select_n3A_52 : vector<512x128xi1>, vector<512x128xi32>
    %select_n3A_54 = arith.select %lt3A_46, %slice3A_44, %select_n3A_35 : vector<512x128xi1>, vector<512x128xf32>
    %select_n3A_55 = arith.select %lt3A_45, %select_n3A_40, %select_n3A_54 : vector<512x128xi1>, vector<512x128xf32>
    %jit3A_56 = arith.constant 2 : i32
    %broadcast_in_dim3A_57 = vector.broadcast %jit3A_56 : i32 to vector<512x128xi32>
    %select_n3A_58 = arith.select %lt3A_46, %broadcast_in_dim3A_57, %select_n3A_39 : vector<512x128xi1>, vector<512x128xi32>
    %select_n3A_59 = arith.select %lt3A_45, %select_n3A_43, %select_n3A_58 : vector<512x128xi1>, vector<512x128xi32>
    %select_n3A_60 = arith.select %lt3A_45, %slice3A_44, %select_n3A_40 : vector<512x128xi1>, vector<512x128xf32>
    %jit3A_61 = arith.constant 2 : i32
    %broadcast_in_dim3A_62 = vector.broadcast %jit3A_61 : i32 to vector<512x128xi32>
    %select_n3A_63 = arith.select %lt3A_45, %broadcast_in_dim3A_62, %select_n3A_43 : vector<512x128xi1>, vector<512x128xi32>
    %slice3A_64 = vector.extract_strided_slice %sub3A {offsets = [0, 384], sizes = [512, 128], strides = [1, 1]} : vector<512x8192xf32> to vector<512x128xf32>
    %lt3A_65 = arith.cmpf olt, %slice3A_64, %select_n3A_60 : vector<512x128xf32>
    %lt3A_66 = arith.cmpf olt, %slice3A_64, %select_n3A_55 : vector<512x128xf32>
    %lt3A_67 = arith.cmpf olt, %slice3A_64, %select_n3A_49 : vector<512x128xf32>
    %select_n3A_68 = arith.select %lt3A_67, %slice3A_64, %select_n3A_49 : vector<512x128xi1>, vector<512x128xf32>
    %select_n3A_69 = arith.select %lt3A_66, %select_n3A_55, %select_n3A_68 : vector<512x128xi1>, vector<512x128xf32>
    %jit3A_70 = arith.constant 3 : i32
    %broadcast_in_dim3A_71 = vector.broadcast %jit3A_70 : i32 to vector<512x128xi32>
    %select_n3A_72 = arith.select %lt3A_67, %broadcast_in_dim3A_71, %select_n3A_53 : vector<512x128xi1>, vector<512x128xi32>
    %select_n3A_73 = arith.select %lt3A_66, %select_n3A_59, %select_n3A_72 : vector<512x128xi1>, vector<512x128xi32>
    %select_n3A_74 = arith.select %lt3A_66, %slice3A_64, %select_n3A_55 : vector<512x128xi1>, vector<512x128xf32>
    %select_n3A_75 = arith.select %lt3A_65, %select_n3A_60, %select_n3A_74 : vector<512x128xi1>, vector<512x128xf32>
    %jit3A_76 = arith.constant 3 : i32
    %broadcast_in_dim3A_77 = vector.broadcast %jit3A_76 : i32 to vector<512x128xi32>
    %select_n3A_78 = arith.select %lt3A_66, %broadcast_in_dim3A_77, %select_n3A_59 : vector<512x128xi1>, vector<512x128xi32>
    %select_n3A_79 = arith.select %lt3A_65, %select_n3A_63, %select_n3A_78 : vector<512x128xi1>, vector<512x128xi32>
    %select_n3A_80 = arith.select %lt3A_65, %slice3A_64, %select_n3A_60 : vector<512x128xi1>, vector<512x128xf32>
    %jit3A_81 = arith.constant 3 : i32
    %broadcast_in_dim3A_82 = vector.broadcast %jit3A_81 : i32 to vector<512x128xi32>
    %select_n3A_83 = arith.select %lt3A_65, %broadcast_in_dim3A_82, %select_n3A_63 : vector<512x128xi1>, vector<512x128xi32>
    %slice3A_84 = vector.extract_strided_slice %sub3A {offsets = [0, 512], sizes = [512, 128], strides = [1, 1]} : vector<512x8192xf32> to vector<512x128xf32>
    %lt3A_85 = arith.cmpf olt, %slice3A_84, %select_n3A_80 : vector<512x128xf32>
    %lt3A_86 = arith.cmpf olt, %slice3A_84, %select_n3A_75 : vector<512x128xf32>
    %lt3A_87 = arith.cmpf olt, %slice3A_84, %select_n3A_69 : vector<512x128xf32>
    %select_n3A_88 = arith.select %lt3A_87, %slice3A_84, %select_n3A_69 : vector<512x128xi1>, vector<512x128xf32>
    %select_n3A_89 = arith.select %lt3A_86, %select_n3A_75, %select_n3A_88 : vector<512x128xi1>, vector<512x128xf32>
    %jit3A_90 = arith.constant 4 : i32
    %broadcast_in_dim3A_91 = vector.broadcast %jit3A_90 : i32 to vector<512x128xi32>
    %select_n3A_92 = arith.select %lt3A_87, %broadcast_in_dim3A_91, %select_n3A_73 : vector<512x128xi1>, vector<512x128xi32>
    %select_n3A_93 = arith.select %lt3A_86, %select_n3A_79, %select_n3A_92 : vector<512x128xi1>, vector<512x128xi32>
    %select_n3A_94 = arith.select %lt3A_86, %slice3A_84, %select_n3A_75 : vector<512x128xi1>, vector<512x128xf32>
    %select_n3A_95 = arith.select %lt3A_85, %select_n3A_80, %select_n3A_94 : vector<512x128xi1>, vector<512x128xf32>
    %jit3A_96 = arith.constant 4 : i32
    %broadcast_in_dim3A_97 = vector.broadcast %jit3A_96 : i32 to vector<512x128xi32>
    %select_n3A_98 = arith.select %lt3A_86, %broadcast_in_dim3A_97, %select_n3A_79 : vector<512x128xi1>, vector<512x128xi32>
    %select_n3A_99 = arith.select %lt3A_85, %select_n3A_83, %select_n3A_98 : vector<512x128xi1>, vector<512x128xi32>
    %select_n3A_100 = arith.select %lt3A_85, %slice3A_84, %select_n3A_80 : vector<512x128xi1>, vector<512x128xf32>
    %jit3A_101 = arith.constant 4 : i32
    %broadcast_in_dim3A_102 = vector.broadcast %jit3A_101 : i32 to vector<512x128xi32>
    %select_n3A_103 = arith.select %lt3A_85, %broadcast_in_dim3A_102, %select_n3A_83 : vector<512x128xi1>, vector<512x128xi32>
    %slice3A_104 = vector.extract_strided_slice %sub3A {offsets = [0, 640], sizes = [512, 128], strides = [1, 1]} : vector<512x8192xf32> to vector<512x128xf32>
    %lt3A_105 = arith.cmpf olt, %slice3A_104, %select_n3A_100 : vector<512x128xf32>
    %lt3A_106 = arith.cmpf olt, %slice3A_104, %select_n3A_95 : vector<512x128xf32>
    %lt3A_107 = arith.cmpf olt, %slice3A_104, %select_n3A_89 : vector<512x128xf32>
    %select_n3A_108 = arith.select %lt3A_107, %slice3A_104, %select_n3A_89 : vector<512x128xi1>, vector<512x128xf32>
    %select_n3A_109 = arith.select %lt3A_106, %select_n3A_95, %select_n3A_108 : vector<512x128xi1>, vector<512x128xf32>
    %jit3A_110 = arith.constant 5 : i32
    %broadcast_in_dim3A_111 = vector.broadcast %jit3A_110 : i32 to vector<512x128xi32>
    %select_n3A_112 = arith.select %lt3A_107, %broadcast_in_dim3A_111, %select_n3A_93 : vector<512x128xi1>, vector<512x128xi32>
    %select_n3A_113 = arith.select %lt3A_106, %select_n3A_99, %select_n3A_112 : vector<512x128xi1>, vector<512x128xi32>
    %select_n3A_114 = arith.select %lt3A_106, %slice3A_104, %select_n3A_95 : vector<512x128xi1>, vector<512x128xf32>
    %select_n3A_115 = arith.select %lt3A_105, %select_n3A_100, %select_n3A_114 : vector<512x128xi1>, vector<512x128xf32>
    %jit3A_116 = arith.constant 5 : i32
    %broadcast_in_dim3A_117 = vector.broadcast %jit3A_116 : i32 to vector<512x128xi32>
    %select_n3A_118 = arith.select %lt3A_106, %broadcast_in_dim3A_117, %select_n3A_99 : vector<512x128xi1>, vector<512x128xi32>
    %select_n3A_119 = arith.select %lt3A_105, %select_n3A_103, %select_n3A_118 : vector<512x128xi1>, vector<512x128xi32>
    %select_n3A_120 = arith.select %lt3A_105, %slice3A_104, %select_n3A_100 : vector<512x128xi1>, vector<512x128xf32>
    %jit3A_121 = arith.constant 5 : i32
    %broadcast_in_dim3A_122 = vector.broadcast %jit3A_121 : i32 to vector<512x128xi32>
    %select_n3A_123 = arith.select %lt3A_105, %broadcast_in_dim3A_122, %select_n3A_103 : vector<512x128xi1>, vector<512x128xi32>
    %slice3A_124 = vector.extract_strided_slice %sub3A {offsets = [0, 768], sizes = [512, 128], strides = [1, 1]} : vector<512x8192xf32> to vector<512x128xf32>
    %lt3A_125 = arith.cmpf olt, %slice3A_124, %select_n3A_120 : vector<512x128xf32>
    %lt3A_126 = arith.cmpf olt, %slice3A_124, %select_n3A_115 : vector<512x128xf32>
    %lt3A_127 = arith.cmpf olt, %slice3A_124, %select_n3A_109 : vector<512x128xf32>
    %select_n3A_128 = arith.select %lt3A_127, %slice3A_124, %select_n3A_109 : vector<512x128xi1>, vector<512x128xf32>
    %select_n3A_129 = arith.select %lt3A_126, %select_n3A_115, %select_n3A_128 : vector<512x128xi1>, vector<512x128xf32>
    %jit3A_130 = arith.constant 6 : i32
    %broadcast_in_dim3A_131 = vector.broadcast %jit3A_130 : i32 to vector<512x128xi32>
    %select_n3A_132 = arith.select %lt3A_127, %broadcast_in_dim3A_131, %select_n3A_113 : vector<512x128xi1>, vector<512x128xi32>
    %select_n3A_133 = arith.select %lt3A_126, %select_n3A_119, %select_n3A_132 : vector<512x128xi1>, vector<512x128xi32>
    %select_n3A_134 = arith.select %lt3A_126, %slice3A_124, %select_n3A_115 : vector<512x128xi1>, vector<512x128xf32>
    %select_n3A_135 = arith.select %lt3A_125, %select_n3A_120, %select_n3A_134 : vector<512x128xi1>, vector<512x128xf32>
    %jit3A_136 = arith.constant 6 : i32
    %broadcast_in_dim3A_137 = vector.broadcast %jit3A_136 : i32 to vector<512x128xi32>
    %select_n3A_138 = arith.select %lt3A_126, %broadcast_in_dim3A_137, %select_n3A_119 : vector<512x128xi1>, vector<512x128xi32>
    %select_n3A_139 = arith.select %lt3A_125, %select_n3A_123, %select_n3A_138 : vector<512x128xi1>, vector<512x128xi32>
    %select_n3A_140 = arith.select %lt3A_125, %slice3A_124, %select_n3A_120 : vector<512x128xi1>, vector<512x128xf32>
    %jit3A_141 = arith.constant 6 : i32
    %broadcast_in_dim3A_142 = vector.broadcast %jit3A_141 : i32 to vector<512x128xi32>
    %select_n3A_143 = arith.select %lt3A_125, %broadcast_in_dim3A_142, %select_n3A_123 : vector<512x128xi1>, vector<512x128xi32>
    %slice3A_144 = vector.extract_strided_slice %sub3A {offsets = [0, 896], sizes = [512, 128], strides = [1, 1]} : vector<512x8192xf32> to vector<512x128xf32>
    %lt3A_145 = arith.cmpf olt, %slice3A_144, %select_n3A_140 : vector<512x128xf32>
    %lt3A_146 = arith.cmpf olt, %slice3A_144, %select_n3A_135 : vector<512x128xf32>
    %lt3A_147 = arith.cmpf olt, %slice3A_144, %select_n3A_129 : vector<512x128xf32>
    %select_n3A_148 = arith.select %lt3A_147, %slice3A_144, %select_n3A_129 : vector<512x128xi1>, vector<512x128xf32>
    %select_n3A_149 = arith.select %lt3A_146, %select_n3A_135, %select_n3A_148 : vector<512x128xi1>, vector<512x128xf32>
    %jit3A_150 = arith.constant 7 : i32
    %broadcast_in_dim3A_151 = vector.broadcast %jit3A_150 : i32 to vector<512x128xi32>
    %select_n3A_152 = arith.select %lt3A_147, %broadcast_in_dim3A_151, %select_n3A_133 : vector<512x128xi1>, vector<512x128xi32>
    %select_n3A_153 = arith.select %lt3A_146, %select_n3A_139, %select_n3A_152 : vector<512x128xi1>, vector<512x128xi32>
    %select_n3A_154 = arith.select %lt3A_146, %slice3A_144, %select_n3A_135 : vector<512x128xi1>, vector<512x128xf32>
    %select_n3A_155 = arith.select %lt3A_145, %select_n3A_140, %select_n3A_154 : vector<512x128xi1>, vector<512x128xf32>
    %jit3A_156 = arith.constant 7 : i32
    %broadcast_in_dim3A_157 = vector.broadcast %jit3A_156 : i32 to vector<512x128xi32>
    %select_n3A_158 = arith.select %lt3A_146, %broadcast_in_dim3A_157, %select_n3A_139 : vector<512x128xi1>, vector<512x128xi32>
    %select_n3A_159 = arith.select %lt3A_145, %select_n3A_143, %select_n3A_158 : vector<512x128xi1>, vector<512x128xi32>
    %select_n3A_160 = arith.select %lt3A_145, %slice3A_144, %select_n3A_140 : vector<512x128xi1>, vector<512x128xf32>
    %jit3A_161 = arith.constant 7 : i32
    %broadcast_in_dim3A_162 = vector.broadcast %jit3A_161 : i32 to vector<512x128xi32>
    %select_n3A_163 = arith.select %lt3A_145, %broadcast_in_dim3A_162, %select_n3A_143 : vector<512x128xi1>, vector<512x128xi32>
    %slice3A_164 = vector.extract_strided_slice %sub3A {offsets = [0, 1024], sizes = [512, 128], strides = [1, 1]} : vector<512x8192xf32> to vector<512x128xf32>
    %lt3A_165 = arith.cmpf olt, %slice3A_164, %select_n3A_160 : vector<512x128xf32>
    %lt3A_166 = arith.cmpf olt, %slice3A_164, %select_n3A_155 : vector<512x128xf32>
    %lt3A_167 = arith.cmpf olt, %slice3A_164, %select_n3A_149 : vector<512x128xf32>
    %select_n3A_168 = arith.select %lt3A_167, %slice3A_164, %select_n3A_149 : vector<512x128xi1>, vector<512x128xf32>
    %select_n3A_169 = arith.select %lt3A_166, %select_n3A_155, %select_n3A_168 : vector<512x128xi1>, vector<512x128xf32>
    %jit3A_170 = arith.constant 8 : i32
    %broadcast_in_dim3A_171 = vector.broadcast %jit3A_170 : i32 to vector<512x128xi32>
    %select_n3A_172 = arith.select %lt3A_167, %broadcast_in_dim3A_171, %select_n3A_153 : vector<512x128xi1>, vector<512x128xi32>
    %select_n3A_173 = arith.select %lt3A_166, %select_n3A_159, %select_n3A_172 : vector<512x128xi1>, vector<512x128xi32>
    %select_n3A_174 = arith.select %lt3A_166, %slice3A_164, %select_n3A_155 : vector<512x128xi1>, vector<512x128xf32>
    %select_n3A_175 = arith.select %lt3A_165, %select_n3A_160, %select_n3A_174 : vector<512x128xi1>, vector<512x128xf32>
    %jit3A_176 = arith.constant 8 : i32
    %broadcast_in_dim3A_177 = vector.broadcast %jit3A_176 : i32 to vector<512x128xi32>
    %select_n3A_178 = arith.select %lt3A_166, %broadcast_in_dim3A_177, %select_n3A_159 : vector<512x128xi1>, vector<512x128xi32>
    %select_n3A_179 = arith.select %lt3A_165, %select_n3A_163, %select_n3A_178 : vector<512x128xi1>, vector<512x128xi32>
    %select_n3A_180 = arith.select %lt3A_165, %slice3A_164, %select_n3A_160 : vector<512x128xi1>, vector<512x128xf32>
    %jit3A_181 = arith.constant 8 : i32
    %broadcast_in_dim3A_182 = vector.broadcast %jit3A_181 : i32 to vector<512x128xi32>
    %select_n3A_183 = arith.select %lt3A_165, %broadcast_in_dim3A_182, %select_n3A_163 : vector<512x128xi1>, vector<512x128xi32>
    %slice3A_184 = vector.extract_strided_slice %sub3A {offsets = [0, 1152], sizes = [512, 128], strides = [1, 1]} : vector<512x8192xf32> to vector<512x128xf32>
    %lt3A_185 = arith.cmpf olt, %slice3A_184, %select_n3A_180 : vector<512x128xf32>
    %lt3A_186 = arith.cmpf olt, %slice3A_184, %select_n3A_175 : vector<512x128xf32>
    %lt3A_187 = arith.cmpf olt, %slice3A_184, %select_n3A_169 : vector<512x128xf32>
    %select_n3A_188 = arith.select %lt3A_187, %slice3A_184, %select_n3A_169 : vector<512x128xi1>, vector<512x128xf32>
    %select_n3A_189 = arith.select %lt3A_186, %select_n3A_175, %select_n3A_188 : vector<512x128xi1>, vector<512x128xf32>
    %jit3A_190 = arith.constant 9 : i32
    %broadcast_in_dim3A_191 = vector.broadcast %jit3A_190 : i32 to vector<512x128xi32>
    %select_n3A_192 = arith.select %lt3A_187, %broadcast_in_dim3A_191, %select_n3A_173 : vector<512x128xi1>, vector<512x128xi32>
    %select_n3A_193 = arith.select %lt3A_186, %select_n3A_179, %select_n3A_192 : vector<512x128xi1>, vector<512x128xi32>
    %select_n3A_194 = arith.select %lt3A_186, %slice3A_184, %select_n3A_175 : vector<512x128xi1>, vector<512x128xf32>
    %select_n3A_195 = arith.select %lt3A_185, %select_n3A_180, %select_n3A_194 : vector<512x128xi1>, vector<512x128xf32>
    %jit3A_196 = arith.constant 9 : i32
    %broadcast_in_dim3A_197 = vector.broadcast %jit3A_196 : i32 to vector<512x128xi32>
    %select_n3A_198 = arith.select %lt3A_186, %broadcast_in_dim3A_197, %select_n3A_179 : vector<512x128xi1>, vector<512x128xi32>
    %select_n3A_199 = arith.select %lt3A_185, %select_n3A_183, %select_n3A_198 : vector<512x128xi1>, vector<512x128xi32>
    %select_n3A_200 = arith.select %lt3A_185, %slice3A_184, %select_n3A_180 : vector<512x128xi1>, vector<512x128xf32>
    %jit3A_201 = arith.constant 9 : i32
    %broadcast_in_dim3A_202 = vector.broadcast %jit3A_201 : i32 to vector<512x128xi32>
    %select_n3A_203 = arith.select %lt3A_185, %broadcast_in_dim3A_202, %select_n3A_183 : vector<512x128xi1>, vector<512x128xi32>
    %slice3A_204 = vector.extract_strided_slice %sub3A {offsets = [0, 1280], sizes = [512, 128], strides = [1, 1]} : vector<512x8192xf32> to vector<512x128xf32>
    %lt3A_205 = arith.cmpf olt, %slice3A_204, %select_n3A_200 : vector<512x128xf32>
    %lt3A_206 = arith.cmpf olt, %slice3A_204, %select_n3A_195 : vector<512x128xf32>
    %lt3A_207 = arith.cmpf olt, %slice3A_204, %select_n3A_189 : vector<512x128xf32>
    %select_n3A_208 = arith.select %lt3A_207, %slice3A_204, %select_n3A_189 : vector<512x128xi1>, vector<512x128xf32>
    %select_n3A_209 = arith.select %lt3A_206, %select_n3A_195, %select_n3A_208 : vector<512x128xi1>, vector<512x128xf32>
    %jit3A_210 = arith.constant 10 : i32
    %broadcast_in_dim3A_211 = vector.broadcast %jit3A_210 : i32 to vector<512x128xi32>
    %select_n3A_212 = arith.select %lt3A_207, %broadcast_in_dim3A_211, %select_n3A_193 : vector<512x128xi1>, vector<512x128xi32>
    %select_n3A_213 = arith.select %lt3A_206, %select_n3A_199, %select_n3A_212 : vector<512x128xi1>, vector<512x128xi32>
    %select_n3A_214 = arith.select %lt3A_206, %slice3A_204, %select_n3A_195 : vector<512x128xi1>, vector<512x128xf32>
    %select_n3A_215 = arith.select %lt3A_205, %select_n3A_200, %select_n3A_214 : vector<512x128xi1>, vector<512x128xf32>
    %jit3A_216 = arith.constant 10 : i32
    %broadcast_in_dim3A_217 = vector.broadcast %jit3A_216 : i32 to vector<512x128xi32>
    %select_n3A_218 = arith.select %lt3A_206, %broadcast_in_dim3A_217, %select_n3A_199 : vector<512x128xi1>, vector<512x128xi32>
    %select_n3A_219 = arith.select %lt3A_205, %select_n3A_203, %select_n3A_218 : vector<512x128xi1>, vector<512x128xi32>
    %select_n3A_220 = arith.select %lt3A_205, %slice3A_204, %select_n3A_200 : vector<512x128xi1>, vector<512x128xf32>
    %jit3A_221 = arith.constant 10 : i32
    %broadcast_in_dim3A_222 = vector.broadcast %jit3A_221 : i32 to vector<512x128xi32>
    %select_n3A_223 = arith.select %lt3A_205, %broadcast_in_dim3A_222, %select_n3A_203 : vector<512x128xi1>, vector<512x128xi32>
    %slice3A_224 = vector.extract_strided_slice %sub3A {offsets = [0, 1408], sizes = [512, 128], strides = [1, 1]} : vector<512x8192xf32> to vector<512x128xf32>
    %lt3A_225 = arith.cmpf olt, %slice3A_224, %select_n3A_220 : vector<512x128xf32>
    %lt3A_226 = arith.cmpf olt, %slice3A_224, %select_n3A_215 : vector<512x128xf32>
    %lt3A_227 = arith.cmpf olt, %slice3A_224, %select_n3A_209 : vector<512x128xf32>
    %select_n3A_228 = arith.select %lt3A_227, %slice3A_224, %select_n3A_209 : vector<512x128xi1>, vector<512x128xf32>
    %select_n3A_229 = arith.select %lt3A_226, %select_n3A_215, %select_n3A_228 : vector<512x128xi1>, vector<512x128xf32>
    %jit3A_230 = arith.constant 11 : i32
    %broadcast_in_dim3A_231 = vector.broadcast %jit3A_230 : i32 to vector<512x128xi32>
    %select_n3A_232 = arith.select %lt3A_227, %broadcast_in_dim3A_231, %select_n3A_213 : vector<512x128xi1>, vector<512x128xi32>
    %select_n3A_233 = arith.select %lt3A_226, %select_n3A_219, %select_n3A_232 : vector<512x128xi1>, vector<512x128xi32>
    %select_n3A_234 = arith.select %lt3A_226, %slice3A_224, %select_n3A_215 : vector<512x128xi1>, vector<512x128xf32>
    %select_n3A_235 = arith.select %lt3A_225, %select_n3A_220, %select_n3A_234 : vector<512x128xi1>, vector<512x128xf32>
    %jit3A_236 = arith.constant 11 : i32
    %broadcast_in_dim3A_237 = vector.broadcast %jit3A_236 : i32 to vector<512x128xi32>
    %select_n3A_238 = arith.select %lt3A_226, %broadcast_in_dim3A_237, %select_n3A_219 : vector<512x128xi1>, vector<512x128xi32>
    %select_n3A_239 = arith.select %lt3A_225, %select_n3A_223, %select_n3A_238 : vector<512x128xi1>, vector<512x128xi32>
    %select_n3A_240 = arith.select %lt3A_225, %slice3A_224, %select_n3A_220 : vector<512x128xi1>, vector<512x128xf32>
    %jit3A_241 = arith.constant 11 : i32
    %broadcast_in_dim3A_242 = vector.broadcast %jit3A_241 : i32 to vector<512x128xi32>
    %select_n3A_243 = arith.select %lt3A_225, %broadcast_in_dim3A_242, %select_n3A_223 : vector<512x128xi1>, vector<512x128xi32>
    %slice3A_244 = vector.extract_strided_slice %sub3A {offsets = [0, 1536], sizes = [512, 128], strides = [1, 1]} : vector<512x8192xf32> to vector<512x128xf32>
    %lt3A_245 = arith.cmpf olt, %slice3A_244, %select_n3A_240 : vector<512x128xf32>
    %lt3A_246 = arith.cmpf olt, %slice3A_244, %select_n3A_235 : vector<512x128xf32>
    %lt3A_247 = arith.cmpf olt, %slice3A_244, %select_n3A_229 : vector<512x128xf32>
    %select_n3A_248 = arith.select %lt3A_247, %slice3A_244, %select_n3A_229 : vector<512x128xi1>, vector<512x128xf32>
    %select_n3A_249 = arith.select %lt3A_246, %select_n3A_235, %select_n3A_248 : vector<512x128xi1>, vector<512x128xf32>
    %jit3A_250 = arith.constant 12 : i32
    %broadcast_in_dim3A_251 = vector.broadcast %jit3A_250 : i32 to vector<512x128xi32>
    %select_n3A_252 = arith.select %lt3A_247, %broadcast_in_dim3A_251, %select_n3A_233 : vector<512x128xi1>, vector<512x128xi32>
    %select_n3A_253 = arith.select %lt3A_246, %select_n3A_239, %select_n3A_252 : vector<512x128xi1>, vector<512x128xi32>
    %select_n3A_254 = arith.select %lt3A_246, %slice3A_244, %select_n3A_235 : vector<512x128xi1>, vector<512x128xf32>
    %select_n3A_255 = arith.select %lt3A_245, %select_n3A_240, %select_n3A_254 : vector<512x128xi1>, vector<512x128xf32>
    %jit3A_256 = arith.constant 12 : i32
    %broadcast_in_dim3A_257 = vector.broadcast %jit3A_256 : i32 to vector<512x128xi32>
    %select_n3A_258 = arith.select %lt3A_246, %broadcast_in_dim3A_257, %select_n3A_239 : vector<512x128xi1>, vector<512x128xi32>
    %select_n3A_259 = arith.select %lt3A_245, %select_n3A_243, %select_n3A_258 : vector<512x128xi1>, vector<512x128xi32>
    %select_n3A_260 = arith.select %lt3A_245, %slice3A_244, %select_n3A_240 : vector<512x128xi1>, vector<512x128xf32>
    %jit3A_261 = arith.constant 12 : i32
    %broadcast_in_dim3A_262 = vector.broadcast %jit3A_261 : i32 to vector<512x128xi32>
    %select_n3A_263 = arith.select %lt3A_245, %broadcast_in_dim3A_262, %select_n3A_243 : vector<512x128xi1>, vector<512x128xi32>
    %slice3A_264 = vector.extract_strided_slice %sub3A {offsets = [0, 1664], sizes = [512, 128], strides = [1, 1]} : vector<512x8192xf32> to vector<512x128xf32>
    %lt3A_265 = arith.cmpf olt, %slice3A_264, %select_n3A_260 : vector<512x128xf32>
    %lt3A_266 = arith.cmpf olt, %slice3A_264, %select_n3A_255 : vector<512x128xf32>
    %lt3A_267 = arith.cmpf olt, %slice3A_264, %select_n3A_249 : vector<512x128xf32>
    %select_n3A_268 = arith.select %lt3A_267, %slice3A_264, %select_n3A_249 : vector<512x128xi1>, vector<512x128xf32>
    %select_n3A_269 = arith.select %lt3A_266, %select_n3A_255, %select_n3A_268 : vector<512x128xi1>, vector<512x128xf32>
    %jit3A_270 = arith.constant 13 : i32
    %broadcast_in_dim3A_271 = vector.broadcast %jit3A_270 : i32 to vector<512x128xi32>
    %select_n3A_272 = arith.select %lt3A_267, %broadcast_in_dim3A_271, %select_n3A_253 : vector<512x128xi1>, vector<512x128xi32>
    %select_n3A_273 = arith.select %lt3A_266, %select_n3A_259, %select_n3A_272 : vector<512x128xi1>, vector<512x128xi32>
    %select_n3A_274 = arith.select %lt3A_266, %slice3A_264, %select_n3A_255 : vector<512x128xi1>, vector<512x128xf32>
    %select_n3A_275 = arith.select %lt3A_265, %select_n3A_260, %select_n3A_274 : vector<512x128xi1>, vector<512x128xf32>
    %jit3A_276 = arith.constant 13 : i32
    %broadcast_in_dim3A_277 = vector.broadcast %jit3A_276 : i32 to vector<512x128xi32>
    %select_n3A_278 = arith.select %lt3A_266, %broadcast_in_dim3A_277, %select_n3A_259 : vector<512x128xi1>, vector<512x128xi32>
    %select_n3A_279 = arith.select %lt3A_265, %select_n3A_263, %select_n3A_278 : vector<512x128xi1>, vector<512x128xi32>
    %select_n3A_280 = arith.select %lt3A_265, %slice3A_264, %select_n3A_260 : vector<512x128xi1>, vector<512x128xf32>
    %jit3A_281 = arith.constant 13 : i32
    %broadcast_in_dim3A_282 = vector.broadcast %jit3A_281 : i32 to vector<512x128xi32>
    %select_n3A_283 = arith.select %lt3A_265, %broadcast_in_dim3A_282, %select_n3A_263 : vector<512x128xi1>, vector<512x128xi32>
    %slice3A_284 = vector.extract_strided_slice %sub3A {offsets = [0, 1792], sizes = [512, 128], strides = [1, 1]} : vector<512x8192xf32> to vector<512x128xf32>
    %lt3A_285 = arith.cmpf olt, %slice3A_284, %select_n3A_280 : vector<512x128xf32>
    %lt3A_286 = arith.cmpf olt, %slice3A_284, %select_n3A_275 : vector<512x128xf32>
    %lt3A_287 = arith.cmpf olt, %slice3A_284, %select_n3A_269 : vector<512x128xf32>
    %select_n3A_288 = arith.select %lt3A_287, %slice3A_284, %select_n3A_269 : vector<512x128xi1>, vector<512x128xf32>
    %select_n3A_289 = arith.select %lt3A_286, %select_n3A_275, %select_n3A_288 : vector<512x128xi1>, vector<512x128xf32>
    %jit3A_290 = arith.constant 14 : i32
    %broadcast_in_dim3A_291 = vector.broadcast %jit3A_290 : i32 to vector<512x128xi32>
    %select_n3A_292 = arith.select %lt3A_287, %broadcast_in_dim3A_291, %select_n3A_273 : vector<512x128xi1>, vector<512x128xi32>
    %select_n3A_293 = arith.select %lt3A_286, %select_n3A_279, %select_n3A_292 : vector<512x128xi1>, vector<512x128xi32>
    %select_n3A_294 = arith.select %lt3A_286, %slice3A_284, %select_n3A_275 : vector<512x128xi1>, vector<512x128xf32>
    %select_n3A_295 = arith.select %lt3A_285, %select_n3A_280, %select_n3A_294 : vector<512x128xi1>, vector<512x128xf32>
    %jit3A_296 = arith.constant 14 : i32
    %broadcast_in_dim3A_297 = vector.broadcast %jit3A_296 : i32 to vector<512x128xi32>
    %select_n3A_298 = arith.select %lt3A_286, %broadcast_in_dim3A_297, %select_n3A_279 : vector<512x128xi1>, vector<512x128xi32>
    %select_n3A_299 = arith.select %lt3A_285, %select_n3A_283, %select_n3A_298 : vector<512x128xi1>, vector<512x128xi32>
    %select_n3A_300 = arith.select %lt3A_285, %slice3A_284, %select_n3A_280 : vector<512x128xi1>, vector<512x128xf32>
    %jit3A_301 = arith.constant 14 : i32
    %broadcast_in_dim3A_302 = vector.broadcast %jit3A_301 : i32 to vector<512x128xi32>
    %select_n3A_303 = arith.select %lt3A_285, %broadcast_in_dim3A_302, %select_n3A_283 : vector<512x128xi1>, vector<512x128xi32>
    %slice3A_304 = vector.extract_strided_slice %sub3A {offsets = [0, 1920], sizes = [512, 128], strides = [1, 1]} : vector<512x8192xf32> to vector<512x128xf32>
    %lt3A_305 = arith.cmpf olt, %slice3A_304, %select_n3A_300 : vector<512x128xf32>
    %lt3A_306 = arith.cmpf olt, %slice3A_304, %select_n3A_295 : vector<512x128xf32>
    %lt3A_307 = arith.cmpf olt, %slice3A_304, %select_n3A_289 : vector<512x128xf32>
    %select_n3A_308 = arith.select %lt3A_307, %slice3A_304, %select_n3A_289 : vector<512x128xi1>, vector<512x128xf32>
    %select_n3A_309 = arith.select %lt3A_306, %select_n3A_295, %select_n3A_308 : vector<512x128xi1>, vector<512x128xf32>
    %jit3A_310 = arith.constant 15 : i32
    %broadcast_in_dim3A_311 = vector.broadcast %jit3A_310 : i32 to vector<512x128xi32>
    %select_n3A_312 = arith.select %lt3A_307, %broadcast_in_dim3A_311, %select_n3A_293 : vector<512x128xi1>, vector<512x128xi32>
    %select_n3A_313 = arith.select %lt3A_306, %select_n3A_299, %select_n3A_312 : vector<512x128xi1>, vector<512x128xi32>
    %select_n3A_314 = arith.select %lt3A_306, %slice3A_304, %select_n3A_295 : vector<512x128xi1>, vector<512x128xf32>
    %select_n3A_315 = arith.select %lt3A_305, %select_n3A_300, %select_n3A_314 : vector<512x128xi1>, vector<512x128xf32>
    %jit3A_316 = arith.constant 15 : i32
    %broadcast_in_dim3A_317 = vector.broadcast %jit3A_316 : i32 to vector<512x128xi32>
    %select_n3A_318 = arith.select %lt3A_306, %broadcast_in_dim3A_317, %select_n3A_299 : vector<512x128xi1>, vector<512x128xi32>
    %select_n3A_319 = arith.select %lt3A_305, %select_n3A_303, %select_n3A_318 : vector<512x128xi1>, vector<512x128xi32>
    %select_n3A_320 = arith.select %lt3A_305, %slice3A_304, %select_n3A_300 : vector<512x128xi1>, vector<512x128xf32>
    %jit3A_321 = arith.constant 15 : i32
    %broadcast_in_dim3A_322 = vector.broadcast %jit3A_321 : i32 to vector<512x128xi32>
    %select_n3A_323 = arith.select %lt3A_305, %broadcast_in_dim3A_322, %select_n3A_303 : vector<512x128xi1>, vector<512x128xi32>
    %slice3A_324 = vector.extract_strided_slice %sub3A {offsets = [0, 2048], sizes = [512, 128], strides = [1, 1]} : vector<512x8192xf32> to vector<512x128xf32>
    %lt3A_325 = arith.cmpf olt, %slice3A_324, %select_n3A_320 : vector<512x128xf32>
    %lt3A_326 = arith.cmpf olt, %slice3A_324, %select_n3A_315 : vector<512x128xf32>
    %lt3A_327 = arith.cmpf olt, %slice3A_324, %select_n3A_309 : vector<512x128xf32>
    %select_n3A_328 = arith.select %lt3A_327, %slice3A_324, %select_n3A_309 : vector<512x128xi1>, vector<512x128xf32>
    %select_n3A_329 = arith.select %lt3A_326, %select_n3A_315, %select_n3A_328 : vector<512x128xi1>, vector<512x128xf32>
    %jit3A_330 = arith.constant 16 : i32
    %broadcast_in_dim3A_331 = vector.broadcast %jit3A_330 : i32 to vector<512x128xi32>
    %select_n3A_332 = arith.select %lt3A_327, %broadcast_in_dim3A_331, %select_n3A_313 : vector<512x128xi1>, vector<512x128xi32>
    %select_n3A_333 = arith.select %lt3A_326, %select_n3A_319, %select_n3A_332 : vector<512x128xi1>, vector<512x128xi32>
    %select_n3A_334 = arith.select %lt3A_326, %slice3A_324, %select_n3A_315 : vector<512x128xi1>, vector<512x128xf32>
    %select_n3A_335 = arith.select %lt3A_325, %select_n3A_320, %select_n3A_334 : vector<512x128xi1>, vector<512x128xf32>
    %jit3A_336 = arith.constant 16 : i32
    %broadcast_in_dim3A_337 = vector.broadcast %jit3A_336 : i32 to vector<512x128xi32>
    %select_n3A_338 = arith.select %lt3A_326, %broadcast_in_dim3A_337, %select_n3A_319 : vector<512x128xi1>, vector<512x128xi32>
    %select_n3A_339 = arith.select %lt3A_325, %select_n3A_323, %select_n3A_338 : vector<512x128xi1>, vector<512x128xi32>
    %select_n3A_340 = arith.select %lt3A_325, %slice3A_324, %select_n3A_320 : vector<512x128xi1>, vector<512x128xf32>
    %jit3A_341 = arith.constant 16 : i32
    %broadcast_in_dim3A_342 = vector.broadcast %jit3A_341 : i32 to vector<512x128xi32>
    %select_n3A_343 = arith.select %lt3A_325, %broadcast_in_dim3A_342, %select_n3A_323 : vector<512x128xi1>, vector<512x128xi32>
    %slice3A_344 = vector.extract_strided_slice %sub3A {offsets = [0, 2176], sizes = [512, 128], strides = [1, 1]} : vector<512x8192xf32> to vector<512x128xf32>
    %lt3A_345 = arith.cmpf olt, %slice3A_344, %select_n3A_340 : vector<512x128xf32>
    %lt3A_346 = arith.cmpf olt, %slice3A_344, %select_n3A_335 : vector<512x128xf32>
    %lt3A_347 = arith.cmpf olt, %slice3A_344, %select_n3A_329 : vector<512x128xf32>
    %select_n3A_348 = arith.select %lt3A_347, %slice3A_344, %select_n3A_329 : vector<512x128xi1>, vector<512x128xf32>
    %select_n3A_349 = arith.select %lt3A_346, %select_n3A_335, %select_n3A_348 : vector<512x128xi1>, vector<512x128xf32>
    %jit3A_350 = arith.constant 17 : i32
    %broadcast_in_dim3A_351 = vector.broadcast %jit3A_350 : i32 to vector<512x128xi32>
    %select_n3A_352 = arith.select %lt3A_347, %broadcast_in_dim3A_351, %select_n3A_333 : vector<512x128xi1>, vector<512x128xi32>
    %select_n3A_353 = arith.select %lt3A_346, %select_n3A_339, %select_n3A_352 : vector<512x128xi1>, vector<512x128xi32>
    %select_n3A_354 = arith.select %lt3A_346, %slice3A_344, %select_n3A_335 : vector<512x128xi1>, vector<512x128xf32>
    %select_n3A_355 = arith.select %lt3A_345, %select_n3A_340, %select_n3A_354 : vector<512x128xi1>, vector<512x128xf32>
    %jit3A_356 = arith.constant 17 : i32
    %broadcast_in_dim3A_357 = vector.broadcast %jit3A_356 : i32 to vector<512x128xi32>
    %select_n3A_358 = arith.select %lt3A_346, %broadcast_in_dim3A_357, %select_n3A_339 : vector<512x128xi1>, vector<512x128xi32>
    %select_n3A_359 = arith.select %lt3A_345, %select_n3A_343, %select_n3A_358 : vector<512x128xi1>, vector<512x128xi32>
    %select_n3A_360 = arith.select %lt3A_345, %slice3A_344, %select_n3A_340 : vector<512x128xi1>, vector<512x128xf32>
    %jit3A_361 = arith.constant 17 : i32
    %broadcast_in_dim3A_362 = vector.broadcast %jit3A_361 : i32 to vector<512x128xi32>
    %select_n3A_363 = arith.select %lt3A_345, %broadcast_in_dim3A_362, %select_n3A_343 : vector<512x128xi1>, vector<512x128xi32>
    %slice3A_364 = vector.extract_strided_slice %sub3A {offsets = [0, 2304], sizes = [512, 128], strides = [1, 1]} : vector<512x8192xf32> to vector<512x128xf32>
    %lt3A_365 = arith.cmpf olt, %slice3A_364, %select_n3A_360 : vector<512x128xf32>
    %lt3A_366 = arith.cmpf olt, %slice3A_364, %select_n3A_355 : vector<512x128xf32>
    %lt3A_367 = arith.cmpf olt, %slice3A_364, %select_n3A_349 : vector<512x128xf32>
    %select_n3A_368 = arith.select %lt3A_367, %slice3A_364, %select_n3A_349 : vector<512x128xi1>, vector<512x128xf32>
    %select_n3A_369 = arith.select %lt3A_366, %select_n3A_355, %select_n3A_368 : vector<512x128xi1>, vector<512x128xf32>
    %jit3A_370 = arith.constant 18 : i32
    %broadcast_in_dim3A_371 = vector.broadcast %jit3A_370 : i32 to vector<512x128xi32>
    %select_n3A_372 = arith.select %lt3A_367, %broadcast_in_dim3A_371, %select_n3A_353 : vector<512x128xi1>, vector<512x128xi32>
    %select_n3A_373 = arith.select %lt3A_366, %select_n3A_359, %select_n3A_372 : vector<512x128xi1>, vector<512x128xi32>
    %select_n3A_374 = arith.select %lt3A_366, %slice3A_364, %select_n3A_355 : vector<512x128xi1>, vector<512x128xf32>
    %select_n3A_375 = arith.select %lt3A_365, %select_n3A_360, %select_n3A_374 : vector<512x128xi1>, vector<512x128xf32>
    %jit3A_376 = arith.constant 18 : i32
    %broadcast_in_dim3A_377 = vector.broadcast %jit3A_376 : i32 to vector<512x128xi32>
    %select_n3A_378 = arith.select %lt3A_366, %broadcast_in_dim3A_377, %select_n3A_359 : vector<512x128xi1>, vector<512x128xi32>
    %select_n3A_379 = arith.select %lt3A_365, %select_n3A_363, %select_n3A_378 : vector<512x128xi1>, vector<512x128xi32>
    %select_n3A_380 = arith.select %lt3A_365, %slice3A_364, %select_n3A_360 : vector<512x128xi1>, vector<512x128xf32>
    %jit3A_381 = arith.constant 18 : i32
    %broadcast_in_dim3A_382 = vector.broadcast %jit3A_381 : i32 to vector<512x128xi32>
    %select_n3A_383 = arith.select %lt3A_365, %broadcast_in_dim3A_382, %select_n3A_363 : vector<512x128xi1>, vector<512x128xi32>
    %slice3A_384 = vector.extract_strided_slice %sub3A {offsets = [0, 2432], sizes = [512, 128], strides = [1, 1]} : vector<512x8192xf32> to vector<512x128xf32>
    %lt3A_385 = arith.cmpf olt, %slice3A_384, %select_n3A_380 : vector<512x128xf32>
    %lt3A_386 = arith.cmpf olt, %slice3A_384, %select_n3A_375 : vector<512x128xf32>
    %lt3A_387 = arith.cmpf olt, %slice3A_384, %select_n3A_369 : vector<512x128xf32>
    %select_n3A_388 = arith.select %lt3A_387, %slice3A_384, %select_n3A_369 : vector<512x128xi1>, vector<512x128xf32>
    %select_n3A_389 = arith.select %lt3A_386, %select_n3A_375, %select_n3A_388 : vector<512x128xi1>, vector<512x128xf32>
    %jit3A_390 = arith.constant 19 : i32
    %broadcast_in_dim3A_391 = vector.broadcast %jit3A_390 : i32 to vector<512x128xi32>
    %select_n3A_392 = arith.select %lt3A_387, %broadcast_in_dim3A_391, %select_n3A_373 : vector<512x128xi1>, vector<512x128xi32>
    %select_n3A_393 = arith.select %lt3A_386, %select_n3A_379, %select_n3A_392 : vector<512x128xi1>, vector<512x128xi32>
    %select_n3A_394 = arith.select %lt3A_386, %slice3A_384, %select_n3A_375 : vector<512x128xi1>, vector<512x128xf32>
    %select_n3A_395 = arith.select %lt3A_385, %select_n3A_380, %select_n3A_394 : vector<512x128xi1>, vector<512x128xf32>
    %jit3A_396 = arith.constant 19 : i32
    %broadcast_in_dim3A_397 = vector.broadcast %jit3A_396 : i32 to vector<512x128xi32>
    %select_n3A_398 = arith.select %lt3A_386, %broadcast_in_dim3A_397, %select_n3A_379 : vector<512x128xi1>, vector<512x128xi32>
    %select_n3A_399 = arith.select %lt3A_385, %select_n3A_383, %select_n3A_398 : vector<512x128xi1>, vector<512x128xi32>
    %select_n3A_400 = arith.select %lt3A_385, %slice3A_384, %select_n3A_380 : vector<512x128xi1>, vector<512x128xf32>
    %jit3A_401 = arith.constant 19 : i32
    %broadcast_in_dim3A_402 = vector.broadcast %jit3A_401 : i32 to vector<512x128xi32>
    %select_n3A_403 = arith.select %lt3A_385, %broadcast_in_dim3A_402, %select_n3A_383 : vector<512x128xi1>, vector<512x128xi32>
    %slice3A_404 = vector.extract_strided_slice %sub3A {offsets = [0, 2560], sizes = [512, 128], strides = [1, 1]} : vector<512x8192xf32> to vector<512x128xf32>
    %lt3A_405 = arith.cmpf olt, %slice3A_404, %select_n3A_400 : vector<512x128xf32>
    %lt3A_406 = arith.cmpf olt, %slice3A_404, %select_n3A_395 : vector<512x128xf32>
    %lt3A_407 = arith.cmpf olt, %slice3A_404, %select_n3A_389 : vector<512x128xf32>
    %select_n3A_408 = arith.select %lt3A_407, %slice3A_404, %select_n3A_389 : vector<512x128xi1>, vector<512x128xf32>
    %select_n3A_409 = arith.select %lt3A_406, %select_n3A_395, %select_n3A_408 : vector<512x128xi1>, vector<512x128xf32>
    %jit3A_410 = arith.constant 20 : i32
    %broadcast_in_dim3A_411 = vector.broadcast %jit3A_410 : i32 to vector<512x128xi32>
    %select_n3A_412 = arith.select %lt3A_407, %broadcast_in_dim3A_411, %select_n3A_393 : vector<512x128xi1>, vector<512x128xi32>
    %select_n3A_413 = arith.select %lt3A_406, %select_n3A_399, %select_n3A_412 : vector<512x128xi1>, vector<512x128xi32>
    %select_n3A_414 = arith.select %lt3A_406, %slice3A_404, %select_n3A_395 : vector<512x128xi1>, vector<512x128xf32>
    %select_n3A_415 = arith.select %lt3A_405, %select_n3A_400, %select_n3A_414 : vector<512x128xi1>, vector<512x128xf32>
    %jit3A_416 = arith.constant 20 : i32
    %broadcast_in_dim3A_417 = vector.broadcast %jit3A_416 : i32 to vector<512x128xi32>
    %select_n3A_418 = arith.select %lt3A_406, %broadcast_in_dim3A_417, %select_n3A_399 : vector<512x128xi1>, vector<512x128xi32>
    %select_n3A_419 = arith.select %lt3A_405, %select_n3A_403, %select_n3A_418 : vector<512x128xi1>, vector<512x128xi32>
    %select_n3A_420 = arith.select %lt3A_405, %slice3A_404, %select_n3A_400 : vector<512x128xi1>, vector<512x128xf32>
    %jit3A_421 = arith.constant 20 : i32
    %broadcast_in_dim3A_422 = vector.broadcast %jit3A_421 : i32 to vector<512x128xi32>
    %select_n3A_423 = arith.select %lt3A_405, %broadcast_in_dim3A_422, %select_n3A_403 : vector<512x128xi1>, vector<512x128xi32>
    %slice3A_424 = vector.extract_strided_slice %sub3A {offsets = [0, 2688], sizes = [512, 128], strides = [1, 1]} : vector<512x8192xf32> to vector<512x128xf32>
    %lt3A_425 = arith.cmpf olt, %slice3A_424, %select_n3A_420 : vector<512x128xf32>
    %lt3A_426 = arith.cmpf olt, %slice3A_424, %select_n3A_415 : vector<512x128xf32>
    %lt3A_427 = arith.cmpf olt, %slice3A_424, %select_n3A_409 : vector<512x128xf32>
    %select_n3A_428 = arith.select %lt3A_427, %slice3A_424, %select_n3A_409 : vector<512x128xi1>, vector<512x128xf32>
    %select_n3A_429 = arith.select %lt3A_426, %select_n3A_415, %select_n3A_428 : vector<512x128xi1>, vector<512x128xf32>
    %jit3A_430 = arith.constant 21 : i32
    %broadcast_in_dim3A_431 = vector.broadcast %jit3A_430 : i32 to vector<512x128xi32>
    %select_n3A_432 = arith.select %lt3A_427, %broadcast_in_dim3A_431, %select_n3A_413 : vector<512x128xi1>, vector<512x128xi32>
    %select_n3A_433 = arith.select %lt3A_426, %select_n3A_419, %select_n3A_432 : vector<512x128xi1>, vector<512x128xi32>
    %select_n3A_434 = arith.select %lt3A_426, %slice3A_424, %select_n3A_415 : vector<512x128xi1>, vector<512x128xf32>
    %select_n3A_435 = arith.select %lt3A_425, %select_n3A_420, %select_n3A_434 : vector<512x128xi1>, vector<512x128xf32>
    %jit3A_436 = arith.constant 21 : i32
    %broadcast_in_dim3A_437 = vector.broadcast %jit3A_436 : i32 to vector<512x128xi32>
    %select_n3A_438 = arith.select %lt3A_426, %broadcast_in_dim3A_437, %select_n3A_419 : vector<512x128xi1>, vector<512x128xi32>
    %select_n3A_439 = arith.select %lt3A_425, %select_n3A_423, %select_n3A_438 : vector<512x128xi1>, vector<512x128xi32>
    %select_n3A_440 = arith.select %lt3A_425, %slice3A_424, %select_n3A_420 : vector<512x128xi1>, vector<512x128xf32>
    %jit3A_441 = arith.constant 21 : i32
    %broadcast_in_dim3A_442 = vector.broadcast %jit3A_441 : i32 to vector<512x128xi32>
    %select_n3A_443 = arith.select %lt3A_425, %broadcast_in_dim3A_442, %select_n3A_423 : vector<512x128xi1>, vector<512x128xi32>
    %slice3A_444 = vector.extract_strided_slice %sub3A {offsets = [0, 2816], sizes = [512, 128], strides = [1, 1]} : vector<512x8192xf32> to vector<512x128xf32>
    %lt3A_445 = arith.cmpf olt, %slice3A_444, %select_n3A_440 : vector<512x128xf32>
    %lt3A_446 = arith.cmpf olt, %slice3A_444, %select_n3A_435 : vector<512x128xf32>
    %lt3A_447 = arith.cmpf olt, %slice3A_444, %select_n3A_429 : vector<512x128xf32>
    %select_n3A_448 = arith.select %lt3A_447, %slice3A_444, %select_n3A_429 : vector<512x128xi1>, vector<512x128xf32>
    %select_n3A_449 = arith.select %lt3A_446, %select_n3A_435, %select_n3A_448 : vector<512x128xi1>, vector<512x128xf32>
    %jit3A_450 = arith.constant 22 : i32
    %broadcast_in_dim3A_451 = vector.broadcast %jit3A_450 : i32 to vector<512x128xi32>
    %select_n3A_452 = arith.select %lt3A_447, %broadcast_in_dim3A_451, %select_n3A_433 : vector<512x128xi1>, vector<512x128xi32>
    %select_n3A_453 = arith.select %lt3A_446, %select_n3A_439, %select_n3A_452 : vector<512x128xi1>, vector<512x128xi32>
    %select_n3A_454 = arith.select %lt3A_446, %slice3A_444, %select_n3A_435 : vector<512x128xi1>, vector<512x128xf32>
    %select_n3A_455 = arith.select %lt3A_445, %select_n3A_440, %select_n3A_454 : vector<512x128xi1>, vector<512x128xf32>
    %jit3A_456 = arith.constant 22 : i32
    %broadcast_in_dim3A_457 = vector.broadcast %jit3A_456 : i32 to vector<512x128xi32>
    %select_n3A_458 = arith.select %lt3A_446, %broadcast_in_dim3A_457, %select_n3A_439 : vector<512x128xi1>, vector<512x128xi32>
    %select_n3A_459 = arith.select %lt3A_445, %select_n3A_443, %select_n3A_458 : vector<512x128xi1>, vector<512x128xi32>
    %select_n3A_460 = arith.select %lt3A_445, %slice3A_444, %select_n3A_440 : vector<512x128xi1>, vector<512x128xf32>
    %jit3A_461 = arith.constant 22 : i32
    %broadcast_in_dim3A_462 = vector.broadcast %jit3A_461 : i32 to vector<512x128xi32>
    %select_n3A_463 = arith.select %lt3A_445, %broadcast_in_dim3A_462, %select_n3A_443 : vector<512x128xi1>, vector<512x128xi32>
    %slice3A_464 = vector.extract_strided_slice %sub3A {offsets = [0, 2944], sizes = [512, 128], strides = [1, 1]} : vector<512x8192xf32> to vector<512x128xf32>
    %lt3A_465 = arith.cmpf olt, %slice3A_464, %select_n3A_460 : vector<512x128xf32>
    %lt3A_466 = arith.cmpf olt, %slice3A_464, %select_n3A_455 : vector<512x128xf32>
    %lt3A_467 = arith.cmpf olt, %slice3A_464, %select_n3A_449 : vector<512x128xf32>
    %select_n3A_468 = arith.select %lt3A_467, %slice3A_464, %select_n3A_449 : vector<512x128xi1>, vector<512x128xf32>
    %select_n3A_469 = arith.select %lt3A_466, %select_n3A_455, %select_n3A_468 : vector<512x128xi1>, vector<512x128xf32>
    %jit3A_470 = arith.constant 23 : i32
    %broadcast_in_dim3A_471 = vector.broadcast %jit3A_470 : i32 to vector<512x128xi32>
    %select_n3A_472 = arith.select %lt3A_467, %broadcast_in_dim3A_471, %select_n3A_453 : vector<512x128xi1>, vector<512x128xi32>
    %select_n3A_473 = arith.select %lt3A_466, %select_n3A_459, %select_n3A_472 : vector<512x128xi1>, vector<512x128xi32>
    %select_n3A_474 = arith.select %lt3A_466, %slice3A_464, %select_n3A_455 : vector<512x128xi1>, vector<512x128xf32>
    %select_n3A_475 = arith.select %lt3A_465, %select_n3A_460, %select_n3A_474 : vector<512x128xi1>, vector<512x128xf32>
    %jit3A_476 = arith.constant 23 : i32
    %broadcast_in_dim3A_477 = vector.broadcast %jit3A_476 : i32 to vector<512x128xi32>
    %select_n3A_478 = arith.select %lt3A_466, %broadcast_in_dim3A_477, %select_n3A_459 : vector<512x128xi1>, vector<512x128xi32>
    %select_n3A_479 = arith.select %lt3A_465, %select_n3A_463, %select_n3A_478 : vector<512x128xi1>, vector<512x128xi32>
    %select_n3A_480 = arith.select %lt3A_465, %slice3A_464, %select_n3A_460 : vector<512x128xi1>, vector<512x128xf32>
    %jit3A_481 = arith.constant 23 : i32
    %broadcast_in_dim3A_482 = vector.broadcast %jit3A_481 : i32 to vector<512x128xi32>
    %select_n3A_483 = arith.select %lt3A_465, %broadcast_in_dim3A_482, %select_n3A_463 : vector<512x128xi1>, vector<512x128xi32>
    %slice3A_484 = vector.extract_strided_slice %sub3A {offsets = [0, 3072], sizes = [512, 128], strides = [1, 1]} : vector<512x8192xf32> to vector<512x128xf32>
    %lt3A_485 = arith.cmpf olt, %slice3A_484, %select_n3A_480 : vector<512x128xf32>
    %lt3A_486 = arith.cmpf olt, %slice3A_484, %select_n3A_475 : vector<512x128xf32>
    %lt3A_487 = arith.cmpf olt, %slice3A_484, %select_n3A_469 : vector<512x128xf32>
    %select_n3A_488 = arith.select %lt3A_487, %slice3A_484, %select_n3A_469 : vector<512x128xi1>, vector<512x128xf32>
    %select_n3A_489 = arith.select %lt3A_486, %select_n3A_475, %select_n3A_488 : vector<512x128xi1>, vector<512x128xf32>
    %jit3A_490 = arith.constant 24 : i32
    %broadcast_in_dim3A_491 = vector.broadcast %jit3A_490 : i32 to vector<512x128xi32>
    %select_n3A_492 = arith.select %lt3A_487, %broadcast_in_dim3A_491, %select_n3A_473 : vector<512x128xi1>, vector<512x128xi32>
    %select_n3A_493 = arith.select %lt3A_486, %select_n3A_479, %select_n3A_492 : vector<512x128xi1>, vector<512x128xi32>
    %select_n3A_494 = arith.select %lt3A_486, %slice3A_484, %select_n3A_475 : vector<512x128xi1>, vector<512x128xf32>
    %select_n3A_495 = arith.select %lt3A_485, %select_n3A_480, %select_n3A_494 : vector<512x128xi1>, vector<512x128xf32>
    %jit3A_496 = arith.constant 24 : i32
    %broadcast_in_dim3A_497 = vector.broadcast %jit3A_496 : i32 to vector<512x128xi32>
    %select_n3A_498 = arith.select %lt3A_486, %broadcast_in_dim3A_497, %select_n3A_479 : vector<512x128xi1>, vector<512x128xi32>
    %select_n3A_499 = arith.select %lt3A_485, %select_n3A_483, %select_n3A_498 : vector<512x128xi1>, vector<512x128xi32>
    %select_n3A_500 = arith.select %lt3A_485, %slice3A_484, %select_n3A_480 : vector<512x128xi1>, vector<512x128xf32>
    %jit3A_501 = arith.constant 24 : i32
    %broadcast_in_dim3A_502 = vector.broadcast %jit3A_501 : i32 to vector<512x128xi32>
    %select_n3A_503 = arith.select %lt3A_485, %broadcast_in_dim3A_502, %select_n3A_483 : vector<512x128xi1>, vector<512x128xi32>
    %slice3A_504 = vector.extract_strided_slice %sub3A {offsets = [0, 3200], sizes = [512, 128], strides = [1, 1]} : vector<512x8192xf32> to vector<512x128xf32>
    %lt3A_505 = arith.cmpf olt, %slice3A_504, %select_n3A_500 : vector<512x128xf32>
    %lt3A_506 = arith.cmpf olt, %slice3A_504, %select_n3A_495 : vector<512x128xf32>
    %lt3A_507 = arith.cmpf olt, %slice3A_504, %select_n3A_489 : vector<512x128xf32>
    %select_n3A_508 = arith.select %lt3A_507, %slice3A_504, %select_n3A_489 : vector<512x128xi1>, vector<512x128xf32>
    %select_n3A_509 = arith.select %lt3A_506, %select_n3A_495, %select_n3A_508 : vector<512x128xi1>, vector<512x128xf32>
    %jit3A_510 = arith.constant 25 : i32
    %broadcast_in_dim3A_511 = vector.broadcast %jit3A_510 : i32 to vector<512x128xi32>
    %select_n3A_512 = arith.select %lt3A_507, %broadcast_in_dim3A_511, %select_n3A_493 : vector<512x128xi1>, vector<512x128xi32>
    %select_n3A_513 = arith.select %lt3A_506, %select_n3A_499, %select_n3A_512 : vector<512x128xi1>, vector<512x128xi32>
    %select_n3A_514 = arith.select %lt3A_506, %slice3A_504, %select_n3A_495 : vector<512x128xi1>, vector<512x128xf32>
    %select_n3A_515 = arith.select %lt3A_505, %select_n3A_500, %select_n3A_514 : vector<512x128xi1>, vector<512x128xf32>
    %jit3A_516 = arith.constant 25 : i32
    %broadcast_in_dim3A_517 = vector.broadcast %jit3A_516 : i32 to vector<512x128xi32>
    %select_n3A_518 = arith.select %lt3A_506, %broadcast_in_dim3A_517, %select_n3A_499 : vector<512x128xi1>, vector<512x128xi32>
    %select_n3A_519 = arith.select %lt3A_505, %select_n3A_503, %select_n3A_518 : vector<512x128xi1>, vector<512x128xi32>
    %select_n3A_520 = arith.select %lt3A_505, %slice3A_504, %select_n3A_500 : vector<512x128xi1>, vector<512x128xf32>
    %jit3A_521 = arith.constant 25 : i32
    %broadcast_in_dim3A_522 = vector.broadcast %jit3A_521 : i32 to vector<512x128xi32>
    %select_n3A_523 = arith.select %lt3A_505, %broadcast_in_dim3A_522, %select_n3A_503 : vector<512x128xi1>, vector<512x128xi32>
    %slice3A_524 = vector.extract_strided_slice %sub3A {offsets = [0, 3328], sizes = [512, 128], strides = [1, 1]} : vector<512x8192xf32> to vector<512x128xf32>
    %lt3A_525 = arith.cmpf olt, %slice3A_524, %select_n3A_520 : vector<512x128xf32>
    %lt3A_526 = arith.cmpf olt, %slice3A_524, %select_n3A_515 : vector<512x128xf32>
    %lt3A_527 = arith.cmpf olt, %slice3A_524, %select_n3A_509 : vector<512x128xf32>
    %select_n3A_528 = arith.select %lt3A_527, %slice3A_524, %select_n3A_509 : vector<512x128xi1>, vector<512x128xf32>
    %select_n3A_529 = arith.select %lt3A_526, %select_n3A_515, %select_n3A_528 : vector<512x128xi1>, vector<512x128xf32>
    %jit3A_530 = arith.constant 26 : i32
    %broadcast_in_dim3A_531 = vector.broadcast %jit3A_530 : i32 to vector<512x128xi32>
    %select_n3A_532 = arith.select %lt3A_527, %broadcast_in_dim3A_531, %select_n3A_513 : vector<512x128xi1>, vector<512x128xi32>
    %select_n3A_533 = arith.select %lt3A_526, %select_n3A_519, %select_n3A_532 : vector<512x128xi1>, vector<512x128xi32>
    %select_n3A_534 = arith.select %lt3A_526, %slice3A_524, %select_n3A_515 : vector<512x128xi1>, vector<512x128xf32>
    %select_n3A_535 = arith.select %lt3A_525, %select_n3A_520, %select_n3A_534 : vector<512x128xi1>, vector<512x128xf32>
    %jit3A_536 = arith.constant 26 : i32
    %broadcast_in_dim3A_537 = vector.broadcast %jit3A_536 : i32 to vector<512x128xi32>
    %select_n3A_538 = arith.select %lt3A_526, %broadcast_in_dim3A_537, %select_n3A_519 : vector<512x128xi1>, vector<512x128xi32>
    %select_n3A_539 = arith.select %lt3A_525, %select_n3A_523, %select_n3A_538 : vector<512x128xi1>, vector<512x128xi32>
    %select_n3A_540 = arith.select %lt3A_525, %slice3A_524, %select_n3A_520 : vector<512x128xi1>, vector<512x128xf32>
    %jit3A_541 = arith.constant 26 : i32
    %broadcast_in_dim3A_542 = vector.broadcast %jit3A_541 : i32 to vector<512x128xi32>
    %select_n3A_543 = arith.select %lt3A_525, %broadcast_in_dim3A_542, %select_n3A_523 : vector<512x128xi1>, vector<512x128xi32>
    %slice3A_544 = vector.extract_strided_slice %sub3A {offsets = [0, 3456], sizes = [512, 128], strides = [1, 1]} : vector<512x8192xf32> to vector<512x128xf32>
    %lt3A_545 = arith.cmpf olt, %slice3A_544, %select_n3A_540 : vector<512x128xf32>
    %lt3A_546 = arith.cmpf olt, %slice3A_544, %select_n3A_535 : vector<512x128xf32>
    %lt3A_547 = arith.cmpf olt, %slice3A_544, %select_n3A_529 : vector<512x128xf32>
    %select_n3A_548 = arith.select %lt3A_547, %slice3A_544, %select_n3A_529 : vector<512x128xi1>, vector<512x128xf32>
    %select_n3A_549 = arith.select %lt3A_546, %select_n3A_535, %select_n3A_548 : vector<512x128xi1>, vector<512x128xf32>
    %jit3A_550 = arith.constant 27 : i32
    %broadcast_in_dim3A_551 = vector.broadcast %jit3A_550 : i32 to vector<512x128xi32>
    %select_n3A_552 = arith.select %lt3A_547, %broadcast_in_dim3A_551, %select_n3A_533 : vector<512x128xi1>, vector<512x128xi32>
    %select_n3A_553 = arith.select %lt3A_546, %select_n3A_539, %select_n3A_552 : vector<512x128xi1>, vector<512x128xi32>
    %select_n3A_554 = arith.select %lt3A_546, %slice3A_544, %select_n3A_535 : vector<512x128xi1>, vector<512x128xf32>
    %select_n3A_555 = arith.select %lt3A_545, %select_n3A_540, %select_n3A_554 : vector<512x128xi1>, vector<512x128xf32>
    %jit3A_556 = arith.constant 27 : i32
    %broadcast_in_dim3A_557 = vector.broadcast %jit3A_556 : i32 to vector<512x128xi32>
    %select_n3A_558 = arith.select %lt3A_546, %broadcast_in_dim3A_557, %select_n3A_539 : vector<512x128xi1>, vector<512x128xi32>
    %select_n3A_559 = arith.select %lt3A_545, %select_n3A_543, %select_n3A_558 : vector<512x128xi1>, vector<512x128xi32>
    %select_n3A_560 = arith.select %lt3A_545, %slice3A_544, %select_n3A_540 : vector<512x128xi1>, vector<512x128xf32>
    %jit3A_561 = arith.constant 27 : i32
    %broadcast_in_dim3A_562 = vector.broadcast %jit3A_561 : i32 to vector<512x128xi32>
    %select_n3A_563 = arith.select %lt3A_545, %broadcast_in_dim3A_562, %select_n3A_543 : vector<512x128xi1>, vector<512x128xi32>
    %slice3A_564 = vector.extract_strided_slice %sub3A {offsets = [0, 3584], sizes = [512, 128], strides = [1, 1]} : vector<512x8192xf32> to vector<512x128xf32>
    %lt3A_565 = arith.cmpf olt, %slice3A_564, %select_n3A_560 : vector<512x128xf32>
    %lt3A_566 = arith.cmpf olt, %slice3A_564, %select_n3A_555 : vector<512x128xf32>
    %lt3A_567 = arith.cmpf olt, %slice3A_564, %select_n3A_549 : vector<512x128xf32>
    %select_n3A_568 = arith.select %lt3A_567, %slice3A_564, %select_n3A_549 : vector<512x128xi1>, vector<512x128xf32>
    %select_n3A_569 = arith.select %lt3A_566, %select_n3A_555, %select_n3A_568 : vector<512x128xi1>, vector<512x128xf32>
    %jit3A_570 = arith.constant 28 : i32
    %broadcast_in_dim3A_571 = vector.broadcast %jit3A_570 : i32 to vector<512x128xi32>
    %select_n3A_572 = arith.select %lt3A_567, %broadcast_in_dim3A_571, %select_n3A_553 : vector<512x128xi1>, vector<512x128xi32>
    %select_n3A_573 = arith.select %lt3A_566, %select_n3A_559, %select_n3A_572 : vector<512x128xi1>, vector<512x128xi32>
    %select_n3A_574 = arith.select %lt3A_566, %slice3A_564, %select_n3A_555 : vector<512x128xi1>, vector<512x128xf32>
    %select_n3A_575 = arith.select %lt3A_565, %select_n3A_560, %select_n3A_574 : vector<512x128xi1>, vector<512x128xf32>
    %jit3A_576 = arith.constant 28 : i32
    %broadcast_in_dim3A_577 = vector.broadcast %jit3A_576 : i32 to vector<512x128xi32>
    %select_n3A_578 = arith.select %lt3A_566, %broadcast_in_dim3A_577, %select_n3A_559 : vector<512x128xi1>, vector<512x128xi32>
    %select_n3A_579 = arith.select %lt3A_565, %select_n3A_563, %select_n3A_578 : vector<512x128xi1>, vector<512x128xi32>
    %select_n3A_580 = arith.select %lt3A_565, %slice3A_564, %select_n3A_560 : vector<512x128xi1>, vector<512x128xf32>
    %jit3A_581 = arith.constant 28 : i32
    %broadcast_in_dim3A_582 = vector.broadcast %jit3A_581 : i32 to vector<512x128xi32>
    %select_n3A_583 = arith.select %lt3A_565, %broadcast_in_dim3A_582, %select_n3A_563 : vector<512x128xi1>, vector<512x128xi32>
    %slice3A_584 = vector.extract_strided_slice %sub3A {offsets = [0, 3712], sizes = [512, 128], strides = [1, 1]} : vector<512x8192xf32> to vector<512x128xf32>
    %lt3A_585 = arith.cmpf olt, %slice3A_584, %select_n3A_580 : vector<512x128xf32>
    %lt3A_586 = arith.cmpf olt, %slice3A_584, %select_n3A_575 : vector<512x128xf32>
    %lt3A_587 = arith.cmpf olt, %slice3A_584, %select_n3A_569 : vector<512x128xf32>
    %select_n3A_588 = arith.select %lt3A_587, %slice3A_584, %select_n3A_569 : vector<512x128xi1>, vector<512x128xf32>
    %select_n3A_589 = arith.select %lt3A_586, %select_n3A_575, %select_n3A_588 : vector<512x128xi1>, vector<512x128xf32>
    %jit3A_590 = arith.constant 29 : i32
    %broadcast_in_dim3A_591 = vector.broadcast %jit3A_590 : i32 to vector<512x128xi32>
    %select_n3A_592 = arith.select %lt3A_587, %broadcast_in_dim3A_591, %select_n3A_573 : vector<512x128xi1>, vector<512x128xi32>
    %select_n3A_593 = arith.select %lt3A_586, %select_n3A_579, %select_n3A_592 : vector<512x128xi1>, vector<512x128xi32>
    %select_n3A_594 = arith.select %lt3A_586, %slice3A_584, %select_n3A_575 : vector<512x128xi1>, vector<512x128xf32>
    %select_n3A_595 = arith.select %lt3A_585, %select_n3A_580, %select_n3A_594 : vector<512x128xi1>, vector<512x128xf32>
    %jit3A_596 = arith.constant 29 : i32
    %broadcast_in_dim3A_597 = vector.broadcast %jit3A_596 : i32 to vector<512x128xi32>
    %select_n3A_598 = arith.select %lt3A_586, %broadcast_in_dim3A_597, %select_n3A_579 : vector<512x128xi1>, vector<512x128xi32>
    %select_n3A_599 = arith.select %lt3A_585, %select_n3A_583, %select_n3A_598 : vector<512x128xi1>, vector<512x128xi32>
    %select_n3A_600 = arith.select %lt3A_585, %slice3A_584, %select_n3A_580 : vector<512x128xi1>, vector<512x128xf32>
    %jit3A_601 = arith.constant 29 : i32
    %broadcast_in_dim3A_602 = vector.broadcast %jit3A_601 : i32 to vector<512x128xi32>
    %select_n3A_603 = arith.select %lt3A_585, %broadcast_in_dim3A_602, %select_n3A_583 : vector<512x128xi1>, vector<512x128xi32>
    %slice3A_604 = vector.extract_strided_slice %sub3A {offsets = [0, 3840], sizes = [512, 128], strides = [1, 1]} : vector<512x8192xf32> to vector<512x128xf32>
    %lt3A_605 = arith.cmpf olt, %slice3A_604, %select_n3A_600 : vector<512x128xf32>
    %lt3A_606 = arith.cmpf olt, %slice3A_604, %select_n3A_595 : vector<512x128xf32>
    %lt3A_607 = arith.cmpf olt, %slice3A_604, %select_n3A_589 : vector<512x128xf32>
    %select_n3A_608 = arith.select %lt3A_607, %slice3A_604, %select_n3A_589 : vector<512x128xi1>, vector<512x128xf32>
    %select_n3A_609 = arith.select %lt3A_606, %select_n3A_595, %select_n3A_608 : vector<512x128xi1>, vector<512x128xf32>
    %jit3A_610 = arith.constant 30 : i32
    %broadcast_in_dim3A_611 = vector.broadcast %jit3A_610 : i32 to vector<512x128xi32>
    %select_n3A_612 = arith.select %lt3A_607, %broadcast_in_dim3A_611, %select_n3A_593 : vector<512x128xi1>, vector<512x128xi32>
    %select_n3A_613 = arith.select %lt3A_606, %select_n3A_599, %select_n3A_612 : vector<512x128xi1>, vector<512x128xi32>
    %select_n3A_614 = arith.select %lt3A_606, %slice3A_604, %select_n3A_595 : vector<512x128xi1>, vector<512x128xf32>
    %select_n3A_615 = arith.select %lt3A_605, %select_n3A_600, %select_n3A_614 : vector<512x128xi1>, vector<512x128xf32>
    %jit3A_616 = arith.constant 30 : i32
    %broadcast_in_dim3A_617 = vector.broadcast %jit3A_616 : i32 to vector<512x128xi32>
    %select_n3A_618 = arith.select %lt3A_606, %broadcast_in_dim3A_617, %select_n3A_599 : vector<512x128xi1>, vector<512x128xi32>
    %select_n3A_619 = arith.select %lt3A_605, %select_n3A_603, %select_n3A_618 : vector<512x128xi1>, vector<512x128xi32>
    %select_n3A_620 = arith.select %lt3A_605, %slice3A_604, %select_n3A_600 : vector<512x128xi1>, vector<512x128xf32>
    %jit3A_621 = arith.constant 30 : i32
    %broadcast_in_dim3A_622 = vector.broadcast %jit3A_621 : i32 to vector<512x128xi32>
    %select_n3A_623 = arith.select %lt3A_605, %broadcast_in_dim3A_622, %select_n3A_603 : vector<512x128xi1>, vector<512x128xi32>
    %slice3A_624 = vector.extract_strided_slice %sub3A {offsets = [0, 3968], sizes = [512, 128], strides = [1, 1]} : vector<512x8192xf32> to vector<512x128xf32>
    %lt3A_625 = arith.cmpf olt, %slice3A_624, %select_n3A_620 : vector<512x128xf32>
    %lt3A_626 = arith.cmpf olt, %slice3A_624, %select_n3A_615 : vector<512x128xf32>
    %lt3A_627 = arith.cmpf olt, %slice3A_624, %select_n3A_609 : vector<512x128xf32>
    %select_n3A_628 = arith.select %lt3A_627, %slice3A_624, %select_n3A_609 : vector<512x128xi1>, vector<512x128xf32>
    %select_n3A_629 = arith.select %lt3A_626, %select_n3A_615, %select_n3A_628 : vector<512x128xi1>, vector<512x128xf32>
    %jit3A_630 = arith.constant 31 : i32
    %broadcast_in_dim3A_631 = vector.broadcast %jit3A_630 : i32 to vector<512x128xi32>
    %select_n3A_632 = arith.select %lt3A_627, %broadcast_in_dim3A_631, %select_n3A_613 : vector<512x128xi1>, vector<512x128xi32>
    %select_n3A_633 = arith.select %lt3A_626, %select_n3A_619, %select_n3A_632 : vector<512x128xi1>, vector<512x128xi32>
    %select_n3A_634 = arith.select %lt3A_626, %slice3A_624, %select_n3A_615 : vector<512x128xi1>, vector<512x128xf32>
    %select_n3A_635 = arith.select %lt3A_625, %select_n3A_620, %select_n3A_634 : vector<512x128xi1>, vector<512x128xf32>
    %jit3A_636 = arith.constant 31 : i32
    %broadcast_in_dim3A_637 = vector.broadcast %jit3A_636 : i32 to vector<512x128xi32>
    %select_n3A_638 = arith.select %lt3A_626, %broadcast_in_dim3A_637, %select_n3A_619 : vector<512x128xi1>, vector<512x128xi32>
    %select_n3A_639 = arith.select %lt3A_625, %select_n3A_623, %select_n3A_638 : vector<512x128xi1>, vector<512x128xi32>
    %select_n3A_640 = arith.select %lt3A_625, %slice3A_624, %select_n3A_620 : vector<512x128xi1>, vector<512x128xf32>
    %jit3A_641 = arith.constant 31 : i32
    %broadcast_in_dim3A_642 = vector.broadcast %jit3A_641 : i32 to vector<512x128xi32>
    %select_n3A_643 = arith.select %lt3A_625, %broadcast_in_dim3A_642, %select_n3A_623 : vector<512x128xi1>, vector<512x128xi32>
    %slice3A_644 = vector.extract_strided_slice %sub3A {offsets = [0, 4096], sizes = [512, 128], strides = [1, 1]} : vector<512x8192xf32> to vector<512x128xf32>
    %lt3A_645 = arith.cmpf olt, %slice3A_644, %select_n3A_640 : vector<512x128xf32>
    %lt3A_646 = arith.cmpf olt, %slice3A_644, %select_n3A_635 : vector<512x128xf32>
    %lt3A_647 = arith.cmpf olt, %slice3A_644, %select_n3A_629 : vector<512x128xf32>
    %select_n3A_648 = arith.select %lt3A_647, %slice3A_644, %select_n3A_629 : vector<512x128xi1>, vector<512x128xf32>
    %select_n3A_649 = arith.select %lt3A_646, %select_n3A_635, %select_n3A_648 : vector<512x128xi1>, vector<512x128xf32>
    %jit3A_650 = arith.constant 32 : i32
    %broadcast_in_dim3A_651 = vector.broadcast %jit3A_650 : i32 to vector<512x128xi32>
    %select_n3A_652 = arith.select %lt3A_647, %broadcast_in_dim3A_651, %select_n3A_633 : vector<512x128xi1>, vector<512x128xi32>
    %select_n3A_653 = arith.select %lt3A_646, %select_n3A_639, %select_n3A_652 : vector<512x128xi1>, vector<512x128xi32>
    %select_n3A_654 = arith.select %lt3A_646, %slice3A_644, %select_n3A_635 : vector<512x128xi1>, vector<512x128xf32>
    %select_n3A_655 = arith.select %lt3A_645, %select_n3A_640, %select_n3A_654 : vector<512x128xi1>, vector<512x128xf32>
    %jit3A_656 = arith.constant 32 : i32
    %broadcast_in_dim3A_657 = vector.broadcast %jit3A_656 : i32 to vector<512x128xi32>
    %select_n3A_658 = arith.select %lt3A_646, %broadcast_in_dim3A_657, %select_n3A_639 : vector<512x128xi1>, vector<512x128xi32>
    %select_n3A_659 = arith.select %lt3A_645, %select_n3A_643, %select_n3A_658 : vector<512x128xi1>, vector<512x128xi32>
    %select_n3A_660 = arith.select %lt3A_645, %slice3A_644, %select_n3A_640 : vector<512x128xi1>, vector<512x128xf32>
    %jit3A_661 = arith.constant 32 : i32
    %broadcast_in_dim3A_662 = vector.broadcast %jit3A_661 : i32 to vector<512x128xi32>
    %select_n3A_663 = arith.select %lt3A_645, %broadcast_in_dim3A_662, %select_n3A_643 : vector<512x128xi1>, vector<512x128xi32>
    %slice3A_664 = vector.extract_strided_slice %sub3A {offsets = [0, 4224], sizes = [512, 128], strides = [1, 1]} : vector<512x8192xf32> to vector<512x128xf32>
    %lt3A_665 = arith.cmpf olt, %slice3A_664, %select_n3A_660 : vector<512x128xf32>
    %lt3A_666 = arith.cmpf olt, %slice3A_664, %select_n3A_655 : vector<512x128xf32>
    %lt3A_667 = arith.cmpf olt, %slice3A_664, %select_n3A_649 : vector<512x128xf32>
    %select_n3A_668 = arith.select %lt3A_667, %slice3A_664, %select_n3A_649 : vector<512x128xi1>, vector<512x128xf32>
    %select_n3A_669 = arith.select %lt3A_666, %select_n3A_655, %select_n3A_668 : vector<512x128xi1>, vector<512x128xf32>
    %jit3A_670 = arith.constant 33 : i32
    %broadcast_in_dim3A_671 = vector.broadcast %jit3A_670 : i32 to vector<512x128xi32>
    %select_n3A_672 = arith.select %lt3A_667, %broadcast_in_dim3A_671, %select_n3A_653 : vector<512x128xi1>, vector<512x128xi32>
    %select_n3A_673 = arith.select %lt3A_666, %select_n3A_659, %select_n3A_672 : vector<512x128xi1>, vector<512x128xi32>
    %select_n3A_674 = arith.select %lt3A_666, %slice3A_664, %select_n3A_655 : vector<512x128xi1>, vector<512x128xf32>
    %select_n3A_675 = arith.select %lt3A_665, %select_n3A_660, %select_n3A_674 : vector<512x128xi1>, vector<512x128xf32>
    %jit3A_676 = arith.constant 33 : i32
    %broadcast_in_dim3A_677 = vector.broadcast %jit3A_676 : i32 to vector<512x128xi32>
    %select_n3A_678 = arith.select %lt3A_666, %broadcast_in_dim3A_677, %select_n3A_659 : vector<512x128xi1>, vector<512x128xi32>
    %select_n3A_679 = arith.select %lt3A_665, %select_n3A_663, %select_n3A_678 : vector<512x128xi1>, vector<512x128xi32>
    %select_n3A_680 = arith.select %lt3A_665, %slice3A_664, %select_n3A_660 : vector<512x128xi1>, vector<512x128xf32>
    %jit3A_681 = arith.constant 33 : i32
    %broadcast_in_dim3A_682 = vector.broadcast %jit3A_681 : i32 to vector<512x128xi32>
    %select_n3A_683 = arith.select %lt3A_665, %broadcast_in_dim3A_682, %select_n3A_663 : vector<512x128xi1>, vector<512x128xi32>
    %slice3A_684 = vector.extract_strided_slice %sub3A {offsets = [0, 4352], sizes = [512, 128], strides = [1, 1]} : vector<512x8192xf32> to vector<512x128xf32>
    %lt3A_685 = arith.cmpf olt, %slice3A_684, %select_n3A_680 : vector<512x128xf32>
    %lt3A_686 = arith.cmpf olt, %slice3A_684, %select_n3A_675 : vector<512x128xf32>
    %lt3A_687 = arith.cmpf olt, %slice3A_684, %select_n3A_669 : vector<512x128xf32>
    %select_n3A_688 = arith.select %lt3A_687, %slice3A_684, %select_n3A_669 : vector<512x128xi1>, vector<512x128xf32>
    %select_n3A_689 = arith.select %lt3A_686, %select_n3A_675, %select_n3A_688 : vector<512x128xi1>, vector<512x128xf32>
    %jit3A_690 = arith.constant 34 : i32
    %broadcast_in_dim3A_691 = vector.broadcast %jit3A_690 : i32 to vector<512x128xi32>
    %select_n3A_692 = arith.select %lt3A_687, %broadcast_in_dim3A_691, %select_n3A_673 : vector<512x128xi1>, vector<512x128xi32>
    %select_n3A_693 = arith.select %lt3A_686, %select_n3A_679, %select_n3A_692 : vector<512x128xi1>, vector<512x128xi32>
    %select_n3A_694 = arith.select %lt3A_686, %slice3A_684, %select_n3A_675 : vector<512x128xi1>, vector<512x128xf32>
    %select_n3A_695 = arith.select %lt3A_685, %select_n3A_680, %select_n3A_694 : vector<512x128xi1>, vector<512x128xf32>
    %jit3A_696 = arith.constant 34 : i32
    %broadcast_in_dim3A_697 = vector.broadcast %jit3A_696 : i32 to vector<512x128xi32>
    %select_n3A_698 = arith.select %lt3A_686, %broadcast_in_dim3A_697, %select_n3A_679 : vector<512x128xi1>, vector<512x128xi32>
    %select_n3A_699 = arith.select %lt3A_685, %select_n3A_683, %select_n3A_698 : vector<512x128xi1>, vector<512x128xi32>
    %select_n3A_700 = arith.select %lt3A_685, %slice3A_684, %select_n3A_680 : vector<512x128xi1>, vector<512x128xf32>
    %jit3A_701 = arith.constant 34 : i32
    %broadcast_in_dim3A_702 = vector.broadcast %jit3A_701 : i32 to vector<512x128xi32>
    %select_n3A_703 = arith.select %lt3A_685, %broadcast_in_dim3A_702, %select_n3A_683 : vector<512x128xi1>, vector<512x128xi32>
    %slice3A_704 = vector.extract_strided_slice %sub3A {offsets = [0, 4480], sizes = [512, 128], strides = [1, 1]} : vector<512x8192xf32> to vector<512x128xf32>
    %lt3A_705 = arith.cmpf olt, %slice3A_704, %select_n3A_700 : vector<512x128xf32>
    %lt3A_706 = arith.cmpf olt, %slice3A_704, %select_n3A_695 : vector<512x128xf32>
    %lt3A_707 = arith.cmpf olt, %slice3A_704, %select_n3A_689 : vector<512x128xf32>
    %select_n3A_708 = arith.select %lt3A_707, %slice3A_704, %select_n3A_689 : vector<512x128xi1>, vector<512x128xf32>
    %select_n3A_709 = arith.select %lt3A_706, %select_n3A_695, %select_n3A_708 : vector<512x128xi1>, vector<512x128xf32>
    %jit3A_710 = arith.constant 35 : i32
    %broadcast_in_dim3A_711 = vector.broadcast %jit3A_710 : i32 to vector<512x128xi32>
    %select_n3A_712 = arith.select %lt3A_707, %broadcast_in_dim3A_711, %select_n3A_693 : vector<512x128xi1>, vector<512x128xi32>
    %select_n3A_713 = arith.select %lt3A_706, %select_n3A_699, %select_n3A_712 : vector<512x128xi1>, vector<512x128xi32>
    %select_n3A_714 = arith.select %lt3A_706, %slice3A_704, %select_n3A_695 : vector<512x128xi1>, vector<512x128xf32>
    %select_n3A_715 = arith.select %lt3A_705, %select_n3A_700, %select_n3A_714 : vector<512x128xi1>, vector<512x128xf32>
    %jit3A_716 = arith.constant 35 : i32
    %broadcast_in_dim3A_717 = vector.broadcast %jit3A_716 : i32 to vector<512x128xi32>
    %select_n3A_718 = arith.select %lt3A_706, %broadcast_in_dim3A_717, %select_n3A_699 : vector<512x128xi1>, vector<512x128xi32>
    %select_n3A_719 = arith.select %lt3A_705, %select_n3A_703, %select_n3A_718 : vector<512x128xi1>, vector<512x128xi32>
    %select_n3A_720 = arith.select %lt3A_705, %slice3A_704, %select_n3A_700 : vector<512x128xi1>, vector<512x128xf32>
    %jit3A_721 = arith.constant 35 : i32
    %broadcast_in_dim3A_722 = vector.broadcast %jit3A_721 : i32 to vector<512x128xi32>
    %select_n3A_723 = arith.select %lt3A_705, %broadcast_in_dim3A_722, %select_n3A_703 : vector<512x128xi1>, vector<512x128xi32>
    %slice3A_724 = vector.extract_strided_slice %sub3A {offsets = [0, 4608], sizes = [512, 128], strides = [1, 1]} : vector<512x8192xf32> to vector<512x128xf32>
    %lt3A_725 = arith.cmpf olt, %slice3A_724, %select_n3A_720 : vector<512x128xf32>
    %lt3A_726 = arith.cmpf olt, %slice3A_724, %select_n3A_715 : vector<512x128xf32>
    %lt3A_727 = arith.cmpf olt, %slice3A_724, %select_n3A_709 : vector<512x128xf32>
    %select_n3A_728 = arith.select %lt3A_727, %slice3A_724, %select_n3A_709 : vector<512x128xi1>, vector<512x128xf32>
    %select_n3A_729 = arith.select %lt3A_726, %select_n3A_715, %select_n3A_728 : vector<512x128xi1>, vector<512x128xf32>
    %jit3A_730 = arith.constant 36 : i32
    %broadcast_in_dim3A_731 = vector.broadcast %jit3A_730 : i32 to vector<512x128xi32>
    %select_n3A_732 = arith.select %lt3A_727, %broadcast_in_dim3A_731, %select_n3A_713 : vector<512x128xi1>, vector<512x128xi32>
    %select_n3A_733 = arith.select %lt3A_726, %select_n3A_719, %select_n3A_732 : vector<512x128xi1>, vector<512x128xi32>
    %select_n3A_734 = arith.select %lt3A_726, %slice3A_724, %select_n3A_715 : vector<512x128xi1>, vector<512x128xf32>
    %select_n3A_735 = arith.select %lt3A_725, %select_n3A_720, %select_n3A_734 : vector<512x128xi1>, vector<512x128xf32>
    %jit3A_736 = arith.constant 36 : i32
    %broadcast_in_dim3A_737 = vector.broadcast %jit3A_736 : i32 to vector<512x128xi32>
    %select_n3A_738 = arith.select %lt3A_726, %broadcast_in_dim3A_737, %select_n3A_719 : vector<512x128xi1>, vector<512x128xi32>
    %select_n3A_739 = arith.select %lt3A_725, %select_n3A_723, %select_n3A_738 : vector<512x128xi1>, vector<512x128xi32>
    %select_n3A_740 = arith.select %lt3A_725, %slice3A_724, %select_n3A_720 : vector<512x128xi1>, vector<512x128xf32>
    %jit3A_741 = arith.constant 36 : i32
    %broadcast_in_dim3A_742 = vector.broadcast %jit3A_741 : i32 to vector<512x128xi32>
    %select_n3A_743 = arith.select %lt3A_725, %broadcast_in_dim3A_742, %select_n3A_723 : vector<512x128xi1>, vector<512x128xi32>
    %slice3A_744 = vector.extract_strided_slice %sub3A {offsets = [0, 4736], sizes = [512, 128], strides = [1, 1]} : vector<512x8192xf32> to vector<512x128xf32>
    %lt3A_745 = arith.cmpf olt, %slice3A_744, %select_n3A_740 : vector<512x128xf32>
    %lt3A_746 = arith.cmpf olt, %slice3A_744, %select_n3A_735 : vector<512x128xf32>
    %lt3A_747 = arith.cmpf olt, %slice3A_744, %select_n3A_729 : vector<512x128xf32>
    %select_n3A_748 = arith.select %lt3A_747, %slice3A_744, %select_n3A_729 : vector<512x128xi1>, vector<512x128xf32>
    %select_n3A_749 = arith.select %lt3A_746, %select_n3A_735, %select_n3A_748 : vector<512x128xi1>, vector<512x128xf32>
    %jit3A_750 = arith.constant 37 : i32
    %broadcast_in_dim3A_751 = vector.broadcast %jit3A_750 : i32 to vector<512x128xi32>
    %select_n3A_752 = arith.select %lt3A_747, %broadcast_in_dim3A_751, %select_n3A_733 : vector<512x128xi1>, vector<512x128xi32>
    %select_n3A_753 = arith.select %lt3A_746, %select_n3A_739, %select_n3A_752 : vector<512x128xi1>, vector<512x128xi32>
    %select_n3A_754 = arith.select %lt3A_746, %slice3A_744, %select_n3A_735 : vector<512x128xi1>, vector<512x128xf32>
    %select_n3A_755 = arith.select %lt3A_745, %select_n3A_740, %select_n3A_754 : vector<512x128xi1>, vector<512x128xf32>
    %jit3A_756 = arith.constant 37 : i32
    %broadcast_in_dim3A_757 = vector.broadcast %jit3A_756 : i32 to vector<512x128xi32>
    %select_n3A_758 = arith.select %lt3A_746, %broadcast_in_dim3A_757, %select_n3A_739 : vector<512x128xi1>, vector<512x128xi32>
    %select_n3A_759 = arith.select %lt3A_745, %select_n3A_743, %select_n3A_758 : vector<512x128xi1>, vector<512x128xi32>
    %select_n3A_760 = arith.select %lt3A_745, %slice3A_744, %select_n3A_740 : vector<512x128xi1>, vector<512x128xf32>
    %jit3A_761 = arith.constant 37 : i32
    %broadcast_in_dim3A_762 = vector.broadcast %jit3A_761 : i32 to vector<512x128xi32>
    %select_n3A_763 = arith.select %lt3A_745, %broadcast_in_dim3A_762, %select_n3A_743 : vector<512x128xi1>, vector<512x128xi32>
    %slice3A_764 = vector.extract_strided_slice %sub3A {offsets = [0, 4864], sizes = [512, 128], strides = [1, 1]} : vector<512x8192xf32> to vector<512x128xf32>
    %lt3A_765 = arith.cmpf olt, %slice3A_764, %select_n3A_760 : vector<512x128xf32>
    %lt3A_766 = arith.cmpf olt, %slice3A_764, %select_n3A_755 : vector<512x128xf32>
    %lt3A_767 = arith.cmpf olt, %slice3A_764, %select_n3A_749 : vector<512x128xf32>
    %select_n3A_768 = arith.select %lt3A_767, %slice3A_764, %select_n3A_749 : vector<512x128xi1>, vector<512x128xf32>
    %select_n3A_769 = arith.select %lt3A_766, %select_n3A_755, %select_n3A_768 : vector<512x128xi1>, vector<512x128xf32>
    %jit3A_770 = arith.constant 38 : i32
    %broadcast_in_dim3A_771 = vector.broadcast %jit3A_770 : i32 to vector<512x128xi32>
    %select_n3A_772 = arith.select %lt3A_767, %broadcast_in_dim3A_771, %select_n3A_753 : vector<512x128xi1>, vector<512x128xi32>
    %select_n3A_773 = arith.select %lt3A_766, %select_n3A_759, %select_n3A_772 : vector<512x128xi1>, vector<512x128xi32>
    %select_n3A_774 = arith.select %lt3A_766, %slice3A_764, %select_n3A_755 : vector<512x128xi1>, vector<512x128xf32>
    %select_n3A_775 = arith.select %lt3A_765, %select_n3A_760, %select_n3A_774 : vector<512x128xi1>, vector<512x128xf32>
    %jit3A_776 = arith.constant 38 : i32
    %broadcast_in_dim3A_777 = vector.broadcast %jit3A_776 : i32 to vector<512x128xi32>
    %select_n3A_778 = arith.select %lt3A_766, %broadcast_in_dim3A_777, %select_n3A_759 : vector<512x128xi1>, vector<512x128xi32>
    %select_n3A_779 = arith.select %lt3A_765, %select_n3A_763, %select_n3A_778 : vector<512x128xi1>, vector<512x128xi32>
    %select_n3A_780 = arith.select %lt3A_765, %slice3A_764, %select_n3A_760 : vector<512x128xi1>, vector<512x128xf32>
    %jit3A_781 = arith.constant 38 : i32
    %broadcast_in_dim3A_782 = vector.broadcast %jit3A_781 : i32 to vector<512x128xi32>
    %select_n3A_783 = arith.select %lt3A_765, %broadcast_in_dim3A_782, %select_n3A_763 : vector<512x128xi1>, vector<512x128xi32>
    %slice3A_784 = vector.extract_strided_slice %sub3A {offsets = [0, 4992], sizes = [512, 128], strides = [1, 1]} : vector<512x8192xf32> to vector<512x128xf32>
    %lt3A_785 = arith.cmpf olt, %slice3A_784, %select_n3A_780 : vector<512x128xf32>
    %lt3A_786 = arith.cmpf olt, %slice3A_784, %select_n3A_775 : vector<512x128xf32>
    %lt3A_787 = arith.cmpf olt, %slice3A_784, %select_n3A_769 : vector<512x128xf32>
    %select_n3A_788 = arith.select %lt3A_787, %slice3A_784, %select_n3A_769 : vector<512x128xi1>, vector<512x128xf32>
    %select_n3A_789 = arith.select %lt3A_786, %select_n3A_775, %select_n3A_788 : vector<512x128xi1>, vector<512x128xf32>
    %jit3A_790 = arith.constant 39 : i32
    %broadcast_in_dim3A_791 = vector.broadcast %jit3A_790 : i32 to vector<512x128xi32>
    %select_n3A_792 = arith.select %lt3A_787, %broadcast_in_dim3A_791, %select_n3A_773 : vector<512x128xi1>, vector<512x128xi32>
    %select_n3A_793 = arith.select %lt3A_786, %select_n3A_779, %select_n3A_792 : vector<512x128xi1>, vector<512x128xi32>
    %select_n3A_794 = arith.select %lt3A_786, %slice3A_784, %select_n3A_775 : vector<512x128xi1>, vector<512x128xf32>
    %select_n3A_795 = arith.select %lt3A_785, %select_n3A_780, %select_n3A_794 : vector<512x128xi1>, vector<512x128xf32>
    %jit3A_796 = arith.constant 39 : i32
    %broadcast_in_dim3A_797 = vector.broadcast %jit3A_796 : i32 to vector<512x128xi32>
    %select_n3A_798 = arith.select %lt3A_786, %broadcast_in_dim3A_797, %select_n3A_779 : vector<512x128xi1>, vector<512x128xi32>
    %select_n3A_799 = arith.select %lt3A_785, %select_n3A_783, %select_n3A_798 : vector<512x128xi1>, vector<512x128xi32>
    %select_n3A_800 = arith.select %lt3A_785, %slice3A_784, %select_n3A_780 : vector<512x128xi1>, vector<512x128xf32>
    %jit3A_801 = arith.constant 39 : i32
    %broadcast_in_dim3A_802 = vector.broadcast %jit3A_801 : i32 to vector<512x128xi32>
    %select_n3A_803 = arith.select %lt3A_785, %broadcast_in_dim3A_802, %select_n3A_783 : vector<512x128xi1>, vector<512x128xi32>
    %slice3A_804 = vector.extract_strided_slice %sub3A {offsets = [0, 5120], sizes = [512, 128], strides = [1, 1]} : vector<512x8192xf32> to vector<512x128xf32>
    %lt3A_805 = arith.cmpf olt, %slice3A_804, %select_n3A_800 : vector<512x128xf32>
    %lt3A_806 = arith.cmpf olt, %slice3A_804, %select_n3A_795 : vector<512x128xf32>
    %lt3A_807 = arith.cmpf olt, %slice3A_804, %select_n3A_789 : vector<512x128xf32>
    %select_n3A_808 = arith.select %lt3A_807, %slice3A_804, %select_n3A_789 : vector<512x128xi1>, vector<512x128xf32>
    %select_n3A_809 = arith.select %lt3A_806, %select_n3A_795, %select_n3A_808 : vector<512x128xi1>, vector<512x128xf32>
    %jit3A_810 = arith.constant 40 : i32
    %broadcast_in_dim3A_811 = vector.broadcast %jit3A_810 : i32 to vector<512x128xi32>
    %select_n3A_812 = arith.select %lt3A_807, %broadcast_in_dim3A_811, %select_n3A_793 : vector<512x128xi1>, vector<512x128xi32>
    %select_n3A_813 = arith.select %lt3A_806, %select_n3A_799, %select_n3A_812 : vector<512x128xi1>, vector<512x128xi32>
    %select_n3A_814 = arith.select %lt3A_806, %slice3A_804, %select_n3A_795 : vector<512x128xi1>, vector<512x128xf32>
    %select_n3A_815 = arith.select %lt3A_805, %select_n3A_800, %select_n3A_814 : vector<512x128xi1>, vector<512x128xf32>
    %jit3A_816 = arith.constant 40 : i32
    %broadcast_in_dim3A_817 = vector.broadcast %jit3A_816 : i32 to vector<512x128xi32>
    %select_n3A_818 = arith.select %lt3A_806, %broadcast_in_dim3A_817, %select_n3A_799 : vector<512x128xi1>, vector<512x128xi32>
    %select_n3A_819 = arith.select %lt3A_805, %select_n3A_803, %select_n3A_818 : vector<512x128xi1>, vector<512x128xi32>
    %select_n3A_820 = arith.select %lt3A_805, %slice3A_804, %select_n3A_800 : vector<512x128xi1>, vector<512x128xf32>
    %jit3A_821 = arith.constant 40 : i32
    %broadcast_in_dim3A_822 = vector.broadcast %jit3A_821 : i32 to vector<512x128xi32>
    %select_n3A_823 = arith.select %lt3A_805, %broadcast_in_dim3A_822, %select_n3A_803 : vector<512x128xi1>, vector<512x128xi32>
    %slice3A_824 = vector.extract_strided_slice %sub3A {offsets = [0, 5248], sizes = [512, 128], strides = [1, 1]} : vector<512x8192xf32> to vector<512x128xf32>
    %lt3A_825 = arith.cmpf olt, %slice3A_824, %select_n3A_820 : vector<512x128xf32>
    %lt3A_826 = arith.cmpf olt, %slice3A_824, %select_n3A_815 : vector<512x128xf32>
    %lt3A_827 = arith.cmpf olt, %slice3A_824, %select_n3A_809 : vector<512x128xf32>
    %select_n3A_828 = arith.select %lt3A_827, %slice3A_824, %select_n3A_809 : vector<512x128xi1>, vector<512x128xf32>
    %select_n3A_829 = arith.select %lt3A_826, %select_n3A_815, %select_n3A_828 : vector<512x128xi1>, vector<512x128xf32>
    %jit3A_830 = arith.constant 41 : i32
    %broadcast_in_dim3A_831 = vector.broadcast %jit3A_830 : i32 to vector<512x128xi32>
    %select_n3A_832 = arith.select %lt3A_827, %broadcast_in_dim3A_831, %select_n3A_813 : vector<512x128xi1>, vector<512x128xi32>
    %select_n3A_833 = arith.select %lt3A_826, %select_n3A_819, %select_n3A_832 : vector<512x128xi1>, vector<512x128xi32>
    %select_n3A_834 = arith.select %lt3A_826, %slice3A_824, %select_n3A_815 : vector<512x128xi1>, vector<512x128xf32>
    %select_n3A_835 = arith.select %lt3A_825, %select_n3A_820, %select_n3A_834 : vector<512x128xi1>, vector<512x128xf32>
    %jit3A_836 = arith.constant 41 : i32
    %broadcast_in_dim3A_837 = vector.broadcast %jit3A_836 : i32 to vector<512x128xi32>
    %select_n3A_838 = arith.select %lt3A_826, %broadcast_in_dim3A_837, %select_n3A_819 : vector<512x128xi1>, vector<512x128xi32>
    %select_n3A_839 = arith.select %lt3A_825, %select_n3A_823, %select_n3A_838 : vector<512x128xi1>, vector<512x128xi32>
    %select_n3A_840 = arith.select %lt3A_825, %slice3A_824, %select_n3A_820 : vector<512x128xi1>, vector<512x128xf32>
    %jit3A_841 = arith.constant 41 : i32
    %broadcast_in_dim3A_842 = vector.broadcast %jit3A_841 : i32 to vector<512x128xi32>
    %select_n3A_843 = arith.select %lt3A_825, %broadcast_in_dim3A_842, %select_n3A_823 : vector<512x128xi1>, vector<512x128xi32>
    %slice3A_844 = vector.extract_strided_slice %sub3A {offsets = [0, 5376], sizes = [512, 128], strides = [1, 1]} : vector<512x8192xf32> to vector<512x128xf32>
    %lt3A_845 = arith.cmpf olt, %slice3A_844, %select_n3A_840 : vector<512x128xf32>
    %lt3A_846 = arith.cmpf olt, %slice3A_844, %select_n3A_835 : vector<512x128xf32>
    %lt3A_847 = arith.cmpf olt, %slice3A_844, %select_n3A_829 : vector<512x128xf32>
    %select_n3A_848 = arith.select %lt3A_847, %slice3A_844, %select_n3A_829 : vector<512x128xi1>, vector<512x128xf32>
    %select_n3A_849 = arith.select %lt3A_846, %select_n3A_835, %select_n3A_848 : vector<512x128xi1>, vector<512x128xf32>
    %jit3A_850 = arith.constant 42 : i32
    %broadcast_in_dim3A_851 = vector.broadcast %jit3A_850 : i32 to vector<512x128xi32>
    %select_n3A_852 = arith.select %lt3A_847, %broadcast_in_dim3A_851, %select_n3A_833 : vector<512x128xi1>, vector<512x128xi32>
    %select_n3A_853 = arith.select %lt3A_846, %select_n3A_839, %select_n3A_852 : vector<512x128xi1>, vector<512x128xi32>
    %select_n3A_854 = arith.select %lt3A_846, %slice3A_844, %select_n3A_835 : vector<512x128xi1>, vector<512x128xf32>
    %select_n3A_855 = arith.select %lt3A_845, %select_n3A_840, %select_n3A_854 : vector<512x128xi1>, vector<512x128xf32>
    %jit3A_856 = arith.constant 42 : i32
    %broadcast_in_dim3A_857 = vector.broadcast %jit3A_856 : i32 to vector<512x128xi32>
    %select_n3A_858 = arith.select %lt3A_846, %broadcast_in_dim3A_857, %select_n3A_839 : vector<512x128xi1>, vector<512x128xi32>
    %select_n3A_859 = arith.select %lt3A_845, %select_n3A_843, %select_n3A_858 : vector<512x128xi1>, vector<512x128xi32>
    %select_n3A_860 = arith.select %lt3A_845, %slice3A_844, %select_n3A_840 : vector<512x128xi1>, vector<512x128xf32>
    %jit3A_861 = arith.constant 42 : i32
    %broadcast_in_dim3A_862 = vector.broadcast %jit3A_861 : i32 to vector<512x128xi32>
    %select_n3A_863 = arith.select %lt3A_845, %broadcast_in_dim3A_862, %select_n3A_843 : vector<512x128xi1>, vector<512x128xi32>
    %slice3A_864 = vector.extract_strided_slice %sub3A {offsets = [0, 5504], sizes = [512, 128], strides = [1, 1]} : vector<512x8192xf32> to vector<512x128xf32>
    %lt3A_865 = arith.cmpf olt, %slice3A_864, %select_n3A_860 : vector<512x128xf32>
    %lt3A_866 = arith.cmpf olt, %slice3A_864, %select_n3A_855 : vector<512x128xf32>
    %lt3A_867 = arith.cmpf olt, %slice3A_864, %select_n3A_849 : vector<512x128xf32>
    %select_n3A_868 = arith.select %lt3A_867, %slice3A_864, %select_n3A_849 : vector<512x128xi1>, vector<512x128xf32>
    %select_n3A_869 = arith.select %lt3A_866, %select_n3A_855, %select_n3A_868 : vector<512x128xi1>, vector<512x128xf32>
    %jit3A_870 = arith.constant 43 : i32
    %broadcast_in_dim3A_871 = vector.broadcast %jit3A_870 : i32 to vector<512x128xi32>
    %select_n3A_872 = arith.select %lt3A_867, %broadcast_in_dim3A_871, %select_n3A_853 : vector<512x128xi1>, vector<512x128xi32>
    %select_n3A_873 = arith.select %lt3A_866, %select_n3A_859, %select_n3A_872 : vector<512x128xi1>, vector<512x128xi32>
    %select_n3A_874 = arith.select %lt3A_866, %slice3A_864, %select_n3A_855 : vector<512x128xi1>, vector<512x128xf32>
    %select_n3A_875 = arith.select %lt3A_865, %select_n3A_860, %select_n3A_874 : vector<512x128xi1>, vector<512x128xf32>
    %jit3A_876 = arith.constant 43 : i32
    %broadcast_in_dim3A_877 = vector.broadcast %jit3A_876 : i32 to vector<512x128xi32>
    %select_n3A_878 = arith.select %lt3A_866, %broadcast_in_dim3A_877, %select_n3A_859 : vector<512x128xi1>, vector<512x128xi32>
    %select_n3A_879 = arith.select %lt3A_865, %select_n3A_863, %select_n3A_878 : vector<512x128xi1>, vector<512x128xi32>
    %select_n3A_880 = arith.select %lt3A_865, %slice3A_864, %select_n3A_860 : vector<512x128xi1>, vector<512x128xf32>
    %jit3A_881 = arith.constant 43 : i32
    %broadcast_in_dim3A_882 = vector.broadcast %jit3A_881 : i32 to vector<512x128xi32>
    %select_n3A_883 = arith.select %lt3A_865, %broadcast_in_dim3A_882, %select_n3A_863 : vector<512x128xi1>, vector<512x128xi32>
    %slice3A_884 = vector.extract_strided_slice %sub3A {offsets = [0, 5632], sizes = [512, 128], strides = [1, 1]} : vector<512x8192xf32> to vector<512x128xf32>
    %lt3A_885 = arith.cmpf olt, %slice3A_884, %select_n3A_880 : vector<512x128xf32>
    %lt3A_886 = arith.cmpf olt, %slice3A_884, %select_n3A_875 : vector<512x128xf32>
    %lt3A_887 = arith.cmpf olt, %slice3A_884, %select_n3A_869 : vector<512x128xf32>
    %select_n3A_888 = arith.select %lt3A_887, %slice3A_884, %select_n3A_869 : vector<512x128xi1>, vector<512x128xf32>
    %select_n3A_889 = arith.select %lt3A_886, %select_n3A_875, %select_n3A_888 : vector<512x128xi1>, vector<512x128xf32>
    %jit3A_890 = arith.constant 44 : i32
    %broadcast_in_dim3A_891 = vector.broadcast %jit3A_890 : i32 to vector<512x128xi32>
    %select_n3A_892 = arith.select %lt3A_887, %broadcast_in_dim3A_891, %select_n3A_873 : vector<512x128xi1>, vector<512x128xi32>
    %select_n3A_893 = arith.select %lt3A_886, %select_n3A_879, %select_n3A_892 : vector<512x128xi1>, vector<512x128xi32>
    %select_n3A_894 = arith.select %lt3A_886, %slice3A_884, %select_n3A_875 : vector<512x128xi1>, vector<512x128xf32>
    %select_n3A_895 = arith.select %lt3A_885, %select_n3A_880, %select_n3A_894 : vector<512x128xi1>, vector<512x128xf32>
    %jit3A_896 = arith.constant 44 : i32
    %broadcast_in_dim3A_897 = vector.broadcast %jit3A_896 : i32 to vector<512x128xi32>
    %select_n3A_898 = arith.select %lt3A_886, %broadcast_in_dim3A_897, %select_n3A_879 : vector<512x128xi1>, vector<512x128xi32>
    %select_n3A_899 = arith.select %lt3A_885, %select_n3A_883, %select_n3A_898 : vector<512x128xi1>, vector<512x128xi32>
    %select_n3A_900 = arith.select %lt3A_885, %slice3A_884, %select_n3A_880 : vector<512x128xi1>, vector<512x128xf32>
    %jit3A_901 = arith.constant 44 : i32
    %broadcast_in_dim3A_902 = vector.broadcast %jit3A_901 : i32 to vector<512x128xi32>
    %select_n3A_903 = arith.select %lt3A_885, %broadcast_in_dim3A_902, %select_n3A_883 : vector<512x128xi1>, vector<512x128xi32>
    %slice3A_904 = vector.extract_strided_slice %sub3A {offsets = [0, 5760], sizes = [512, 128], strides = [1, 1]} : vector<512x8192xf32> to vector<512x128xf32>
    %lt3A_905 = arith.cmpf olt, %slice3A_904, %select_n3A_900 : vector<512x128xf32>
    %lt3A_906 = arith.cmpf olt, %slice3A_904, %select_n3A_895 : vector<512x128xf32>
    %lt3A_907 = arith.cmpf olt, %slice3A_904, %select_n3A_889 : vector<512x128xf32>
    %select_n3A_908 = arith.select %lt3A_907, %slice3A_904, %select_n3A_889 : vector<512x128xi1>, vector<512x128xf32>
    %select_n3A_909 = arith.select %lt3A_906, %select_n3A_895, %select_n3A_908 : vector<512x128xi1>, vector<512x128xf32>
    %jit3A_910 = arith.constant 45 : i32
    %broadcast_in_dim3A_911 = vector.broadcast %jit3A_910 : i32 to vector<512x128xi32>
    %select_n3A_912 = arith.select %lt3A_907, %broadcast_in_dim3A_911, %select_n3A_893 : vector<512x128xi1>, vector<512x128xi32>
    %select_n3A_913 = arith.select %lt3A_906, %select_n3A_899, %select_n3A_912 : vector<512x128xi1>, vector<512x128xi32>
    %select_n3A_914 = arith.select %lt3A_906, %slice3A_904, %select_n3A_895 : vector<512x128xi1>, vector<512x128xf32>
    %select_n3A_915 = arith.select %lt3A_905, %select_n3A_900, %select_n3A_914 : vector<512x128xi1>, vector<512x128xf32>
    %jit3A_916 = arith.constant 45 : i32
    %broadcast_in_dim3A_917 = vector.broadcast %jit3A_916 : i32 to vector<512x128xi32>
    %select_n3A_918 = arith.select %lt3A_906, %broadcast_in_dim3A_917, %select_n3A_899 : vector<512x128xi1>, vector<512x128xi32>
    %select_n3A_919 = arith.select %lt3A_905, %select_n3A_903, %select_n3A_918 : vector<512x128xi1>, vector<512x128xi32>
    %select_n3A_920 = arith.select %lt3A_905, %slice3A_904, %select_n3A_900 : vector<512x128xi1>, vector<512x128xf32>
    %jit3A_921 = arith.constant 45 : i32
    %broadcast_in_dim3A_922 = vector.broadcast %jit3A_921 : i32 to vector<512x128xi32>
    %select_n3A_923 = arith.select %lt3A_905, %broadcast_in_dim3A_922, %select_n3A_903 : vector<512x128xi1>, vector<512x128xi32>
    %slice3A_924 = vector.extract_strided_slice %sub3A {offsets = [0, 5888], sizes = [512, 128], strides = [1, 1]} : vector<512x8192xf32> to vector<512x128xf32>
    %lt3A_925 = arith.cmpf olt, %slice3A_924, %select_n3A_920 : vector<512x128xf32>
    %lt3A_926 = arith.cmpf olt, %slice3A_924, %select_n3A_915 : vector<512x128xf32>
    %lt3A_927 = arith.cmpf olt, %slice3A_924, %select_n3A_909 : vector<512x128xf32>
    %select_n3A_928 = arith.select %lt3A_927, %slice3A_924, %select_n3A_909 : vector<512x128xi1>, vector<512x128xf32>
    %select_n3A_929 = arith.select %lt3A_926, %select_n3A_915, %select_n3A_928 : vector<512x128xi1>, vector<512x128xf32>
    %jit3A_930 = arith.constant 46 : i32
    %broadcast_in_dim3A_931 = vector.broadcast %jit3A_930 : i32 to vector<512x128xi32>
    %select_n3A_932 = arith.select %lt3A_927, %broadcast_in_dim3A_931, %select_n3A_913 : vector<512x128xi1>, vector<512x128xi32>
    %select_n3A_933 = arith.select %lt3A_926, %select_n3A_919, %select_n3A_932 : vector<512x128xi1>, vector<512x128xi32>
    %select_n3A_934 = arith.select %lt3A_926, %slice3A_924, %select_n3A_915 : vector<512x128xi1>, vector<512x128xf32>
    %select_n3A_935 = arith.select %lt3A_925, %select_n3A_920, %select_n3A_934 : vector<512x128xi1>, vector<512x128xf32>
    %jit3A_936 = arith.constant 46 : i32
    %broadcast_in_dim3A_937 = vector.broadcast %jit3A_936 : i32 to vector<512x128xi32>
    %select_n3A_938 = arith.select %lt3A_926, %broadcast_in_dim3A_937, %select_n3A_919 : vector<512x128xi1>, vector<512x128xi32>
    %select_n3A_939 = arith.select %lt3A_925, %select_n3A_923, %select_n3A_938 : vector<512x128xi1>, vector<512x128xi32>
    %select_n3A_940 = arith.select %lt3A_925, %slice3A_924, %select_n3A_920 : vector<512x128xi1>, vector<512x128xf32>
    %jit3A_941 = arith.constant 46 : i32
    %broadcast_in_dim3A_942 = vector.broadcast %jit3A_941 : i32 to vector<512x128xi32>
    %select_n3A_943 = arith.select %lt3A_925, %broadcast_in_dim3A_942, %select_n3A_923 : vector<512x128xi1>, vector<512x128xi32>
    %slice3A_944 = vector.extract_strided_slice %sub3A {offsets = [0, 6016], sizes = [512, 128], strides = [1, 1]} : vector<512x8192xf32> to vector<512x128xf32>
    %lt3A_945 = arith.cmpf olt, %slice3A_944, %select_n3A_940 : vector<512x128xf32>
    %lt3A_946 = arith.cmpf olt, %slice3A_944, %select_n3A_935 : vector<512x128xf32>
    %lt3A_947 = arith.cmpf olt, %slice3A_944, %select_n3A_929 : vector<512x128xf32>
    %select_n3A_948 = arith.select %lt3A_947, %slice3A_944, %select_n3A_929 : vector<512x128xi1>, vector<512x128xf32>
    %select_n3A_949 = arith.select %lt3A_946, %select_n3A_935, %select_n3A_948 : vector<512x128xi1>, vector<512x128xf32>
    %jit3A_950 = arith.constant 47 : i32
    %broadcast_in_dim3A_951 = vector.broadcast %jit3A_950 : i32 to vector<512x128xi32>
    %select_n3A_952 = arith.select %lt3A_947, %broadcast_in_dim3A_951, %select_n3A_933 : vector<512x128xi1>, vector<512x128xi32>
    %select_n3A_953 = arith.select %lt3A_946, %select_n3A_939, %select_n3A_952 : vector<512x128xi1>, vector<512x128xi32>
    %select_n3A_954 = arith.select %lt3A_946, %slice3A_944, %select_n3A_935 : vector<512x128xi1>, vector<512x128xf32>
    %select_n3A_955 = arith.select %lt3A_945, %select_n3A_940, %select_n3A_954 : vector<512x128xi1>, vector<512x128xf32>
    %jit3A_956 = arith.constant 47 : i32
    %broadcast_in_dim3A_957 = vector.broadcast %jit3A_956 : i32 to vector<512x128xi32>
    %select_n3A_958 = arith.select %lt3A_946, %broadcast_in_dim3A_957, %select_n3A_939 : vector<512x128xi1>, vector<512x128xi32>
    %select_n3A_959 = arith.select %lt3A_945, %select_n3A_943, %select_n3A_958 : vector<512x128xi1>, vector<512x128xi32>
    %select_n3A_960 = arith.select %lt3A_945, %slice3A_944, %select_n3A_940 : vector<512x128xi1>, vector<512x128xf32>
    %jit3A_961 = arith.constant 47 : i32
    %broadcast_in_dim3A_962 = vector.broadcast %jit3A_961 : i32 to vector<512x128xi32>
    %select_n3A_963 = arith.select %lt3A_945, %broadcast_in_dim3A_962, %select_n3A_943 : vector<512x128xi1>, vector<512x128xi32>
    %slice3A_964 = vector.extract_strided_slice %sub3A {offsets = [0, 6144], sizes = [512, 128], strides = [1, 1]} : vector<512x8192xf32> to vector<512x128xf32>
    %lt3A_965 = arith.cmpf olt, %slice3A_964, %select_n3A_960 : vector<512x128xf32>
    %lt3A_966 = arith.cmpf olt, %slice3A_964, %select_n3A_955 : vector<512x128xf32>
    %lt3A_967 = arith.cmpf olt, %slice3A_964, %select_n3A_949 : vector<512x128xf32>
    %select_n3A_968 = arith.select %lt3A_967, %slice3A_964, %select_n3A_949 : vector<512x128xi1>, vector<512x128xf32>
    %select_n3A_969 = arith.select %lt3A_966, %select_n3A_955, %select_n3A_968 : vector<512x128xi1>, vector<512x128xf32>
    %jit3A_970 = arith.constant 48 : i32
    %broadcast_in_dim3A_971 = vector.broadcast %jit3A_970 : i32 to vector<512x128xi32>
    %select_n3A_972 = arith.select %lt3A_967, %broadcast_in_dim3A_971, %select_n3A_953 : vector<512x128xi1>, vector<512x128xi32>
    %select_n3A_973 = arith.select %lt3A_966, %select_n3A_959, %select_n3A_972 : vector<512x128xi1>, vector<512x128xi32>
    %select_n3A_974 = arith.select %lt3A_966, %slice3A_964, %select_n3A_955 : vector<512x128xi1>, vector<512x128xf32>
    %select_n3A_975 = arith.select %lt3A_965, %select_n3A_960, %select_n3A_974 : vector<512x128xi1>, vector<512x128xf32>
    %jit3A_976 = arith.constant 48 : i32
    %broadcast_in_dim3A_977 = vector.broadcast %jit3A_976 : i32 to vector<512x128xi32>
    %select_n3A_978 = arith.select %lt3A_966, %broadcast_in_dim3A_977, %select_n3A_959 : vector<512x128xi1>, vector<512x128xi32>
    %select_n3A_979 = arith.select %lt3A_965, %select_n3A_963, %select_n3A_978 : vector<512x128xi1>, vector<512x128xi32>
    %select_n3A_980 = arith.select %lt3A_965, %slice3A_964, %select_n3A_960 : vector<512x128xi1>, vector<512x128xf32>
    %jit3A_981 = arith.constant 48 : i32
    %broadcast_in_dim3A_982 = vector.broadcast %jit3A_981 : i32 to vector<512x128xi32>
    %select_n3A_983 = arith.select %lt3A_965, %broadcast_in_dim3A_982, %select_n3A_963 : vector<512x128xi1>, vector<512x128xi32>
    %slice3A_984 = vector.extract_strided_slice %sub3A {offsets = [0, 6272], sizes = [512, 128], strides = [1, 1]} : vector<512x8192xf32> to vector<512x128xf32>
    %lt3A_985 = arith.cmpf olt, %slice3A_984, %select_n3A_980 : vector<512x128xf32>
    %lt3A_986 = arith.cmpf olt, %slice3A_984, %select_n3A_975 : vector<512x128xf32>
    %lt3A_987 = arith.cmpf olt, %slice3A_984, %select_n3A_969 : vector<512x128xf32>
    %select_n3A_988 = arith.select %lt3A_987, %slice3A_984, %select_n3A_969 : vector<512x128xi1>, vector<512x128xf32>
    %select_n3A_989 = arith.select %lt3A_986, %select_n3A_975, %select_n3A_988 : vector<512x128xi1>, vector<512x128xf32>
    %jit3A_990 = arith.constant 49 : i32
    %broadcast_in_dim3A_991 = vector.broadcast %jit3A_990 : i32 to vector<512x128xi32>
    %select_n3A_992 = arith.select %lt3A_987, %broadcast_in_dim3A_991, %select_n3A_973 : vector<512x128xi1>, vector<512x128xi32>
    %select_n3A_993 = arith.select %lt3A_986, %select_n3A_979, %select_n3A_992 : vector<512x128xi1>, vector<512x128xi32>
    %select_n3A_994 = arith.select %lt3A_986, %slice3A_984, %select_n3A_975 : vector<512x128xi1>, vector<512x128xf32>
    %select_n3A_995 = arith.select %lt3A_985, %select_n3A_980, %select_n3A_994 : vector<512x128xi1>, vector<512x128xf32>
    %jit3A_996 = arith.constant 49 : i32
    %broadcast_in_dim3A_997 = vector.broadcast %jit3A_996 : i32 to vector<512x128xi32>
    %select_n3A_998 = arith.select %lt3A_986, %broadcast_in_dim3A_997, %select_n3A_979 : vector<512x128xi1>, vector<512x128xi32>
    %select_n3A_999 = arith.select %lt3A_985, %select_n3A_983, %select_n3A_998 : vector<512x128xi1>, vector<512x128xi32>
    %select_n3A_1000 = arith.select %lt3A_985, %slice3A_984, %select_n3A_980 : vector<512x128xi1>, vector<512x128xf32>
    %jit3A_1001 = arith.constant 49 : i32
    %broadcast_in_dim3A_1002 = vector.broadcast %jit3A_1001 : i32 to vector<512x128xi32>
    %select_n3A_1003 = arith.select %lt3A_985, %broadcast_in_dim3A_1002, %select_n3A_983 : vector<512x128xi1>, vector<512x128xi32>
    %slice3A_1004 = vector.extract_strided_slice %sub3A {offsets = [0, 6400], sizes = [512, 128], strides = [1, 1]} : vector<512x8192xf32> to vector<512x128xf32>
    %lt3A_1005 = arith.cmpf olt, %slice3A_1004, %select_n3A_1000 : vector<512x128xf32>
    %lt3A_1006 = arith.cmpf olt, %slice3A_1004, %select_n3A_995 : vector<512x128xf32>
    %lt3A_1007 = arith.cmpf olt, %slice3A_1004, %select_n3A_989 : vector<512x128xf32>
    %select_n3A_1008 = arith.select %lt3A_1007, %slice3A_1004, %select_n3A_989 : vector<512x128xi1>, vector<512x128xf32>
    %select_n3A_1009 = arith.select %lt3A_1006, %select_n3A_995, %select_n3A_1008 : vector<512x128xi1>, vector<512x128xf32>
    %jit3A_1010 = arith.constant 50 : i32
    %broadcast_in_dim3A_1011 = vector.broadcast %jit3A_1010 : i32 to vector<512x128xi32>
    %select_n3A_1012 = arith.select %lt3A_1007, %broadcast_in_dim3A_1011, %select_n3A_993 : vector<512x128xi1>, vector<512x128xi32>
    %select_n3A_1013 = arith.select %lt3A_1006, %select_n3A_999, %select_n3A_1012 : vector<512x128xi1>, vector<512x128xi32>
    %select_n3A_1014 = arith.select %lt3A_1006, %slice3A_1004, %select_n3A_995 : vector<512x128xi1>, vector<512x128xf32>
    %select_n3A_1015 = arith.select %lt3A_1005, %select_n3A_1000, %select_n3A_1014 : vector<512x128xi1>, vector<512x128xf32>
    %jit3A_1016 = arith.constant 50 : i32
    %broadcast_in_dim3A_1017 = vector.broadcast %jit3A_1016 : i32 to vector<512x128xi32>
    %select_n3A_1018 = arith.select %lt3A_1006, %broadcast_in_dim3A_1017, %select_n3A_999 : vector<512x128xi1>, vector<512x128xi32>
    %select_n3A_1019 = arith.select %lt3A_1005, %select_n3A_1003, %select_n3A_1018 : vector<512x128xi1>, vector<512x128xi32>
    %select_n3A_1020 = arith.select %lt3A_1005, %slice3A_1004, %select_n3A_1000 : vector<512x128xi1>, vector<512x128xf32>
    %jit3A_1021 = arith.constant 50 : i32
    %broadcast_in_dim3A_1022 = vector.broadcast %jit3A_1021 : i32 to vector<512x128xi32>
    %select_n3A_1023 = arith.select %lt3A_1005, %broadcast_in_dim3A_1022, %select_n3A_1003 : vector<512x128xi1>, vector<512x128xi32>
    %slice3A_1024 = vector.extract_strided_slice %sub3A {offsets = [0, 6528], sizes = [512, 128], strides = [1, 1]} : vector<512x8192xf32> to vector<512x128xf32>
    %lt3A_1025 = arith.cmpf olt, %slice3A_1024, %select_n3A_1020 : vector<512x128xf32>
    %lt3A_1026 = arith.cmpf olt, %slice3A_1024, %select_n3A_1015 : vector<512x128xf32>
    %lt3A_1027 = arith.cmpf olt, %slice3A_1024, %select_n3A_1009 : vector<512x128xf32>
    %select_n3A_1028 = arith.select %lt3A_1027, %slice3A_1024, %select_n3A_1009 : vector<512x128xi1>, vector<512x128xf32>
    %select_n3A_1029 = arith.select %lt3A_1026, %select_n3A_1015, %select_n3A_1028 : vector<512x128xi1>, vector<512x128xf32>
    %jit3A_1030 = arith.constant 51 : i32
    %broadcast_in_dim3A_1031 = vector.broadcast %jit3A_1030 : i32 to vector<512x128xi32>
    %select_n3A_1032 = arith.select %lt3A_1027, %broadcast_in_dim3A_1031, %select_n3A_1013 : vector<512x128xi1>, vector<512x128xi32>
    %select_n3A_1033 = arith.select %lt3A_1026, %select_n3A_1019, %select_n3A_1032 : vector<512x128xi1>, vector<512x128xi32>
    %select_n3A_1034 = arith.select %lt3A_1026, %slice3A_1024, %select_n3A_1015 : vector<512x128xi1>, vector<512x128xf32>
    %select_n3A_1035 = arith.select %lt3A_1025, %select_n3A_1020, %select_n3A_1034 : vector<512x128xi1>, vector<512x128xf32>
    %jit3A_1036 = arith.constant 51 : i32
    %broadcast_in_dim3A_1037 = vector.broadcast %jit3A_1036 : i32 to vector<512x128xi32>
    %select_n3A_1038 = arith.select %lt3A_1026, %broadcast_in_dim3A_1037, %select_n3A_1019 : vector<512x128xi1>, vector<512x128xi32>
    %select_n3A_1039 = arith.select %lt3A_1025, %select_n3A_1023, %select_n3A_1038 : vector<512x128xi1>, vector<512x128xi32>
    %select_n3A_1040 = arith.select %lt3A_1025, %slice3A_1024, %select_n3A_1020 : vector<512x128xi1>, vector<512x128xf32>
    %jit3A_1041 = arith.constant 51 : i32
    %broadcast_in_dim3A_1042 = vector.broadcast %jit3A_1041 : i32 to vector<512x128xi32>
    %select_n3A_1043 = arith.select %lt3A_1025, %broadcast_in_dim3A_1042, %select_n3A_1023 : vector<512x128xi1>, vector<512x128xi32>
    %slice3A_1044 = vector.extract_strided_slice %sub3A {offsets = [0, 6656], sizes = [512, 128], strides = [1, 1]} : vector<512x8192xf32> to vector<512x128xf32>
    %lt3A_1045 = arith.cmpf olt, %slice3A_1044, %select_n3A_1040 : vector<512x128xf32>
    %lt3A_1046 = arith.cmpf olt, %slice3A_1044, %select_n3A_1035 : vector<512x128xf32>
    %lt3A_1047 = arith.cmpf olt, %slice3A_1044, %select_n3A_1029 : vector<512x128xf32>
    %select_n3A_1048 = arith.select %lt3A_1047, %slice3A_1044, %select_n3A_1029 : vector<512x128xi1>, vector<512x128xf32>
    %select_n3A_1049 = arith.select %lt3A_1046, %select_n3A_1035, %select_n3A_1048 : vector<512x128xi1>, vector<512x128xf32>
    %jit3A_1050 = arith.constant 52 : i32
    %broadcast_in_dim3A_1051 = vector.broadcast %jit3A_1050 : i32 to vector<512x128xi32>
    %select_n3A_1052 = arith.select %lt3A_1047, %broadcast_in_dim3A_1051, %select_n3A_1033 : vector<512x128xi1>, vector<512x128xi32>
    %select_n3A_1053 = arith.select %lt3A_1046, %select_n3A_1039, %select_n3A_1052 : vector<512x128xi1>, vector<512x128xi32>
    %select_n3A_1054 = arith.select %lt3A_1046, %slice3A_1044, %select_n3A_1035 : vector<512x128xi1>, vector<512x128xf32>
    %select_n3A_1055 = arith.select %lt3A_1045, %select_n3A_1040, %select_n3A_1054 : vector<512x128xi1>, vector<512x128xf32>
    %jit3A_1056 = arith.constant 52 : i32
    %broadcast_in_dim3A_1057 = vector.broadcast %jit3A_1056 : i32 to vector<512x128xi32>
    %select_n3A_1058 = arith.select %lt3A_1046, %broadcast_in_dim3A_1057, %select_n3A_1039 : vector<512x128xi1>, vector<512x128xi32>
    %select_n3A_1059 = arith.select %lt3A_1045, %select_n3A_1043, %select_n3A_1058 : vector<512x128xi1>, vector<512x128xi32>
    %select_n3A_1060 = arith.select %lt3A_1045, %slice3A_1044, %select_n3A_1040 : vector<512x128xi1>, vector<512x128xf32>
    %jit3A_1061 = arith.constant 52 : i32
    %broadcast_in_dim3A_1062 = vector.broadcast %jit3A_1061 : i32 to vector<512x128xi32>
    %select_n3A_1063 = arith.select %lt3A_1045, %broadcast_in_dim3A_1062, %select_n3A_1043 : vector<512x128xi1>, vector<512x128xi32>
    %slice3A_1064 = vector.extract_strided_slice %sub3A {offsets = [0, 6784], sizes = [512, 128], strides = [1, 1]} : vector<512x8192xf32> to vector<512x128xf32>
    %lt3A_1065 = arith.cmpf olt, %slice3A_1064, %select_n3A_1060 : vector<512x128xf32>
    %lt3A_1066 = arith.cmpf olt, %slice3A_1064, %select_n3A_1055 : vector<512x128xf32>
    %lt3A_1067 = arith.cmpf olt, %slice3A_1064, %select_n3A_1049 : vector<512x128xf32>
    %select_n3A_1068 = arith.select %lt3A_1067, %slice3A_1064, %select_n3A_1049 : vector<512x128xi1>, vector<512x128xf32>
    %select_n3A_1069 = arith.select %lt3A_1066, %select_n3A_1055, %select_n3A_1068 : vector<512x128xi1>, vector<512x128xf32>
    %jit3A_1070 = arith.constant 53 : i32
    %broadcast_in_dim3A_1071 = vector.broadcast %jit3A_1070 : i32 to vector<512x128xi32>
    %select_n3A_1072 = arith.select %lt3A_1067, %broadcast_in_dim3A_1071, %select_n3A_1053 : vector<512x128xi1>, vector<512x128xi32>
    %select_n3A_1073 = arith.select %lt3A_1066, %select_n3A_1059, %select_n3A_1072 : vector<512x128xi1>, vector<512x128xi32>
    %select_n3A_1074 = arith.select %lt3A_1066, %slice3A_1064, %select_n3A_1055 : vector<512x128xi1>, vector<512x128xf32>
    %select_n3A_1075 = arith.select %lt3A_1065, %select_n3A_1060, %select_n3A_1074 : vector<512x128xi1>, vector<512x128xf32>
    %jit3A_1076 = arith.constant 53 : i32
    %broadcast_in_dim3A_1077 = vector.broadcast %jit3A_1076 : i32 to vector<512x128xi32>
    %select_n3A_1078 = arith.select %lt3A_1066, %broadcast_in_dim3A_1077, %select_n3A_1059 : vector<512x128xi1>, vector<512x128xi32>
    %select_n3A_1079 = arith.select %lt3A_1065, %select_n3A_1063, %select_n3A_1078 : vector<512x128xi1>, vector<512x128xi32>
    %select_n3A_1080 = arith.select %lt3A_1065, %slice3A_1064, %select_n3A_1060 : vector<512x128xi1>, vector<512x128xf32>
    %jit3A_1081 = arith.constant 53 : i32
    %broadcast_in_dim3A_1082 = vector.broadcast %jit3A_1081 : i32 to vector<512x128xi32>
    %select_n3A_1083 = arith.select %lt3A_1065, %broadcast_in_dim3A_1082, %select_n3A_1063 : vector<512x128xi1>, vector<512x128xi32>
    %slice3A_1084 = vector.extract_strided_slice %sub3A {offsets = [0, 6912], sizes = [512, 128], strides = [1, 1]} : vector<512x8192xf32> to vector<512x128xf32>
    %lt3A_1085 = arith.cmpf olt, %slice3A_1084, %select_n3A_1080 : vector<512x128xf32>
    %lt3A_1086 = arith.cmpf olt, %slice3A_1084, %select_n3A_1075 : vector<512x128xf32>
    %lt3A_1087 = arith.cmpf olt, %slice3A_1084, %select_n3A_1069 : vector<512x128xf32>
    %select_n3A_1088 = arith.select %lt3A_1087, %slice3A_1084, %select_n3A_1069 : vector<512x128xi1>, vector<512x128xf32>
    %select_n3A_1089 = arith.select %lt3A_1086, %select_n3A_1075, %select_n3A_1088 : vector<512x128xi1>, vector<512x128xf32>
    %jit3A_1090 = arith.constant 54 : i32
    %broadcast_in_dim3A_1091 = vector.broadcast %jit3A_1090 : i32 to vector<512x128xi32>
    %select_n3A_1092 = arith.select %lt3A_1087, %broadcast_in_dim3A_1091, %select_n3A_1073 : vector<512x128xi1>, vector<512x128xi32>
    %select_n3A_1093 = arith.select %lt3A_1086, %select_n3A_1079, %select_n3A_1092 : vector<512x128xi1>, vector<512x128xi32>
    %select_n3A_1094 = arith.select %lt3A_1086, %slice3A_1084, %select_n3A_1075 : vector<512x128xi1>, vector<512x128xf32>
    %select_n3A_1095 = arith.select %lt3A_1085, %select_n3A_1080, %select_n3A_1094 : vector<512x128xi1>, vector<512x128xf32>
    %jit3A_1096 = arith.constant 54 : i32
    %broadcast_in_dim3A_1097 = vector.broadcast %jit3A_1096 : i32 to vector<512x128xi32>
    %select_n3A_1098 = arith.select %lt3A_1086, %broadcast_in_dim3A_1097, %select_n3A_1079 : vector<512x128xi1>, vector<512x128xi32>
    %select_n3A_1099 = arith.select %lt3A_1085, %select_n3A_1083, %select_n3A_1098 : vector<512x128xi1>, vector<512x128xi32>
    %select_n3A_1100 = arith.select %lt3A_1085, %slice3A_1084, %select_n3A_1080 : vector<512x128xi1>, vector<512x128xf32>
    %jit3A_1101 = arith.constant 54 : i32
    %broadcast_in_dim3A_1102 = vector.broadcast %jit3A_1101 : i32 to vector<512x128xi32>
    %select_n3A_1103 = arith.select %lt3A_1085, %broadcast_in_dim3A_1102, %select_n3A_1083 : vector<512x128xi1>, vector<512x128xi32>
    %slice3A_1104 = vector.extract_strided_slice %sub3A {offsets = [0, 7040], sizes = [512, 128], strides = [1, 1]} : vector<512x8192xf32> to vector<512x128xf32>
    %lt3A_1105 = arith.cmpf olt, %slice3A_1104, %select_n3A_1100 : vector<512x128xf32>
    %lt3A_1106 = arith.cmpf olt, %slice3A_1104, %select_n3A_1095 : vector<512x128xf32>
    %lt3A_1107 = arith.cmpf olt, %slice3A_1104, %select_n3A_1089 : vector<512x128xf32>
    %select_n3A_1108 = arith.select %lt3A_1107, %slice3A_1104, %select_n3A_1089 : vector<512x128xi1>, vector<512x128xf32>
    %select_n3A_1109 = arith.select %lt3A_1106, %select_n3A_1095, %select_n3A_1108 : vector<512x128xi1>, vector<512x128xf32>
    %jit3A_1110 = arith.constant 55 : i32
    %broadcast_in_dim3A_1111 = vector.broadcast %jit3A_1110 : i32 to vector<512x128xi32>
    %select_n3A_1112 = arith.select %lt3A_1107, %broadcast_in_dim3A_1111, %select_n3A_1093 : vector<512x128xi1>, vector<512x128xi32>
    %select_n3A_1113 = arith.select %lt3A_1106, %select_n3A_1099, %select_n3A_1112 : vector<512x128xi1>, vector<512x128xi32>
    %select_n3A_1114 = arith.select %lt3A_1106, %slice3A_1104, %select_n3A_1095 : vector<512x128xi1>, vector<512x128xf32>
    %select_n3A_1115 = arith.select %lt3A_1105, %select_n3A_1100, %select_n3A_1114 : vector<512x128xi1>, vector<512x128xf32>
    %jit3A_1116 = arith.constant 55 : i32
    %broadcast_in_dim3A_1117 = vector.broadcast %jit3A_1116 : i32 to vector<512x128xi32>
    %select_n3A_1118 = arith.select %lt3A_1106, %broadcast_in_dim3A_1117, %select_n3A_1099 : vector<512x128xi1>, vector<512x128xi32>
    %select_n3A_1119 = arith.select %lt3A_1105, %select_n3A_1103, %select_n3A_1118 : vector<512x128xi1>, vector<512x128xi32>
    %select_n3A_1120 = arith.select %lt3A_1105, %slice3A_1104, %select_n3A_1100 : vector<512x128xi1>, vector<512x128xf32>
    %jit3A_1121 = arith.constant 55 : i32
    %broadcast_in_dim3A_1122 = vector.broadcast %jit3A_1121 : i32 to vector<512x128xi32>
    %select_n3A_1123 = arith.select %lt3A_1105, %broadcast_in_dim3A_1122, %select_n3A_1103 : vector<512x128xi1>, vector<512x128xi32>
    %slice3A_1124 = vector.extract_strided_slice %sub3A {offsets = [0, 7168], sizes = [512, 128], strides = [1, 1]} : vector<512x8192xf32> to vector<512x128xf32>
    %lt3A_1125 = arith.cmpf olt, %slice3A_1124, %select_n3A_1120 : vector<512x128xf32>
    %lt3A_1126 = arith.cmpf olt, %slice3A_1124, %select_n3A_1115 : vector<512x128xf32>
    %lt3A_1127 = arith.cmpf olt, %slice3A_1124, %select_n3A_1109 : vector<512x128xf32>
    %select_n3A_1128 = arith.select %lt3A_1127, %slice3A_1124, %select_n3A_1109 : vector<512x128xi1>, vector<512x128xf32>
    %select_n3A_1129 = arith.select %lt3A_1126, %select_n3A_1115, %select_n3A_1128 : vector<512x128xi1>, vector<512x128xf32>
    %jit3A_1130 = arith.constant 56 : i32
    %broadcast_in_dim3A_1131 = vector.broadcast %jit3A_1130 : i32 to vector<512x128xi32>
    %select_n3A_1132 = arith.select %lt3A_1127, %broadcast_in_dim3A_1131, %select_n3A_1113 : vector<512x128xi1>, vector<512x128xi32>
    %select_n3A_1133 = arith.select %lt3A_1126, %select_n3A_1119, %select_n3A_1132 : vector<512x128xi1>, vector<512x128xi32>
    %select_n3A_1134 = arith.select %lt3A_1126, %slice3A_1124, %select_n3A_1115 : vector<512x128xi1>, vector<512x128xf32>
    %select_n3A_1135 = arith.select %lt3A_1125, %select_n3A_1120, %select_n3A_1134 : vector<512x128xi1>, vector<512x128xf32>
    %jit3A_1136 = arith.constant 56 : i32
    %broadcast_in_dim3A_1137 = vector.broadcast %jit3A_1136 : i32 to vector<512x128xi32>
    %select_n3A_1138 = arith.select %lt3A_1126, %broadcast_in_dim3A_1137, %select_n3A_1119 : vector<512x128xi1>, vector<512x128xi32>
    %select_n3A_1139 = arith.select %lt3A_1125, %select_n3A_1123, %select_n3A_1138 : vector<512x128xi1>, vector<512x128xi32>
    %select_n3A_1140 = arith.select %lt3A_1125, %slice3A_1124, %select_n3A_1120 : vector<512x128xi1>, vector<512x128xf32>
    %jit3A_1141 = arith.constant 56 : i32
    %broadcast_in_dim3A_1142 = vector.broadcast %jit3A_1141 : i32 to vector<512x128xi32>
    %select_n3A_1143 = arith.select %lt3A_1125, %broadcast_in_dim3A_1142, %select_n3A_1123 : vector<512x128xi1>, vector<512x128xi32>
    %slice3A_1144 = vector.extract_strided_slice %sub3A {offsets = [0, 7296], sizes = [512, 128], strides = [1, 1]} : vector<512x8192xf32> to vector<512x128xf32>
    %lt3A_1145 = arith.cmpf olt, %slice3A_1144, %select_n3A_1140 : vector<512x128xf32>
    %lt3A_1146 = arith.cmpf olt, %slice3A_1144, %select_n3A_1135 : vector<512x128xf32>
    %lt3A_1147 = arith.cmpf olt, %slice3A_1144, %select_n3A_1129 : vector<512x128xf32>
    %select_n3A_1148 = arith.select %lt3A_1147, %slice3A_1144, %select_n3A_1129 : vector<512x128xi1>, vector<512x128xf32>
    %select_n3A_1149 = arith.select %lt3A_1146, %select_n3A_1135, %select_n3A_1148 : vector<512x128xi1>, vector<512x128xf32>
    %jit3A_1150 = arith.constant 57 : i32
    %broadcast_in_dim3A_1151 = vector.broadcast %jit3A_1150 : i32 to vector<512x128xi32>
    %select_n3A_1152 = arith.select %lt3A_1147, %broadcast_in_dim3A_1151, %select_n3A_1133 : vector<512x128xi1>, vector<512x128xi32>
    %select_n3A_1153 = arith.select %lt3A_1146, %select_n3A_1139, %select_n3A_1152 : vector<512x128xi1>, vector<512x128xi32>
    %select_n3A_1154 = arith.select %lt3A_1146, %slice3A_1144, %select_n3A_1135 : vector<512x128xi1>, vector<512x128xf32>
    %select_n3A_1155 = arith.select %lt3A_1145, %select_n3A_1140, %select_n3A_1154 : vector<512x128xi1>, vector<512x128xf32>
    %jit3A_1156 = arith.constant 57 : i32
    %broadcast_in_dim3A_1157 = vector.broadcast %jit3A_1156 : i32 to vector<512x128xi32>
    %select_n3A_1158 = arith.select %lt3A_1146, %broadcast_in_dim3A_1157, %select_n3A_1139 : vector<512x128xi1>, vector<512x128xi32>
    %select_n3A_1159 = arith.select %lt3A_1145, %select_n3A_1143, %select_n3A_1158 : vector<512x128xi1>, vector<512x128xi32>
    %select_n3A_1160 = arith.select %lt3A_1145, %slice3A_1144, %select_n3A_1140 : vector<512x128xi1>, vector<512x128xf32>
    %jit3A_1161 = arith.constant 57 : i32
    %broadcast_in_dim3A_1162 = vector.broadcast %jit3A_1161 : i32 to vector<512x128xi32>
    %select_n3A_1163 = arith.select %lt3A_1145, %broadcast_in_dim3A_1162, %select_n3A_1143 : vector<512x128xi1>, vector<512x128xi32>
    %slice3A_1164 = vector.extract_strided_slice %sub3A {offsets = [0, 7424], sizes = [512, 128], strides = [1, 1]} : vector<512x8192xf32> to vector<512x128xf32>
    %lt3A_1165 = arith.cmpf olt, %slice3A_1164, %select_n3A_1160 : vector<512x128xf32>
    %lt3A_1166 = arith.cmpf olt, %slice3A_1164, %select_n3A_1155 : vector<512x128xf32>
    %lt3A_1167 = arith.cmpf olt, %slice3A_1164, %select_n3A_1149 : vector<512x128xf32>
    %select_n3A_1168 = arith.select %lt3A_1167, %slice3A_1164, %select_n3A_1149 : vector<512x128xi1>, vector<512x128xf32>
    %select_n3A_1169 = arith.select %lt3A_1166, %select_n3A_1155, %select_n3A_1168 : vector<512x128xi1>, vector<512x128xf32>
    %jit3A_1170 = arith.constant 58 : i32
    %broadcast_in_dim3A_1171 = vector.broadcast %jit3A_1170 : i32 to vector<512x128xi32>
    %select_n3A_1172 = arith.select %lt3A_1167, %broadcast_in_dim3A_1171, %select_n3A_1153 : vector<512x128xi1>, vector<512x128xi32>
    %select_n3A_1173 = arith.select %lt3A_1166, %select_n3A_1159, %select_n3A_1172 : vector<512x128xi1>, vector<512x128xi32>
    %select_n3A_1174 = arith.select %lt3A_1166, %slice3A_1164, %select_n3A_1155 : vector<512x128xi1>, vector<512x128xf32>
    %select_n3A_1175 = arith.select %lt3A_1165, %select_n3A_1160, %select_n3A_1174 : vector<512x128xi1>, vector<512x128xf32>
    %jit3A_1176 = arith.constant 58 : i32
    %broadcast_in_dim3A_1177 = vector.broadcast %jit3A_1176 : i32 to vector<512x128xi32>
    %select_n3A_1178 = arith.select %lt3A_1166, %broadcast_in_dim3A_1177, %select_n3A_1159 : vector<512x128xi1>, vector<512x128xi32>
    %select_n3A_1179 = arith.select %lt3A_1165, %select_n3A_1163, %select_n3A_1178 : vector<512x128xi1>, vector<512x128xi32>
    %select_n3A_1180 = arith.select %lt3A_1165, %slice3A_1164, %select_n3A_1160 : vector<512x128xi1>, vector<512x128xf32>
    %jit3A_1181 = arith.constant 58 : i32
    %broadcast_in_dim3A_1182 = vector.broadcast %jit3A_1181 : i32 to vector<512x128xi32>
    %select_n3A_1183 = arith.select %lt3A_1165, %broadcast_in_dim3A_1182, %select_n3A_1163 : vector<512x128xi1>, vector<512x128xi32>
    %slice3A_1184 = vector.extract_strided_slice %sub3A {offsets = [0, 7552], sizes = [512, 128], strides = [1, 1]} : vector<512x8192xf32> to vector<512x128xf32>
    %lt3A_1185 = arith.cmpf olt, %slice3A_1184, %select_n3A_1180 : vector<512x128xf32>
    %lt3A_1186 = arith.cmpf olt, %slice3A_1184, %select_n3A_1175 : vector<512x128xf32>
    %lt3A_1187 = arith.cmpf olt, %slice3A_1184, %select_n3A_1169 : vector<512x128xf32>
    %select_n3A_1188 = arith.select %lt3A_1187, %slice3A_1184, %select_n3A_1169 : vector<512x128xi1>, vector<512x128xf32>
    %select_n3A_1189 = arith.select %lt3A_1186, %select_n3A_1175, %select_n3A_1188 : vector<512x128xi1>, vector<512x128xf32>
    %jit3A_1190 = arith.constant 59 : i32
    %broadcast_in_dim3A_1191 = vector.broadcast %jit3A_1190 : i32 to vector<512x128xi32>
    %select_n3A_1192 = arith.select %lt3A_1187, %broadcast_in_dim3A_1191, %select_n3A_1173 : vector<512x128xi1>, vector<512x128xi32>
    %select_n3A_1193 = arith.select %lt3A_1186, %select_n3A_1179, %select_n3A_1192 : vector<512x128xi1>, vector<512x128xi32>
    %select_n3A_1194 = arith.select %lt3A_1186, %slice3A_1184, %select_n3A_1175 : vector<512x128xi1>, vector<512x128xf32>
    %select_n3A_1195 = arith.select %lt3A_1185, %select_n3A_1180, %select_n3A_1194 : vector<512x128xi1>, vector<512x128xf32>
    %jit3A_1196 = arith.constant 59 : i32
    %broadcast_in_dim3A_1197 = vector.broadcast %jit3A_1196 : i32 to vector<512x128xi32>
    %select_n3A_1198 = arith.select %lt3A_1186, %broadcast_in_dim3A_1197, %select_n3A_1179 : vector<512x128xi1>, vector<512x128xi32>
    %select_n3A_1199 = arith.select %lt3A_1185, %select_n3A_1183, %select_n3A_1198 : vector<512x128xi1>, vector<512x128xi32>
    %select_n3A_1200 = arith.select %lt3A_1185, %slice3A_1184, %select_n3A_1180 : vector<512x128xi1>, vector<512x128xf32>
    %jit3A_1201 = arith.constant 59 : i32
    %broadcast_in_dim3A_1202 = vector.broadcast %jit3A_1201 : i32 to vector<512x128xi32>
    %select_n3A_1203 = arith.select %lt3A_1185, %broadcast_in_dim3A_1202, %select_n3A_1183 : vector<512x128xi1>, vector<512x128xi32>
    %slice3A_1204 = vector.extract_strided_slice %sub3A {offsets = [0, 7680], sizes = [512, 128], strides = [1, 1]} : vector<512x8192xf32> to vector<512x128xf32>
    %lt3A_1205 = arith.cmpf olt, %slice3A_1204, %select_n3A_1200 : vector<512x128xf32>
    %lt3A_1206 = arith.cmpf olt, %slice3A_1204, %select_n3A_1195 : vector<512x128xf32>
    %lt3A_1207 = arith.cmpf olt, %slice3A_1204, %select_n3A_1189 : vector<512x128xf32>
    %select_n3A_1208 = arith.select %lt3A_1207, %slice3A_1204, %select_n3A_1189 : vector<512x128xi1>, vector<512x128xf32>
    %select_n3A_1209 = arith.select %lt3A_1206, %select_n3A_1195, %select_n3A_1208 : vector<512x128xi1>, vector<512x128xf32>
    %jit3A_1210 = arith.constant 60 : i32
    %broadcast_in_dim3A_1211 = vector.broadcast %jit3A_1210 : i32 to vector<512x128xi32>
    %select_n3A_1212 = arith.select %lt3A_1207, %broadcast_in_dim3A_1211, %select_n3A_1193 : vector<512x128xi1>, vector<512x128xi32>
    %select_n3A_1213 = arith.select %lt3A_1206, %select_n3A_1199, %select_n3A_1212 : vector<512x128xi1>, vector<512x128xi32>
    %select_n3A_1214 = arith.select %lt3A_1206, %slice3A_1204, %select_n3A_1195 : vector<512x128xi1>, vector<512x128xf32>
    %select_n3A_1215 = arith.select %lt3A_1205, %select_n3A_1200, %select_n3A_1214 : vector<512x128xi1>, vector<512x128xf32>
    %jit3A_1216 = arith.constant 60 : i32
    %broadcast_in_dim3A_1217 = vector.broadcast %jit3A_1216 : i32 to vector<512x128xi32>
    %select_n3A_1218 = arith.select %lt3A_1206, %broadcast_in_dim3A_1217, %select_n3A_1199 : vector<512x128xi1>, vector<512x128xi32>
    %select_n3A_1219 = arith.select %lt3A_1205, %select_n3A_1203, %select_n3A_1218 : vector<512x128xi1>, vector<512x128xi32>
    %select_n3A_1220 = arith.select %lt3A_1205, %slice3A_1204, %select_n3A_1200 : vector<512x128xi1>, vector<512x128xf32>
    %jit3A_1221 = arith.constant 60 : i32
    %broadcast_in_dim3A_1222 = vector.broadcast %jit3A_1221 : i32 to vector<512x128xi32>
    %select_n3A_1223 = arith.select %lt3A_1205, %broadcast_in_dim3A_1222, %select_n3A_1203 : vector<512x128xi1>, vector<512x128xi32>
    %slice3A_1224 = vector.extract_strided_slice %sub3A {offsets = [0, 7808], sizes = [512, 128], strides = [1, 1]} : vector<512x8192xf32> to vector<512x128xf32>
    %lt3A_1225 = arith.cmpf olt, %slice3A_1224, %select_n3A_1220 : vector<512x128xf32>
    %lt3A_1226 = arith.cmpf olt, %slice3A_1224, %select_n3A_1215 : vector<512x128xf32>
    %lt3A_1227 = arith.cmpf olt, %slice3A_1224, %select_n3A_1209 : vector<512x128xf32>
    %select_n3A_1228 = arith.select %lt3A_1227, %slice3A_1224, %select_n3A_1209 : vector<512x128xi1>, vector<512x128xf32>
    %select_n3A_1229 = arith.select %lt3A_1226, %select_n3A_1215, %select_n3A_1228 : vector<512x128xi1>, vector<512x128xf32>
    %jit3A_1230 = arith.constant 61 : i32
    %broadcast_in_dim3A_1231 = vector.broadcast %jit3A_1230 : i32 to vector<512x128xi32>
    %select_n3A_1232 = arith.select %lt3A_1227, %broadcast_in_dim3A_1231, %select_n3A_1213 : vector<512x128xi1>, vector<512x128xi32>
    %select_n3A_1233 = arith.select %lt3A_1226, %select_n3A_1219, %select_n3A_1232 : vector<512x128xi1>, vector<512x128xi32>
    %select_n3A_1234 = arith.select %lt3A_1226, %slice3A_1224, %select_n3A_1215 : vector<512x128xi1>, vector<512x128xf32>
    %select_n3A_1235 = arith.select %lt3A_1225, %select_n3A_1220, %select_n3A_1234 : vector<512x128xi1>, vector<512x128xf32>
    %jit3A_1236 = arith.constant 61 : i32
    %broadcast_in_dim3A_1237 = vector.broadcast %jit3A_1236 : i32 to vector<512x128xi32>
    %select_n3A_1238 = arith.select %lt3A_1226, %broadcast_in_dim3A_1237, %select_n3A_1219 : vector<512x128xi1>, vector<512x128xi32>
    %select_n3A_1239 = arith.select %lt3A_1225, %select_n3A_1223, %select_n3A_1238 : vector<512x128xi1>, vector<512x128xi32>
    %select_n3A_1240 = arith.select %lt3A_1225, %slice3A_1224, %select_n3A_1220 : vector<512x128xi1>, vector<512x128xf32>
    %jit3A_1241 = arith.constant 61 : i32
    %broadcast_in_dim3A_1242 = vector.broadcast %jit3A_1241 : i32 to vector<512x128xi32>
    %select_n3A_1243 = arith.select %lt3A_1225, %broadcast_in_dim3A_1242, %select_n3A_1223 : vector<512x128xi1>, vector<512x128xi32>
    %slice3A_1244 = vector.extract_strided_slice %sub3A {offsets = [0, 7936], sizes = [512, 128], strides = [1, 1]} : vector<512x8192xf32> to vector<512x128xf32>
    %lt3A_1245 = arith.cmpf olt, %slice3A_1244, %select_n3A_1240 : vector<512x128xf32>
    %lt3A_1246 = arith.cmpf olt, %slice3A_1244, %select_n3A_1235 : vector<512x128xf32>
    %lt3A_1247 = arith.cmpf olt, %slice3A_1244, %select_n3A_1229 : vector<512x128xf32>
    %select_n3A_1248 = arith.select %lt3A_1247, %slice3A_1244, %select_n3A_1229 : vector<512x128xi1>, vector<512x128xf32>
    %select_n3A_1249 = arith.select %lt3A_1246, %select_n3A_1235, %select_n3A_1248 : vector<512x128xi1>, vector<512x128xf32>
    %jit3A_1250 = arith.constant 62 : i32
    %broadcast_in_dim3A_1251 = vector.broadcast %jit3A_1250 : i32 to vector<512x128xi32>
    %select_n3A_1252 = arith.select %lt3A_1247, %broadcast_in_dim3A_1251, %select_n3A_1233 : vector<512x128xi1>, vector<512x128xi32>
    %select_n3A_1253 = arith.select %lt3A_1246, %select_n3A_1239, %select_n3A_1252 : vector<512x128xi1>, vector<512x128xi32>
    %select_n3A_1254 = arith.select %lt3A_1246, %slice3A_1244, %select_n3A_1235 : vector<512x128xi1>, vector<512x128xf32>
    %select_n3A_1255 = arith.select %lt3A_1245, %select_n3A_1240, %select_n3A_1254 : vector<512x128xi1>, vector<512x128xf32>
    %jit3A_1256 = arith.constant 62 : i32
    %broadcast_in_dim3A_1257 = vector.broadcast %jit3A_1256 : i32 to vector<512x128xi32>
    %select_n3A_1258 = arith.select %lt3A_1246, %broadcast_in_dim3A_1257, %select_n3A_1239 : vector<512x128xi1>, vector<512x128xi32>
    %select_n3A_1259 = arith.select %lt3A_1245, %select_n3A_1243, %select_n3A_1258 : vector<512x128xi1>, vector<512x128xi32>
    %select_n3A_1260 = arith.select %lt3A_1245, %slice3A_1244, %select_n3A_1240 : vector<512x128xi1>, vector<512x128xf32>
    %jit3A_1261 = arith.constant 62 : i32
    %broadcast_in_dim3A_1262 = vector.broadcast %jit3A_1261 : i32 to vector<512x128xi32>
    %select_n3A_1263 = arith.select %lt3A_1245, %broadcast_in_dim3A_1262, %select_n3A_1243 : vector<512x128xi1>, vector<512x128xi32>
    %slice3A_1264 = vector.extract_strided_slice %sub3A {offsets = [0, 8064], sizes = [512, 128], strides = [1, 1]} : vector<512x8192xf32> to vector<512x128xf32>
    %lt3A_1265 = arith.cmpf olt, %slice3A_1264, %select_n3A_1260 : vector<512x128xf32>
    %lt3A_1266 = arith.cmpf olt, %slice3A_1264, %select_n3A_1255 : vector<512x128xf32>
    %lt3A_1267 = arith.cmpf olt, %slice3A_1264, %select_n3A_1249 : vector<512x128xf32>
    %select_n3A_1268 = arith.select %lt3A_1267, %slice3A_1264, %select_n3A_1249 : vector<512x128xi1>, vector<512x128xf32>
    %select_n3A_1269 = arith.select %lt3A_1266, %select_n3A_1255, %select_n3A_1268 : vector<512x128xi1>, vector<512x128xf32>
    %jit3A_1270 = arith.constant 63 : i32
    %broadcast_in_dim3A_1271 = vector.broadcast %jit3A_1270 : i32 to vector<512x128xi32>
    %select_n3A_1272 = arith.select %lt3A_1267, %broadcast_in_dim3A_1271, %select_n3A_1253 : vector<512x128xi1>, vector<512x128xi32>
    %select_n3A_1273 = arith.select %lt3A_1266, %select_n3A_1259, %select_n3A_1272 : vector<512x128xi1>, vector<512x128xi32>
    %select_n3A_1274 = arith.select %lt3A_1266, %slice3A_1264, %select_n3A_1255 : vector<512x128xi1>, vector<512x128xf32>
    %select_n3A_1275 = arith.select %lt3A_1265, %select_n3A_1260, %select_n3A_1274 : vector<512x128xi1>, vector<512x128xf32>
    %jit3A_1276 = arith.constant 63 : i32
    %broadcast_in_dim3A_1277 = vector.broadcast %jit3A_1276 : i32 to vector<512x128xi32>
    %select_n3A_1278 = arith.select %lt3A_1266, %broadcast_in_dim3A_1277, %select_n3A_1259 : vector<512x128xi1>, vector<512x128xi32>
    %select_n3A_1279 = arith.select %lt3A_1265, %select_n3A_1263, %select_n3A_1278 : vector<512x128xi1>, vector<512x128xi32>
    %select_n3A_1280 = arith.select %lt3A_1265, %slice3A_1264, %select_n3A_1260 : vector<512x128xi1>, vector<512x128xf32>
    %jit3A_1281 = arith.constant 63 : i32
    %broadcast_in_dim3A_1282 = vector.broadcast %jit3A_1281 : i32 to vector<512x128xi32>
    %select_n3A_1283 = arith.select %lt3A_1265, %broadcast_in_dim3A_1282, %select_n3A_1263 : vector<512x128xi1>, vector<512x128xi32>
    %concatenate3A = tpu.concatenate %select_n3A_1280, %select_n3A_1275, %select_n3A_1269 in 1 : vector<512x128xf32>, vector<512x128xf32>, vector<512x128xf32> -> vector<512x384xf32>
    %mul3A_1284 = arith.constant 128 : i32
    %mul3A_1285 = vector.broadcast %mul3A_1284 : i32 to vector<512x128xi32>
    %mul3A_1286 = arith.muli %select_n3A_1283, %mul3A_1285 : vector<512x128xi32>
    %add3A_1287 = arith.addi %mul3A_1286, %iota3A : vector<512x128xi32>
    %mul3A_1288 = arith.constant 128 : i32
    %mul3A_1289 = vector.broadcast %mul3A_1288 : i32 to vector<512x128xi32>
    %mul3A_1290 = arith.muli %select_n3A_1279, %mul3A_1289 : vector<512x128xi32>
    %add3A_1291 = arith.addi %mul3A_1290, %iota3A : vector<512x128xi32>
    %mul3A_1292 = arith.constant 128 : i32
    %mul3A_1293 = vector.broadcast %mul3A_1292 : i32 to vector<512x128xi32>
    %mul3A_1294 = arith.muli %select_n3A_1273, %mul3A_1293 : vector<512x128xi32>
    %add3A_1295 = arith.addi %mul3A_1294, %iota3A : vector<512x128xi32>
    %concatenate3A_1296 = tpu.concatenate %add3A_1287, %add3A_1291, %add3A_1295 in 1 : vector<512x128xi32>, vector<512x128xi32>, vector<512x128xi32> -> vector<512x384xi32>
    %reduce_min3A = arith.constant dense<0x7F800000> : vector<512xf32>
    %reduce_min3A_1297 = vector.multi_reduction <minimumf>, %concatenate3A, %reduce_min3A [1] : vector<512x384xf32> to vector<512xf32>
    %broadcast_in_dim3A_1298 = vector.shape_cast %reduce_min3A_1297 : vector<512xf32> to vector<512x1xf32>
    %eq3A = vector.broadcast %broadcast_in_dim3A_1298 : vector<512x1xf32> to vector<512x384xf32>
    %eq3A_1299 = arith.cmpf oeq, %concatenate3A, %eq3A : vector<512x384xf32>
    %jit3A_1300 = arith.constant 1073741824 : i32
    %broadcast_in_dim3A_1301 = vector.broadcast %jit3A_1300 : i32 to vector<512x384xi32>
    %select_n3A_1302 = arith.select %eq3A_1299, %concatenate3A_1296, %broadcast_in_dim3A_1301 : vector<512x384xi1>, vector<512x384xi32>
    %reduce_min3A_1303 = arith.constant dense<2147483647> : vector<512xi32>
    %reduce_min3A_1304 = vector.multi_reduction <minsi>, %select_n3A_1302, %reduce_min3A_1303 [1] : vector<512x384xi32> to vector<512xi32>
    %broadcast_in_dim3A_1305 = vector.shape_cast %reduce_min3A_1304 : vector<512xi32> to vector<512x1xi32>
    %eq3A_1306 = vector.broadcast %broadcast_in_dim3A_1305 : vector<512x1xi32> to vector<512x384xi32>
    %eq3A_1307 = arith.cmpi eq, %concatenate3A_1296, %eq3A_1306 : vector<512x384xi32>
    %jit3A_1308 = arith.constant 0x7F800000 : f32
    %broadcast_in_dim3A_1309 = vector.broadcast %jit3A_1308 : f32 to vector<512x384xf32>
    %select_n3A_1310 = arith.select %eq3A_1307, %broadcast_in_dim3A_1309, %concatenate3A : vector<512x384xi1>, vector<512x384xf32>
    %reduce_min3A_1311 = arith.constant dense<0x7F800000> : vector<512xf32>
    %reduce_min3A_1312 = vector.multi_reduction <minimumf>, %select_n3A_1310, %reduce_min3A_1311 [1] : vector<512x384xf32> to vector<512xf32>
    %broadcast_in_dim3A_1313 = vector.shape_cast %reduce_min3A_1312 : vector<512xf32> to vector<512x1xf32>
    %eq3A_1314 = vector.broadcast %broadcast_in_dim3A_1313 : vector<512x1xf32> to vector<512x384xf32>
    %eq3A_1315 = arith.cmpf oeq, %select_n3A_1310, %eq3A_1314 : vector<512x384xf32>
    %jit3A_1316 = arith.constant 1073741824 : i32
    %broadcast_in_dim3A_1317 = vector.broadcast %jit3A_1316 : i32 to vector<512x384xi32>
    %select_n3A_1318 = arith.select %eq3A_1315, %concatenate3A_1296, %broadcast_in_dim3A_1317 : vector<512x384xi1>, vector<512x384xi32>
    %reduce_min3A_1319 = arith.constant dense<2147483647> : vector<512xi32>
    %reduce_min3A_1320 = vector.multi_reduction <minsi>, %select_n3A_1318, %reduce_min3A_1319 [1] : vector<512x384xi32> to vector<512xi32>
    %broadcast_in_dim3A_1321 = vector.shape_cast %reduce_min3A_1320 : vector<512xi32> to vector<512x1xi32>
    %eq3A_1322 = vector.broadcast %broadcast_in_dim3A_1321 : vector<512x1xi32> to vector<512x384xi32>
    %eq3A_1323 = arith.cmpi eq, %concatenate3A_1296, %eq3A_1322 : vector<512x384xi32>
    %jit3A_1324 = arith.constant 0x7F800000 : f32
    %broadcast_in_dim3A_1325 = vector.broadcast %jit3A_1324 : f32 to vector<512x384xf32>
    %select_n3A_1326 = arith.select %eq3A_1323, %broadcast_in_dim3A_1325, %select_n3A_1310 : vector<512x384xi1>, vector<512x384xf32>
    %reduce_min3A_1327 = arith.constant dense<0x7F800000> : vector<512xf32>
    %reduce_min3A_1328 = vector.multi_reduction <minimumf>, %select_n3A_1326, %reduce_min3A_1327 [1] : vector<512x384xf32> to vector<512xf32>
    %broadcast_in_dim3A_1329 = vector.shape_cast %reduce_min3A_1328 : vector<512xf32> to vector<512x1xf32>
    %eq3A_1330 = vector.broadcast %broadcast_in_dim3A_1329 : vector<512x1xf32> to vector<512x384xf32>
    %eq3A_1331 = arith.cmpf oeq, %select_n3A_1326, %eq3A_1330 : vector<512x384xf32>
    %jit3A_1332 = arith.constant 1073741824 : i32
    %broadcast_in_dim3A_1333 = vector.broadcast %jit3A_1332 : i32 to vector<512x384xi32>
    %select_n3A_1334 = arith.select %eq3A_1331, %concatenate3A_1296, %broadcast_in_dim3A_1333 : vector<512x384xi1>, vector<512x384xi32>
    %reduce_min3A_1335 = arith.constant dense<2147483647> : vector<512xi32>
    %reduce_min3A_1336 = vector.multi_reduction <minsi>, %select_n3A_1334, %reduce_min3A_1335 [1] : vector<512x384xi32> to vector<512xi32>
    %broadcast_in_dim3A_1337 = vector.shape_cast %reduce_min3A_1336 : vector<512xi32> to vector<512x1xi32>
    %eq3A_1338 = vector.broadcast %broadcast_in_dim3A_1337 : vector<512x1xi32> to vector<512x384xi32>
    %eq3A_1339 = arith.cmpi eq, %concatenate3A_1296, %eq3A_1338 : vector<512x384xi32>
    %jit3A_1340 = arith.constant 0x7F800000 : f32
    %broadcast_in_dim3A_1341 = vector.broadcast %jit3A_1340 : f32 to vector<512x384xf32>
    %select_n3A_1342 = arith.select %eq3A_1339, %broadcast_in_dim3A_1341, %select_n3A_1326 : vector<512x384xi1>, vector<512x384xf32>
    %reduce_min3A_1343 = arith.constant dense<0x7F800000> : vector<512xf32>
    %reduce_min3A_1344 = vector.multi_reduction <minimumf>, %select_n3A_1342, %reduce_min3A_1343 [1] : vector<512x384xf32> to vector<512xf32>
    %broadcast_in_dim3A_1345 = vector.shape_cast %reduce_min3A_1344 : vector<512xf32> to vector<512x1xf32>
    %eq3A_1346 = vector.broadcast %broadcast_in_dim3A_1345 : vector<512x1xf32> to vector<512x384xf32>
    %eq3A_1347 = arith.cmpf oeq, %select_n3A_1342, %eq3A_1346 : vector<512x384xf32>
    %jit3A_1348 = arith.constant 1073741824 : i32
    %broadcast_in_dim3A_1349 = vector.broadcast %jit3A_1348 : i32 to vector<512x384xi32>
    %select_n3A_1350 = arith.select %eq3A_1347, %concatenate3A_1296, %broadcast_in_dim3A_1349 : vector<512x384xi1>, vector<512x384xi32>
    %reduce_min3A_1351 = arith.constant dense<2147483647> : vector<512xi32>
    %reduce_min3A_1352 = vector.multi_reduction <minsi>, %select_n3A_1350, %reduce_min3A_1351 [1] : vector<512x384xi32> to vector<512xi32>
    %broadcast_in_dim3A_1353 = vector.shape_cast %reduce_min3A_1352 : vector<512xi32> to vector<512x1xi32>
    %concatenate3A_1354 = tpu.concatenate %broadcast_in_dim3A_1305, %broadcast_in_dim3A_1321, %broadcast_in_dim3A_1337, %broadcast_in_dim3A_1353 in 1 : vector<512x1xi32>, vector<512x1xi32>, vector<512x1xi32>, vector<512x1xi32> -> vector<512x4xi32>
    %swap3A = arith.constant 0 : index
    %swap3A_1355 = arith.constant 0 : index
    %swap3A_1356 = vector.load %arg3[%swap3A, %swap3A_1355] : memref<512x4xi32, #tpu.memory_space<vmem>>, vector<512x4xi32>
    tpu.vector_store %arg3[%swap3A, %swap3A_1355], %concatenate3A_1354 {strides = array<i32>} : memref<512x4xi32, #tpu.memory_space<vmem>>, vector<512x4xi32>,
    return
  }
  func.func @transform_0(%arg0: i32) -> (i32, i32) {
    %c0_i32 = arith.constant 0 : i32
    %c0_i32_0 = arith.constant 0 : i32
    return %arg0, %c0_i32 : i32, i32
  }
  func.func @transform_1(%arg0: i32) -> (i32, i32) {
    %c0_i32 = arith.constant 0 : i32
    %c0_i32_0 = arith.constant 0 : i32
    %c0_i32_1 = arith.constant 0 : i32
    return %c0_i32, %c0_i32_0 : i32, i32
  }
  func.func @transform_2(%arg0: i32) -> (i32, i32) {
    %c0_i32 = arith.constant 0 : i32
    %c0_i32_0 = arith.constant 0 : i32
    return %arg0, %c0_i32 : i32, i32
  }
}

module attributes {stable_mosaic.version = 14 : i64} {
  func.func @_layer_kernel_body(%arg0: i32, %arg1: i32, %arg2: memref<4096x128xf32, #tpu.memory_space<vmem>>, %arg3: memref<4096x3xf32, #tpu.memory_space<vmem>>, %arg4: memref<1024x3xf32, #tpu.memory_space<vmem>>, %arg5: memref<6x16xf32, #tpu.memory_space<vmem>>, %arg6: memref<1x48xf32, #tpu.memory_space<vmem>>, %arg7: memref<16x16xf32, #tpu.memory_space<vmem>>, %arg8: memref<1x48xf32, #tpu.memory_space<vmem>>, %arg9: memref<16x16xf32, #tpu.memory_space<vmem>>, %arg10: memref<1x48xf32, #tpu.memory_space<vmem>>, %arg11: memref<64x3xf32, #tpu.memory_space<vmem>>, %arg12: memref<1x3xf32, #tpu.memory_space<vmem>>, %arg13: memref<1024x128xf32, #tpu.memory_space<vmem>>, %arg14: memref<4096x4xf32, #tpu.memory_space<vmem>>, %arg15: memref<32768x16xf32, #tpu.memory_space<vmem>>, %arg16: memref<8x16xf32, #tpu.memory_space<vmem>>, %arg17: memref<8x16xf32, #tpu.memory_space<vmem>>, %arg18: memref<8x16xf32, #tpu.memory_space<vmem>>) attributes {dimension_semantics = [#tpu.dimension_semantics<arbitrary>, #tpu.dimension_semantics<arbitrary>], iteration_bounds = array<i64: 4, 8>, scalar_prefetch = 0 : i64, scratch_operands = 4 : i64, tpu.core_type = #tpu.core_type<tc>, window_params = [{transform_indices = @transform_0, window_bounds = array<i64: 4096, 128>}, {transform_indices = @transform_1, window_bounds = array<i64: 4096, 3>}, {transform_indices = @transform_2, window_bounds = array<i64: 1024, 3>}, {pipeline_mode = #tpu.pipeline_mode<synchronous>, transform_indices = @transform_3, window_bounds = array<i64: 6, 16>}, {pipeline_mode = #tpu.pipeline_mode<synchronous>, transform_indices = @transform_4, window_bounds = array<i64: 1, 48>}, {pipeline_mode = #tpu.pipeline_mode<synchronous>, transform_indices = @transform_5, window_bounds = array<i64: 16, 16>}, {pipeline_mode = #tpu.pipeline_mode<synchronous>, transform_indices = @transform_6, window_bounds = array<i64: 1, 48>}, {pipeline_mode = #tpu.pipeline_mode<synchronous>, transform_indices = @transform_7, window_bounds = array<i64: 16, 16>}, {pipeline_mode = #tpu.pipeline_mode<synchronous>, transform_indices = @transform_8, window_bounds = array<i64: 1, 48>}, {pipeline_mode = #tpu.pipeline_mode<synchronous>, transform_indices = @transform_9, window_bounds = array<i64: 64, 3>}, {pipeline_mode = #tpu.pipeline_mode<synchronous>, transform_indices = @transform_10, window_bounds = array<i64: 1, 3>}, {transform_indices = @transform_11, window_bounds = array<i64: 1024, 128>}, {transform_indices = @transform_12, window_bounds = array<i64: 4096, 4>}]} {
    %eq3A = arith.constant 0 : i32
    %eq3A_0 = arith.cmpi eq, %arg0, %eq3A : i32
    %convert_element_type3A = arith.extui %eq3A_0 : i1 to i32
    %cond3A = arith.constant 0 : i32
    %cond3A_1 = arith.cmpi ne, %convert_element_type3A, %cond3A : i32
    scf.if %cond3A_1 {
      %get3A = arith.constant 0 : index
      %get3A_17 = arith.constant 0 : index
      %get3A_18 = vector.load %arg2[%get3A, %get3A_17] : memref<4096x128xf32, #tpu.memory_space<vmem>>, vector<4096x128xf32>
      %slice3A = vector.extract_strided_slice %get3A_18 {offsets = [0, 3], sizes = [4096, 3], strides = [1, 1]} : vector<4096x128xf32> to vector<4096x3xf32>
      %get3A_19 = arith.constant 0 : index
      %get3A_20 = arith.constant 0 : index
      %get3A_21 = vector.load %arg3[%get3A_19, %get3A_20] : memref<4096x3xf32, #tpu.memory_space<vmem>>, vector<4096x3xf32>
      %sub3A = arith.subf %slice3A, %get3A_21 : vector<4096x3xf32>
      %slice3A_22 = vector.extract_strided_slice %get3A_18 {offsets = [0, 0], sizes = [4096, 3], strides = [1, 1]} : vector<4096x128xf32> to vector<4096x3xf32>
      %concatenate3A = tpu.concatenate %slice3A_22, %sub3A in 1 : vector<4096x3xf32>, vector<4096x3xf32> -> vector<4096x6xf32>
      %broadcast_in_dim3A = arith.constant 0.000000e+00 : f32
      %broadcast_in_dim3A_23 = vector.broadcast %broadcast_in_dim3A : f32 to vector<4096x1xf32>
      %concatenate3A_24 = tpu.concatenate %sub3A, %broadcast_in_dim3A_23 in 1 : vector<4096x3xf32>, vector<4096x1xf32> -> vector<4096x4xf32>
      %swap3A = arith.constant 0 : index
      %swap3A_25 = arith.constant 0 : index
      %swap3A_26 = vector.load %arg14[%swap3A, %swap3A_25] : memref<4096x4xf32, #tpu.memory_space<vmem>>, vector<4096x4xf32>
      tpu.vector_store %arg14[%swap3A, %swap3A_25], %concatenate3A_24 {strides = array<i32>} : memref<4096x4xf32, #tpu.memory_space<vmem>>, vector<4096x4xf32>,
      %get3A_27 = arith.constant 0 : index
      %get3A_28 = arith.constant 0 : index
      %get3A_29 = vector.load %arg5[%get3A_27, %get3A_28] : memref<6x16xf32, #tpu.memory_space<vmem>>, vector<6x16xf32>
      %convert_element_type3A_30 = arith.truncf %concatenate3A : vector<4096x6xf32> to vector<4096x6xbf16>
      %convert_element_type3A_31 = arith.truncf %get3A_29 : vector<6x16xf32> to vector<6x16xbf16>
      %dot_general3A = arith.constant dense<0.000000e+00> : vector<4096x16xf32>
      %dot_general3A_32 = tpu.matmul %convert_element_type3A_30, %convert_element_type3A_31, %dot_general3A {dimension_numbers = #tpu.dot_dimension_numbers<[1], [0], [0], [1], [0, 0, 1, 1], [], []>, transpose_lhs_hint = false} : vector<4096x6xbf16>, vector<6x16xbf16>, vector<4096x16xf32> -> vector<4096x16xf32>
      %get3A_33 = arith.constant 0 : index
      %get3A_34 = arith.constant 0 : index
      %get3A_35 = vector.load %arg6[%get3A_33, %get3A_34] : memref<1x48xf32, #tpu.memory_space<vmem>>, vector<1x48xf32>
      %slice3A_36 = vector.extract_strided_slice %get3A_35 {offsets = [0, 0], sizes = [1, 16], strides = [1, 1]} : vector<1x48xf32> to vector<1x16xf32>
      %add3A = vector.broadcast %slice3A_36 : vector<1x16xf32> to vector<4096x16xf32>
      %add3A_37 = arith.addf %dot_general3A_32, %add3A : vector<4096x16xf32>
      %mul3A = arith.constant 4096 : i32
      %mul3A_38 = arith.muli %arg1, %mul3A : i32
      %swap3A_39 = arith.index_cast %mul3A_38 : i32 to index
      %swap3A_40 = arith.constant 0 : index
      %swap3A_41 = vector.load %arg15[%swap3A_39, %swap3A_40] : memref<32768x16xf32, #tpu.memory_space<vmem>>, vector<4096x16xf32>
      tpu.vector_store %arg15[%swap3A_39, %swap3A_40], %add3A_37 {strides = array<i32>} : memref<32768x16xf32, #tpu.memory_space<vmem>>, vector<4096x16xf32>,
      %reduce_sum3A = arith.constant dense<0.000000e+00> : vector<16xf32>
      %reduce_sum3A_42 = vector.multi_reduction <add>, %add3A_37, %reduce_sum3A [0] : vector<4096x16xf32> to vector<16xf32>
      %broadcast_in_dim3A_43 = vector.shape_cast %reduce_sum3A_42 : vector<16xf32> to vector<1x16xf32>
      %mul3A_44 = arith.mulf %add3A_37, %add3A_37 : vector<4096x16xf32>
      %reduce_sum3A_45 = arith.constant dense<0.000000e+00> : vector<16xf32>
      %reduce_sum3A_46 = vector.multi_reduction <add>, %mul3A_44, %reduce_sum3A_45 [0] : vector<4096x16xf32> to vector<16xf32>
      %broadcast_in_dim3A_47 = vector.shape_cast %reduce_sum3A_46 : vector<16xf32> to vector<1x16xf32>
      %broadcast_in_dim3A_48 = arith.constant 0.000000e+00 : f32
      %broadcast_in_dim3A_49 = vector.broadcast %broadcast_in_dim3A_48 : f32 to vector<6x16xf32>
      %concatenate3A_50 = tpu.concatenate %broadcast_in_dim3A_43, %broadcast_in_dim3A_47, %broadcast_in_dim3A_49 in 0 : vector<1x16xf32>, vector<1x16xf32>, vector<6x16xf32> -> vector<8x16xf32>
      %eq3A_51 = arith.constant 0 : i32
      %eq3A_52 = arith.cmpi eq, %arg1, %eq3A_51 : i32
      %convert_element_type3A_53 = arith.extui %eq3A_52 : i1 to i32
      %cond3A_54 = arith.constant 0 : i32
      %cond3A_55 = arith.cmpi ne, %convert_element_type3A_53, %cond3A_54 : i32
      scf.if %cond3A_55 {
        %swap3A_60 = arith.constant 0 : index
        %swap3A_61 = arith.constant 0 : index
        %swap3A_62 = vector.load %arg16[%swap3A_60, %swap3A_61] : memref<8x16xf32, #tpu.memory_space<vmem>>, vector<8x16xf32>
        tpu.vector_store %arg16[%swap3A_60, %swap3A_61], %concatenate3A_50 {strides = array<i32>} : memref<8x16xf32, #tpu.memory_space<vmem>>, vector<8x16xf32>,
      } else {
      }
      %ne3A = arith.constant 0 : i32
      %ne3A_56 = arith.cmpi ne, %arg1, %ne3A : i32
      %convert_element_type3A_57 = arith.extui %ne3A_56 : i1 to i32
      %cond3A_58 = arith.constant 0 : i32
      %cond3A_59 = arith.cmpi ne, %convert_element_type3A_57, %cond3A_58 : i32
      scf.if %cond3A_59 {
        %get3A_60 = arith.constant 0 : index
        %get3A_61 = arith.constant 0 : index
        %get3A_62 = vector.load %arg16[%get3A_60, %get3A_61] : memref<8x16xf32, #tpu.memory_space<vmem>>, vector<8x16xf32>
        %add3A_63 = arith.addf %get3A_62, %concatenate3A_50 : vector<8x16xf32>
        %swap3A_64 = arith.constant 0 : index
        %swap3A_65 = arith.constant 0 : index
        %swap3A_66 = vector.load %arg16[%swap3A_64, %swap3A_65] : memref<8x16xf32, #tpu.memory_space<vmem>>, vector<8x16xf32>
        tpu.vector_store %arg16[%swap3A_64, %swap3A_65], %add3A_63 {strides = array<i32>} : memref<8x16xf32, #tpu.memory_space<vmem>>, vector<8x16xf32>,
      } else {
      }
    } else {
    }
    %eq3A_2 = arith.constant 1 : i32
    %eq3A_3 = arith.cmpi eq, %arg0, %eq3A_2 : i32
    %convert_element_type3A_4 = arith.extui %eq3A_3 : i1 to i32
    %cond3A_5 = arith.constant 0 : i32
    %cond3A_6 = arith.cmpi ne, %convert_element_type3A_4, %cond3A_5 : i32
    scf.if %cond3A_6 {
      %mul3A = arith.constant 4096 : i32
      %mul3A_17 = arith.muli %arg1, %mul3A : i32
      %get3A = arith.index_cast %mul3A_17 : i32 to index
      %get3A_18 = arith.constant 0 : index
      %get3A_19 = vector.load %arg15[%get3A, %get3A_18] : memref<32768x16xf32, #tpu.memory_space<vmem>>, vector<4096x16xf32>
      %get3A_20 = arith.constant 0 : index
      %get3A_21 = arith.constant 0 : index
      %get3A_22 = vector.load %arg16[%get3A_20, %get3A_21] : memref<8x16xf32, #tpu.memory_space<vmem>>, vector<8x16xf32>
      %get3A_23 = arith.constant 0 : index
      %get3A_24 = arith.constant 0 : index
      %get3A_25 = vector.load %arg6[%get3A_23, %get3A_24] : memref<1x48xf32, #tpu.memory_space<vmem>>, vector<1x48xf32>
      %slice3A = vector.extract_strided_slice %get3A_22 {offsets = [0, 0], sizes = [1, 16], strides = [1, 1]} : vector<8x16xf32> to vector<1x16xf32>
      %mul3A_26 = arith.constant 3.05175781E-5 : f32
      %mul3A_27 = vector.broadcast %mul3A_26 : f32 to vector<1x16xf32>
      %mul3A_28 = arith.mulf %slice3A, %mul3A_27 : vector<1x16xf32>
      %slice3A_29 = vector.extract_strided_slice %get3A_22 {offsets = [1, 0], sizes = [1, 16], strides = [1, 1]} : vector<8x16xf32> to vector<1x16xf32>
      %mul3A_30 = arith.constant 3.05175781E-5 : f32
      %mul3A_31 = vector.broadcast %mul3A_30 : f32 to vector<1x16xf32>
      %mul3A_32 = arith.mulf %slice3A_29, %mul3A_31 : vector<1x16xf32>
      %mul3A_33 = arith.mulf %mul3A_28, %mul3A_28 : vector<1x16xf32>
      %sub3A = arith.subf %mul3A_32, %mul3A_33 : vector<1x16xf32>
      %slice3A_34 = vector.extract_strided_slice %get3A_25 {offsets = [0, 16], sizes = [1, 16], strides = [1, 1]} : vector<1x48xf32> to vector<1x16xf32>
      %slice3A_35 = vector.extract_strided_slice %get3A_25 {offsets = [0, 32], sizes = [1, 16], strides = [1, 1]} : vector<1x48xf32> to vector<1x16xf32>
      %sub3A_36 = vector.broadcast %mul3A_28 : vector<1x16xf32> to vector<4096x16xf32>
      %sub3A_37 = arith.subf %get3A_19, %sub3A_36 : vector<4096x16xf32>
      %add3A = arith.constant 9.99999974E-6 : f32
      %add3A_38 = vector.broadcast %add3A : f32 to vector<1x16xf32>
      %add3A_39 = arith.addf %sub3A, %add3A_38 : vector<1x16xf32>
      %sqrt3A = math.sqrt %add3A_39 : vector<1x16xf32>
      %div3A = vector.broadcast %sqrt3A : vector<1x16xf32> to vector<4096x16xf32>
      %div3A_40 = arith.divf %sub3A_37, %div3A : vector<4096x16xf32>
      %mul3A_41 = vector.broadcast %slice3A_34 : vector<1x16xf32> to vector<4096x16xf32>
      %mul3A_42 = arith.mulf %div3A_40, %mul3A_41 : vector<4096x16xf32>
      %add3A_43 = vector.broadcast %slice3A_35 : vector<1x16xf32> to vector<4096x16xf32>
      %add3A_44 = arith.addf %mul3A_42, %add3A_43 : vector<4096x16xf32>
      %ge3A = arith.constant 0.000000e+00 : f32
      %ge3A_45 = vector.broadcast %ge3A : f32 to vector<4096x16xf32>
      %ge3A_46 = arith.cmpf oge, %add3A_44, %ge3A_45 : vector<4096x16xf32>
      %mul3A_47 = arith.constant 1.000000e-01 : f32
      %mul3A_48 = vector.broadcast %mul3A_47 : f32 to vector<4096x16xf32>
      %mul3A_49 = arith.mulf %mul3A_48, %add3A_44 : vector<4096x16xf32>
      %select_n3A = arith.select %ge3A_46, %add3A_44, %mul3A_49 : vector<4096x16xi1>, vector<4096x16xf32>
      %get3A_50 = arith.constant 0 : index
      %get3A_51 = arith.constant 0 : index
      %get3A_52 = vector.load %arg7[%get3A_50, %get3A_51] : memref<16x16xf32, #tpu.memory_space<vmem>>, vector<16x16xf32>
      %convert_element_type3A_53 = arith.truncf %select_n3A : vector<4096x16xf32> to vector<4096x16xbf16>
      %convert_element_type3A_54 = arith.truncf %get3A_52 : vector<16x16xf32> to vector<16x16xbf16>
      %dot_general3A = arith.constant dense<0.000000e+00> : vector<4096x16xf32>
      %dot_general3A_55 = tpu.matmul %convert_element_type3A_53, %convert_element_type3A_54, %dot_general3A {dimension_numbers = #tpu.dot_dimension_numbers<[1], [0], [0], [1], [0, 0, 1, 1], [], []>, transpose_lhs_hint = false} : vector<4096x16xbf16>, vector<16x16xbf16>, vector<4096x16xf32> -> vector<4096x16xf32>
      %get3A_56 = arith.constant 0 : index
      %get3A_57 = arith.constant 0 : index
      %get3A_58 = vector.load %arg8[%get3A_56, %get3A_57] : memref<1x48xf32, #tpu.memory_space<vmem>>, vector<1x48xf32>
      %slice3A_59 = vector.extract_strided_slice %get3A_58 {offsets = [0, 0], sizes = [1, 16], strides = [1, 1]} : vector<1x48xf32> to vector<1x16xf32>
      %add3A_60 = vector.broadcast %slice3A_59 : vector<1x16xf32> to vector<4096x16xf32>
      %add3A_61 = arith.addf %dot_general3A_55, %add3A_60 : vector<4096x16xf32>
      %mul3A_62 = arith.constant 4096 : i32
      %mul3A_63 = arith.muli %arg1, %mul3A_62 : i32
      %swap3A = arith.index_cast %mul3A_63 : i32 to index
      %swap3A_64 = arith.constant 0 : index
      %swap3A_65 = vector.load %arg15[%swap3A, %swap3A_64] : memref<32768x16xf32, #tpu.memory_space<vmem>>, vector<4096x16xf32>
      tpu.vector_store %arg15[%swap3A, %swap3A_64], %add3A_61 {strides = array<i32>} : memref<32768x16xf32, #tpu.memory_space<vmem>>, vector<4096x16xf32>,
      %reduce_sum3A = arith.constant dense<0.000000e+00> : vector<16xf32>
      %reduce_sum3A_66 = vector.multi_reduction <add>, %add3A_61, %reduce_sum3A [0] : vector<4096x16xf32> to vector<16xf32>
      %broadcast_in_dim3A = vector.shape_cast %reduce_sum3A_66 : vector<16xf32> to vector<1x16xf32>
      %mul3A_67 = arith.mulf %add3A_61, %add3A_61 : vector<4096x16xf32>
      %reduce_sum3A_68 = arith.constant dense<0.000000e+00> : vector<16xf32>
      %reduce_sum3A_69 = vector.multi_reduction <add>, %mul3A_67, %reduce_sum3A_68 [0] : vector<4096x16xf32> to vector<16xf32>
      %broadcast_in_dim3A_70 = vector.shape_cast %reduce_sum3A_69 : vector<16xf32> to vector<1x16xf32>
      %broadcast_in_dim3A_71 = arith.constant 0.000000e+00 : f32
      %broadcast_in_dim3A_72 = vector.broadcast %broadcast_in_dim3A_71 : f32 to vector<6x16xf32>
      %concatenate3A = tpu.concatenate %broadcast_in_dim3A, %broadcast_in_dim3A_70, %broadcast_in_dim3A_72 in 0 : vector<1x16xf32>, vector<1x16xf32>, vector<6x16xf32> -> vector<8x16xf32>
      %eq3A_73 = arith.constant 0 : i32
      %eq3A_74 = arith.cmpi eq, %arg1, %eq3A_73 : i32
      %convert_element_type3A_75 = arith.extui %eq3A_74 : i1 to i32
      %cond3A_76 = arith.constant 0 : i32
      %cond3A_77 = arith.cmpi ne, %convert_element_type3A_75, %cond3A_76 : i32
      scf.if %cond3A_77 {
        %swap3A_82 = arith.constant 0 : index
        %swap3A_83 = arith.constant 0 : index
        %swap3A_84 = vector.load %arg17[%swap3A_82, %swap3A_83] : memref<8x16xf32, #tpu.memory_space<vmem>>, vector<8x16xf32>
        tpu.vector_store %arg17[%swap3A_82, %swap3A_83], %concatenate3A {strides = array<i32>} : memref<8x16xf32, #tpu.memory_space<vmem>>, vector<8x16xf32>,
      } else {
      }
      %ne3A = arith.constant 0 : i32
      %ne3A_78 = arith.cmpi ne, %arg1, %ne3A : i32
      %convert_element_type3A_79 = arith.extui %ne3A_78 : i1 to i32
      %cond3A_80 = arith.constant 0 : i32
      %cond3A_81 = arith.cmpi ne, %convert_element_type3A_79, %cond3A_80 : i32
      scf.if %cond3A_81 {
        %get3A_82 = arith.constant 0 : index
        %get3A_83 = arith.constant 0 : index
        %get3A_84 = vector.load %arg17[%get3A_82, %get3A_83] : memref<8x16xf32, #tpu.memory_space<vmem>>, vector<8x16xf32>
        %add3A_85 = arith.addf %get3A_84, %concatenate3A : vector<8x16xf32>
        %swap3A_86 = arith.constant 0 : index
        %swap3A_87 = arith.constant 0 : index
        %swap3A_88 = vector.load %arg17[%swap3A_86, %swap3A_87] : memref<8x16xf32, #tpu.memory_space<vmem>>, vector<8x16xf32>
        tpu.vector_store %arg17[%swap3A_86, %swap3A_87], %add3A_85 {strides = array<i32>} : memref<8x16xf32, #tpu.memory_space<vmem>>, vector<8x16xf32>,
      } else {
      }
    } else {
    }
    %eq3A_7 = arith.constant 2 : i32
    %eq3A_8 = arith.cmpi eq, %arg0, %eq3A_7 : i32
    %convert_element_type3A_9 = arith.extui %eq3A_8 : i1 to i32
    %cond3A_10 = arith.constant 0 : i32
    %cond3A_11 = arith.cmpi ne, %convert_element_type3A_9, %cond3A_10 : i32
    scf.if %cond3A_11 {
      %mul3A = arith.constant 4096 : i32
      %mul3A_17 = arith.muli %arg1, %mul3A : i32
      %get3A = arith.index_cast %mul3A_17 : i32 to index
      %get3A_18 = arith.constant 0 : index
      %get3A_19 = vector.load %arg15[%get3A, %get3A_18] : memref<32768x16xf32, #tpu.memory_space<vmem>>, vector<4096x16xf32>
      %get3A_20 = arith.constant 0 : index
      %get3A_21 = arith.constant 0 : index
      %get3A_22 = vector.load %arg17[%get3A_20, %get3A_21] : memref<8x16xf32, #tpu.memory_space<vmem>>, vector<8x16xf32>
      %get3A_23 = arith.constant 0 : index
      %get3A_24 = arith.constant 0 : index
      %get3A_25 = vector.load %arg8[%get3A_23, %get3A_24] : memref<1x48xf32, #tpu.memory_space<vmem>>, vector<1x48xf32>
      %slice3A = vector.extract_strided_slice %get3A_22 {offsets = [0, 0], sizes = [1, 16], strides = [1, 1]} : vector<8x16xf32> to vector<1x16xf32>
      %mul3A_26 = arith.constant 3.05175781E-5 : f32
      %mul3A_27 = vector.broadcast %mul3A_26 : f32 to vector<1x16xf32>
      %mul3A_28 = arith.mulf %slice3A, %mul3A_27 : vector<1x16xf32>
      %slice3A_29 = vector.extract_strided_slice %get3A_22 {offsets = [1, 0], sizes = [1, 16], strides = [1, 1]} : vector<8x16xf32> to vector<1x16xf32>
      %mul3A_30 = arith.constant 3.05175781E-5 : f32
      %mul3A_31 = vector.broadcast %mul3A_30 : f32 to vector<1x16xf32>
      %mul3A_32 = arith.mulf %slice3A_29, %mul3A_31 : vector<1x16xf32>
      %mul3A_33 = arith.mulf %mul3A_28, %mul3A_28 : vector<1x16xf32>
      %sub3A = arith.subf %mul3A_32, %mul3A_33 : vector<1x16xf32>
      %slice3A_34 = vector.extract_strided_slice %get3A_25 {offsets = [0, 16], sizes = [1, 16], strides = [1, 1]} : vector<1x48xf32> to vector<1x16xf32>
      %slice3A_35 = vector.extract_strided_slice %get3A_25 {offsets = [0, 32], sizes = [1, 16], strides = [1, 1]} : vector<1x48xf32> to vector<1x16xf32>
      %sub3A_36 = vector.broadcast %mul3A_28 : vector<1x16xf32> to vector<4096x16xf32>
      %sub3A_37 = arith.subf %get3A_19, %sub3A_36 : vector<4096x16xf32>
      %add3A = arith.constant 9.99999974E-6 : f32
      %add3A_38 = vector.broadcast %add3A : f32 to vector<1x16xf32>
      %add3A_39 = arith.addf %sub3A, %add3A_38 : vector<1x16xf32>
      %sqrt3A = math.sqrt %add3A_39 : vector<1x16xf32>
      %div3A = vector.broadcast %sqrt3A : vector<1x16xf32> to vector<4096x16xf32>
      %div3A_40 = arith.divf %sub3A_37, %div3A : vector<4096x16xf32>
      %mul3A_41 = vector.broadcast %slice3A_34 : vector<1x16xf32> to vector<4096x16xf32>
      %mul3A_42 = arith.mulf %div3A_40, %mul3A_41 : vector<4096x16xf32>
      %add3A_43 = vector.broadcast %slice3A_35 : vector<1x16xf32> to vector<4096x16xf32>
      %add3A_44 = arith.addf %mul3A_42, %add3A_43 : vector<4096x16xf32>
      %ge3A = arith.constant 0.000000e+00 : f32
      %ge3A_45 = vector.broadcast %ge3A : f32 to vector<4096x16xf32>
      %ge3A_46 = arith.cmpf oge, %add3A_44, %ge3A_45 : vector<4096x16xf32>
      %mul3A_47 = arith.constant 1.000000e-01 : f32
      %mul3A_48 = vector.broadcast %mul3A_47 : f32 to vector<4096x16xf32>
      %mul3A_49 = arith.mulf %mul3A_48, %add3A_44 : vector<4096x16xf32>
      %select_n3A = arith.select %ge3A_46, %add3A_44, %mul3A_49 : vector<4096x16xi1>, vector<4096x16xf32>
      %get3A_50 = arith.constant 0 : index
      %get3A_51 = arith.constant 0 : index
      %get3A_52 = vector.load %arg9[%get3A_50, %get3A_51] : memref<16x16xf32, #tpu.memory_space<vmem>>, vector<16x16xf32>
      %convert_element_type3A_53 = arith.truncf %select_n3A : vector<4096x16xf32> to vector<4096x16xbf16>
      %convert_element_type3A_54 = arith.truncf %get3A_52 : vector<16x16xf32> to vector<16x16xbf16>
      %dot_general3A = arith.constant dense<0.000000e+00> : vector<4096x16xf32>
      %dot_general3A_55 = tpu.matmul %convert_element_type3A_53, %convert_element_type3A_54, %dot_general3A {dimension_numbers = #tpu.dot_dimension_numbers<[1], [0], [0], [1], [0, 0, 1, 1], [], []>, transpose_lhs_hint = false} : vector<4096x16xbf16>, vector<16x16xbf16>, vector<4096x16xf32> -> vector<4096x16xf32>
      %get3A_56 = arith.constant 0 : index
      %get3A_57 = arith.constant 0 : index
      %get3A_58 = vector.load %arg10[%get3A_56, %get3A_57] : memref<1x48xf32, #tpu.memory_space<vmem>>, vector<1x48xf32>
      %slice3A_59 = vector.extract_strided_slice %get3A_58 {offsets = [0, 0], sizes = [1, 16], strides = [1, 1]} : vector<1x48xf32> to vector<1x16xf32>
      %add3A_60 = vector.broadcast %slice3A_59 : vector<1x16xf32> to vector<4096x16xf32>
      %add3A_61 = arith.addf %dot_general3A_55, %add3A_60 : vector<4096x16xf32>
      %mul3A_62 = arith.constant 4096 : i32
      %mul3A_63 = arith.muli %arg1, %mul3A_62 : i32
      %swap3A = arith.index_cast %mul3A_63 : i32 to index
      %swap3A_64 = arith.constant 0 : index
      %swap3A_65 = vector.load %arg15[%swap3A, %swap3A_64] : memref<32768x16xf32, #tpu.memory_space<vmem>>, vector<4096x16xf32>
      tpu.vector_store %arg15[%swap3A, %swap3A_64], %add3A_61 {strides = array<i32>} : memref<32768x16xf32, #tpu.memory_space<vmem>>, vector<4096x16xf32>,
      %reduce_sum3A = arith.constant dense<0.000000e+00> : vector<16xf32>
      %reduce_sum3A_66 = vector.multi_reduction <add>, %add3A_61, %reduce_sum3A [0] : vector<4096x16xf32> to vector<16xf32>
      %broadcast_in_dim3A = vector.shape_cast %reduce_sum3A_66 : vector<16xf32> to vector<1x16xf32>
      %mul3A_67 = arith.mulf %add3A_61, %add3A_61 : vector<4096x16xf32>
      %reduce_sum3A_68 = arith.constant dense<0.000000e+00> : vector<16xf32>
      %reduce_sum3A_69 = vector.multi_reduction <add>, %mul3A_67, %reduce_sum3A_68 [0] : vector<4096x16xf32> to vector<16xf32>
      %broadcast_in_dim3A_70 = vector.shape_cast %reduce_sum3A_69 : vector<16xf32> to vector<1x16xf32>
      %broadcast_in_dim3A_71 = arith.constant 0.000000e+00 : f32
      %broadcast_in_dim3A_72 = vector.broadcast %broadcast_in_dim3A_71 : f32 to vector<6x16xf32>
      %concatenate3A = tpu.concatenate %broadcast_in_dim3A, %broadcast_in_dim3A_70, %broadcast_in_dim3A_72 in 0 : vector<1x16xf32>, vector<1x16xf32>, vector<6x16xf32> -> vector<8x16xf32>
      %eq3A_73 = arith.constant 0 : i32
      %eq3A_74 = arith.cmpi eq, %arg1, %eq3A_73 : i32
      %convert_element_type3A_75 = arith.extui %eq3A_74 : i1 to i32
      %cond3A_76 = arith.constant 0 : i32
      %cond3A_77 = arith.cmpi ne, %convert_element_type3A_75, %cond3A_76 : i32
      scf.if %cond3A_77 {
        %swap3A_82 = arith.constant 0 : index
        %swap3A_83 = arith.constant 0 : index
        %swap3A_84 = vector.load %arg18[%swap3A_82, %swap3A_83] : memref<8x16xf32, #tpu.memory_space<vmem>>, vector<8x16xf32>
        tpu.vector_store %arg18[%swap3A_82, %swap3A_83], %concatenate3A {strides = array<i32>} : memref<8x16xf32, #tpu.memory_space<vmem>>, vector<8x16xf32>,
      } else {
      }
      %ne3A = arith.constant 0 : i32
      %ne3A_78 = arith.cmpi ne, %arg1, %ne3A : i32
      %convert_element_type3A_79 = arith.extui %ne3A_78 : i1 to i32
      %cond3A_80 = arith.constant 0 : i32
      %cond3A_81 = arith.cmpi ne, %convert_element_type3A_79, %cond3A_80 : i32
      scf.if %cond3A_81 {
        %get3A_82 = arith.constant 0 : index
        %get3A_83 = arith.constant 0 : index
        %get3A_84 = vector.load %arg18[%get3A_82, %get3A_83] : memref<8x16xf32, #tpu.memory_space<vmem>>, vector<8x16xf32>
        %add3A_85 = arith.addf %get3A_84, %concatenate3A : vector<8x16xf32>
        %swap3A_86 = arith.constant 0 : index
        %swap3A_87 = arith.constant 0 : index
        %swap3A_88 = vector.load %arg18[%swap3A_86, %swap3A_87] : memref<8x16xf32, #tpu.memory_space<vmem>>, vector<8x16xf32>
        tpu.vector_store %arg18[%swap3A_86, %swap3A_87], %add3A_85 {strides = array<i32>} : memref<8x16xf32, #tpu.memory_space<vmem>>, vector<8x16xf32>,
      } else {
      }
    } else {
    }
    %eq3A_12 = arith.constant 3 : i32
    %eq3A_13 = arith.cmpi eq, %arg0, %eq3A_12 : i32
    %convert_element_type3A_14 = arith.extui %eq3A_13 : i1 to i32
    %cond3A_15 = arith.constant 0 : i32
    %cond3A_16 = arith.cmpi ne, %convert_element_type3A_14, %cond3A_15 : i32
    scf.if %cond3A_16 {
      %get3A = arith.constant 0 : index
      %get3A_17 = arith.constant 0 : index
      %get3A_18 = vector.load %arg18[%get3A, %get3A_17] : memref<8x16xf32, #tpu.memory_space<vmem>>, vector<8x16xf32>
      %get3A_19 = arith.constant 0 : index
      %get3A_20 = arith.constant 0 : index
      %get3A_21 = vector.load %arg10[%get3A_19, %get3A_20] : memref<1x48xf32, #tpu.memory_space<vmem>>, vector<1x48xf32>
      %mul3A = arith.constant 1024 : i32
      %mul3A_22 = arith.muli %arg1, %mul3A : i32
      %add3A = arith.constant 0 : i32
      %add3A_23 = arith.addi %add3A, %mul3A_22 : i32
      %get3A_24 = arith.index_cast %add3A_23 : i32 to index
      %get3A_25 = arith.constant 0 : index
      %get3A_26 = vector.load %arg15[%get3A_24, %get3A_25] : memref<32768x16xf32, #tpu.memory_space<vmem>>, vector<1024x16xf32>
      %slice3A = vector.extract_strided_slice %get3A_18 {offsets = [0, 0], sizes = [1, 16], strides = [1, 1]} : vector<8x16xf32> to vector<1x16xf32>
      %mul3A_27 = arith.constant 3.05175781E-5 : f32
      %mul3A_28 = vector.broadcast %mul3A_27 : f32 to vector<1x16xf32>
      %mul3A_29 = arith.mulf %slice3A, %mul3A_28 : vector<1x16xf32>
      %slice3A_30 = vector.extract_strided_slice %get3A_18 {offsets = [1, 0], sizes = [1, 16], strides = [1, 1]} : vector<8x16xf32> to vector<1x16xf32>
      %mul3A_31 = arith.constant 3.05175781E-5 : f32
      %mul3A_32 = vector.broadcast %mul3A_31 : f32 to vector<1x16xf32>
      %mul3A_33 = arith.mulf %slice3A_30, %mul3A_32 : vector<1x16xf32>
      %mul3A_34 = arith.mulf %mul3A_29, %mul3A_29 : vector<1x16xf32>
      %sub3A = arith.subf %mul3A_33, %mul3A_34 : vector<1x16xf32>
      %slice3A_35 = vector.extract_strided_slice %get3A_21 {offsets = [0, 16], sizes = [1, 16], strides = [1, 1]} : vector<1x48xf32> to vector<1x16xf32>
      %slice3A_36 = vector.extract_strided_slice %get3A_21 {offsets = [0, 32], sizes = [1, 16], strides = [1, 1]} : vector<1x48xf32> to vector<1x16xf32>
      %sub3A_37 = vector.broadcast %mul3A_29 : vector<1x16xf32> to vector<1024x16xf32>
      %sub3A_38 = arith.subf %get3A_26, %sub3A_37 : vector<1024x16xf32>
      %add3A_39 = arith.constant 9.99999974E-6 : f32
      %add3A_40 = vector.broadcast %add3A_39 : f32 to vector<1x16xf32>
      %add3A_41 = arith.addf %sub3A, %add3A_40 : vector<1x16xf32>
      %sqrt3A = math.sqrt %add3A_41 : vector<1x16xf32>
      %div3A = vector.broadcast %sqrt3A : vector<1x16xf32> to vector<1024x16xf32>
      %div3A_42 = arith.divf %sub3A_38, %div3A : vector<1024x16xf32>
      %mul3A_43 = vector.broadcast %slice3A_35 : vector<1x16xf32> to vector<1024x16xf32>
      %mul3A_44 = arith.mulf %div3A_42, %mul3A_43 : vector<1024x16xf32>
      %add3A_45 = vector.broadcast %slice3A_36 : vector<1x16xf32> to vector<1024x16xf32>
      %add3A_46 = arith.addf %mul3A_44, %add3A_45 : vector<1024x16xf32>
      %ge3A = arith.constant 0.000000e+00 : f32
      %ge3A_47 = vector.broadcast %ge3A : f32 to vector<1024x16xf32>
      %ge3A_48 = arith.cmpf oge, %add3A_46, %ge3A_47 : vector<1024x16xf32>
      %mul3A_49 = arith.constant 1.000000e-01 : f32
      %mul3A_50 = vector.broadcast %mul3A_49 : f32 to vector<1024x16xf32>
      %mul3A_51 = arith.mulf %mul3A_50, %add3A_46 : vector<1024x16xf32>
      %select_n3A = arith.select %ge3A_48, %add3A_46, %mul3A_51 : vector<1024x16xi1>, vector<1024x16xf32>
      %mul3A_52 = arith.constant 1024 : i32
      %mul3A_53 = arith.muli %arg1, %mul3A_52 : i32
      %add3A_54 = arith.constant 8192 : i32
      %add3A_55 = arith.addi %add3A_54, %mul3A_53 : i32
      %get3A_56 = arith.index_cast %add3A_55 : i32 to index
      %get3A_57 = arith.constant 0 : index
      %get3A_58 = vector.load %arg15[%get3A_56, %get3A_57] : memref<32768x16xf32, #tpu.memory_space<vmem>>, vector<1024x16xf32>
      %slice3A_59 = vector.extract_strided_slice %get3A_18 {offsets = [0, 0], sizes = [1, 16], strides = [1, 1]} : vector<8x16xf32> to vector<1x16xf32>
      %mul3A_60 = arith.constant 3.05175781E-5 : f32
      %mul3A_61 = vector.broadcast %mul3A_60 : f32 to vector<1x16xf32>
      %mul3A_62 = arith.mulf %slice3A_59, %mul3A_61 : vector<1x16xf32>
      %slice3A_63 = vector.extract_strided_slice %get3A_18 {offsets = [1, 0], sizes = [1, 16], strides = [1, 1]} : vector<8x16xf32> to vector<1x16xf32>
      %mul3A_64 = arith.constant 3.05175781E-5 : f32
      %mul3A_65 = vector.broadcast %mul3A_64 : f32 to vector<1x16xf32>
      %mul3A_66 = arith.mulf %slice3A_63, %mul3A_65 : vector<1x16xf32>
      %mul3A_67 = arith.mulf %mul3A_62, %mul3A_62 : vector<1x16xf32>
      %sub3A_68 = arith.subf %mul3A_66, %mul3A_67 : vector<1x16xf32>
      %slice3A_69 = vector.extract_strided_slice %get3A_21 {offsets = [0, 16], sizes = [1, 16], strides = [1, 1]} : vector<1x48xf32> to vector<1x16xf32>
      %slice3A_70 = vector.extract_strided_slice %get3A_21 {offsets = [0, 32], sizes = [1, 16], strides = [1, 1]} : vector<1x48xf32> to vector<1x16xf32>
      %sub3A_71 = vector.broadcast %mul3A_62 : vector<1x16xf32> to vector<1024x16xf32>
      %sub3A_72 = arith.subf %get3A_58, %sub3A_71 : vector<1024x16xf32>
      %add3A_73 = arith.constant 9.99999974E-6 : f32
      %add3A_74 = vector.broadcast %add3A_73 : f32 to vector<1x16xf32>
      %add3A_75 = arith.addf %sub3A_68, %add3A_74 : vector<1x16xf32>
      %sqrt3A_76 = math.sqrt %add3A_75 : vector<1x16xf32>
      %div3A_77 = vector.broadcast %sqrt3A_76 : vector<1x16xf32> to vector<1024x16xf32>
      %div3A_78 = arith.divf %sub3A_72, %div3A_77 : vector<1024x16xf32>
      %mul3A_79 = vector.broadcast %slice3A_69 : vector<1x16xf32> to vector<1024x16xf32>
      %mul3A_80 = arith.mulf %div3A_78, %mul3A_79 : vector<1024x16xf32>
      %add3A_81 = vector.broadcast %slice3A_70 : vector<1x16xf32> to vector<1024x16xf32>
      %add3A_82 = arith.addf %mul3A_80, %add3A_81 : vector<1024x16xf32>
      %ge3A_83 = arith.constant 0.000000e+00 : f32
      %ge3A_84 = vector.broadcast %ge3A_83 : f32 to vector<1024x16xf32>
      %ge3A_85 = arith.cmpf oge, %add3A_82, %ge3A_84 : vector<1024x16xf32>
      %mul3A_86 = arith.constant 1.000000e-01 : f32
      %mul3A_87 = vector.broadcast %mul3A_86 : f32 to vector<1024x16xf32>
      %mul3A_88 = arith.mulf %mul3A_87, %add3A_82 : vector<1024x16xf32>
      %select_n3A_89 = arith.select %ge3A_85, %add3A_82, %mul3A_88 : vector<1024x16xi1>, vector<1024x16xf32>
      %mul3A_90 = arith.constant 1024 : i32
      %mul3A_91 = arith.muli %arg1, %mul3A_90 : i32
      %add3A_92 = arith.constant 16384 : i32
      %add3A_93 = arith.addi %add3A_92, %mul3A_91 : i32
      %get3A_94 = arith.index_cast %add3A_93 : i32 to index
      %get3A_95 = arith.constant 0 : index
      %get3A_96 = vector.load %arg15[%get3A_94, %get3A_95] : memref<32768x16xf32, #tpu.memory_space<vmem>>, vector<1024x16xf32>
      %slice3A_97 = vector.extract_strided_slice %get3A_18 {offsets = [0, 0], sizes = [1, 16], strides = [1, 1]} : vector<8x16xf32> to vector<1x16xf32>
      %mul3A_98 = arith.constant 3.05175781E-5 : f32
      %mul3A_99 = vector.broadcast %mul3A_98 : f32 to vector<1x16xf32>
      %mul3A_100 = arith.mulf %slice3A_97, %mul3A_99 : vector<1x16xf32>
      %slice3A_101 = vector.extract_strided_slice %get3A_18 {offsets = [1, 0], sizes = [1, 16], strides = [1, 1]} : vector<8x16xf32> to vector<1x16xf32>
      %mul3A_102 = arith.constant 3.05175781E-5 : f32
      %mul3A_103 = vector.broadcast %mul3A_102 : f32 to vector<1x16xf32>
      %mul3A_104 = arith.mulf %slice3A_101, %mul3A_103 : vector<1x16xf32>
      %mul3A_105 = arith.mulf %mul3A_100, %mul3A_100 : vector<1x16xf32>
      %sub3A_106 = arith.subf %mul3A_104, %mul3A_105 : vector<1x16xf32>
      %slice3A_107 = vector.extract_strided_slice %get3A_21 {offsets = [0, 16], sizes = [1, 16], strides = [1, 1]} : vector<1x48xf32> to vector<1x16xf32>
      %slice3A_108 = vector.extract_strided_slice %get3A_21 {offsets = [0, 32], sizes = [1, 16], strides = [1, 1]} : vector<1x48xf32> to vector<1x16xf32>
      %sub3A_109 = vector.broadcast %mul3A_100 : vector<1x16xf32> to vector<1024x16xf32>
      %sub3A_110 = arith.subf %get3A_96, %sub3A_109 : vector<1024x16xf32>
      %add3A_111 = arith.constant 9.99999974E-6 : f32
      %add3A_112 = vector.broadcast %add3A_111 : f32 to vector<1x16xf32>
      %add3A_113 = arith.addf %sub3A_106, %add3A_112 : vector<1x16xf32>
      %sqrt3A_114 = math.sqrt %add3A_113 : vector<1x16xf32>
      %div3A_115 = vector.broadcast %sqrt3A_114 : vector<1x16xf32> to vector<1024x16xf32>
      %div3A_116 = arith.divf %sub3A_110, %div3A_115 : vector<1024x16xf32>
      %mul3A_117 = vector.broadcast %slice3A_107 : vector<1x16xf32> to vector<1024x16xf32>
      %mul3A_118 = arith.mulf %div3A_116, %mul3A_117 : vector<1024x16xf32>
      %add3A_119 = vector.broadcast %slice3A_108 : vector<1x16xf32> to vector<1024x16xf32>
      %add3A_120 = arith.addf %mul3A_118, %add3A_119 : vector<1024x16xf32>
      %ge3A_121 = arith.constant 0.000000e+00 : f32
      %ge3A_122 = vector.broadcast %ge3A_121 : f32 to vector<1024x16xf32>
      %ge3A_123 = arith.cmpf oge, %add3A_120, %ge3A_122 : vector<1024x16xf32>
      %mul3A_124 = arith.constant 1.000000e-01 : f32
      %mul3A_125 = vector.broadcast %mul3A_124 : f32 to vector<1024x16xf32>
      %mul3A_126 = arith.mulf %mul3A_125, %add3A_120 : vector<1024x16xf32>
      %select_n3A_127 = arith.select %ge3A_123, %add3A_120, %mul3A_126 : vector<1024x16xi1>, vector<1024x16xf32>
      %mul3A_128 = arith.constant 1024 : i32
      %mul3A_129 = arith.muli %arg1, %mul3A_128 : i32
      %add3A_130 = arith.constant 24576 : i32
      %add3A_131 = arith.addi %add3A_130, %mul3A_129 : i32
      %get3A_132 = arith.index_cast %add3A_131 : i32 to index
      %get3A_133 = arith.constant 0 : index
      %get3A_134 = vector.load %arg15[%get3A_132, %get3A_133] : memref<32768x16xf32, #tpu.memory_space<vmem>>, vector<1024x16xf32>
      %slice3A_135 = vector.extract_strided_slice %get3A_18 {offsets = [0, 0], sizes = [1, 16], strides = [1, 1]} : vector<8x16xf32> to vector<1x16xf32>
      %mul3A_136 = arith.constant 3.05175781E-5 : f32
      %mul3A_137 = vector.broadcast %mul3A_136 : f32 to vector<1x16xf32>
      %mul3A_138 = arith.mulf %slice3A_135, %mul3A_137 : vector<1x16xf32>
      %slice3A_139 = vector.extract_strided_slice %get3A_18 {offsets = [1, 0], sizes = [1, 16], strides = [1, 1]} : vector<8x16xf32> to vector<1x16xf32>
      %mul3A_140 = arith.constant 3.05175781E-5 : f32
      %mul3A_141 = vector.broadcast %mul3A_140 : f32 to vector<1x16xf32>
      %mul3A_142 = arith.mulf %slice3A_139, %mul3A_141 : vector<1x16xf32>
      %mul3A_143 = arith.mulf %mul3A_138, %mul3A_138 : vector<1x16xf32>
      %sub3A_144 = arith.subf %mul3A_142, %mul3A_143 : vector<1x16xf32>
      %slice3A_145 = vector.extract_strided_slice %get3A_21 {offsets = [0, 16], sizes = [1, 16], strides = [1, 1]} : vector<1x48xf32> to vector<1x16xf32>
      %slice3A_146 = vector.extract_strided_slice %get3A_21 {offsets = [0, 32], sizes = [1, 16], strides = [1, 1]} : vector<1x48xf32> to vector<1x16xf32>
      %sub3A_147 = vector.broadcast %mul3A_138 : vector<1x16xf32> to vector<1024x16xf32>
      %sub3A_148 = arith.subf %get3A_134, %sub3A_147 : vector<1024x16xf32>
      %add3A_149 = arith.constant 9.99999974E-6 : f32
      %add3A_150 = vector.broadcast %add3A_149 : f32 to vector<1x16xf32>
      %add3A_151 = arith.addf %sub3A_144, %add3A_150 : vector<1x16xf32>
      %sqrt3A_152 = math.sqrt %add3A_151 : vector<1x16xf32>
      %div3A_153 = vector.broadcast %sqrt3A_152 : vector<1x16xf32> to vector<1024x16xf32>
      %div3A_154 = arith.divf %sub3A_148, %div3A_153 : vector<1024x16xf32>
      %mul3A_155 = vector.broadcast %slice3A_145 : vector<1x16xf32> to vector<1024x16xf32>
      %mul3A_156 = arith.mulf %div3A_154, %mul3A_155 : vector<1024x16xf32>
      %add3A_157 = vector.broadcast %slice3A_146 : vector<1x16xf32> to vector<1024x16xf32>
      %add3A_158 = arith.addf %mul3A_156, %add3A_157 : vector<1024x16xf32>
      %ge3A_159 = arith.constant 0.000000e+00 : f32
      %ge3A_160 = vector.broadcast %ge3A_159 : f32 to vector<1024x16xf32>
      %ge3A_161 = arith.cmpf oge, %add3A_158, %ge3A_160 : vector<1024x16xf32>
      %mul3A_162 = arith.constant 1.000000e-01 : f32
      %mul3A_163 = vector.broadcast %mul3A_162 : f32 to vector<1024x16xf32>
      %mul3A_164 = arith.mulf %mul3A_163, %add3A_158 : vector<1024x16xf32>
      %select_n3A_165 = arith.select %ge3A_161, %add3A_158, %mul3A_164 : vector<1024x16xi1>, vector<1024x16xf32>
      %max3A = arith.maximumf %select_n3A, %select_n3A_89 : vector<1024x16xf32>
      %max3A_166 = arith.maximumf %select_n3A_127, %select_n3A_165 : vector<1024x16xf32>
      %max3A_167 = arith.maximumf %max3A, %max3A_166 : vector<1024x16xf32>
      %broadcast_in_dim3A = arith.constant 0.000000e+00 : f32
      %broadcast_in_dim3A_168 = vector.broadcast %broadcast_in_dim3A : f32 to vector<1024x112xf32>
      %concatenate3A = tpu.concatenate %max3A_167, %broadcast_in_dim3A_168 in 1 : vector<1024x16xf32>, vector<1024x112xf32> -> vector<1024x128xf32>
      %swap3A = arith.constant 0 : index
      %swap3A_169 = arith.constant 0 : index
      %swap3A_170 = vector.load %arg13[%swap3A, %swap3A_169] : memref<1024x128xf32, #tpu.memory_space<vmem>>, vector<1024x128xf32>
      tpu.vector_store %arg13[%swap3A, %swap3A_169], %concatenate3A {strides = array<i32>} : memref<1024x128xf32, #tpu.memory_space<vmem>>, vector<1024x128xf32>,
    } else {
    }
    return
  }
  func.func @transform_0(%arg0: i32, %arg1: i32) -> (i32, i32) {
    %eq3A = arith.constant 0 : i32
    %eq3A_0 = arith.cmpi eq, %arg0, %eq3A : i32
    %jit3A = arith.constant 7 : i32
    %select_n3A = arith.select %eq3A_0, %arg1, %jit3A : i32
    %c0_i32 = arith.constant 0 : i32
    %c0_i32_1 = arith.constant 0 : i32
    return %select_n3A, %c0_i32 : i32, i32
  }
  func.func @transform_1(%arg0: i32, %arg1: i32) -> (i32, i32) {
    %jit3A = arith.constant 2 : i32
    %eq3A = arith.constant 0 : i32
    %eq3A_0 = arith.cmpi eq, %jit3A, %eq3A : i32
    %jit3A_1 = arith.constant 1 : i32
    %select_n3A = arith.select %eq3A_0, %jit3A_1, %jit3A : i32
    %rem3A = arith.remsi %arg1, %select_n3A : i32
    %ne3A = arith.constant 0 : i32
    %ne3A_2 = arith.cmpi ne, %rem3A, %ne3A : i32
    %lt3A = arith.constant 0 : i32
    %lt3A_3 = arith.cmpi slt, %rem3A, %lt3A : i32
    %lt3A_4 = arith.constant 0 : i32
    %lt3A_5 = arith.cmpi slt, %select_n3A, %lt3A_4 : i32
    %ne3A_6 = arith.xori %lt3A_3, %lt3A_5 : i1
    %and3A = arith.andi %ne3A_6, %ne3A_2 : i1
    %add3A = arith.addi %rem3A, %select_n3A : i32
    %select_n3A_7 = arith.select %and3A, %add3A, %rem3A : i32
    %eq3A_8 = arith.constant 0 : i32
    %eq3A_9 = arith.cmpi eq, %arg0, %eq3A_8 : i32
    %jit3A_10 = arith.constant 1 : i32
    %select_n3A_11 = arith.select %eq3A_9, %select_n3A_7, %jit3A_10 : i32
    %c0_i32 = arith.constant 0 : i32
    %c0_i32_12 = arith.constant 0 : i32
    return %select_n3A_11, %c0_i32 : i32, i32
  }
  func.func @transform_2(%arg0: i32, %arg1: i32) -> (i32, i32) {
    %eq3A = arith.constant 3 : i32
    %eq3A_0 = arith.cmpi eq, %arg0, %eq3A : i32
    %jit3A = arith.constant 0 : i32
    %select_n3A = arith.select %eq3A_0, %arg1, %jit3A : i32
    %c0_i32 = arith.constant 0 : i32
    %c0_i32_1 = arith.constant 0 : i32
    return %select_n3A, %c0_i32 : i32, i32
  }
  func.func @transform_3(%arg0: i32, %arg1: i32) -> (i32, i32) {
    %c0_i32 = arith.constant 0 : i32
    %c0_i32_0 = arith.constant 0 : i32
    %c0_i32_1 = arith.constant 0 : i32
    return %c0_i32, %c0_i32_0 : i32, i32
  }
  func.func @transform_4(%arg0: i32, %arg1: i32) -> (i32, i32) {
    %c0_i32 = arith.constant 0 : i32
    %c0_i32_0 = arith.constant 0 : i32
    %c0_i32_1 = arith.constant 0 : i32
    return %c0_i32, %c0_i32_0 : i32, i32
  }
  func.func @transform_5(%arg0: i32, %arg1: i32) -> (i32, i32) {
    %c0_i32 = arith.constant 0 : i32
    %c0_i32_0 = arith.constant 0 : i32
    %c0_i32_1 = arith.constant 0 : i32
    return %c0_i32, %c0_i32_0 : i32, i32
  }
  func.func @transform_6(%arg0: i32, %arg1: i32) -> (i32, i32) {
    %c0_i32 = arith.constant 0 : i32
    %c0_i32_0 = arith.constant 0 : i32
    %c0_i32_1 = arith.constant 0 : i32
    return %c0_i32, %c0_i32_0 : i32, i32
  }
  func.func @transform_7(%arg0: i32, %arg1: i32) -> (i32, i32) {
    %c0_i32 = arith.constant 0 : i32
    %c0_i32_0 = arith.constant 0 : i32
    %c0_i32_1 = arith.constant 0 : i32
    return %c0_i32, %c0_i32_0 : i32, i32
  }
  func.func @transform_8(%arg0: i32, %arg1: i32) -> (i32, i32) {
    %c0_i32 = arith.constant 0 : i32
    %c0_i32_0 = arith.constant 0 : i32
    %c0_i32_1 = arith.constant 0 : i32
    return %c0_i32, %c0_i32_0 : i32, i32
  }
  func.func @transform_9(%arg0: i32, %arg1: i32) -> (i32, i32) {
    %c0_i32 = arith.constant 0 : i32
    %c0_i32_0 = arith.constant 0 : i32
    %c0_i32_1 = arith.constant 0 : i32
    return %c0_i32, %c0_i32_0 : i32, i32
  }
  func.func @transform_10(%arg0: i32, %arg1: i32) -> (i32, i32) {
    %c0_i32 = arith.constant 0 : i32
    %c0_i32_0 = arith.constant 0 : i32
    %c0_i32_1 = arith.constant 0 : i32
    return %c0_i32, %c0_i32_0 : i32, i32
  }
  func.func @transform_11(%arg0: i32, %arg1: i32) -> (i32, i32) {
    %eq3A = arith.constant 3 : i32
    %eq3A_0 = arith.cmpi eq, %arg0, %eq3A : i32
    %jit3A = arith.constant 0 : i32
    %select_n3A = arith.select %eq3A_0, %arg1, %jit3A : i32
    %c0_i32 = arith.constant 0 : i32
    %c0_i32_1 = arith.constant 0 : i32
    return %select_n3A, %c0_i32 : i32, i32
  }
  func.func @transform_12(%arg0: i32, %arg1: i32) -> (i32, i32) {
    %eq3A = arith.constant 0 : i32
    %eq3A_0 = arith.cmpi eq, %arg0, %eq3A : i32
    %jit3A = arith.constant 7 : i32
    %select_n3A = arith.select %eq3A_0, %arg1, %jit3A : i32
    %c0_i32 = arith.constant 0 : i32
    %c0_i32_1 = arith.constant 0 : i32
    return %select_n3A, %c0_i32 : i32, i32
  }
}

module attributes {stable_mosaic.version = 14 : i64} {
  func.func @_layer_kernel_body(%arg0: i32, %arg1: i32, %arg2: memref<4096x128xf32, #tpu.memory_space<vmem>>, %arg3: memref<4096x4xf32, #tpu.memory_space<vmem>>, %arg4: memref<1024x3xf32, #tpu.memory_space<vmem>>, %arg5: memref<19x32xf32, #tpu.memory_space<vmem>>, %arg6: memref<1x96xf32, #tpu.memory_space<vmem>>, %arg7: memref<32x32xf32, #tpu.memory_space<vmem>>, %arg8: memref<1x96xf32, #tpu.memory_space<vmem>>, %arg9: memref<32x32xf32, #tpu.memory_space<vmem>>, %arg10: memref<1x96xf32, #tpu.memory_space<vmem>>, %arg11: memref<64x3xf32, #tpu.memory_space<vmem>>, %arg12: memref<1x3xf32, #tpu.memory_space<vmem>>, %arg13: memref<1024x128xf32, #tpu.memory_space<vmem>>, %arg14: memref<4096x4xf32, #tpu.memory_space<vmem>>, %arg15: memref<32768x32xf32, #tpu.memory_space<vmem>>, %arg16: memref<8x32xf32, #tpu.memory_space<vmem>>, %arg17: memref<8x32xf32, #tpu.memory_space<vmem>>, %arg18: memref<8x32xf32, #tpu.memory_space<vmem>>) attributes {dimension_semantics = [#tpu.dimension_semantics<arbitrary>, #tpu.dimension_semantics<arbitrary>], iteration_bounds = array<i64: 4, 8>, scalar_prefetch = 0 : i64, scratch_operands = 4 : i64, tpu.core_type = #tpu.core_type<tc>, window_params = [{transform_indices = @transform_0, window_bounds = array<i64: 4096, 128>}, {transform_indices = @transform_1, window_bounds = array<i64: 4096, 4>}, {transform_indices = @transform_2, window_bounds = array<i64: 1024, 3>}, {pipeline_mode = #tpu.pipeline_mode<synchronous>, transform_indices = @transform_3, window_bounds = array<i64: 19, 32>}, {pipeline_mode = #tpu.pipeline_mode<synchronous>, transform_indices = @transform_4, window_bounds = array<i64: 1, 96>}, {pipeline_mode = #tpu.pipeline_mode<synchronous>, transform_indices = @transform_5, window_bounds = array<i64: 32, 32>}, {pipeline_mode = #tpu.pipeline_mode<synchronous>, transform_indices = @transform_6, window_bounds = array<i64: 1, 96>}, {pipeline_mode = #tpu.pipeline_mode<synchronous>, transform_indices = @transform_7, window_bounds = array<i64: 32, 32>}, {pipeline_mode = #tpu.pipeline_mode<synchronous>, transform_indices = @transform_8, window_bounds = array<i64: 1, 96>}, {pipeline_mode = #tpu.pipeline_mode<synchronous>, transform_indices = @transform_9, window_bounds = array<i64: 64, 3>}, {pipeline_mode = #tpu.pipeline_mode<synchronous>, transform_indices = @transform_10, window_bounds = array<i64: 1, 3>}, {transform_indices = @transform_11, window_bounds = array<i64: 1024, 128>}, {transform_indices = @transform_12, window_bounds = array<i64: 4096, 4>}]} {
    %eq3A = arith.constant 0 : i32
    %eq3A_0 = arith.cmpi eq, %arg0, %eq3A : i32
    %convert_element_type3A = arith.extui %eq3A_0 : i1 to i32
    %cond3A = arith.constant 0 : i32
    %cond3A_1 = arith.cmpi ne, %convert_element_type3A, %cond3A : i32
    scf.if %cond3A_1 {
      %get3A = arith.constant 0 : index
      %get3A_17 = arith.constant 0 : index
      %get3A_18 = vector.load %arg2[%get3A, %get3A_17] : memref<4096x128xf32, #tpu.memory_space<vmem>>, vector<4096x128xf32>
      %slice3A = vector.extract_strided_slice %get3A_18 {offsets = [0, 0], sizes = [4096, 16], strides = [1, 1]} : vector<4096x128xf32> to vector<4096x16xf32>
      %get3A_19 = arith.constant 0 : index
      %get3A_20 = arith.constant 0 : index
      %get3A_21 = vector.load %arg3[%get3A_19, %get3A_20] : memref<4096x4xf32, #tpu.memory_space<vmem>>, vector<4096x4xf32>
      %slice3A_22 = vector.extract_strided_slice %get3A_21 {offsets = [0, 0], sizes = [4096, 3], strides = [1, 1]} : vector<4096x4xf32> to vector<4096x3xf32>
      %concatenate3A = tpu.concatenate %slice3A, %slice3A_22 in 1 : vector<4096x16xf32>, vector<4096x3xf32> -> vector<4096x19xf32>
      %get3A_23 = arith.constant 0 : index
      %get3A_24 = arith.constant 0 : index
      %get3A_25 = vector.load %arg5[%get3A_23, %get3A_24] : memref<19x32xf32, #tpu.memory_space<vmem>>, vector<19x32xf32>
      %convert_element_type3A_26 = arith.truncf %concatenate3A : vector<4096x19xf32> to vector<4096x19xbf16>
      %convert_element_type3A_27 = arith.truncf %get3A_25 : vector<19x32xf32> to vector<19x32xbf16>
      %dot_general3A = arith.constant dense<0.000000e+00> : vector<4096x32xf32>
      %dot_general3A_28 = tpu.matmul %convert_element_type3A_26, %convert_element_type3A_27, %dot_general3A {dimension_numbers = #tpu.dot_dimension_numbers<[1], [0], [0], [1], [0, 0, 1, 1], [], []>, transpose_lhs_hint = false} : vector<4096x19xbf16>, vector<19x32xbf16>, vector<4096x32xf32> -> vector<4096x32xf32>
      %get3A_29 = arith.constant 0 : index
      %get3A_30 = arith.constant 0 : index
      %get3A_31 = vector.load %arg6[%get3A_29, %get3A_30] : memref<1x96xf32, #tpu.memory_space<vmem>>, vector<1x96xf32>
      %slice3A_32 = vector.extract_strided_slice %get3A_31 {offsets = [0, 0], sizes = [1, 32], strides = [1, 1]} : vector<1x96xf32> to vector<1x32xf32>
      %add3A = vector.broadcast %slice3A_32 : vector<1x32xf32> to vector<4096x32xf32>
      %add3A_33 = arith.addf %dot_general3A_28, %add3A : vector<4096x32xf32>
      %mul3A = arith.constant 4096 : i32
      %mul3A_34 = arith.muli %arg1, %mul3A : i32
      %swap3A = arith.index_cast %mul3A_34 : i32 to index
      %swap3A_35 = arith.constant 0 : index
      %swap3A_36 = vector.load %arg15[%swap3A, %swap3A_35] : memref<32768x32xf32, #tpu.memory_space<vmem>>, vector<4096x32xf32>
      tpu.vector_store %arg15[%swap3A, %swap3A_35], %add3A_33 {strides = array<i32>} : memref<32768x32xf32, #tpu.memory_space<vmem>>, vector<4096x32xf32>,
      %reduce_sum3A = arith.constant dense<0.000000e+00> : vector<32xf32>
      %reduce_sum3A_37 = vector.multi_reduction <add>, %add3A_33, %reduce_sum3A [0] : vector<4096x32xf32> to vector<32xf32>
      %broadcast_in_dim3A = vector.shape_cast %reduce_sum3A_37 : vector<32xf32> to vector<1x32xf32>
      %mul3A_38 = arith.mulf %add3A_33, %add3A_33 : vector<4096x32xf32>
      %reduce_sum3A_39 = arith.constant dense<0.000000e+00> : vector<32xf32>
      %reduce_sum3A_40 = vector.multi_reduction <add>, %mul3A_38, %reduce_sum3A_39 [0] : vector<4096x32xf32> to vector<32xf32>
      %broadcast_in_dim3A_41 = vector.shape_cast %reduce_sum3A_40 : vector<32xf32> to vector<1x32xf32>
      %broadcast_in_dim3A_42 = arith.constant 0.000000e+00 : f32
      %broadcast_in_dim3A_43 = vector.broadcast %broadcast_in_dim3A_42 : f32 to vector<6x32xf32>
      %concatenate3A_44 = tpu.concatenate %broadcast_in_dim3A, %broadcast_in_dim3A_41, %broadcast_in_dim3A_43 in 0 : vector<1x32xf32>, vector<1x32xf32>, vector<6x32xf32> -> vector<8x32xf32>
      %eq3A_45 = arith.constant 0 : i32
      %eq3A_46 = arith.cmpi eq, %arg1, %eq3A_45 : i32
      %convert_element_type3A_47 = arith.extui %eq3A_46 : i1 to i32
      %cond3A_48 = arith.constant 0 : i32
      %cond3A_49 = arith.cmpi ne, %convert_element_type3A_47, %cond3A_48 : i32
      scf.if %cond3A_49 {
        %swap3A_54 = arith.constant 0 : index
        %swap3A_55 = arith.constant 0 : index
        %swap3A_56 = vector.load %arg16[%swap3A_54, %swap3A_55] : memref<8x32xf32, #tpu.memory_space<vmem>>, vector<8x32xf32>
        tpu.vector_store %arg16[%swap3A_54, %swap3A_55], %concatenate3A_44 {strides = array<i32>} : memref<8x32xf32, #tpu.memory_space<vmem>>, vector<8x32xf32>,
      } else {
      }
      %ne3A = arith.constant 0 : i32
      %ne3A_50 = arith.cmpi ne, %arg1, %ne3A : i32
      %convert_element_type3A_51 = arith.extui %ne3A_50 : i1 to i32
      %cond3A_52 = arith.constant 0 : i32
      %cond3A_53 = arith.cmpi ne, %convert_element_type3A_51, %cond3A_52 : i32
      scf.if %cond3A_53 {
        %get3A_54 = arith.constant 0 : index
        %get3A_55 = arith.constant 0 : index
        %get3A_56 = vector.load %arg16[%get3A_54, %get3A_55] : memref<8x32xf32, #tpu.memory_space<vmem>>, vector<8x32xf32>
        %add3A_57 = arith.addf %get3A_56, %concatenate3A_44 : vector<8x32xf32>
        %swap3A_58 = arith.constant 0 : index
        %swap3A_59 = arith.constant 0 : index
        %swap3A_60 = vector.load %arg16[%swap3A_58, %swap3A_59] : memref<8x32xf32, #tpu.memory_space<vmem>>, vector<8x32xf32>
        tpu.vector_store %arg16[%swap3A_58, %swap3A_59], %add3A_57 {strides = array<i32>} : memref<8x32xf32, #tpu.memory_space<vmem>>, vector<8x32xf32>,
      } else {
      }
    } else {
    }
    %eq3A_2 = arith.constant 1 : i32
    %eq3A_3 = arith.cmpi eq, %arg0, %eq3A_2 : i32
    %convert_element_type3A_4 = arith.extui %eq3A_3 : i1 to i32
    %cond3A_5 = arith.constant 0 : i32
    %cond3A_6 = arith.cmpi ne, %convert_element_type3A_4, %cond3A_5 : i32
    scf.if %cond3A_6 {
      %mul3A = arith.constant 4096 : i32
      %mul3A_17 = arith.muli %arg1, %mul3A : i32
      %get3A = arith.index_cast %mul3A_17 : i32 to index
      %get3A_18 = arith.constant 0 : index
      %get3A_19 = vector.load %arg15[%get3A, %get3A_18] : memref<32768x32xf32, #tpu.memory_space<vmem>>, vector<4096x32xf32>
      %get3A_20 = arith.constant 0 : index
      %get3A_21 = arith.constant 0 : index
      %get3A_22 = vector.load %arg16[%get3A_20, %get3A_21] : memref<8x32xf32, #tpu.memory_space<vmem>>, vector<8x32xf32>
      %get3A_23 = arith.constant 0 : index
      %get3A_24 = arith.constant 0 : index
      %get3A_25 = vector.load %arg6[%get3A_23, %get3A_24] : memref<1x96xf32, #tpu.memory_space<vmem>>, vector<1x96xf32>
      %slice3A = vector.extract_strided_slice %get3A_22 {offsets = [0, 0], sizes = [1, 32], strides = [1, 1]} : vector<8x32xf32> to vector<1x32xf32>
      %mul3A_26 = arith.constant 3.05175781E-5 : f32
      %mul3A_27 = vector.broadcast %mul3A_26 : f32 to vector<1x32xf32>
      %mul3A_28 = arith.mulf %slice3A, %mul3A_27 : vector<1x32xf32>
      %slice3A_29 = vector.extract_strided_slice %get3A_22 {offsets = [1, 0], sizes = [1, 32], strides = [1, 1]} : vector<8x32xf32> to vector<1x32xf32>
      %mul3A_30 = arith.constant 3.05175781E-5 : f32
      %mul3A_31 = vector.broadcast %mul3A_30 : f32 to vector<1x32xf32>
      %mul3A_32 = arith.mulf %slice3A_29, %mul3A_31 : vector<1x32xf32>
      %mul3A_33 = arith.mulf %mul3A_28, %mul3A_28 : vector<1x32xf32>
      %sub3A = arith.subf %mul3A_32, %mul3A_33 : vector<1x32xf32>
      %slice3A_34 = vector.extract_strided_slice %get3A_25 {offsets = [0, 32], sizes = [1, 32], strides = [1, 1]} : vector<1x96xf32> to vector<1x32xf32>
      %slice3A_35 = vector.extract_strided_slice %get3A_25 {offsets = [0, 64], sizes = [1, 32], strides = [1, 1]} : vector<1x96xf32> to vector<1x32xf32>
      %sub3A_36 = vector.broadcast %mul3A_28 : vector<1x32xf32> to vector<4096x32xf32>
      %sub3A_37 = arith.subf %get3A_19, %sub3A_36 : vector<4096x32xf32>
      %add3A = arith.constant 9.99999974E-6 : f32
      %add3A_38 = vector.broadcast %add3A : f32 to vector<1x32xf32>
      %add3A_39 = arith.addf %sub3A, %add3A_38 : vector<1x32xf32>
      %sqrt3A = math.sqrt %add3A_39 : vector<1x32xf32>
      %div3A = vector.broadcast %sqrt3A : vector<1x32xf32> to vector<4096x32xf32>
      %div3A_40 = arith.divf %sub3A_37, %div3A : vector<4096x32xf32>
      %mul3A_41 = vector.broadcast %slice3A_34 : vector<1x32xf32> to vector<4096x32xf32>
      %mul3A_42 = arith.mulf %div3A_40, %mul3A_41 : vector<4096x32xf32>
      %add3A_43 = vector.broadcast %slice3A_35 : vector<1x32xf32> to vector<4096x32xf32>
      %add3A_44 = arith.addf %mul3A_42, %add3A_43 : vector<4096x32xf32>
      %ge3A = arith.constant 0.000000e+00 : f32
      %ge3A_45 = vector.broadcast %ge3A : f32 to vector<4096x32xf32>
      %ge3A_46 = arith.cmpf oge, %add3A_44, %ge3A_45 : vector<4096x32xf32>
      %mul3A_47 = arith.constant 1.000000e-01 : f32
      %mul3A_48 = vector.broadcast %mul3A_47 : f32 to vector<4096x32xf32>
      %mul3A_49 = arith.mulf %mul3A_48, %add3A_44 : vector<4096x32xf32>
      %select_n3A = arith.select %ge3A_46, %add3A_44, %mul3A_49 : vector<4096x32xi1>, vector<4096x32xf32>
      %get3A_50 = arith.constant 0 : index
      %get3A_51 = arith.constant 0 : index
      %get3A_52 = vector.load %arg7[%get3A_50, %get3A_51] : memref<32x32xf32, #tpu.memory_space<vmem>>, vector<32x32xf32>
      %convert_element_type3A_53 = arith.truncf %select_n3A : vector<4096x32xf32> to vector<4096x32xbf16>
      %convert_element_type3A_54 = arith.truncf %get3A_52 : vector<32x32xf32> to vector<32x32xbf16>
      %dot_general3A = arith.constant dense<0.000000e+00> : vector<4096x32xf32>
      %dot_general3A_55 = tpu.matmul %convert_element_type3A_53, %convert_element_type3A_54, %dot_general3A {dimension_numbers = #tpu.dot_dimension_numbers<[1], [0], [0], [1], [0, 0, 1, 1], [], []>, transpose_lhs_hint = false} : vector<4096x32xbf16>, vector<32x32xbf16>, vector<4096x32xf32> -> vector<4096x32xf32>
      %get3A_56 = arith.constant 0 : index
      %get3A_57 = arith.constant 0 : index
      %get3A_58 = vector.load %arg8[%get3A_56, %get3A_57] : memref<1x96xf32, #tpu.memory_space<vmem>>, vector<1x96xf32>
      %slice3A_59 = vector.extract_strided_slice %get3A_58 {offsets = [0, 0], sizes = [1, 32], strides = [1, 1]} : vector<1x96xf32> to vector<1x32xf32>
      %add3A_60 = vector.broadcast %slice3A_59 : vector<1x32xf32> to vector<4096x32xf32>
      %add3A_61 = arith.addf %dot_general3A_55, %add3A_60 : vector<4096x32xf32>
      %mul3A_62 = arith.constant 4096 : i32
      %mul3A_63 = arith.muli %arg1, %mul3A_62 : i32
      %swap3A = arith.index_cast %mul3A_63 : i32 to index
      %swap3A_64 = arith.constant 0 : index
      %swap3A_65 = vector.load %arg15[%swap3A, %swap3A_64] : memref<32768x32xf32, #tpu.memory_space<vmem>>, vector<4096x32xf32>
      tpu.vector_store %arg15[%swap3A, %swap3A_64], %add3A_61 {strides = array<i32>} : memref<32768x32xf32, #tpu.memory_space<vmem>>, vector<4096x32xf32>,
      %reduce_sum3A = arith.constant dense<0.000000e+00> : vector<32xf32>
      %reduce_sum3A_66 = vector.multi_reduction <add>, %add3A_61, %reduce_sum3A [0] : vector<4096x32xf32> to vector<32xf32>
      %broadcast_in_dim3A = vector.shape_cast %reduce_sum3A_66 : vector<32xf32> to vector<1x32xf32>
      %mul3A_67 = arith.mulf %add3A_61, %add3A_61 : vector<4096x32xf32>
      %reduce_sum3A_68 = arith.constant dense<0.000000e+00> : vector<32xf32>
      %reduce_sum3A_69 = vector.multi_reduction <add>, %mul3A_67, %reduce_sum3A_68 [0] : vector<4096x32xf32> to vector<32xf32>
      %broadcast_in_dim3A_70 = vector.shape_cast %reduce_sum3A_69 : vector<32xf32> to vector<1x32xf32>
      %broadcast_in_dim3A_71 = arith.constant 0.000000e+00 : f32
      %broadcast_in_dim3A_72 = vector.broadcast %broadcast_in_dim3A_71 : f32 to vector<6x32xf32>
      %concatenate3A = tpu.concatenate %broadcast_in_dim3A, %broadcast_in_dim3A_70, %broadcast_in_dim3A_72 in 0 : vector<1x32xf32>, vector<1x32xf32>, vector<6x32xf32> -> vector<8x32xf32>
      %eq3A_73 = arith.constant 0 : i32
      %eq3A_74 = arith.cmpi eq, %arg1, %eq3A_73 : i32
      %convert_element_type3A_75 = arith.extui %eq3A_74 : i1 to i32
      %cond3A_76 = arith.constant 0 : i32
      %cond3A_77 = arith.cmpi ne, %convert_element_type3A_75, %cond3A_76 : i32
      scf.if %cond3A_77 {
        %swap3A_82 = arith.constant 0 : index
        %swap3A_83 = arith.constant 0 : index
        %swap3A_84 = vector.load %arg17[%swap3A_82, %swap3A_83] : memref<8x32xf32, #tpu.memory_space<vmem>>, vector<8x32xf32>
        tpu.vector_store %arg17[%swap3A_82, %swap3A_83], %concatenate3A {strides = array<i32>} : memref<8x32xf32, #tpu.memory_space<vmem>>, vector<8x32xf32>,
      } else {
      }
      %ne3A = arith.constant 0 : i32
      %ne3A_78 = arith.cmpi ne, %arg1, %ne3A : i32
      %convert_element_type3A_79 = arith.extui %ne3A_78 : i1 to i32
      %cond3A_80 = arith.constant 0 : i32
      %cond3A_81 = arith.cmpi ne, %convert_element_type3A_79, %cond3A_80 : i32
      scf.if %cond3A_81 {
        %get3A_82 = arith.constant 0 : index
        %get3A_83 = arith.constant 0 : index
        %get3A_84 = vector.load %arg17[%get3A_82, %get3A_83] : memref<8x32xf32, #tpu.memory_space<vmem>>, vector<8x32xf32>
        %add3A_85 = arith.addf %get3A_84, %concatenate3A : vector<8x32xf32>
        %swap3A_86 = arith.constant 0 : index
        %swap3A_87 = arith.constant 0 : index
        %swap3A_88 = vector.load %arg17[%swap3A_86, %swap3A_87] : memref<8x32xf32, #tpu.memory_space<vmem>>, vector<8x32xf32>
        tpu.vector_store %arg17[%swap3A_86, %swap3A_87], %add3A_85 {strides = array<i32>} : memref<8x32xf32, #tpu.memory_space<vmem>>, vector<8x32xf32>,
      } else {
      }
    } else {
    }
    %eq3A_7 = arith.constant 2 : i32
    %eq3A_8 = arith.cmpi eq, %arg0, %eq3A_7 : i32
    %convert_element_type3A_9 = arith.extui %eq3A_8 : i1 to i32
    %cond3A_10 = arith.constant 0 : i32
    %cond3A_11 = arith.cmpi ne, %convert_element_type3A_9, %cond3A_10 : i32
    scf.if %cond3A_11 {
      %mul3A = arith.constant 4096 : i32
      %mul3A_17 = arith.muli %arg1, %mul3A : i32
      %get3A = arith.index_cast %mul3A_17 : i32 to index
      %get3A_18 = arith.constant 0 : index
      %get3A_19 = vector.load %arg15[%get3A, %get3A_18] : memref<32768x32xf32, #tpu.memory_space<vmem>>, vector<4096x32xf32>
      %get3A_20 = arith.constant 0 : index
      %get3A_21 = arith.constant 0 : index
      %get3A_22 = vector.load %arg17[%get3A_20, %get3A_21] : memref<8x32xf32, #tpu.memory_space<vmem>>, vector<8x32xf32>
      %get3A_23 = arith.constant 0 : index
      %get3A_24 = arith.constant 0 : index
      %get3A_25 = vector.load %arg8[%get3A_23, %get3A_24] : memref<1x96xf32, #tpu.memory_space<vmem>>, vector<1x96xf32>
      %slice3A = vector.extract_strided_slice %get3A_22 {offsets = [0, 0], sizes = [1, 32], strides = [1, 1]} : vector<8x32xf32> to vector<1x32xf32>
      %mul3A_26 = arith.constant 3.05175781E-5 : f32
      %mul3A_27 = vector.broadcast %mul3A_26 : f32 to vector<1x32xf32>
      %mul3A_28 = arith.mulf %slice3A, %mul3A_27 : vector<1x32xf32>
      %slice3A_29 = vector.extract_strided_slice %get3A_22 {offsets = [1, 0], sizes = [1, 32], strides = [1, 1]} : vector<8x32xf32> to vector<1x32xf32>
      %mul3A_30 = arith.constant 3.05175781E-5 : f32
      %mul3A_31 = vector.broadcast %mul3A_30 : f32 to vector<1x32xf32>
      %mul3A_32 = arith.mulf %slice3A_29, %mul3A_31 : vector<1x32xf32>
      %mul3A_33 = arith.mulf %mul3A_28, %mul3A_28 : vector<1x32xf32>
      %sub3A = arith.subf %mul3A_32, %mul3A_33 : vector<1x32xf32>
      %slice3A_34 = vector.extract_strided_slice %get3A_25 {offsets = [0, 32], sizes = [1, 32], strides = [1, 1]} : vector<1x96xf32> to vector<1x32xf32>
      %slice3A_35 = vector.extract_strided_slice %get3A_25 {offsets = [0, 64], sizes = [1, 32], strides = [1, 1]} : vector<1x96xf32> to vector<1x32xf32>
      %sub3A_36 = vector.broadcast %mul3A_28 : vector<1x32xf32> to vector<4096x32xf32>
      %sub3A_37 = arith.subf %get3A_19, %sub3A_36 : vector<4096x32xf32>
      %add3A = arith.constant 9.99999974E-6 : f32
      %add3A_38 = vector.broadcast %add3A : f32 to vector<1x32xf32>
      %add3A_39 = arith.addf %sub3A, %add3A_38 : vector<1x32xf32>
      %sqrt3A = math.sqrt %add3A_39 : vector<1x32xf32>
      %div3A = vector.broadcast %sqrt3A : vector<1x32xf32> to vector<4096x32xf32>
      %div3A_40 = arith.divf %sub3A_37, %div3A : vector<4096x32xf32>
      %mul3A_41 = vector.broadcast %slice3A_34 : vector<1x32xf32> to vector<4096x32xf32>
      %mul3A_42 = arith.mulf %div3A_40, %mul3A_41 : vector<4096x32xf32>
      %add3A_43 = vector.broadcast %slice3A_35 : vector<1x32xf32> to vector<4096x32xf32>
      %add3A_44 = arith.addf %mul3A_42, %add3A_43 : vector<4096x32xf32>
      %ge3A = arith.constant 0.000000e+00 : f32
      %ge3A_45 = vector.broadcast %ge3A : f32 to vector<4096x32xf32>
      %ge3A_46 = arith.cmpf oge, %add3A_44, %ge3A_45 : vector<4096x32xf32>
      %mul3A_47 = arith.constant 1.000000e-01 : f32
      %mul3A_48 = vector.broadcast %mul3A_47 : f32 to vector<4096x32xf32>
      %mul3A_49 = arith.mulf %mul3A_48, %add3A_44 : vector<4096x32xf32>
      %select_n3A = arith.select %ge3A_46, %add3A_44, %mul3A_49 : vector<4096x32xi1>, vector<4096x32xf32>
      %get3A_50 = arith.constant 0 : index
      %get3A_51 = arith.constant 0 : index
      %get3A_52 = vector.load %arg9[%get3A_50, %get3A_51] : memref<32x32xf32, #tpu.memory_space<vmem>>, vector<32x32xf32>
      %convert_element_type3A_53 = arith.truncf %select_n3A : vector<4096x32xf32> to vector<4096x32xbf16>
      %convert_element_type3A_54 = arith.truncf %get3A_52 : vector<32x32xf32> to vector<32x32xbf16>
      %dot_general3A = arith.constant dense<0.000000e+00> : vector<4096x32xf32>
      %dot_general3A_55 = tpu.matmul %convert_element_type3A_53, %convert_element_type3A_54, %dot_general3A {dimension_numbers = #tpu.dot_dimension_numbers<[1], [0], [0], [1], [0, 0, 1, 1], [], []>, transpose_lhs_hint = false} : vector<4096x32xbf16>, vector<32x32xbf16>, vector<4096x32xf32> -> vector<4096x32xf32>
      %get3A_56 = arith.constant 0 : index
      %get3A_57 = arith.constant 0 : index
      %get3A_58 = vector.load %arg10[%get3A_56, %get3A_57] : memref<1x96xf32, #tpu.memory_space<vmem>>, vector<1x96xf32>
      %slice3A_59 = vector.extract_strided_slice %get3A_58 {offsets = [0, 0], sizes = [1, 32], strides = [1, 1]} : vector<1x96xf32> to vector<1x32xf32>
      %add3A_60 = vector.broadcast %slice3A_59 : vector<1x32xf32> to vector<4096x32xf32>
      %add3A_61 = arith.addf %dot_general3A_55, %add3A_60 : vector<4096x32xf32>
      %mul3A_62 = arith.constant 4096 : i32
      %mul3A_63 = arith.muli %arg1, %mul3A_62 : i32
      %swap3A = arith.index_cast %mul3A_63 : i32 to index
      %swap3A_64 = arith.constant 0 : index
      %swap3A_65 = vector.load %arg15[%swap3A, %swap3A_64] : memref<32768x32xf32, #tpu.memory_space<vmem>>, vector<4096x32xf32>
      tpu.vector_store %arg15[%swap3A, %swap3A_64], %add3A_61 {strides = array<i32>} : memref<32768x32xf32, #tpu.memory_space<vmem>>, vector<4096x32xf32>,
      %reduce_sum3A = arith.constant dense<0.000000e+00> : vector<32xf32>
      %reduce_sum3A_66 = vector.multi_reduction <add>, %add3A_61, %reduce_sum3A [0] : vector<4096x32xf32> to vector<32xf32>
      %broadcast_in_dim3A = vector.shape_cast %reduce_sum3A_66 : vector<32xf32> to vector<1x32xf32>
      %mul3A_67 = arith.mulf %add3A_61, %add3A_61 : vector<4096x32xf32>
      %reduce_sum3A_68 = arith.constant dense<0.000000e+00> : vector<32xf32>
      %reduce_sum3A_69 = vector.multi_reduction <add>, %mul3A_67, %reduce_sum3A_68 [0] : vector<4096x32xf32> to vector<32xf32>
      %broadcast_in_dim3A_70 = vector.shape_cast %reduce_sum3A_69 : vector<32xf32> to vector<1x32xf32>
      %broadcast_in_dim3A_71 = arith.constant 0.000000e+00 : f32
      %broadcast_in_dim3A_72 = vector.broadcast %broadcast_in_dim3A_71 : f32 to vector<6x32xf32>
      %concatenate3A = tpu.concatenate %broadcast_in_dim3A, %broadcast_in_dim3A_70, %broadcast_in_dim3A_72 in 0 : vector<1x32xf32>, vector<1x32xf32>, vector<6x32xf32> -> vector<8x32xf32>
      %eq3A_73 = arith.constant 0 : i32
      %eq3A_74 = arith.cmpi eq, %arg1, %eq3A_73 : i32
      %convert_element_type3A_75 = arith.extui %eq3A_74 : i1 to i32
      %cond3A_76 = arith.constant 0 : i32
      %cond3A_77 = arith.cmpi ne, %convert_element_type3A_75, %cond3A_76 : i32
      scf.if %cond3A_77 {
        %swap3A_82 = arith.constant 0 : index
        %swap3A_83 = arith.constant 0 : index
        %swap3A_84 = vector.load %arg18[%swap3A_82, %swap3A_83] : memref<8x32xf32, #tpu.memory_space<vmem>>, vector<8x32xf32>
        tpu.vector_store %arg18[%swap3A_82, %swap3A_83], %concatenate3A {strides = array<i32>} : memref<8x32xf32, #tpu.memory_space<vmem>>, vector<8x32xf32>,
      } else {
      }
      %ne3A = arith.constant 0 : i32
      %ne3A_78 = arith.cmpi ne, %arg1, %ne3A : i32
      %convert_element_type3A_79 = arith.extui %ne3A_78 : i1 to i32
      %cond3A_80 = arith.constant 0 : i32
      %cond3A_81 = arith.cmpi ne, %convert_element_type3A_79, %cond3A_80 : i32
      scf.if %cond3A_81 {
        %get3A_82 = arith.constant 0 : index
        %get3A_83 = arith.constant 0 : index
        %get3A_84 = vector.load %arg18[%get3A_82, %get3A_83] : memref<8x32xf32, #tpu.memory_space<vmem>>, vector<8x32xf32>
        %add3A_85 = arith.addf %get3A_84, %concatenate3A : vector<8x32xf32>
        %swap3A_86 = arith.constant 0 : index
        %swap3A_87 = arith.constant 0 : index
        %swap3A_88 = vector.load %arg18[%swap3A_86, %swap3A_87] : memref<8x32xf32, #tpu.memory_space<vmem>>, vector<8x32xf32>
        tpu.vector_store %arg18[%swap3A_86, %swap3A_87], %add3A_85 {strides = array<i32>} : memref<8x32xf32, #tpu.memory_space<vmem>>, vector<8x32xf32>,
      } else {
      }
    } else {
    }
    %eq3A_12 = arith.constant 3 : i32
    %eq3A_13 = arith.cmpi eq, %arg0, %eq3A_12 : i32
    %convert_element_type3A_14 = arith.extui %eq3A_13 : i1 to i32
    %cond3A_15 = arith.constant 0 : i32
    %cond3A_16 = arith.cmpi ne, %convert_element_type3A_14, %cond3A_15 : i32
    scf.if %cond3A_16 {
      %get3A = arith.constant 0 : index
      %get3A_17 = arith.constant 0 : index
      %get3A_18 = vector.load %arg18[%get3A, %get3A_17] : memref<8x32xf32, #tpu.memory_space<vmem>>, vector<8x32xf32>
      %get3A_19 = arith.constant 0 : index
      %get3A_20 = arith.constant 0 : index
      %get3A_21 = vector.load %arg10[%get3A_19, %get3A_20] : memref<1x96xf32, #tpu.memory_space<vmem>>, vector<1x96xf32>
      %mul3A = arith.constant 1024 : i32
      %mul3A_22 = arith.muli %arg1, %mul3A : i32
      %add3A = arith.constant 0 : i32
      %add3A_23 = arith.addi %add3A, %mul3A_22 : i32
      %get3A_24 = arith.index_cast %add3A_23 : i32 to index
      %get3A_25 = arith.constant 0 : index
      %get3A_26 = vector.load %arg15[%get3A_24, %get3A_25] : memref<32768x32xf32, #tpu.memory_space<vmem>>, vector<1024x32xf32>
      %slice3A = vector.extract_strided_slice %get3A_18 {offsets = [0, 0], sizes = [1, 32], strides = [1, 1]} : vector<8x32xf32> to vector<1x32xf32>
      %mul3A_27 = arith.constant 3.05175781E-5 : f32
      %mul3A_28 = vector.broadcast %mul3A_27 : f32 to vector<1x32xf32>
      %mul3A_29 = arith.mulf %slice3A, %mul3A_28 : vector<1x32xf32>
      %slice3A_30 = vector.extract_strided_slice %get3A_18 {offsets = [1, 0], sizes = [1, 32], strides = [1, 1]} : vector<8x32xf32> to vector<1x32xf32>
      %mul3A_31 = arith.constant 3.05175781E-5 : f32
      %mul3A_32 = vector.broadcast %mul3A_31 : f32 to vector<1x32xf32>
      %mul3A_33 = arith.mulf %slice3A_30, %mul3A_32 : vector<1x32xf32>
      %mul3A_34 = arith.mulf %mul3A_29, %mul3A_29 : vector<1x32xf32>
      %sub3A = arith.subf %mul3A_33, %mul3A_34 : vector<1x32xf32>
      %slice3A_35 = vector.extract_strided_slice %get3A_21 {offsets = [0, 32], sizes = [1, 32], strides = [1, 1]} : vector<1x96xf32> to vector<1x32xf32>
      %slice3A_36 = vector.extract_strided_slice %get3A_21 {offsets = [0, 64], sizes = [1, 32], strides = [1, 1]} : vector<1x96xf32> to vector<1x32xf32>
      %sub3A_37 = vector.broadcast %mul3A_29 : vector<1x32xf32> to vector<1024x32xf32>
      %sub3A_38 = arith.subf %get3A_26, %sub3A_37 : vector<1024x32xf32>
      %add3A_39 = arith.constant 9.99999974E-6 : f32
      %add3A_40 = vector.broadcast %add3A_39 : f32 to vector<1x32xf32>
      %add3A_41 = arith.addf %sub3A, %add3A_40 : vector<1x32xf32>
      %sqrt3A = math.sqrt %add3A_41 : vector<1x32xf32>
      %div3A = vector.broadcast %sqrt3A : vector<1x32xf32> to vector<1024x32xf32>
      %div3A_42 = arith.divf %sub3A_38, %div3A : vector<1024x32xf32>
      %mul3A_43 = vector.broadcast %slice3A_35 : vector<1x32xf32> to vector<1024x32xf32>
      %mul3A_44 = arith.mulf %div3A_42, %mul3A_43 : vector<1024x32xf32>
      %add3A_45 = vector.broadcast %slice3A_36 : vector<1x32xf32> to vector<1024x32xf32>
      %add3A_46 = arith.addf %mul3A_44, %add3A_45 : vector<1024x32xf32>
      %ge3A = arith.constant 0.000000e+00 : f32
      %ge3A_47 = vector.broadcast %ge3A : f32 to vector<1024x32xf32>
      %ge3A_48 = arith.cmpf oge, %add3A_46, %ge3A_47 : vector<1024x32xf32>
      %mul3A_49 = arith.constant 1.000000e-01 : f32
      %mul3A_50 = vector.broadcast %mul3A_49 : f32 to vector<1024x32xf32>
      %mul3A_51 = arith.mulf %mul3A_50, %add3A_46 : vector<1024x32xf32>
      %select_n3A = arith.select %ge3A_48, %add3A_46, %mul3A_51 : vector<1024x32xi1>, vector<1024x32xf32>
      %mul3A_52 = arith.constant 1024 : i32
      %mul3A_53 = arith.muli %arg1, %mul3A_52 : i32
      %add3A_54 = arith.constant 8192 : i32
      %add3A_55 = arith.addi %add3A_54, %mul3A_53 : i32
      %get3A_56 = arith.index_cast %add3A_55 : i32 to index
      %get3A_57 = arith.constant 0 : index
      %get3A_58 = vector.load %arg15[%get3A_56, %get3A_57] : memref<32768x32xf32, #tpu.memory_space<vmem>>, vector<1024x32xf32>
      %slice3A_59 = vector.extract_strided_slice %get3A_18 {offsets = [0, 0], sizes = [1, 32], strides = [1, 1]} : vector<8x32xf32> to vector<1x32xf32>
      %mul3A_60 = arith.constant 3.05175781E-5 : f32
      %mul3A_61 = vector.broadcast %mul3A_60 : f32 to vector<1x32xf32>
      %mul3A_62 = arith.mulf %slice3A_59, %mul3A_61 : vector<1x32xf32>
      %slice3A_63 = vector.extract_strided_slice %get3A_18 {offsets = [1, 0], sizes = [1, 32], strides = [1, 1]} : vector<8x32xf32> to vector<1x32xf32>
      %mul3A_64 = arith.constant 3.05175781E-5 : f32
      %mul3A_65 = vector.broadcast %mul3A_64 : f32 to vector<1x32xf32>
      %mul3A_66 = arith.mulf %slice3A_63, %mul3A_65 : vector<1x32xf32>
      %mul3A_67 = arith.mulf %mul3A_62, %mul3A_62 : vector<1x32xf32>
      %sub3A_68 = arith.subf %mul3A_66, %mul3A_67 : vector<1x32xf32>
      %slice3A_69 = vector.extract_strided_slice %get3A_21 {offsets = [0, 32], sizes = [1, 32], strides = [1, 1]} : vector<1x96xf32> to vector<1x32xf32>
      %slice3A_70 = vector.extract_strided_slice %get3A_21 {offsets = [0, 64], sizes = [1, 32], strides = [1, 1]} : vector<1x96xf32> to vector<1x32xf32>
      %sub3A_71 = vector.broadcast %mul3A_62 : vector<1x32xf32> to vector<1024x32xf32>
      %sub3A_72 = arith.subf %get3A_58, %sub3A_71 : vector<1024x32xf32>
      %add3A_73 = arith.constant 9.99999974E-6 : f32
      %add3A_74 = vector.broadcast %add3A_73 : f32 to vector<1x32xf32>
      %add3A_75 = arith.addf %sub3A_68, %add3A_74 : vector<1x32xf32>
      %sqrt3A_76 = math.sqrt %add3A_75 : vector<1x32xf32>
      %div3A_77 = vector.broadcast %sqrt3A_76 : vector<1x32xf32> to vector<1024x32xf32>
      %div3A_78 = arith.divf %sub3A_72, %div3A_77 : vector<1024x32xf32>
      %mul3A_79 = vector.broadcast %slice3A_69 : vector<1x32xf32> to vector<1024x32xf32>
      %mul3A_80 = arith.mulf %div3A_78, %mul3A_79 : vector<1024x32xf32>
      %add3A_81 = vector.broadcast %slice3A_70 : vector<1x32xf32> to vector<1024x32xf32>
      %add3A_82 = arith.addf %mul3A_80, %add3A_81 : vector<1024x32xf32>
      %ge3A_83 = arith.constant 0.000000e+00 : f32
      %ge3A_84 = vector.broadcast %ge3A_83 : f32 to vector<1024x32xf32>
      %ge3A_85 = arith.cmpf oge, %add3A_82, %ge3A_84 : vector<1024x32xf32>
      %mul3A_86 = arith.constant 1.000000e-01 : f32
      %mul3A_87 = vector.broadcast %mul3A_86 : f32 to vector<1024x32xf32>
      %mul3A_88 = arith.mulf %mul3A_87, %add3A_82 : vector<1024x32xf32>
      %select_n3A_89 = arith.select %ge3A_85, %add3A_82, %mul3A_88 : vector<1024x32xi1>, vector<1024x32xf32>
      %mul3A_90 = arith.constant 1024 : i32
      %mul3A_91 = arith.muli %arg1, %mul3A_90 : i32
      %add3A_92 = arith.constant 16384 : i32
      %add3A_93 = arith.addi %add3A_92, %mul3A_91 : i32
      %get3A_94 = arith.index_cast %add3A_93 : i32 to index
      %get3A_95 = arith.constant 0 : index
      %get3A_96 = vector.load %arg15[%get3A_94, %get3A_95] : memref<32768x32xf32, #tpu.memory_space<vmem>>, vector<1024x32xf32>
      %slice3A_97 = vector.extract_strided_slice %get3A_18 {offsets = [0, 0], sizes = [1, 32], strides = [1, 1]} : vector<8x32xf32> to vector<1x32xf32>
      %mul3A_98 = arith.constant 3.05175781E-5 : f32
      %mul3A_99 = vector.broadcast %mul3A_98 : f32 to vector<1x32xf32>
      %mul3A_100 = arith.mulf %slice3A_97, %mul3A_99 : vector<1x32xf32>
      %slice3A_101 = vector.extract_strided_slice %get3A_18 {offsets = [1, 0], sizes = [1, 32], strides = [1, 1]} : vector<8x32xf32> to vector<1x32xf32>
      %mul3A_102 = arith.constant 3.05175781E-5 : f32
      %mul3A_103 = vector.broadcast %mul3A_102 : f32 to vector<1x32xf32>
      %mul3A_104 = arith.mulf %slice3A_101, %mul3A_103 : vector<1x32xf32>
      %mul3A_105 = arith.mulf %mul3A_100, %mul3A_100 : vector<1x32xf32>
      %sub3A_106 = arith.subf %mul3A_104, %mul3A_105 : vector<1x32xf32>
      %slice3A_107 = vector.extract_strided_slice %get3A_21 {offsets = [0, 32], sizes = [1, 32], strides = [1, 1]} : vector<1x96xf32> to vector<1x32xf32>
      %slice3A_108 = vector.extract_strided_slice %get3A_21 {offsets = [0, 64], sizes = [1, 32], strides = [1, 1]} : vector<1x96xf32> to vector<1x32xf32>
      %sub3A_109 = vector.broadcast %mul3A_100 : vector<1x32xf32> to vector<1024x32xf32>
      %sub3A_110 = arith.subf %get3A_96, %sub3A_109 : vector<1024x32xf32>
      %add3A_111 = arith.constant 9.99999974E-6 : f32
      %add3A_112 = vector.broadcast %add3A_111 : f32 to vector<1x32xf32>
      %add3A_113 = arith.addf %sub3A_106, %add3A_112 : vector<1x32xf32>
      %sqrt3A_114 = math.sqrt %add3A_113 : vector<1x32xf32>
      %div3A_115 = vector.broadcast %sqrt3A_114 : vector<1x32xf32> to vector<1024x32xf32>
      %div3A_116 = arith.divf %sub3A_110, %div3A_115 : vector<1024x32xf32>
      %mul3A_117 = vector.broadcast %slice3A_107 : vector<1x32xf32> to vector<1024x32xf32>
      %mul3A_118 = arith.mulf %div3A_116, %mul3A_117 : vector<1024x32xf32>
      %add3A_119 = vector.broadcast %slice3A_108 : vector<1x32xf32> to vector<1024x32xf32>
      %add3A_120 = arith.addf %mul3A_118, %add3A_119 : vector<1024x32xf32>
      %ge3A_121 = arith.constant 0.000000e+00 : f32
      %ge3A_122 = vector.broadcast %ge3A_121 : f32 to vector<1024x32xf32>
      %ge3A_123 = arith.cmpf oge, %add3A_120, %ge3A_122 : vector<1024x32xf32>
      %mul3A_124 = arith.constant 1.000000e-01 : f32
      %mul3A_125 = vector.broadcast %mul3A_124 : f32 to vector<1024x32xf32>
      %mul3A_126 = arith.mulf %mul3A_125, %add3A_120 : vector<1024x32xf32>
      %select_n3A_127 = arith.select %ge3A_123, %add3A_120, %mul3A_126 : vector<1024x32xi1>, vector<1024x32xf32>
      %mul3A_128 = arith.constant 1024 : i32
      %mul3A_129 = arith.muli %arg1, %mul3A_128 : i32
      %add3A_130 = arith.constant 24576 : i32
      %add3A_131 = arith.addi %add3A_130, %mul3A_129 : i32
      %get3A_132 = arith.index_cast %add3A_131 : i32 to index
      %get3A_133 = arith.constant 0 : index
      %get3A_134 = vector.load %arg15[%get3A_132, %get3A_133] : memref<32768x32xf32, #tpu.memory_space<vmem>>, vector<1024x32xf32>
      %slice3A_135 = vector.extract_strided_slice %get3A_18 {offsets = [0, 0], sizes = [1, 32], strides = [1, 1]} : vector<8x32xf32> to vector<1x32xf32>
      %mul3A_136 = arith.constant 3.05175781E-5 : f32
      %mul3A_137 = vector.broadcast %mul3A_136 : f32 to vector<1x32xf32>
      %mul3A_138 = arith.mulf %slice3A_135, %mul3A_137 : vector<1x32xf32>
      %slice3A_139 = vector.extract_strided_slice %get3A_18 {offsets = [1, 0], sizes = [1, 32], strides = [1, 1]} : vector<8x32xf32> to vector<1x32xf32>
      %mul3A_140 = arith.constant 3.05175781E-5 : f32
      %mul3A_141 = vector.broadcast %mul3A_140 : f32 to vector<1x32xf32>
      %mul3A_142 = arith.mulf %slice3A_139, %mul3A_141 : vector<1x32xf32>
      %mul3A_143 = arith.mulf %mul3A_138, %mul3A_138 : vector<1x32xf32>
      %sub3A_144 = arith.subf %mul3A_142, %mul3A_143 : vector<1x32xf32>
      %slice3A_145 = vector.extract_strided_slice %get3A_21 {offsets = [0, 32], sizes = [1, 32], strides = [1, 1]} : vector<1x96xf32> to vector<1x32xf32>
      %slice3A_146 = vector.extract_strided_slice %get3A_21 {offsets = [0, 64], sizes = [1, 32], strides = [1, 1]} : vector<1x96xf32> to vector<1x32xf32>
      %sub3A_147 = vector.broadcast %mul3A_138 : vector<1x32xf32> to vector<1024x32xf32>
      %sub3A_148 = arith.subf %get3A_134, %sub3A_147 : vector<1024x32xf32>
      %add3A_149 = arith.constant 9.99999974E-6 : f32
      %add3A_150 = vector.broadcast %add3A_149 : f32 to vector<1x32xf32>
      %add3A_151 = arith.addf %sub3A_144, %add3A_150 : vector<1x32xf32>
      %sqrt3A_152 = math.sqrt %add3A_151 : vector<1x32xf32>
      %div3A_153 = vector.broadcast %sqrt3A_152 : vector<1x32xf32> to vector<1024x32xf32>
      %div3A_154 = arith.divf %sub3A_148, %div3A_153 : vector<1024x32xf32>
      %mul3A_155 = vector.broadcast %slice3A_145 : vector<1x32xf32> to vector<1024x32xf32>
      %mul3A_156 = arith.mulf %div3A_154, %mul3A_155 : vector<1024x32xf32>
      %add3A_157 = vector.broadcast %slice3A_146 : vector<1x32xf32> to vector<1024x32xf32>
      %add3A_158 = arith.addf %mul3A_156, %add3A_157 : vector<1024x32xf32>
      %ge3A_159 = arith.constant 0.000000e+00 : f32
      %ge3A_160 = vector.broadcast %ge3A_159 : f32 to vector<1024x32xf32>
      %ge3A_161 = arith.cmpf oge, %add3A_158, %ge3A_160 : vector<1024x32xf32>
      %mul3A_162 = arith.constant 1.000000e-01 : f32
      %mul3A_163 = vector.broadcast %mul3A_162 : f32 to vector<1024x32xf32>
      %mul3A_164 = arith.mulf %mul3A_163, %add3A_158 : vector<1024x32xf32>
      %select_n3A_165 = arith.select %ge3A_161, %add3A_158, %mul3A_164 : vector<1024x32xi1>, vector<1024x32xf32>
      %max3A = arith.maximumf %select_n3A, %select_n3A_89 : vector<1024x32xf32>
      %max3A_166 = arith.maximumf %select_n3A_127, %select_n3A_165 : vector<1024x32xf32>
      %max3A_167 = arith.maximumf %max3A, %max3A_166 : vector<1024x32xf32>
      %broadcast_in_dim3A = arith.constant 0.000000e+00 : f32
      %broadcast_in_dim3A_168 = vector.broadcast %broadcast_in_dim3A : f32 to vector<1024x96xf32>
      %concatenate3A = tpu.concatenate %max3A_167, %broadcast_in_dim3A_168 in 1 : vector<1024x32xf32>, vector<1024x96xf32> -> vector<1024x128xf32>
      %swap3A = arith.constant 0 : index
      %swap3A_169 = arith.constant 0 : index
      %swap3A_170 = vector.load %arg13[%swap3A, %swap3A_169] : memref<1024x128xf32, #tpu.memory_space<vmem>>, vector<1024x128xf32>
      tpu.vector_store %arg13[%swap3A, %swap3A_169], %concatenate3A {strides = array<i32>} : memref<1024x128xf32, #tpu.memory_space<vmem>>, vector<1024x128xf32>,
    } else {
    }
    return
  }
  func.func @transform_0(%arg0: i32, %arg1: i32) -> (i32, i32) {
    %eq3A = arith.constant 0 : i32
    %eq3A_0 = arith.cmpi eq, %arg0, %eq3A : i32
    %jit3A = arith.constant 7 : i32
    %select_n3A = arith.select %eq3A_0, %arg1, %jit3A : i32
    %c0_i32 = arith.constant 0 : i32
    %c0_i32_1 = arith.constant 0 : i32
    return %select_n3A, %c0_i32 : i32, i32
  }
  func.func @transform_1(%arg0: i32, %arg1: i32) -> (i32, i32) {
    %eq3A = arith.constant 0 : i32
    %eq3A_0 = arith.cmpi eq, %arg0, %eq3A : i32
    %jit3A = arith.constant 7 : i32
    %select_n3A = arith.select %eq3A_0, %arg1, %jit3A : i32
    %c0_i32 = arith.constant 0 : i32
    %c0_i32_1 = arith.constant 0 : i32
    return %select_n3A, %c0_i32 : i32, i32
  }
  func.func @transform_2(%arg0: i32, %arg1: i32) -> (i32, i32) {
    %eq3A = arith.constant 3 : i32
    %eq3A_0 = arith.cmpi eq, %arg0, %eq3A : i32
    %jit3A = arith.constant 0 : i32
    %select_n3A = arith.select %eq3A_0, %arg1, %jit3A : i32
    %c0_i32 = arith.constant 0 : i32
    %c0_i32_1 = arith.constant 0 : i32
    return %select_n3A, %c0_i32 : i32, i32
  }
  func.func @transform_3(%arg0: i32, %arg1: i32) -> (i32, i32) {
    %c0_i32 = arith.constant 0 : i32
    %c0_i32_0 = arith.constant 0 : i32
    %c0_i32_1 = arith.constant 0 : i32
    return %c0_i32, %c0_i32_0 : i32, i32
  }
  func.func @transform_4(%arg0: i32, %arg1: i32) -> (i32, i32) {
    %c0_i32 = arith.constant 0 : i32
    %c0_i32_0 = arith.constant 0 : i32
    %c0_i32_1 = arith.constant 0 : i32
    return %c0_i32, %c0_i32_0 : i32, i32
  }
  func.func @transform_5(%arg0: i32, %arg1: i32) -> (i32, i32) {
    %c0_i32 = arith.constant 0 : i32
    %c0_i32_0 = arith.constant 0 : i32
    %c0_i32_1 = arith.constant 0 : i32
    return %c0_i32, %c0_i32_0 : i32, i32
  }
  func.func @transform_6(%arg0: i32, %arg1: i32) -> (i32, i32) {
    %c0_i32 = arith.constant 0 : i32
    %c0_i32_0 = arith.constant 0 : i32
    %c0_i32_1 = arith.constant 0 : i32
    return %c0_i32, %c0_i32_0 : i32, i32
  }
  func.func @transform_7(%arg0: i32, %arg1: i32) -> (i32, i32) {
    %c0_i32 = arith.constant 0 : i32
    %c0_i32_0 = arith.constant 0 : i32
    %c0_i32_1 = arith.constant 0 : i32
    return %c0_i32, %c0_i32_0 : i32, i32
  }
  func.func @transform_8(%arg0: i32, %arg1: i32) -> (i32, i32) {
    %c0_i32 = arith.constant 0 : i32
    %c0_i32_0 = arith.constant 0 : i32
    %c0_i32_1 = arith.constant 0 : i32
    return %c0_i32, %c0_i32_0 : i32, i32
  }
  func.func @transform_9(%arg0: i32, %arg1: i32) -> (i32, i32) {
    %c0_i32 = arith.constant 0 : i32
    %c0_i32_0 = arith.constant 0 : i32
    %c0_i32_1 = arith.constant 0 : i32
    return %c0_i32, %c0_i32_0 : i32, i32
  }
  func.func @transform_10(%arg0: i32, %arg1: i32) -> (i32, i32) {
    %c0_i32 = arith.constant 0 : i32
    %c0_i32_0 = arith.constant 0 : i32
    %c0_i32_1 = arith.constant 0 : i32
    return %c0_i32, %c0_i32_0 : i32, i32
  }
  func.func @transform_11(%arg0: i32, %arg1: i32) -> (i32, i32) {
    %eq3A = arith.constant 3 : i32
    %eq3A_0 = arith.cmpi eq, %arg0, %eq3A : i32
    %jit3A = arith.constant 0 : i32
    %select_n3A = arith.select %eq3A_0, %arg1, %jit3A : i32
    %c0_i32 = arith.constant 0 : i32
    %c0_i32_1 = arith.constant 0 : i32
    return %select_n3A, %c0_i32 : i32, i32
  }
  func.func @transform_12(%arg0: i32, %arg1: i32) -> (i32, i32) {
    %eq3A = arith.constant 0 : i32
    %eq3A_0 = arith.cmpi eq, %arg0, %eq3A : i32
    %jit3A = arith.constant 7 : i32
    %select_n3A = arith.select %eq3A_0, %arg1, %jit3A : i32
    %c0_i32 = arith.constant 0 : i32
    %c0_i32_1 = arith.constant 0 : i32
    return %select_n3A, %c0_i32 : i32, i32
  }
}

module attributes {stable_mosaic.version = 14 : i64} {
  func.func @_layer_kernel_body(%arg0: i32, %arg1: i32, %arg2: memref<4096x128xf32, #tpu.memory_space<vmem>>, %arg3: memref<4096x4xf32, #tpu.memory_space<vmem>>, %arg4: memref<1024x3xf32, #tpu.memory_space<vmem>>, %arg5: memref<35x64xf32, #tpu.memory_space<vmem>>, %arg6: memref<1x192xf32, #tpu.memory_space<vmem>>, %arg7: memref<64x64xf32, #tpu.memory_space<vmem>>, %arg8: memref<1x192xf32, #tpu.memory_space<vmem>>, %arg9: memref<64x64xf32, #tpu.memory_space<vmem>>, %arg10: memref<1x192xf32, #tpu.memory_space<vmem>>, %arg11: memref<64x3xf32, #tpu.memory_space<vmem>>, %arg12: memref<1x3xf32, #tpu.memory_space<vmem>>, %arg13: memref<1024x3xf32, #tpu.memory_space<vmem>>, %arg14: memref<4096x4xf32, #tpu.memory_space<vmem>>, %arg15: memref<32768x64xf32, #tpu.memory_space<vmem>>, %arg16: memref<8x64xf32, #tpu.memory_space<vmem>>, %arg17: memref<8x64xf32, #tpu.memory_space<vmem>>, %arg18: memref<8x64xf32, #tpu.memory_space<vmem>>) attributes {dimension_semantics = [#tpu.dimension_semantics<arbitrary>, #tpu.dimension_semantics<arbitrary>], iteration_bounds = array<i64: 4, 8>, scalar_prefetch = 0 : i64, scratch_operands = 4 : i64, tpu.core_type = #tpu.core_type<tc>, window_params = [{transform_indices = @transform_0, window_bounds = array<i64: 4096, 128>}, {transform_indices = @transform_1, window_bounds = array<i64: 4096, 4>}, {transform_indices = @transform_2, window_bounds = array<i64: 1024, 3>}, {pipeline_mode = #tpu.pipeline_mode<synchronous>, transform_indices = @transform_3, window_bounds = array<i64: 35, 64>}, {pipeline_mode = #tpu.pipeline_mode<synchronous>, transform_indices = @transform_4, window_bounds = array<i64: 1, 192>}, {pipeline_mode = #tpu.pipeline_mode<synchronous>, transform_indices = @transform_5, window_bounds = array<i64: 64, 64>}, {pipeline_mode = #tpu.pipeline_mode<synchronous>, transform_indices = @transform_6, window_bounds = array<i64: 1, 192>}, {pipeline_mode = #tpu.pipeline_mode<synchronous>, transform_indices = @transform_7, window_bounds = array<i64: 64, 64>}, {pipeline_mode = #tpu.pipeline_mode<synchronous>, transform_indices = @transform_8, window_bounds = array<i64: 1, 192>}, {pipeline_mode = #tpu.pipeline_mode<synchronous>, transform_indices = @transform_9, window_bounds = array<i64: 64, 3>}, {pipeline_mode = #tpu.pipeline_mode<synchronous>, transform_indices = @transform_10, window_bounds = array<i64: 1, 3>}, {transform_indices = @transform_11, window_bounds = array<i64: 1024, 3>}, {transform_indices = @transform_12, window_bounds = array<i64: 4096, 4>}]} {
    %eq3A = arith.constant 0 : i32
    %eq3A_0 = arith.cmpi eq, %arg0, %eq3A : i32
    %convert_element_type3A = arith.extui %eq3A_0 : i1 to i32
    %cond3A = arith.constant 0 : i32
    %cond3A_1 = arith.cmpi ne, %convert_element_type3A, %cond3A : i32
    scf.if %cond3A_1 {
      %get3A = arith.constant 0 : index
      %get3A_17 = arith.constant 0 : index
      %get3A_18 = vector.load %arg2[%get3A, %get3A_17] : memref<4096x128xf32, #tpu.memory_space<vmem>>, vector<4096x128xf32>
      %slice3A = vector.extract_strided_slice %get3A_18 {offsets = [0, 0], sizes = [4096, 32], strides = [1, 1]} : vector<4096x128xf32> to vector<4096x32xf32>
      %get3A_19 = arith.constant 0 : index
      %get3A_20 = arith.constant 0 : index
      %get3A_21 = vector.load %arg3[%get3A_19, %get3A_20] : memref<4096x4xf32, #tpu.memory_space<vmem>>, vector<4096x4xf32>
      %slice3A_22 = vector.extract_strided_slice %get3A_21 {offsets = [0, 0], sizes = [4096, 3], strides = [1, 1]} : vector<4096x4xf32> to vector<4096x3xf32>
      %concatenate3A = tpu.concatenate %slice3A, %slice3A_22 in 1 : vector<4096x32xf32>, vector<4096x3xf32> -> vector<4096x35xf32>
      %get3A_23 = arith.constant 0 : index
      %get3A_24 = arith.constant 0 : index
      %get3A_25 = vector.load %arg5[%get3A_23, %get3A_24] : memref<35x64xf32, #tpu.memory_space<vmem>>, vector<35x64xf32>
      %convert_element_type3A_26 = arith.truncf %concatenate3A : vector<4096x35xf32> to vector<4096x35xbf16>
      %convert_element_type3A_27 = arith.truncf %get3A_25 : vector<35x64xf32> to vector<35x64xbf16>
      %dot_general3A = arith.constant dense<0.000000e+00> : vector<4096x64xf32>
      %dot_general3A_28 = tpu.matmul %convert_element_type3A_26, %convert_element_type3A_27, %dot_general3A {dimension_numbers = #tpu.dot_dimension_numbers<[1], [0], [0], [1], [0, 0, 1, 1], [], []>, transpose_lhs_hint = false} : vector<4096x35xbf16>, vector<35x64xbf16>, vector<4096x64xf32> -> vector<4096x64xf32>
      %get3A_29 = arith.constant 0 : index
      %get3A_30 = arith.constant 0 : index
      %get3A_31 = vector.load %arg6[%get3A_29, %get3A_30] : memref<1x192xf32, #tpu.memory_space<vmem>>, vector<1x192xf32>
      %slice3A_32 = vector.extract_strided_slice %get3A_31 {offsets = [0, 0], sizes = [1, 64], strides = [1, 1]} : vector<1x192xf32> to vector<1x64xf32>
      %add3A = vector.broadcast %slice3A_32 : vector<1x64xf32> to vector<4096x64xf32>
      %add3A_33 = arith.addf %dot_general3A_28, %add3A : vector<4096x64xf32>
      %mul3A = arith.constant 4096 : i32
      %mul3A_34 = arith.muli %arg1, %mul3A : i32
      %swap3A = arith.index_cast %mul3A_34 : i32 to index
      %swap3A_35 = arith.constant 0 : index
      %swap3A_36 = vector.load %arg15[%swap3A, %swap3A_35] : memref<32768x64xf32, #tpu.memory_space<vmem>>, vector<4096x64xf32>
      tpu.vector_store %arg15[%swap3A, %swap3A_35], %add3A_33 {strides = array<i32>} : memref<32768x64xf32, #tpu.memory_space<vmem>>, vector<4096x64xf32>,
      %reduce_sum3A = arith.constant dense<0.000000e+00> : vector<64xf32>
      %reduce_sum3A_37 = vector.multi_reduction <add>, %add3A_33, %reduce_sum3A [0] : vector<4096x64xf32> to vector<64xf32>
      %broadcast_in_dim3A = vector.shape_cast %reduce_sum3A_37 : vector<64xf32> to vector<1x64xf32>
      %mul3A_38 = arith.mulf %add3A_33, %add3A_33 : vector<4096x64xf32>
      %reduce_sum3A_39 = arith.constant dense<0.000000e+00> : vector<64xf32>
      %reduce_sum3A_40 = vector.multi_reduction <add>, %mul3A_38, %reduce_sum3A_39 [0] : vector<4096x64xf32> to vector<64xf32>
      %broadcast_in_dim3A_41 = vector.shape_cast %reduce_sum3A_40 : vector<64xf32> to vector<1x64xf32>
      %broadcast_in_dim3A_42 = arith.constant 0.000000e+00 : f32
      %broadcast_in_dim3A_43 = vector.broadcast %broadcast_in_dim3A_42 : f32 to vector<6x64xf32>
      %concatenate3A_44 = tpu.concatenate %broadcast_in_dim3A, %broadcast_in_dim3A_41, %broadcast_in_dim3A_43 in 0 : vector<1x64xf32>, vector<1x64xf32>, vector<6x64xf32> -> vector<8x64xf32>
      %eq3A_45 = arith.constant 0 : i32
      %eq3A_46 = arith.cmpi eq, %arg1, %eq3A_45 : i32
      %convert_element_type3A_47 = arith.extui %eq3A_46 : i1 to i32
      %cond3A_48 = arith.constant 0 : i32
      %cond3A_49 = arith.cmpi ne, %convert_element_type3A_47, %cond3A_48 : i32
      scf.if %cond3A_49 {
        %swap3A_54 = arith.constant 0 : index
        %swap3A_55 = arith.constant 0 : index
        %swap3A_56 = vector.load %arg16[%swap3A_54, %swap3A_55] : memref<8x64xf32, #tpu.memory_space<vmem>>, vector<8x64xf32>
        tpu.vector_store %arg16[%swap3A_54, %swap3A_55], %concatenate3A_44 {strides = array<i32>} : memref<8x64xf32, #tpu.memory_space<vmem>>, vector<8x64xf32>,
      } else {
      }
      %ne3A = arith.constant 0 : i32
      %ne3A_50 = arith.cmpi ne, %arg1, %ne3A : i32
      %convert_element_type3A_51 = arith.extui %ne3A_50 : i1 to i32
      %cond3A_52 = arith.constant 0 : i32
      %cond3A_53 = arith.cmpi ne, %convert_element_type3A_51, %cond3A_52 : i32
      scf.if %cond3A_53 {
        %get3A_54 = arith.constant 0 : index
        %get3A_55 = arith.constant 0 : index
        %get3A_56 = vector.load %arg16[%get3A_54, %get3A_55] : memref<8x64xf32, #tpu.memory_space<vmem>>, vector<8x64xf32>
        %add3A_57 = arith.addf %get3A_56, %concatenate3A_44 : vector<8x64xf32>
        %swap3A_58 = arith.constant 0 : index
        %swap3A_59 = arith.constant 0 : index
        %swap3A_60 = vector.load %arg16[%swap3A_58, %swap3A_59] : memref<8x64xf32, #tpu.memory_space<vmem>>, vector<8x64xf32>
        tpu.vector_store %arg16[%swap3A_58, %swap3A_59], %add3A_57 {strides = array<i32>} : memref<8x64xf32, #tpu.memory_space<vmem>>, vector<8x64xf32>,
      } else {
      }
    } else {
    }
    %eq3A_2 = arith.constant 1 : i32
    %eq3A_3 = arith.cmpi eq, %arg0, %eq3A_2 : i32
    %convert_element_type3A_4 = arith.extui %eq3A_3 : i1 to i32
    %cond3A_5 = arith.constant 0 : i32
    %cond3A_6 = arith.cmpi ne, %convert_element_type3A_4, %cond3A_5 : i32
    scf.if %cond3A_6 {
      %mul3A = arith.constant 4096 : i32
      %mul3A_17 = arith.muli %arg1, %mul3A : i32
      %get3A = arith.index_cast %mul3A_17 : i32 to index
      %get3A_18 = arith.constant 0 : index
      %get3A_19 = vector.load %arg15[%get3A, %get3A_18] : memref<32768x64xf32, #tpu.memory_space<vmem>>, vector<4096x64xf32>
      %get3A_20 = arith.constant 0 : index
      %get3A_21 = arith.constant 0 : index
      %get3A_22 = vector.load %arg16[%get3A_20, %get3A_21] : memref<8x64xf32, #tpu.memory_space<vmem>>, vector<8x64xf32>
      %get3A_23 = arith.constant 0 : index
      %get3A_24 = arith.constant 0 : index
      %get3A_25 = vector.load %arg6[%get3A_23, %get3A_24] : memref<1x192xf32, #tpu.memory_space<vmem>>, vector<1x192xf32>
      %slice3A = vector.extract_strided_slice %get3A_22 {offsets = [0, 0], sizes = [1, 64], strides = [1, 1]} : vector<8x64xf32> to vector<1x64xf32>
      %mul3A_26 = arith.constant 3.05175781E-5 : f32
      %mul3A_27 = vector.broadcast %mul3A_26 : f32 to vector<1x64xf32>
      %mul3A_28 = arith.mulf %slice3A, %mul3A_27 : vector<1x64xf32>
      %slice3A_29 = vector.extract_strided_slice %get3A_22 {offsets = [1, 0], sizes = [1, 64], strides = [1, 1]} : vector<8x64xf32> to vector<1x64xf32>
      %mul3A_30 = arith.constant 3.05175781E-5 : f32
      %mul3A_31 = vector.broadcast %mul3A_30 : f32 to vector<1x64xf32>
      %mul3A_32 = arith.mulf %slice3A_29, %mul3A_31 : vector<1x64xf32>
      %mul3A_33 = arith.mulf %mul3A_28, %mul3A_28 : vector<1x64xf32>
      %sub3A = arith.subf %mul3A_32, %mul3A_33 : vector<1x64xf32>
      %slice3A_34 = vector.extract_strided_slice %get3A_25 {offsets = [0, 64], sizes = [1, 64], strides = [1, 1]} : vector<1x192xf32> to vector<1x64xf32>
      %slice3A_35 = vector.extract_strided_slice %get3A_25 {offsets = [0, 128], sizes = [1, 64], strides = [1, 1]} : vector<1x192xf32> to vector<1x64xf32>
      %sub3A_36 = vector.broadcast %mul3A_28 : vector<1x64xf32> to vector<4096x64xf32>
      %sub3A_37 = arith.subf %get3A_19, %sub3A_36 : vector<4096x64xf32>
      %add3A = arith.constant 9.99999974E-6 : f32
      %add3A_38 = vector.broadcast %add3A : f32 to vector<1x64xf32>
      %add3A_39 = arith.addf %sub3A, %add3A_38 : vector<1x64xf32>
      %sqrt3A = math.sqrt %add3A_39 : vector<1x64xf32>
      %div3A = vector.broadcast %sqrt3A : vector<1x64xf32> to vector<4096x64xf32>
      %div3A_40 = arith.divf %sub3A_37, %div3A : vector<4096x64xf32>
      %mul3A_41 = vector.broadcast %slice3A_34 : vector<1x64xf32> to vector<4096x64xf32>
      %mul3A_42 = arith.mulf %div3A_40, %mul3A_41 : vector<4096x64xf32>
      %add3A_43 = vector.broadcast %slice3A_35 : vector<1x64xf32> to vector<4096x64xf32>
      %add3A_44 = arith.addf %mul3A_42, %add3A_43 : vector<4096x64xf32>
      %ge3A = arith.constant 0.000000e+00 : f32
      %ge3A_45 = vector.broadcast %ge3A : f32 to vector<4096x64xf32>
      %ge3A_46 = arith.cmpf oge, %add3A_44, %ge3A_45 : vector<4096x64xf32>
      %mul3A_47 = arith.constant 1.000000e-01 : f32
      %mul3A_48 = vector.broadcast %mul3A_47 : f32 to vector<4096x64xf32>
      %mul3A_49 = arith.mulf %mul3A_48, %add3A_44 : vector<4096x64xf32>
      %select_n3A = arith.select %ge3A_46, %add3A_44, %mul3A_49 : vector<4096x64xi1>, vector<4096x64xf32>
      %get3A_50 = arith.constant 0 : index
      %get3A_51 = arith.constant 0 : index
      %get3A_52 = vector.load %arg7[%get3A_50, %get3A_51] : memref<64x64xf32, #tpu.memory_space<vmem>>, vector<64x64xf32>
      %convert_element_type3A_53 = arith.truncf %select_n3A : vector<4096x64xf32> to vector<4096x64xbf16>
      %convert_element_type3A_54 = arith.truncf %get3A_52 : vector<64x64xf32> to vector<64x64xbf16>
      %dot_general3A = arith.constant dense<0.000000e+00> : vector<4096x64xf32>
      %dot_general3A_55 = tpu.matmul %convert_element_type3A_53, %convert_element_type3A_54, %dot_general3A {dimension_numbers = #tpu.dot_dimension_numbers<[1], [0], [0], [1], [0, 0, 1, 1], [], []>, transpose_lhs_hint = false} : vector<4096x64xbf16>, vector<64x64xbf16>, vector<4096x64xf32> -> vector<4096x64xf32>
      %get3A_56 = arith.constant 0 : index
      %get3A_57 = arith.constant 0 : index
      %get3A_58 = vector.load %arg8[%get3A_56, %get3A_57] : memref<1x192xf32, #tpu.memory_space<vmem>>, vector<1x192xf32>
      %slice3A_59 = vector.extract_strided_slice %get3A_58 {offsets = [0, 0], sizes = [1, 64], strides = [1, 1]} : vector<1x192xf32> to vector<1x64xf32>
      %add3A_60 = vector.broadcast %slice3A_59 : vector<1x64xf32> to vector<4096x64xf32>
      %add3A_61 = arith.addf %dot_general3A_55, %add3A_60 : vector<4096x64xf32>
      %mul3A_62 = arith.constant 4096 : i32
      %mul3A_63 = arith.muli %arg1, %mul3A_62 : i32
      %swap3A = arith.index_cast %mul3A_63 : i32 to index
      %swap3A_64 = arith.constant 0 : index
      %swap3A_65 = vector.load %arg15[%swap3A, %swap3A_64] : memref<32768x64xf32, #tpu.memory_space<vmem>>, vector<4096x64xf32>
      tpu.vector_store %arg15[%swap3A, %swap3A_64], %add3A_61 {strides = array<i32>} : memref<32768x64xf32, #tpu.memory_space<vmem>>, vector<4096x64xf32>,
      %reduce_sum3A = arith.constant dense<0.000000e+00> : vector<64xf32>
      %reduce_sum3A_66 = vector.multi_reduction <add>, %add3A_61, %reduce_sum3A [0] : vector<4096x64xf32> to vector<64xf32>
      %broadcast_in_dim3A = vector.shape_cast %reduce_sum3A_66 : vector<64xf32> to vector<1x64xf32>
      %mul3A_67 = arith.mulf %add3A_61, %add3A_61 : vector<4096x64xf32>
      %reduce_sum3A_68 = arith.constant dense<0.000000e+00> : vector<64xf32>
      %reduce_sum3A_69 = vector.multi_reduction <add>, %mul3A_67, %reduce_sum3A_68 [0] : vector<4096x64xf32> to vector<64xf32>
      %broadcast_in_dim3A_70 = vector.shape_cast %reduce_sum3A_69 : vector<64xf32> to vector<1x64xf32>
      %broadcast_in_dim3A_71 = arith.constant 0.000000e+00 : f32
      %broadcast_in_dim3A_72 = vector.broadcast %broadcast_in_dim3A_71 : f32 to vector<6x64xf32>
      %concatenate3A = tpu.concatenate %broadcast_in_dim3A, %broadcast_in_dim3A_70, %broadcast_in_dim3A_72 in 0 : vector<1x64xf32>, vector<1x64xf32>, vector<6x64xf32> -> vector<8x64xf32>
      %eq3A_73 = arith.constant 0 : i32
      %eq3A_74 = arith.cmpi eq, %arg1, %eq3A_73 : i32
      %convert_element_type3A_75 = arith.extui %eq3A_74 : i1 to i32
      %cond3A_76 = arith.constant 0 : i32
      %cond3A_77 = arith.cmpi ne, %convert_element_type3A_75, %cond3A_76 : i32
      scf.if %cond3A_77 {
        %swap3A_82 = arith.constant 0 : index
        %swap3A_83 = arith.constant 0 : index
        %swap3A_84 = vector.load %arg17[%swap3A_82, %swap3A_83] : memref<8x64xf32, #tpu.memory_space<vmem>>, vector<8x64xf32>
        tpu.vector_store %arg17[%swap3A_82, %swap3A_83], %concatenate3A {strides = array<i32>} : memref<8x64xf32, #tpu.memory_space<vmem>>, vector<8x64xf32>,
      } else {
      }
      %ne3A = arith.constant 0 : i32
      %ne3A_78 = arith.cmpi ne, %arg1, %ne3A : i32
      %convert_element_type3A_79 = arith.extui %ne3A_78 : i1 to i32
      %cond3A_80 = arith.constant 0 : i32
      %cond3A_81 = arith.cmpi ne, %convert_element_type3A_79, %cond3A_80 : i32
      scf.if %cond3A_81 {
        %get3A_82 = arith.constant 0 : index
        %get3A_83 = arith.constant 0 : index
        %get3A_84 = vector.load %arg17[%get3A_82, %get3A_83] : memref<8x64xf32, #tpu.memory_space<vmem>>, vector<8x64xf32>
        %add3A_85 = arith.addf %get3A_84, %concatenate3A : vector<8x64xf32>
        %swap3A_86 = arith.constant 0 : index
        %swap3A_87 = arith.constant 0 : index
        %swap3A_88 = vector.load %arg17[%swap3A_86, %swap3A_87] : memref<8x64xf32, #tpu.memory_space<vmem>>, vector<8x64xf32>
        tpu.vector_store %arg17[%swap3A_86, %swap3A_87], %add3A_85 {strides = array<i32>} : memref<8x64xf32, #tpu.memory_space<vmem>>, vector<8x64xf32>,
      } else {
      }
    } else {
    }
    %eq3A_7 = arith.constant 2 : i32
    %eq3A_8 = arith.cmpi eq, %arg0, %eq3A_7 : i32
    %convert_element_type3A_9 = arith.extui %eq3A_8 : i1 to i32
    %cond3A_10 = arith.constant 0 : i32
    %cond3A_11 = arith.cmpi ne, %convert_element_type3A_9, %cond3A_10 : i32
    scf.if %cond3A_11 {
      %mul3A = arith.constant 4096 : i32
      %mul3A_17 = arith.muli %arg1, %mul3A : i32
      %get3A = arith.index_cast %mul3A_17 : i32 to index
      %get3A_18 = arith.constant 0 : index
      %get3A_19 = vector.load %arg15[%get3A, %get3A_18] : memref<32768x64xf32, #tpu.memory_space<vmem>>, vector<4096x64xf32>
      %get3A_20 = arith.constant 0 : index
      %get3A_21 = arith.constant 0 : index
      %get3A_22 = vector.load %arg17[%get3A_20, %get3A_21] : memref<8x64xf32, #tpu.memory_space<vmem>>, vector<8x64xf32>
      %get3A_23 = arith.constant 0 : index
      %get3A_24 = arith.constant 0 : index
      %get3A_25 = vector.load %arg8[%get3A_23, %get3A_24] : memref<1x192xf32, #tpu.memory_space<vmem>>, vector<1x192xf32>
      %slice3A = vector.extract_strided_slice %get3A_22 {offsets = [0, 0], sizes = [1, 64], strides = [1, 1]} : vector<8x64xf32> to vector<1x64xf32>
      %mul3A_26 = arith.constant 3.05175781E-5 : f32
      %mul3A_27 = vector.broadcast %mul3A_26 : f32 to vector<1x64xf32>
      %mul3A_28 = arith.mulf %slice3A, %mul3A_27 : vector<1x64xf32>
      %slice3A_29 = vector.extract_strided_slice %get3A_22 {offsets = [1, 0], sizes = [1, 64], strides = [1, 1]} : vector<8x64xf32> to vector<1x64xf32>
      %mul3A_30 = arith.constant 3.05175781E-5 : f32
      %mul3A_31 = vector.broadcast %mul3A_30 : f32 to vector<1x64xf32>
      %mul3A_32 = arith.mulf %slice3A_29, %mul3A_31 : vector<1x64xf32>
      %mul3A_33 = arith.mulf %mul3A_28, %mul3A_28 : vector<1x64xf32>
      %sub3A = arith.subf %mul3A_32, %mul3A_33 : vector<1x64xf32>
      %slice3A_34 = vector.extract_strided_slice %get3A_25 {offsets = [0, 64], sizes = [1, 64], strides = [1, 1]} : vector<1x192xf32> to vector<1x64xf32>
      %slice3A_35 = vector.extract_strided_slice %get3A_25 {offsets = [0, 128], sizes = [1, 64], strides = [1, 1]} : vector<1x192xf32> to vector<1x64xf32>
      %sub3A_36 = vector.broadcast %mul3A_28 : vector<1x64xf32> to vector<4096x64xf32>
      %sub3A_37 = arith.subf %get3A_19, %sub3A_36 : vector<4096x64xf32>
      %add3A = arith.constant 9.99999974E-6 : f32
      %add3A_38 = vector.broadcast %add3A : f32 to vector<1x64xf32>
      %add3A_39 = arith.addf %sub3A, %add3A_38 : vector<1x64xf32>
      %sqrt3A = math.sqrt %add3A_39 : vector<1x64xf32>
      %div3A = vector.broadcast %sqrt3A : vector<1x64xf32> to vector<4096x64xf32>
      %div3A_40 = arith.divf %sub3A_37, %div3A : vector<4096x64xf32>
      %mul3A_41 = vector.broadcast %slice3A_34 : vector<1x64xf32> to vector<4096x64xf32>
      %mul3A_42 = arith.mulf %div3A_40, %mul3A_41 : vector<4096x64xf32>
      %add3A_43 = vector.broadcast %slice3A_35 : vector<1x64xf32> to vector<4096x64xf32>
      %add3A_44 = arith.addf %mul3A_42, %add3A_43 : vector<4096x64xf32>
      %ge3A = arith.constant 0.000000e+00 : f32
      %ge3A_45 = vector.broadcast %ge3A : f32 to vector<4096x64xf32>
      %ge3A_46 = arith.cmpf oge, %add3A_44, %ge3A_45 : vector<4096x64xf32>
      %mul3A_47 = arith.constant 1.000000e-01 : f32
      %mul3A_48 = vector.broadcast %mul3A_47 : f32 to vector<4096x64xf32>
      %mul3A_49 = arith.mulf %mul3A_48, %add3A_44 : vector<4096x64xf32>
      %select_n3A = arith.select %ge3A_46, %add3A_44, %mul3A_49 : vector<4096x64xi1>, vector<4096x64xf32>
      %get3A_50 = arith.constant 0 : index
      %get3A_51 = arith.constant 0 : index
      %get3A_52 = vector.load %arg9[%get3A_50, %get3A_51] : memref<64x64xf32, #tpu.memory_space<vmem>>, vector<64x64xf32>
      %convert_element_type3A_53 = arith.truncf %select_n3A : vector<4096x64xf32> to vector<4096x64xbf16>
      %convert_element_type3A_54 = arith.truncf %get3A_52 : vector<64x64xf32> to vector<64x64xbf16>
      %dot_general3A = arith.constant dense<0.000000e+00> : vector<4096x64xf32>
      %dot_general3A_55 = tpu.matmul %convert_element_type3A_53, %convert_element_type3A_54, %dot_general3A {dimension_numbers = #tpu.dot_dimension_numbers<[1], [0], [0], [1], [0, 0, 1, 1], [], []>, transpose_lhs_hint = false} : vector<4096x64xbf16>, vector<64x64xbf16>, vector<4096x64xf32> -> vector<4096x64xf32>
      %get3A_56 = arith.constant 0 : index
      %get3A_57 = arith.constant 0 : index
      %get3A_58 = vector.load %arg10[%get3A_56, %get3A_57] : memref<1x192xf32, #tpu.memory_space<vmem>>, vector<1x192xf32>
      %slice3A_59 = vector.extract_strided_slice %get3A_58 {offsets = [0, 0], sizes = [1, 64], strides = [1, 1]} : vector<1x192xf32> to vector<1x64xf32>
      %add3A_60 = vector.broadcast %slice3A_59 : vector<1x64xf32> to vector<4096x64xf32>
      %add3A_61 = arith.addf %dot_general3A_55, %add3A_60 : vector<4096x64xf32>
      %mul3A_62 = arith.constant 4096 : i32
      %mul3A_63 = arith.muli %arg1, %mul3A_62 : i32
      %swap3A = arith.index_cast %mul3A_63 : i32 to index
      %swap3A_64 = arith.constant 0 : index
      %swap3A_65 = vector.load %arg15[%swap3A, %swap3A_64] : memref<32768x64xf32, #tpu.memory_space<vmem>>, vector<4096x64xf32>
      tpu.vector_store %arg15[%swap3A, %swap3A_64], %add3A_61 {strides = array<i32>} : memref<32768x64xf32, #tpu.memory_space<vmem>>, vector<4096x64xf32>,
      %reduce_sum3A = arith.constant dense<0.000000e+00> : vector<64xf32>
      %reduce_sum3A_66 = vector.multi_reduction <add>, %add3A_61, %reduce_sum3A [0] : vector<4096x64xf32> to vector<64xf32>
      %broadcast_in_dim3A = vector.shape_cast %reduce_sum3A_66 : vector<64xf32> to vector<1x64xf32>
      %mul3A_67 = arith.mulf %add3A_61, %add3A_61 : vector<4096x64xf32>
      %reduce_sum3A_68 = arith.constant dense<0.000000e+00> : vector<64xf32>
      %reduce_sum3A_69 = vector.multi_reduction <add>, %mul3A_67, %reduce_sum3A_68 [0] : vector<4096x64xf32> to vector<64xf32>
      %broadcast_in_dim3A_70 = vector.shape_cast %reduce_sum3A_69 : vector<64xf32> to vector<1x64xf32>
      %broadcast_in_dim3A_71 = arith.constant 0.000000e+00 : f32
      %broadcast_in_dim3A_72 = vector.broadcast %broadcast_in_dim3A_71 : f32 to vector<6x64xf32>
      %concatenate3A = tpu.concatenate %broadcast_in_dim3A, %broadcast_in_dim3A_70, %broadcast_in_dim3A_72 in 0 : vector<1x64xf32>, vector<1x64xf32>, vector<6x64xf32> -> vector<8x64xf32>
      %eq3A_73 = arith.constant 0 : i32
      %eq3A_74 = arith.cmpi eq, %arg1, %eq3A_73 : i32
      %convert_element_type3A_75 = arith.extui %eq3A_74 : i1 to i32
      %cond3A_76 = arith.constant 0 : i32
      %cond3A_77 = arith.cmpi ne, %convert_element_type3A_75, %cond3A_76 : i32
      scf.if %cond3A_77 {
        %swap3A_82 = arith.constant 0 : index
        %swap3A_83 = arith.constant 0 : index
        %swap3A_84 = vector.load %arg18[%swap3A_82, %swap3A_83] : memref<8x64xf32, #tpu.memory_space<vmem>>, vector<8x64xf32>
        tpu.vector_store %arg18[%swap3A_82, %swap3A_83], %concatenate3A {strides = array<i32>} : memref<8x64xf32, #tpu.memory_space<vmem>>, vector<8x64xf32>,
      } else {
      }
      %ne3A = arith.constant 0 : i32
      %ne3A_78 = arith.cmpi ne, %arg1, %ne3A : i32
      %convert_element_type3A_79 = arith.extui %ne3A_78 : i1 to i32
      %cond3A_80 = arith.constant 0 : i32
      %cond3A_81 = arith.cmpi ne, %convert_element_type3A_79, %cond3A_80 : i32
      scf.if %cond3A_81 {
        %get3A_82 = arith.constant 0 : index
        %get3A_83 = arith.constant 0 : index
        %get3A_84 = vector.load %arg18[%get3A_82, %get3A_83] : memref<8x64xf32, #tpu.memory_space<vmem>>, vector<8x64xf32>
        %add3A_85 = arith.addf %get3A_84, %concatenate3A : vector<8x64xf32>
        %swap3A_86 = arith.constant 0 : index
        %swap3A_87 = arith.constant 0 : index
        %swap3A_88 = vector.load %arg18[%swap3A_86, %swap3A_87] : memref<8x64xf32, #tpu.memory_space<vmem>>, vector<8x64xf32>
        tpu.vector_store %arg18[%swap3A_86, %swap3A_87], %add3A_85 {strides = array<i32>} : memref<8x64xf32, #tpu.memory_space<vmem>>, vector<8x64xf32>,
      } else {
      }
    } else {
    }
    %eq3A_12 = arith.constant 3 : i32
    %eq3A_13 = arith.cmpi eq, %arg0, %eq3A_12 : i32
    %convert_element_type3A_14 = arith.extui %eq3A_13 : i1 to i32
    %cond3A_15 = arith.constant 0 : i32
    %cond3A_16 = arith.cmpi ne, %convert_element_type3A_14, %cond3A_15 : i32
    scf.if %cond3A_16 {
      %get3A = arith.constant 0 : index
      %get3A_17 = arith.constant 0 : index
      %get3A_18 = vector.load %arg18[%get3A, %get3A_17] : memref<8x64xf32, #tpu.memory_space<vmem>>, vector<8x64xf32>
      %get3A_19 = arith.constant 0 : index
      %get3A_20 = arith.constant 0 : index
      %get3A_21 = vector.load %arg10[%get3A_19, %get3A_20] : memref<1x192xf32, #tpu.memory_space<vmem>>, vector<1x192xf32>
      %mul3A = arith.constant 1024 : i32
      %mul3A_22 = arith.muli %arg1, %mul3A : i32
      %add3A = arith.constant 0 : i32
      %add3A_23 = arith.addi %add3A, %mul3A_22 : i32
      %get3A_24 = arith.index_cast %add3A_23 : i32 to index
      %get3A_25 = arith.constant 0 : index
      %get3A_26 = vector.load %arg15[%get3A_24, %get3A_25] : memref<32768x64xf32, #tpu.memory_space<vmem>>, vector<1024x64xf32>
      %slice3A = vector.extract_strided_slice %get3A_18 {offsets = [0, 0], sizes = [1, 64], strides = [1, 1]} : vector<8x64xf32> to vector<1x64xf32>
      %mul3A_27 = arith.constant 3.05175781E-5 : f32
      %mul3A_28 = vector.broadcast %mul3A_27 : f32 to vector<1x64xf32>
      %mul3A_29 = arith.mulf %slice3A, %mul3A_28 : vector<1x64xf32>
      %slice3A_30 = vector.extract_strided_slice %get3A_18 {offsets = [1, 0], sizes = [1, 64], strides = [1, 1]} : vector<8x64xf32> to vector<1x64xf32>
      %mul3A_31 = arith.constant 3.05175781E-5 : f32
      %mul3A_32 = vector.broadcast %mul3A_31 : f32 to vector<1x64xf32>
      %mul3A_33 = arith.mulf %slice3A_30, %mul3A_32 : vector<1x64xf32>
      %mul3A_34 = arith.mulf %mul3A_29, %mul3A_29 : vector<1x64xf32>
      %sub3A = arith.subf %mul3A_33, %mul3A_34 : vector<1x64xf32>
      %slice3A_35 = vector.extract_strided_slice %get3A_21 {offsets = [0, 64], sizes = [1, 64], strides = [1, 1]} : vector<1x192xf32> to vector<1x64xf32>
      %slice3A_36 = vector.extract_strided_slice %get3A_21 {offsets = [0, 128], sizes = [1, 64], strides = [1, 1]} : vector<1x192xf32> to vector<1x64xf32>
      %sub3A_37 = vector.broadcast %mul3A_29 : vector<1x64xf32> to vector<1024x64xf32>
      %sub3A_38 = arith.subf %get3A_26, %sub3A_37 : vector<1024x64xf32>
      %add3A_39 = arith.constant 9.99999974E-6 : f32
      %add3A_40 = vector.broadcast %add3A_39 : f32 to vector<1x64xf32>
      %add3A_41 = arith.addf %sub3A, %add3A_40 : vector<1x64xf32>
      %sqrt3A = math.sqrt %add3A_41 : vector<1x64xf32>
      %div3A = vector.broadcast %sqrt3A : vector<1x64xf32> to vector<1024x64xf32>
      %div3A_42 = arith.divf %sub3A_38, %div3A : vector<1024x64xf32>
      %mul3A_43 = vector.broadcast %slice3A_35 : vector<1x64xf32> to vector<1024x64xf32>
      %mul3A_44 = arith.mulf %div3A_42, %mul3A_43 : vector<1024x64xf32>
      %add3A_45 = vector.broadcast %slice3A_36 : vector<1x64xf32> to vector<1024x64xf32>
      %add3A_46 = arith.addf %mul3A_44, %add3A_45 : vector<1024x64xf32>
      %ge3A = arith.constant 0.000000e+00 : f32
      %ge3A_47 = vector.broadcast %ge3A : f32 to vector<1024x64xf32>
      %ge3A_48 = arith.cmpf oge, %add3A_46, %ge3A_47 : vector<1024x64xf32>
      %mul3A_49 = arith.constant 1.000000e-01 : f32
      %mul3A_50 = vector.broadcast %mul3A_49 : f32 to vector<1024x64xf32>
      %mul3A_51 = arith.mulf %mul3A_50, %add3A_46 : vector<1024x64xf32>
      %select_n3A = arith.select %ge3A_48, %add3A_46, %mul3A_51 : vector<1024x64xi1>, vector<1024x64xf32>
      %mul3A_52 = arith.constant 1024 : i32
      %mul3A_53 = arith.muli %arg1, %mul3A_52 : i32
      %add3A_54 = arith.constant 8192 : i32
      %add3A_55 = arith.addi %add3A_54, %mul3A_53 : i32
      %get3A_56 = arith.index_cast %add3A_55 : i32 to index
      %get3A_57 = arith.constant 0 : index
      %get3A_58 = vector.load %arg15[%get3A_56, %get3A_57] : memref<32768x64xf32, #tpu.memory_space<vmem>>, vector<1024x64xf32>
      %slice3A_59 = vector.extract_strided_slice %get3A_18 {offsets = [0, 0], sizes = [1, 64], strides = [1, 1]} : vector<8x64xf32> to vector<1x64xf32>
      %mul3A_60 = arith.constant 3.05175781E-5 : f32
      %mul3A_61 = vector.broadcast %mul3A_60 : f32 to vector<1x64xf32>
      %mul3A_62 = arith.mulf %slice3A_59, %mul3A_61 : vector<1x64xf32>
      %slice3A_63 = vector.extract_strided_slice %get3A_18 {offsets = [1, 0], sizes = [1, 64], strides = [1, 1]} : vector<8x64xf32> to vector<1x64xf32>
      %mul3A_64 = arith.constant 3.05175781E-5 : f32
      %mul3A_65 = vector.broadcast %mul3A_64 : f32 to vector<1x64xf32>
      %mul3A_66 = arith.mulf %slice3A_63, %mul3A_65 : vector<1x64xf32>
      %mul3A_67 = arith.mulf %mul3A_62, %mul3A_62 : vector<1x64xf32>
      %sub3A_68 = arith.subf %mul3A_66, %mul3A_67 : vector<1x64xf32>
      %slice3A_69 = vector.extract_strided_slice %get3A_21 {offsets = [0, 64], sizes = [1, 64], strides = [1, 1]} : vector<1x192xf32> to vector<1x64xf32>
      %slice3A_70 = vector.extract_strided_slice %get3A_21 {offsets = [0, 128], sizes = [1, 64], strides = [1, 1]} : vector<1x192xf32> to vector<1x64xf32>
      %sub3A_71 = vector.broadcast %mul3A_62 : vector<1x64xf32> to vector<1024x64xf32>
      %sub3A_72 = arith.subf %get3A_58, %sub3A_71 : vector<1024x64xf32>
      %add3A_73 = arith.constant 9.99999974E-6 : f32
      %add3A_74 = vector.broadcast %add3A_73 : f32 to vector<1x64xf32>
      %add3A_75 = arith.addf %sub3A_68, %add3A_74 : vector<1x64xf32>
      %sqrt3A_76 = math.sqrt %add3A_75 : vector<1x64xf32>
      %div3A_77 = vector.broadcast %sqrt3A_76 : vector<1x64xf32> to vector<1024x64xf32>
      %div3A_78 = arith.divf %sub3A_72, %div3A_77 : vector<1024x64xf32>
      %mul3A_79 = vector.broadcast %slice3A_69 : vector<1x64xf32> to vector<1024x64xf32>
      %mul3A_80 = arith.mulf %div3A_78, %mul3A_79 : vector<1024x64xf32>
      %add3A_81 = vector.broadcast %slice3A_70 : vector<1x64xf32> to vector<1024x64xf32>
      %add3A_82 = arith.addf %mul3A_80, %add3A_81 : vector<1024x64xf32>
      %ge3A_83 = arith.constant 0.000000e+00 : f32
      %ge3A_84 = vector.broadcast %ge3A_83 : f32 to vector<1024x64xf32>
      %ge3A_85 = arith.cmpf oge, %add3A_82, %ge3A_84 : vector<1024x64xf32>
      %mul3A_86 = arith.constant 1.000000e-01 : f32
      %mul3A_87 = vector.broadcast %mul3A_86 : f32 to vector<1024x64xf32>
      %mul3A_88 = arith.mulf %mul3A_87, %add3A_82 : vector<1024x64xf32>
      %select_n3A_89 = arith.select %ge3A_85, %add3A_82, %mul3A_88 : vector<1024x64xi1>, vector<1024x64xf32>
      %mul3A_90 = arith.constant 1024 : i32
      %mul3A_91 = arith.muli %arg1, %mul3A_90 : i32
      %add3A_92 = arith.constant 16384 : i32
      %add3A_93 = arith.addi %add3A_92, %mul3A_91 : i32
      %get3A_94 = arith.index_cast %add3A_93 : i32 to index
      %get3A_95 = arith.constant 0 : index
      %get3A_96 = vector.load %arg15[%get3A_94, %get3A_95] : memref<32768x64xf32, #tpu.memory_space<vmem>>, vector<1024x64xf32>
      %slice3A_97 = vector.extract_strided_slice %get3A_18 {offsets = [0, 0], sizes = [1, 64], strides = [1, 1]} : vector<8x64xf32> to vector<1x64xf32>
      %mul3A_98 = arith.constant 3.05175781E-5 : f32
      %mul3A_99 = vector.broadcast %mul3A_98 : f32 to vector<1x64xf32>
      %mul3A_100 = arith.mulf %slice3A_97, %mul3A_99 : vector<1x64xf32>
      %slice3A_101 = vector.extract_strided_slice %get3A_18 {offsets = [1, 0], sizes = [1, 64], strides = [1, 1]} : vector<8x64xf32> to vector<1x64xf32>
      %mul3A_102 = arith.constant 3.05175781E-5 : f32
      %mul3A_103 = vector.broadcast %mul3A_102 : f32 to vector<1x64xf32>
      %mul3A_104 = arith.mulf %slice3A_101, %mul3A_103 : vector<1x64xf32>
      %mul3A_105 = arith.mulf %mul3A_100, %mul3A_100 : vector<1x64xf32>
      %sub3A_106 = arith.subf %mul3A_104, %mul3A_105 : vector<1x64xf32>
      %slice3A_107 = vector.extract_strided_slice %get3A_21 {offsets = [0, 64], sizes = [1, 64], strides = [1, 1]} : vector<1x192xf32> to vector<1x64xf32>
      %slice3A_108 = vector.extract_strided_slice %get3A_21 {offsets = [0, 128], sizes = [1, 64], strides = [1, 1]} : vector<1x192xf32> to vector<1x64xf32>
      %sub3A_109 = vector.broadcast %mul3A_100 : vector<1x64xf32> to vector<1024x64xf32>
      %sub3A_110 = arith.subf %get3A_96, %sub3A_109 : vector<1024x64xf32>
      %add3A_111 = arith.constant 9.99999974E-6 : f32
      %add3A_112 = vector.broadcast %add3A_111 : f32 to vector<1x64xf32>
      %add3A_113 = arith.addf %sub3A_106, %add3A_112 : vector<1x64xf32>
      %sqrt3A_114 = math.sqrt %add3A_113 : vector<1x64xf32>
      %div3A_115 = vector.broadcast %sqrt3A_114 : vector<1x64xf32> to vector<1024x64xf32>
      %div3A_116 = arith.divf %sub3A_110, %div3A_115 : vector<1024x64xf32>
      %mul3A_117 = vector.broadcast %slice3A_107 : vector<1x64xf32> to vector<1024x64xf32>
      %mul3A_118 = arith.mulf %div3A_116, %mul3A_117 : vector<1024x64xf32>
      %add3A_119 = vector.broadcast %slice3A_108 : vector<1x64xf32> to vector<1024x64xf32>
      %add3A_120 = arith.addf %mul3A_118, %add3A_119 : vector<1024x64xf32>
      %ge3A_121 = arith.constant 0.000000e+00 : f32
      %ge3A_122 = vector.broadcast %ge3A_121 : f32 to vector<1024x64xf32>
      %ge3A_123 = arith.cmpf oge, %add3A_120, %ge3A_122 : vector<1024x64xf32>
      %mul3A_124 = arith.constant 1.000000e-01 : f32
      %mul3A_125 = vector.broadcast %mul3A_124 : f32 to vector<1024x64xf32>
      %mul3A_126 = arith.mulf %mul3A_125, %add3A_120 : vector<1024x64xf32>
      %select_n3A_127 = arith.select %ge3A_123, %add3A_120, %mul3A_126 : vector<1024x64xi1>, vector<1024x64xf32>
      %mul3A_128 = arith.constant 1024 : i32
      %mul3A_129 = arith.muli %arg1, %mul3A_128 : i32
      %add3A_130 = arith.constant 24576 : i32
      %add3A_131 = arith.addi %add3A_130, %mul3A_129 : i32
      %get3A_132 = arith.index_cast %add3A_131 : i32 to index
      %get3A_133 = arith.constant 0 : index
      %get3A_134 = vector.load %arg15[%get3A_132, %get3A_133] : memref<32768x64xf32, #tpu.memory_space<vmem>>, vector<1024x64xf32>
      %slice3A_135 = vector.extract_strided_slice %get3A_18 {offsets = [0, 0], sizes = [1, 64], strides = [1, 1]} : vector<8x64xf32> to vector<1x64xf32>
      %mul3A_136 = arith.constant 3.05175781E-5 : f32
      %mul3A_137 = vector.broadcast %mul3A_136 : f32 to vector<1x64xf32>
      %mul3A_138 = arith.mulf %slice3A_135, %mul3A_137 : vector<1x64xf32>
      %slice3A_139 = vector.extract_strided_slice %get3A_18 {offsets = [1, 0], sizes = [1, 64], strides = [1, 1]} : vector<8x64xf32> to vector<1x64xf32>
      %mul3A_140 = arith.constant 3.05175781E-5 : f32
      %mul3A_141 = vector.broadcast %mul3A_140 : f32 to vector<1x64xf32>
      %mul3A_142 = arith.mulf %slice3A_139, %mul3A_141 : vector<1x64xf32>
      %mul3A_143 = arith.mulf %mul3A_138, %mul3A_138 : vector<1x64xf32>
      %sub3A_144 = arith.subf %mul3A_142, %mul3A_143 : vector<1x64xf32>
      %slice3A_145 = vector.extract_strided_slice %get3A_21 {offsets = [0, 64], sizes = [1, 64], strides = [1, 1]} : vector<1x192xf32> to vector<1x64xf32>
      %slice3A_146 = vector.extract_strided_slice %get3A_21 {offsets = [0, 128], sizes = [1, 64], strides = [1, 1]} : vector<1x192xf32> to vector<1x64xf32>
      %sub3A_147 = vector.broadcast %mul3A_138 : vector<1x64xf32> to vector<1024x64xf32>
      %sub3A_148 = arith.subf %get3A_134, %sub3A_147 : vector<1024x64xf32>
      %add3A_149 = arith.constant 9.99999974E-6 : f32
      %add3A_150 = vector.broadcast %add3A_149 : f32 to vector<1x64xf32>
      %add3A_151 = arith.addf %sub3A_144, %add3A_150 : vector<1x64xf32>
      %sqrt3A_152 = math.sqrt %add3A_151 : vector<1x64xf32>
      %div3A_153 = vector.broadcast %sqrt3A_152 : vector<1x64xf32> to vector<1024x64xf32>
      %div3A_154 = arith.divf %sub3A_148, %div3A_153 : vector<1024x64xf32>
      %mul3A_155 = vector.broadcast %slice3A_145 : vector<1x64xf32> to vector<1024x64xf32>
      %mul3A_156 = arith.mulf %div3A_154, %mul3A_155 : vector<1024x64xf32>
      %add3A_157 = vector.broadcast %slice3A_146 : vector<1x64xf32> to vector<1024x64xf32>
      %add3A_158 = arith.addf %mul3A_156, %add3A_157 : vector<1024x64xf32>
      %ge3A_159 = arith.constant 0.000000e+00 : f32
      %ge3A_160 = vector.broadcast %ge3A_159 : f32 to vector<1024x64xf32>
      %ge3A_161 = arith.cmpf oge, %add3A_158, %ge3A_160 : vector<1024x64xf32>
      %mul3A_162 = arith.constant 1.000000e-01 : f32
      %mul3A_163 = vector.broadcast %mul3A_162 : f32 to vector<1024x64xf32>
      %mul3A_164 = arith.mulf %mul3A_163, %add3A_158 : vector<1024x64xf32>
      %select_n3A_165 = arith.select %ge3A_161, %add3A_158, %mul3A_164 : vector<1024x64xi1>, vector<1024x64xf32>
      %max3A = arith.maximumf %select_n3A, %select_n3A_89 : vector<1024x64xf32>
      %max3A_166 = arith.maximumf %select_n3A_127, %select_n3A_165 : vector<1024x64xf32>
      %max3A_167 = arith.maximumf %max3A, %max3A_166 : vector<1024x64xf32>
      %get3A_168 = arith.constant 0 : index
      %get3A_169 = arith.constant 0 : index
      %get3A_170 = vector.load %arg11[%get3A_168, %get3A_169] : memref<64x3xf32, #tpu.memory_space<vmem>>, vector<64x3xf32>
      %convert_element_type3A_171 = arith.truncf %max3A_167 : vector<1024x64xf32> to vector<1024x64xbf16>
      %convert_element_type3A_172 = arith.truncf %get3A_170 : vector<64x3xf32> to vector<64x3xbf16>
      %dot_general3A = arith.constant dense<0.000000e+00> : vector<1024x3xf32>
      %dot_general3A_173 = tpu.matmul %convert_element_type3A_171, %convert_element_type3A_172, %dot_general3A {dimension_numbers = #tpu.dot_dimension_numbers<[1], [0], [0], [1], [0, 0, 1, 1], [], []>, transpose_lhs_hint = false} : vector<1024x64xbf16>, vector<64x3xbf16>, vector<1024x3xf32> -> vector<1024x3xf32>
      %get3A_174 = arith.constant 0 : index
      %get3A_175 = arith.constant 0 : index
      %get3A_176 = vector.load %arg12[%get3A_174, %get3A_175] : memref<1x3xf32, #tpu.memory_space<vmem>>, vector<1x3xf32>
      %add3A_177 = vector.broadcast %get3A_176 : vector<1x3xf32> to vector<1024x3xf32>
      %add3A_178 = arith.addf %dot_general3A_173, %add3A_177 : vector<1024x3xf32>
      %get3A_179 = arith.constant 0 : index
      %get3A_180 = arith.constant 0 : index
      %get3A_181 = vector.load %arg4[%get3A_179, %get3A_180] : memref<1024x3xf32, #tpu.memory_space<vmem>>, vector<1024x3xf32>
      %add3A_182 = arith.addf %get3A_181, %add3A_178 : vector<1024x3xf32>
      %swap3A = arith.constant 0 : index
      %swap3A_183 = arith.constant 0 : index
      %swap3A_184 = vector.load %arg13[%swap3A, %swap3A_183] : memref<1024x3xf32, #tpu.memory_space<vmem>>, vector<1024x3xf32>
      tpu.vector_store %arg13[%swap3A, %swap3A_183], %add3A_182 {strides = array<i32>} : memref<1024x3xf32, #tpu.memory_space<vmem>>, vector<1024x3xf32>,
    } else {
    }
    return
  }
  func.func @transform_0(%arg0: i32, %arg1: i32) -> (i32, i32) {
    %eq3A = arith.constant 0 : i32
    %eq3A_0 = arith.cmpi eq, %arg0, %eq3A : i32
    %jit3A = arith.constant 7 : i32
    %select_n3A = arith.select %eq3A_0, %arg1, %jit3A : i32
    %c0_i32 = arith.constant 0 : i32
    %c0_i32_1 = arith.constant 0 : i32
    return %select_n3A, %c0_i32 : i32, i32
  }
  func.func @transform_1(%arg0: i32, %arg1: i32) -> (i32, i32) {
    %eq3A = arith.constant 0 : i32
    %eq3A_0 = arith.cmpi eq, %arg0, %eq3A : i32
    %jit3A = arith.constant 7 : i32
    %select_n3A = arith.select %eq3A_0, %arg1, %jit3A : i32
    %c0_i32 = arith.constant 0 : i32
    %c0_i32_1 = arith.constant 0 : i32
    return %select_n3A, %c0_i32 : i32, i32
  }
  func.func @transform_2(%arg0: i32, %arg1: i32) -> (i32, i32) {
    %eq3A = arith.constant 3 : i32
    %eq3A_0 = arith.cmpi eq, %arg0, %eq3A : i32
    %jit3A = arith.constant 0 : i32
    %select_n3A = arith.select %eq3A_0, %arg1, %jit3A : i32
    %c0_i32 = arith.constant 0 : i32
    %c0_i32_1 = arith.constant 0 : i32
    return %select_n3A, %c0_i32 : i32, i32
  }
  func.func @transform_3(%arg0: i32, %arg1: i32) -> (i32, i32) {
    %c0_i32 = arith.constant 0 : i32
    %c0_i32_0 = arith.constant 0 : i32
    %c0_i32_1 = arith.constant 0 : i32
    return %c0_i32, %c0_i32_0 : i32, i32
  }
  func.func @transform_4(%arg0: i32, %arg1: i32) -> (i32, i32) {
    %c0_i32 = arith.constant 0 : i32
    %c0_i32_0 = arith.constant 0 : i32
    %c0_i32_1 = arith.constant 0 : i32
    return %c0_i32, %c0_i32_0 : i32, i32
  }
  func.func @transform_5(%arg0: i32, %arg1: i32) -> (i32, i32) {
    %c0_i32 = arith.constant 0 : i32
    %c0_i32_0 = arith.constant 0 : i32
    %c0_i32_1 = arith.constant 0 : i32
    return %c0_i32, %c0_i32_0 : i32, i32
  }
  func.func @transform_6(%arg0: i32, %arg1: i32) -> (i32, i32) {
    %c0_i32 = arith.constant 0 : i32
    %c0_i32_0 = arith.constant 0 : i32
    %c0_i32_1 = arith.constant 0 : i32
    return %c0_i32, %c0_i32_0 : i32, i32
  }
  func.func @transform_7(%arg0: i32, %arg1: i32) -> (i32, i32) {
    %c0_i32 = arith.constant 0 : i32
    %c0_i32_0 = arith.constant 0 : i32
    %c0_i32_1 = arith.constant 0 : i32
    return %c0_i32, %c0_i32_0 : i32, i32
  }
  func.func @transform_8(%arg0: i32, %arg1: i32) -> (i32, i32) {
    %c0_i32 = arith.constant 0 : i32
    %c0_i32_0 = arith.constant 0 : i32
    %c0_i32_1 = arith.constant 0 : i32
    return %c0_i32, %c0_i32_0 : i32, i32
  }
  func.func @transform_9(%arg0: i32, %arg1: i32) -> (i32, i32) {
    %c0_i32 = arith.constant 0 : i32
    %c0_i32_0 = arith.constant 0 : i32
    %c0_i32_1 = arith.constant 0 : i32
    return %c0_i32, %c0_i32_0 : i32, i32
  }
  func.func @transform_10(%arg0: i32, %arg1: i32) -> (i32, i32) {
    %c0_i32 = arith.constant 0 : i32
    %c0_i32_0 = arith.constant 0 : i32
    %c0_i32_1 = arith.constant 0 : i32
    return %c0_i32, %c0_i32_0 : i32, i32
  }
  func.func @transform_11(%arg0: i32, %arg1: i32) -> (i32, i32) {
    %eq3A = arith.constant 3 : i32
    %eq3A_0 = arith.cmpi eq, %arg0, %eq3A : i32
    %jit3A = arith.constant 0 : i32
    %select_n3A = arith.select %eq3A_0, %arg1, %jit3A : i32
    %c0_i32 = arith.constant 0 : i32
    %c0_i32_1 = arith.constant 0 : i32
    return %select_n3A, %c0_i32 : i32, i32
  }
  func.func @transform_12(%arg0: i32, %arg1: i32) -> (i32, i32) {
    %eq3A = arith.constant 0 : i32
    %eq3A_0 = arith.cmpi eq, %arg0, %eq3A : i32
    %jit3A = arith.constant 7 : i32
    %select_n3A = arith.select %eq3A_0, %arg1, %jit3A : i32
    %c0_i32 = arith.constant 0 : i32
    %c0_i32_1 = arith.constant 0 : i32
    return %select_n3A, %c0_i32 : i32, i32
  }
}

</mosaic_0001>

<sc_bundles>
// kernel: kernel.12.cloned.1.call-start
scs
__scs_entry_jumppad:
0x0: {  	(pc) =	sbr.rel $0x88, $3  }
0x1: {  	(tag) =	ssettag $0x0;
	lr =	simm.s32 $0x1  }
0x2: {  	[smem:$0x3F79] =	sst lr;
	_ =	strace $0xD0000000  }
0x3: {  	_ = 	snop  }
0x4: {  	_ = 	snop  }
0x5: {  	_ = 	snop  }
0x6: {  	_ = 	snop  }
0x7: {  	_ = 	snop  }
__scs_overlays_trampoline_lowered:
0x8: {  	[smem:$0x3F88] =	sst s0  }
0x9: {  	[smem:$0x3F89] =	sst s1  }
0xa: {  	[smem:$0x3F8A] =	sst s2  }
0xb: {  	[smem:$0x3F8B] =	sst s3  }
0xc: {  	[smem:$0x3F8C] =	sst s4  }
0xd: {  	[smem:$0x3F8D] =	sst s5  }
0xe: {  	[smem:$0x3F8E] =	sst s6  }
0xf: {  	[smem:$0x3F8F] =	sst s7  }
0x10: {  	[smem:$0x3F90] =	sst s8  }
0x11: {  	[smem:$0x3F91] =	sst s9;
	s0 =	simm.s32 @!p0 $0x0  }
0x12: {  	s1 =	sld [smem:$0x3F77];
	s0 =	simm.s32 @p0 $0x1  }
0x13: {  	[smem:$0x3F92] =	sst s0;
	s0 =	simm.s32 @!p1 $0x0  }
0x14: {  	s2 =	sld [smem:$0x3F76];
	s0 =	simm.s32 @p1 $0x1  }
0x15: {  	[smem:$0x3F93] =	sst s0;
	s0 =	simm.s32 @!p2 $0x0  }
0x16: {  	s3 =	sld [smem:$0x3FDB];
	s0 =	simm.s32 @p2 $0x1  }
0x17: {  	s4 =	simm.s32 $0x1BF5;
	[smem:$0x3F95] =	sst s0  }
0x18: {  	s0 =	sld [smem:$0x3F78];
	_ =	swait.ge [sflag:s4], $0x0  }
0x19: {  	s7 =	sld [smem:$0x3F79]  }
0x1a: {  	s8 =	sadd.s32 $0xFFFFE003, lr  }
0x1b: {  	s9 =	sadd.s32 $0xFFFFFEF7, lr;
	s5 =	simm.s32 $0xFFFFFFFF;
	p2 =	slt.u32 s8, $0xFFFFF086  }
0x1c: {  	p1 =	slt.u32 s9, $0xF7A;
	s5 =	simm.s32 @!p2 $0x0  }
0x1d: {  	s5 =	simm.s32 @p1 $0x1;
	p0 =	seq.s32 s7, s2  }
0x1e: {  	s7 =	smul.u32 @!p0 $0xF7A, s2;
	p2 =	seq.s32 @!p0 s5, $0x0  }
0x1f: {  	s9 =	smul.u32 $0xF7A, s1;
	s8 =	simm.s32 @!p0 $0x1BF5;
	p2 =	por !p2, p0  }
0x20: {  	[sflag:s8] =	ssyncset.s32 @!p0 $0xFFFFF086;
	s6 =	sadd.s32 @!p0 s3, s7;
	s7 =	simm.s32 @!p0 $0x108  }
0x21: {  	s3 =	sadd.s32 s3, s9;
	s6 =	sadd.s32 @!p0 $0x88, s6;
	s7 =	simm.s32 @p2 $0x1082  }
0x22: {  	[simem:s7], [sflag:s8] =	dma.local @!p0 [hbm:s6], $0xF7A  }
0x23: {  	s9 =	sor.u32 $0xD0000000, s2;
	s6 =	simm.s32 $0x108;
	_ =	swait.ge @!p0 [sflag:s8], $0x0  }
0x24: {  	s3 =	sadd.s32 $0x88, s3;
	s6 =	simm.s32 @!p1 $0x1082;
	[sflag:s4] =	ssyncset.s32 $0xFFFFF086  }
0x25: {  	[simem:s6], [sflag:s4] =	dma.local [hbm:s3], $0xF7A  }
0x26: {  	[smem:$0x3F79] =	sst s1;
	(tag) =	ssettag s2;
	_ =	strace s9  }
0x27: {  	s1 =	sld [smem:$0x3F89]  }
0x28: {  	s2 =	sld [smem:$0x3F8A]  }
0x29: {  	s4 =	sld [smem:$0x3F8C]  }
0x2a: {  	p0 =	seq.s32 s5, $0x0;
	s5 =	sld [smem:$0x3F8D]  }
0x2b: {  	s6 =	sld [smem:$0x3F8E]  }
0x2c: {  	s7 =	sld [smem:$0x3F8F]  }
0x2d: {  	s3 =	simm.s32 $0x108;
	s8 =	sld [smem:$0x3F90]  }
0x2e: {  	s3 =	simm.s32 @!p0 $0x1082;
	s9 =	sld [smem:$0x3F91]  }
0x2f: {  	lr =	sadd.s32 s0, s3;
	s0 =	sld [smem:$0x3F88]  }
0x30: {  	s3 =	sld [smem:$0x3F8B]  }
0x31: {  	[smem:$0x3F94] =	sst s10  }
0x32: {  	s10 =	sld [smem:$0x3F92];
	_ =	sdelay $0x3  }
0x33: {  	p0 =	seq.s32 s10, $0x1;
	s10 =	sld [smem:$0x3F94];
	_ =	sdelay $0x3  }
0x34: {  	[smem:$0x3F94] =	sst s10  }
0x35: {  	s10 =	sld [smem:$0x3F93];
	_ =	sdelay $0x3  }
0x36: {  	p1 =	seq.s32 s10, $0x1;
	s10 =	sld [smem:$0x3F94];
	_ =	sdelay $0x3  }
0x37: {  	[smem:$0x3F94] =	sst s10  }
0x38: {  	s10 =	sld [smem:$0x3F95]  }
0x39: {  	_ = 	snop;
	(pc) =	sbr.ind lr, $3  }
0x3a: {  	_ = 	snop  }
0x3b: {  	_ = 	snop  }
0x3c: {  	p2 =	seq.s32 s10, $0x1;
	s10 =	sld [smem:$0x3F94]  }
0x3d: {  	_ =	shalt  }
0x3e: {  	_ =	shalt  }
0x3f: {  	_ =	shalt  }
0x40: {  	_ =	shalt  }
0x41: {  	_ =	shalt  }
0x42: {  	_ =	shalt  }
0x43: {  	_ =	shalt  }
0x44: {  	_ =	shalt  }
0x45: {  	_ =	shalt  }
0x46: {  	_ =	shalt  }
0x47: {  	_ =	shalt  }
0x48: {  	_ =	shalt  }
0x49: {  	_ =	shalt  }
0x4a: {  	_ =	shalt  }
0x4b: {  	_ =	shalt  }
0x4c: {  	_ =	shalt  }
0x4d: {  	_ =	shalt  }
0x4e: {  	_ =	shalt  }
0x4f: {  	_ =	shalt  }
0x50: {  	_ =	shalt  }
0x51: {  	_ =	shalt  }
0x52: {  	_ =	shalt  }
0x53: {  	_ =	shalt  }
0x54: {  	_ =	shalt  }
0x55: {  	_ =	shalt  }
0x56: {  	_ =	shalt  }
0x57: {  	_ =	shalt  }
0x58: {  	_ =	shalt  }
0x59: {  	_ =	shalt  }
0x5a: {  	_ =	shalt  }
0x5b: {  	_ =	shalt  }
0x5c: {  	_ =	shalt  }
0x5d: {  	_ =	shalt  }
0x5e: {  	_ =	shalt  }
0x5f: {  	_ =	shalt  }
0x60: {  	_ =	shalt  }
0x61: {  	_ =	shalt  }
0x62: {  	_ =	shalt  }
0x63: {  	_ =	shalt  }
0x64: {  	_ =	shalt  }
0x65: {  	_ =	shalt  }
0x66: {  	_ =	shalt  }
0x67: {  	_ =	shalt  }
0x68: {  	_ =	shalt  }
0x69: {  	_ =	shalt  }
0x6a: {  	_ =	shalt  }
0x6b: {  	_ =	shalt  }
0x6c: {  	_ =	shalt  }
0x6d: {  	_ =	shalt  }
0x6e: {  	_ =	shalt  }
0x6f: {  	_ =	shalt  }
0x70: {  	_ =	shalt  }
0x71: {  	_ =	shalt  }
0x72: {  	_ =	shalt  }
0x73: {  	_ =	shalt  }
0x74: {  	_ =	shalt  }
0x75: {  	_ =	shalt  }
0x76: {  	_ =	shalt  }
0x77: {  	_ =	shalt  }
0x78: {  	_ =	shalt  }
0x79: {  	_ =	shalt  }
0x7a: {  	_ =	shalt  }
0x7b: {  	_ =	shalt  }
0x7c: {  	_ =	shalt  }
0x7d: {  	_ =	shalt  }
0x7e: {  	_ =	shalt  }
0x7f: {  	_ =	shalt  }
0x80: {  	_ =	shalt  }
0x81: {  	_ =	shalt  }
0x82: {  	_ =	shalt  }
0x83: {  	_ =	shalt  }
0x84: {  	_ =	shalt  }
0x85: {  	_ =	shalt  }
0x86: {  	_ =	shalt  }
0x87: {  	_ =	shalt  }
.Lfunc_end0:
.L_simem_size_0:
called_computation.1_lowered:
.L_overlay_start_0:
0x88: {  	s2 =	sld [smem:$0x3FD9]  }
0x89: {  	s3 =	sld [smem:$0x3FFE];
	_ =	sdelay $0x1  }
0x8a: {  	s1 =	srdreg.scid  }
0x8b: {  	s0 =	sand.u32 $0x1, s1  }
0x8c: {  	s16 =	sshll.u32 s0, $0xA;
	s2 =	sadd.s32 s3, s2  }
0x8d: {  	s2 =	sadd.s32 s2, s16  }
0x8e: {  	[smem:$0x3FA0] =	sst s2  }
0x8f: {  	_ = 	snop  }
0x90: {  	(tm) =	ssettm $0x1  }
0x91: {  	s17 =	sld [smem:$0x3FFB];
	_ =	sdelay $0x3  }
0x92: {  	_ =	strace s17  }
0x93: {  	s2 =	sld [smem:$0x3FFC];
	_ =	sdelay $0x3  }
0x94: {  	_ =	strace s2  }
0x95: {  	s2 =	sld [smem:$0x3FFD];
	_ =	sdelay $0x3  }
0x96: {  	_ =	strace s2  }
0x97: {  	_ =	strace $0x8FFFFFFF  }
0x98: {  	s18 =	sld [smem:$0x3FDB];
	_ =	sdelay $0x1  }
0x99: {  	s19 =	simm.s32 $_scs_section_size  }
0x9a: {  	s4 =	simm.s32 $_size__tile_overlayer_lowered;
	s5 =	simm.s32 $_tile_overlayer_lowered  }
0x9b: {  	s22 =	simm.s32 $0x1BFF;
	s21 =	sshll.u32 s5, $0x1;
	s2 =	sadd.s32 s19, s18  }
0x9c: {  	s6 =	simm.s32 $0x0;
	s20 =	sshll.u32 s4, $0x1;
	s4 =	sadd.s32 s21, s2  }
0x9d: {  	[timem:s6], [sflag:s22] =	dma.local [hbm:s4], s20  }
0x9e: {  	_ =	swait.ge [sflag:s22], s20  }
0x9f: {  	s3 =	ssub.s32 $0x0, s20;
	[sflag:s22] =	ssyncset.done $0x0  }
0xa0: {  	[sflag:s22] =	ssyncadd.s32 s3;
	_ =	sdelay $0x1  }
0xa1: {  	s23 =	simm.s32 $0x1B8B  }
0xa2: {  	_ =	swait.ge [sflag:s23], $0x1  }
0xa3: {  	[sflag:s23] =	ssyncset.done $0x0  }
0xa4: {  	s25 =	simm.s32 $0x1B8E;
	s24 =	sld [smem:$0x3FFE];
	[sflag:s23] =	ssyncadd.s32 $0xFFFFFFFF  }
0xa5: {  	s26 =	simm.s32 $execute0_lowered;
	[smem:$0x3FD2] =	sst s25  }
0xa6: {  	s4 =	sshll.u32 s26, $0x1;
	_ =	strace $0x80000049;
	[dreg:$0x1] =	wrdreg $0xFFFFFFFF  }
0xa7: {  	s28 =	simm.s32 $_size_execute0_lowered;
	s2 =	sadd.s32 s2, s4;
	[dreg:$0x0] =	wrdreg $0x0  }
0xa8: {  	s4 =	sshll.u32 s28, $0x1;
	[dreg:$0x2] =	wrdreg s2  }
0xa9: {  	[dreg:$0x3] =	wrdreg s4  }
0xaa: {  	[dreg:$0x4] =	wrdreg $0xC0  }
0xab: {  	_ =	task [dreg:s6], $0x5FFFF  }
0xac: {  	[dreg:$0x1] =	wrdreg $0xFFFFFFFF  }
0xad: {  	[dreg:$0x0] =	wrdreg $0x60  }
0xae: {  	[dreg:$0x2] =	wrdreg s24  }
0xaf: {  	[dreg:$0x3] =	wrdreg $0x9  }
0xb0: {  	_ =	task.clear_ibuf [dreg:s6], $0x4FFFF;
	_ =	strace $0x90000049  }
0xb1: {  	s29 =	simm.s32 $0x9;
	_ =	strace $0x8000004B  }
0xb2: {  	_ =	swait.ge [sflag:s29], $0x1  }
0xb3: {  	[sflag:s29] =	ssyncadd.s32 $0xFFFFFFFF  }
0xb4: {  	_ =	strace $0x9000004B  }
0xb5: {  	_ =	sfence  }
0xb6: {  	s30 =	sld [smem:$0x0];
	_ =	sdelay $0x2  }
0xb7: {  	s31 =	sshll.u32 s1, $0xD;
	s1 =	sshrl.u32 s1, $0x2  }
0xb8: {  	s3 =	sand.u32 $0x4000, s31;
	s1 =	sadd.s32 s1, s30  }
0xb9: {  	s0 =	sor.u32 s3, s0;
	s1 =	sshll.u32 s1, $0x11  }
0xba: {  	s0 =	sor.u32 s1, s0  }
0xbb: {  	s0 =	sadd.s32 $0x8F2B, s0  }
0xbc: {  	[sflag:s0] =	ssyncadd.remote.s32 $0x1  }
0xbd: {  	_ =	sfence.sel $0xFFFF  }
0xbe: {  	[dreg:$0x0] =	wrdreg $0xFFFFFFFF;
	(pc) =	sbr.abs _section_cstart, $3  }
0xbf: {  	[dreg:$0x1] =	wrdreg $0xFFFFFFFF  }
0xc0: {  	_ =	task.clear_ibuf [dreg:s6], $0x2FFFF;
	_ =	strace $0x9FFFFFFF  }
0xc1: {  	(tm) =	ssettm $0x7FFFFFFF  }
tec
execute0_lowered:
.L_overlay_start_1:
0x0: {  	(tag) =	ssettag $0x1  }
0x1: {  	s1 =	srdreg.scid  }
0x2: {  	s0 =	stileid.u32;
	s10 =	sand.u32 $0x1, s1  }
0x3: {  	s30 =	sshll.u32 s0, $0xB;
	s2 =	sshll.u32 s10, $0xA  }
0x4: {  	s9 =	rddreg [dreg:$0x0];
	s11 =	sor.u32 s2, s30  }
0x5: {  	s1 =	rddreg [dreg:$0x1];
	s2 =	simm.s32 $0x0;
	s3 =	sshrl.u32 s11, $0x3  }
0x6: {  	[smem:$0x7FF] =	sst s2;
	s3 =	sadd.s32 s3, s9  }
0x7: {  	_ =	strace $0x8000004A;
	s4 =	sadd.s32 $0x6800, s3;
	s3 =	simm.s32 $0x2  }
0x8: {  	[tilespmem:s2], [sflag:$0x2] =	stream.linear.gather [hbm4b:s4+s2], $0x400, $0x38;
	[tilespmem:$0x10400] =	vst v63  }
0x9: {  	_ =	swait.ge [sflag:s3], $0x400  }
0xa: {  	s6 =	simm.s32 $0x200;
	s7 =	simm.s32 $0x400;
	[sflag:s3] =	ssyncset.done $0x0  }
0xb: {  	s8 =	simm.s32 $0x1;
	s5 =	sadd.s32 $0x7800, s9;
	[sflag:s3] =	ssyncadd.s32 $0xFFFFFC00  }
0xc: {  	[tilespmem:s7], [sflag:$0x1] =	stream.indirect.gather [hbm4b:s5+s6], $0x80, s2, s6, $0xb8;
	[tilespmem:$0x10400] =	vst v63  }
0xd: {  	s11 =	sshll.u32 s11, $0x4;
	_ =	swait.ge [sflag:s8], $0x10000  }
0xe: {  	s11 =	sadd.s32 s11, s9;
	[sflag:s8] =	ssyncset.done $0x0  }
0xf: {  	s10 =	ssub.s32 $0x2, s10;
	s9 =	sadd.s32 $0x27800, s11;
	[sflag:s8] =	ssyncadd.s32 $0xFFFF0000  }
0x10: {  	[hbm4b:s9+s2] =	stream.linear.scatter [tilespmem:s7], [sflag:$0x2], $0x10000, $0x38;
	[tilespmem:$0x10400] =	vst v63  }
0x11: {  	s12 =	sshrl.u32 s10, $0x1;
	_ =	swait.ge [sflag:s3], $0x10000  }
0x12: {  	s12 =	ssub.s32 s10, s12;
	[sflag:s3] =	ssyncset.done $0x0  }
0x13: {  	s31 =	smax.u32 s12, $0x1;
	[sflag:s3] =	ssyncadd.s32 $0xFFFF0000  }
0x14: {  	[tilespmem:s7], [sflag:$0x1] =	stream.indirect.gather [hbm4b:s5+s6], $0x80, s6, s6, $0xb8;
	[tilespmem:$0x10400] =	vst v63  }
0x15: {  	p0 =	sne.s32 s31, $0x1;
	_ =	swait.ge [sflag:s8], $0x10000  }
.Ltmp0:
0x16: {  	[sflag:s8] =	ssyncset.done $0x0;
	(pc) =	sbr.rel @!p0 .LBB2_2-.Ltmp0, $4  }
0x17: {  	s10 =	sadd.s32 $0x29800, s11;
	[sflag:s8] =	ssyncadd.s32 $0xFFFF0000  }
0x18: {  	[hbm4b:s10+s2] =	stream.linear.scatter [tilespmem:s7], [sflag:$0x2], $0x10000, $0x38;
	[tilespmem:$0x10400] =	vst v63  }
0x19: {  	_ =	swait.ge [sflag:s3], $0x10000  }
0x1a: {  	s11 =	sadd.s32 $0xFFFFFFFF, s31;
	[sflag:s3] =	ssyncset.done $0x0  }
.LBB2_1:
0x1b: {  	p0 =	sne.s32 s11, $0x1;
	s11 =	sadd.s32 $0xFFFFFFFF, s11;
	[sflag:s3] =	ssyncadd.s32 $0xFFFF0000  }
0x1c: {  	[tilespmem:s2], [sflag:$0x2] =	stream.linear.gather [hbm4b:s4+s2], $0x400, $0x38;
	[tilespmem:$0x10400] =	vst v63  }
0x1d: {  	_ =	swait.ge [sflag:s3], $0x400  }
0x1e: {  	[sflag:s3] =	ssyncset.done $0x0  }
0x1f: {  	[sflag:s3] =	ssyncadd.s32 $0xFFFFFC00  }
0x20: {  	[tilespmem:s7], [sflag:$0x1] =	stream.indirect.gather [hbm4b:s5+s6], $0x80, s2, s6, $0xb8;
	[tilespmem:$0x10400] =	vst v63  }
0x21: {  	_ =	swait.ge [sflag:s8], $0x10000  }
0x22: {  	[sflag:s8] =	ssyncset.done $0x0  }
0x23: {  	[sflag:s8] =	ssyncadd.s32 $0xFFFF0000  }
0x24: {  	[hbm4b:s9+s2] =	stream.linear.scatter [tilespmem:s7], [sflag:$0x2], $0x10000, $0x38;
	[tilespmem:$0x10400] =	vst v63  }
0x25: {  	_ =	swait.ge [sflag:s3], $0x10000  }
0x26: {  	[sflag:s3] =	ssyncset.done $0x0  }
0x27: {  	[sflag:s3] =	ssyncadd.s32 $0xFFFF0000  }
0x28: {  	[tilespmem:s7], [sflag:$0x1] =	stream.indirect.gather [hbm4b:s5+s6], $0x80, s6, s6, $0xb8;
	[tilespmem:$0x10400] =	vst v63  }
0x29: {  	_ =	swait.ge [sflag:s8], $0x10000  }
.Ltmp1:
0x2a: {  	[sflag:s8] =	ssyncset.done $0x0;
	(pc) =	sbr.rel @p0 .LBB2_1-.Ltmp1, $4  }
0x2b: {  	[sflag:s8] =	ssyncadd.s32 $0xFFFF0000  }
0x2c: {  	[hbm4b:s10+s2] =	stream.linear.scatter [tilespmem:s7], [sflag:$0x2], $0x10000, $0x38;
	[tilespmem:$0x10400] =	vst v63  }
0x2d: {  	_ =	swait.ge [sflag:s3], $0x10000  }
0x2e: {  	[sflag:s3] =	ssyncset.done $0x0  }
.LBB2_2:
0x2f: {  	[sflag:s3] =	ssyncadd.s32 $0xFFFF0000  }
0x30: {  	_ =	sfence.sel $0x180000  }
0x31: {  	[bflag:$0x0] =	sbarrier.arrive $0xFFFF  }
0x32: {  	p0 =	sne.s32 s0, $0x0;
	_ =	strace $0x9000004A  }
0x33: {  	s0 =	sadd.s32 @!p0 $0x100000, s1;
	[bflag:$0x2] =	sbarrier.arrive $0xFFFF  }
0x34: {  	[sflag:s0] =	ssyncadd.tile.s32 @!p0 $0x1;
	_ =	shalt  }
.Lfunc_end2:
_tile_overlayer_lowered:
.L_overlay_start_2:
0x35: {  	(tag) =	ssettag $0x2  }
0x36: {  	s0 =	rddreg [dreg:$0x0];
	s2 =	stileid.u32  }
0x37: {  	s1 =	rddreg [dreg:$0x1];
	p0 =	sne.s32 s2, $0x0  }
0x38: {  	s3 =	rddreg [dreg:$0x2];
	[bflag:$0x3] =	sbarrier.arrive $0xFFFF;
	s2 =	simm.s32 @!p0 $0x1C02  }
0x39: {  	[timem:s3], [sflag:s2] =	dma.local @!p0 [hbm:s0], s1  }
0x3a: {  	s0 =	simm.s32 @!p0 $0x2  }
0x3b: {  	_ =	swait.ge @!p0 [sflag:s0], s1  }
0x3c: {  	s1 =	ssub.s32 @!p0 $0x0, s1;
	[sflag:s0] =	ssyncset.done @!p0 $0x0  }
0x3d: {  	[sflag:s0] =	ssyncadd.s32 @!p0 s1  }
0x3e: {  	[bflag:$0x3] =	sbarrier.arrive $0xFFFF  }
0x3f: {  	_ =	shalt  }

// kernel: kernel.15.cloned.1.call-start
scs
__scs_entry_jumppad:
0x0: {  	(pc) =	sbr.rel $0x88, $3  }
0x1: {  	(tag) =	ssettag $0x0;
	lr =	simm.s32 $0x1  }
0x2: {  	[smem:$0x3F79] =	sst lr;
	_ =	strace $0xD0000000  }
0x3: {  	_ = 	snop  }
0x4: {  	_ = 	snop  }
0x5: {  	_ = 	snop  }
0x6: {  	_ = 	snop  }
0x7: {  	_ = 	snop  }
__scs_overlays_trampoline_lowered:
0x8: {  	[smem:$0x3F88] =	sst s0  }
0x9: {  	[smem:$0x3F89] =	sst s1  }
0xa: {  	[smem:$0x3F8A] =	sst s2  }
0xb: {  	[smem:$0x3F8B] =	sst s3  }
0xc: {  	[smem:$0x3F8C] =	sst s4  }
0xd: {  	[smem:$0x3F8D] =	sst s5  }
0xe: {  	[smem:$0x3F8E] =	sst s6  }
0xf: {  	[smem:$0x3F8F] =	sst s7  }
0x10: {  	[smem:$0x3F90] =	sst s8  }
0x11: {  	[smem:$0x3F91] =	sst s9;
	s0 =	simm.s32 @!p0 $0x0  }
0x12: {  	s1 =	sld [smem:$0x3F77];
	s0 =	simm.s32 @p0 $0x1  }
0x13: {  	[smem:$0x3F92] =	sst s0;
	s0 =	simm.s32 @!p1 $0x0  }
0x14: {  	s2 =	sld [smem:$0x3F76];
	s0 =	simm.s32 @p1 $0x1  }
0x15: {  	[smem:$0x3F93] =	sst s0;
	s0 =	simm.s32 @!p2 $0x0  }
0x16: {  	s3 =	sld [smem:$0x3FDB];
	s0 =	simm.s32 @p2 $0x1  }
0x17: {  	s4 =	simm.s32 $0x1BF5;
	[smem:$0x3F95] =	sst s0  }
0x18: {  	s0 =	sld [smem:$0x3F78];
	_ =	swait.ge [sflag:s4], $0x0  }
0x19: {  	s7 =	sld [smem:$0x3F79]  }
0x1a: {  	s8 =	sadd.s32 $0xFFFFE003, lr  }
0x1b: {  	s9 =	sadd.s32 $0xFFFFFEF7, lr;
	s5 =	simm.s32 $0xFFFFFFFF;
	p2 =	slt.u32 s8, $0xFFFFF086  }
0x1c: {  	p1 =	slt.u32 s9, $0xF7A;
	s5 =	simm.s32 @!p2 $0x0  }
0x1d: {  	s5 =	simm.s32 @p1 $0x1;
	p0 =	seq.s32 s7, s2  }
0x1e: {  	s7 =	smul.u32 @!p0 $0xF7A, s2;
	p2 =	seq.s32 @!p0 s5, $0x0  }
0x1f: {  	s9 =	smul.u32 $0xF7A, s1;
	s8 =	simm.s32 @!p0 $0x1BF5;
	p2 =	por !p2, p0  }
0x20: {  	[sflag:s8] =	ssyncset.s32 @!p0 $0xFFFFF086;
	s6 =	sadd.s32 @!p0 s3, s7;
	s7 =	simm.s32 @!p0 $0x108  }
0x21: {  	s3 =	sadd.s32 s3, s9;
	s6 =	sadd.s32 @!p0 $0x88, s6;
	s7 =	simm.s32 @p2 $0x1082  }
0x22: {  	[simem:s7], [sflag:s8] =	dma.local @!p0 [hbm:s6], $0xF7A  }
0x23: {  	s9 =	sor.u32 $0xD0000000, s2;
	s6 =	simm.s32 $0x108;
	_ =	swait.ge @!p0 [sflag:s8], $0x0  }
0x24: {  	s3 =	sadd.s32 $0x88, s3;
	s6 =	simm.s32 @!p1 $0x1082;
	[sflag:s4] =	ssyncset.s32 $0xFFFFF086  }
0x25: {  	[simem:s6], [sflag:s4] =	dma.local [hbm:s3], $0xF7A  }
0x26: {  	[smem:$0x3F79] =	sst s1;
	(tag) =	ssettag s2;
	_ =	strace s9  }
0x27: {  	s1 =	sld [smem:$0x3F89]  }
0x28: {  	s2 =	sld [smem:$0x3F8A]  }
0x29: {  	s4 =	sld [smem:$0x3F8C]  }
0x2a: {  	p0 =	seq.s32 s5, $0x0;
	s5 =	sld [smem:$0x3F8D]  }
0x2b: {  	s6 =	sld [smem:$0x3F8E]  }
0x2c: {  	s7 =	sld [smem:$0x3F8F]  }
0x2d: {  	s3 =	simm.s32 $0x108;
	s8 =	sld [smem:$0x3F90]  }
0x2e: {  	s3 =	simm.s32 @!p0 $0x1082;
	s9 =	sld [smem:$0x3F91]  }
0x2f: {  	lr =	sadd.s32 s0, s3;
	s0 =	sld [smem:$0x3F88]  }
0x30: {  	s3 =	sld [smem:$0x3F8B]  }
0x31: {  	[smem:$0x3F94] =	sst s10  }
0x32: {  	s10 =	sld [smem:$0x3F92];
	_ =	sdelay $0x3  }
0x33: {  	p0 =	seq.s32 s10, $0x1;
	s10 =	sld [smem:$0x3F94];
	_ =	sdelay $0x3  }
0x34: {  	[smem:$0x3F94] =	sst s10  }
0x35: {  	s10 =	sld [smem:$0x3F93];
	_ =	sdelay $0x3  }
0x36: {  	p1 =	seq.s32 s10, $0x1;
	s10 =	sld [smem:$0x3F94];
	_ =	sdelay $0x3  }
0x37: {  	[smem:$0x3F94] =	sst s10  }
0x38: {  	s10 =	sld [smem:$0x3F95]  }
0x39: {  	_ = 	snop;
	(pc) =	sbr.ind lr, $3  }
0x3a: {  	_ = 	snop  }
0x3b: {  	_ = 	snop  }
0x3c: {  	p2 =	seq.s32 s10, $0x1;
	s10 =	sld [smem:$0x3F94]  }
0x3d: {  	_ =	shalt  }
0x3e: {  	_ =	shalt  }
0x3f: {  	_ =	shalt  }
0x40: {  	_ =	shalt  }
0x41: {  	_ =	shalt  }
0x42: {  	_ =	shalt  }
0x43: {  	_ =	shalt  }
0x44: {  	_ =	shalt  }
0x45: {  	_ =	shalt  }
0x46: {  	_ =	shalt  }
0x47: {  	_ =	shalt  }
0x48: {  	_ =	shalt  }
0x49: {  	_ =	shalt  }
0x4a: {  	_ =	shalt  }
0x4b: {  	_ =	shalt  }
0x4c: {  	_ =	shalt  }
0x4d: {  	_ =	shalt  }
0x4e: {  	_ =	shalt  }
0x4f: {  	_ =	shalt  }
0x50: {  	_ =	shalt  }
0x51: {  	_ =	shalt  }
0x52: {  	_ =	shalt  }
0x53: {  	_ =	shalt  }
0x54: {  	_ =	shalt  }
0x55: {  	_ =	shalt  }
0x56: {  	_ =	shalt  }
0x57: {  	_ =	shalt  }
0x58: {  	_ =	shalt  }
0x59: {  	_ =	shalt  }
0x5a: {  	_ =	shalt  }
0x5b: {  	_ =	shalt  }
0x5c: {  	_ =	shalt  }
0x5d: {  	_ =	shalt  }
0x5e: {  	_ =	shalt  }
0x5f: {  	_ =	shalt  }
0x60: {  	_ =	shalt  }
0x61: {  	_ =	shalt  }
0x62: {  	_ =	shalt  }
0x63: {  	_ =	shalt  }
0x64: {  	_ =	shalt  }
0x65: {  	_ =	shalt  }
0x66: {  	_ =	shalt  }
0x67: {  	_ =	shalt  }
0x68: {  	_ =	shalt  }
0x69: {  	_ =	shalt  }
0x6a: {  	_ =	shalt  }
0x6b: {  	_ =	shalt  }
0x6c: {  	_ =	shalt  }
0x6d: {  	_ =	shalt  }
0x6e: {  	_ =	shalt  }
0x6f: {  	_ =	shalt  }
0x70: {  	_ =	shalt  }
0x71: {  	_ =	shalt  }
0x72: {  	_ =	shalt  }
0x73: {  	_ =	shalt  }
0x74: {  	_ =	shalt  }
0x75: {  	_ =	shalt  }
0x76: {  	_ =	shalt  }
0x77: {  	_ =	shalt  }
0x78: {  	_ =	shalt  }
0x79: {  	_ =	shalt  }
0x7a: {  	_ =	shalt  }
0x7b: {  	_ =	shalt  }
0x7c: {  	_ =	shalt  }
0x7d: {  	_ =	shalt  }
0x7e: {  	_ =	shalt  }
0x7f: {  	_ =	shalt  }
0x80: {  	_ =	shalt  }
0x81: {  	_ =	shalt  }
0x82: {  	_ =	shalt  }
0x83: {  	_ =	shalt  }
0x84: {  	_ =	shalt  }
0x85: {  	_ =	shalt  }
0x86: {  	_ =	shalt  }
0x87: {  	_ =	shalt  }
.Lfunc_end0:
.L_simem_size_0:
called_computation.2_lowered:
.L_overlay_start_0:
0x88: {  	s2 =	sld [smem:$0x3FD9]  }
0x89: {  	s3 =	sld [smem:$0x3FFE];
	_ =	sdelay $0x1  }
0x8a: {  	s1 =	srdreg.scid  }
0x8b: {  	s0 =	sand.u32 $0x1, s1  }
0x8c: {  	s16 =	sshll.u32 s0, $0xA;
	s2 =	sadd.s32 s3, s2  }
0x8d: {  	s2 =	sadd.s32 s2, s16  }
0x8e: {  	[smem:$0x3FA0] =	sst s2  }
0x8f: {  	_ = 	snop  }
0x90: {  	(tm) =	ssettm $0x1  }
0x91: {  	s17 =	sld [smem:$0x3FFB];
	_ =	sdelay $0x3  }
0x92: {  	_ =	strace s17  }
0x93: {  	s2 =	sld [smem:$0x3FFC];
	_ =	sdelay $0x3  }
0x94: {  	_ =	strace s2  }
0x95: {  	s2 =	sld [smem:$0x3FFD];
	_ =	sdelay $0x3  }
0x96: {  	_ =	strace s2  }
0x97: {  	_ =	strace $0x8FFFFFFF  }
0x98: {  	s18 =	sld [smem:$0x3FDB];
	_ =	sdelay $0x1  }
0x99: {  	s19 =	simm.s32 $_scs_section_size  }
0x9a: {  	s4 =	simm.s32 $_size__tile_overlayer_lowered;
	s5 =	simm.s32 $_tile_overlayer_lowered  }
0x9b: {  	s22 =	simm.s32 $0x1BFF;
	s21 =	sshll.u32 s5, $0x1;
	s2 =	sadd.s32 s19, s18  }
0x9c: {  	s6 =	simm.s32 $0x0;
	s20 =	sshll.u32 s4, $0x1;
	s4 =	sadd.s32 s21, s2  }
0x9d: {  	[timem:s6], [sflag:s22] =	dma.local [hbm:s4], s20  }
0x9e: {  	_ =	swait.ge [sflag:s22], s20  }
0x9f: {  	s3 =	ssub.s32 $0x0, s20;
	[sflag:s22] =	ssyncset.done $0x0  }
0xa0: {  	[sflag:s22] =	ssyncadd.s32 s3;
	_ =	sdelay $0x1  }
0xa1: {  	s23 =	simm.s32 $0x1B8B  }
0xa2: {  	_ =	swait.ge [sflag:s23], $0x1  }
0xa3: {  	[sflag:s23] =	ssyncset.done $0x0  }
0xa4: {  	s25 =	simm.s32 $0x1B8E;
	s24 =	sld [smem:$0x3FFE];
	[sflag:s23] =	ssyncadd.s32 $0xFFFFFFFF  }
0xa5: {  	s26 =	simm.s32 $execute0_lowered;
	[smem:$0x3FD2] =	sst s25  }
0xa6: {  	s4 =	sshll.u32 s26, $0x1;
	_ =	strace $0x8000004C;
	[dreg:$0x1] =	wrdreg $0xFFFFFFFF  }
0xa7: {  	s28 =	simm.s32 $_size_execute0_lowered;
	s2 =	sadd.s32 s2, s4;
	[dreg:$0x0] =	wrdreg $0x0  }
0xa8: {  	s4 =	sshll.u32 s28, $0x1;
	[dreg:$0x2] =	wrdreg s2  }
0xa9: {  	[dreg:$0x3] =	wrdreg s4  }
0xaa: {  	[dreg:$0x4] =	wrdreg $0xC0  }
0xab: {  	_ =	task [dreg:s6], $0x5FFFF  }
0xac: {  	[dreg:$0x1] =	wrdreg $0xFFFFFFFF  }
0xad: {  	[dreg:$0x0] =	wrdreg $0x60  }
0xae: {  	[dreg:$0x2] =	wrdreg s24  }
0xaf: {  	[dreg:$0x3] =	wrdreg $0x9  }
0xb0: {  	_ =	task.clear_ibuf [dreg:s6], $0x4FFFF;
	_ =	strace $0x9000004C  }
0xb1: {  	s29 =	simm.s32 $0x9;
	_ =	strace $0x8000004E  }
0xb2: {  	_ =	swait.ge [sflag:s29], $0x1  }
0xb3: {  	[sflag:s29] =	ssyncadd.s32 $0xFFFFFFFF  }
0xb4: {  	_ =	strace $0x9000004E  }
0xb5: {  	_ =	sfence  }
0xb6: {  	s30 =	sld [smem:$0x0];
	_ =	sdelay $0x2  }
0xb7: {  	s31 =	sshll.u32 s1, $0xD;
	s1 =	sshrl.u32 s1, $0x2  }
0xb8: {  	s3 =	sand.u32 $0x4000, s31;
	s1 =	sadd.s32 s1, s30  }
0xb9: {  	s0 =	sor.u32 s3, s0;
	s1 =	sshll.u32 s1, $0x11  }
0xba: {  	s0 =	sor.u32 s1, s0  }
0xbb: {  	s0 =	sadd.s32 $0x8F2B, s0  }
0xbc: {  	[sflag:s0] =	ssyncadd.remote.s32 $0x1  }
0xbd: {  	_ =	sfence.sel $0xFFFF  }
0xbe: {  	[dreg:$0x0] =	wrdreg $0xFFFFFFFF;
	(pc) =	sbr.abs _section_cstart, $3  }
0xbf: {  	[dreg:$0x1] =	wrdreg $0xFFFFFFFF  }
0xc0: {  	_ =	task.clear_ibuf [dreg:s6], $0x2FFFF;
	_ =	strace $0x9FFFFFFF  }
0xc1: {  	(tm) =	ssettm $0x7FFFFFFF  }
tec
execute0_lowered:
.L_overlay_start_1:
0x0: {  	(tag) =	ssettag $0x1  }
0x1: {  	s1 =	srdreg.scid  }
0x2: {  	s0 =	stileid.u32;
	s10 =	sand.u32 $0x1, s1  }
0x3: {  	s30 =	sshll.u32 s0, $0xB;
	s2 =	sshll.u32 s10, $0xA  }
0x4: {  	s9 =	rddreg [dreg:$0x0];
	s11 =	sor.u32 s2, s30  }
0x5: {  	s1 =	rddreg [dreg:$0x1];
	s2 =	simm.s32 $0x0;
	s3 =	sshrl.u32 s11, $0x3  }
0x6: {  	[smem:$0x7FF] =	sst s2;
	s3 =	sadd.s32 s3, s9  }
0x7: {  	_ =	strace $0x8000004D;
	s4 =	sadd.s32 $0x6800, s3;
	s3 =	simm.s32 $0x2  }
0x8: {  	[tilespmem:s2], [sflag:$0x2] =	stream.linear.gather [hbm4b:s4+s2], $0x400, $0x38;
	[tilespmem:$0x10400] =	vst v63  }
0x9: {  	_ =	swait.ge [sflag:s3], $0x400  }
0xa: {  	s6 =	simm.s32 $0x200;
	s7 =	simm.s32 $0x400;
	[sflag:s3] =	ssyncset.done $0x0  }
0xb: {  	s8 =	simm.s32 $0x1;
	s5 =	sadd.s32 $0x7800, s9;
	[sflag:s3] =	ssyncadd.s32 $0xFFFFFC00  }
0xc: {  	[tilespmem:s7], [sflag:$0x1] =	stream.indirect.gather [hbm4b:s5+s6], $0x80, s2, s6, $0xb8;
	[tilespmem:$0x10400] =	vst v63  }
0xd: {  	s11 =	sshll.u32 s11, $0x4;
	_ =	swait.ge [sflag:s8], $0x10000  }
0xe: {  	s11 =	sadd.s32 s11, s9;
	[sflag:s8] =	ssyncset.done $0x0  }
0xf: {  	s10 =	ssub.s32 $0x2, s10;
	s9 =	sadd.s32 $0x27800, s11;
	[sflag:s8] =	ssyncadd.s32 $0xFFFF0000  }
0x10: {  	[hbm4b:s9+s2] =	stream.linear.scatter [tilespmem:s7], [sflag:$0x2], $0x10000, $0x38;
	[tilespmem:$0x10400] =	vst v63  }
0x11: {  	s12 =	sshrl.u32 s10, $0x1;
	_ =	swait.ge [sflag:s3], $0x10000  }
0x12: {  	s12 =	ssub.s32 s10, s12;
	[sflag:s3] =	ssyncset.done $0x0  }
0x13: {  	s31 =	smax.u32 s12, $0x1;
	[sflag:s3] =	ssyncadd.s32 $0xFFFF0000  }
0x14: {  	[tilespmem:s7], [sflag:$0x1] =	stream.indirect.gather [hbm4b:s5+s6], $0x80, s6, s6, $0xb8;
	[tilespmem:$0x10400] =	vst v63  }
0x15: {  	p0 =	sne.s32 s31, $0x1;
	_ =	swait.ge [sflag:s8], $0x10000  }
.Ltmp0:
0x16: {  	[sflag:s8] =	ssyncset.done $0x0;
	(pc) =	sbr.rel @!p0 .LBB2_2-.Ltmp0, $4  }
0x17: {  	s10 =	sadd.s32 $0x29800, s11;
	[sflag:s8] =	ssyncadd.s32 $0xFFFF0000  }
0x18: {  	[hbm4b:s10+s2] =	stream.linear.scatter [tilespmem:s7], [sflag:$0x2], $0x10000, $0x38;
	[tilespmem:$0x10400] =	vst v63  }
0x19: {  	_ =	swait.ge [sflag:s3], $0x10000  }
0x1a: {  	s11 =	sadd.s32 $0xFFFFFFFF, s31;
	[sflag:s3] =	ssyncset.done $0x0  }
.LBB2_1:
0x1b: {  	p0 =	sne.s32 s11, $0x1;
	s11 =	sadd.s32 $0xFFFFFFFF, s11;
	[sflag:s3] =	ssyncadd.s32 $0xFFFF0000  }
0x1c: {  	[tilespmem:s2], [sflag:$0x2] =	stream.linear.gather [hbm4b:s4+s2], $0x400, $0x38;
	[tilespmem:$0x10400] =	vst v63  }
0x1d: {  	_ =	swait.ge [sflag:s3], $0x400  }
0x1e: {  	[sflag:s3] =	ssyncset.done $0x0  }
0x1f: {  	[sflag:s3] =	ssyncadd.s32 $0xFFFFFC00  }
0x20: {  	[tilespmem:s7], [sflag:$0x1] =	stream.indirect.gather [hbm4b:s5+s6], $0x80, s2, s6, $0xb8;
	[tilespmem:$0x10400] =	vst v63  }
0x21: {  	_ =	swait.ge [sflag:s8], $0x10000  }
0x22: {  	[sflag:s8] =	ssyncset.done $0x0  }
0x23: {  	[sflag:s8] =	ssyncadd.s32 $0xFFFF0000  }
0x24: {  	[hbm4b:s9+s2] =	stream.linear.scatter [tilespmem:s7], [sflag:$0x2], $0x10000, $0x38;
	[tilespmem:$0x10400] =	vst v63  }
0x25: {  	_ =	swait.ge [sflag:s3], $0x10000  }
0x26: {  	[sflag:s3] =	ssyncset.done $0x0  }
0x27: {  	[sflag:s3] =	ssyncadd.s32 $0xFFFF0000  }
0x28: {  	[tilespmem:s7], [sflag:$0x1] =	stream.indirect.gather [hbm4b:s5+s6], $0x80, s6, s6, $0xb8;
	[tilespmem:$0x10400] =	vst v63  }
0x29: {  	_ =	swait.ge [sflag:s8], $0x10000  }
.Ltmp1:
0x2a: {  	[sflag:s8] =	ssyncset.done $0x0;
	(pc) =	sbr.rel @p0 .LBB2_1-.Ltmp1, $4  }
0x2b: {  	[sflag:s8] =	ssyncadd.s32 $0xFFFF0000  }
0x2c: {  	[hbm4b:s10+s2] =	stream.linear.scatter [tilespmem:s7], [sflag:$0x2], $0x10000, $0x38;
	[tilespmem:$0x10400] =	vst v63  }
0x2d: {  	_ =	swait.ge [sflag:s3], $0x10000  }
0x2e: {  	[sflag:s3] =	ssyncset.done $0x0  }
.LBB2_2:
0x2f: {  	[sflag:s3] =	ssyncadd.s32 $0xFFFF0000  }
0x30: {  	_ =	sfence.sel $0x180000  }
0x31: {  	[bflag:$0x0] =	sbarrier.arrive $0xFFFF  }
0x32: {  	p0 =	sne.s32 s0, $0x0;
	_ =	strace $0x9000004D  }
0x33: {  	s0 =	sadd.s32 @!p0 $0x100000, s1;
	[bflag:$0x2] =	sbarrier.arrive $0xFFFF  }
0x34: {  	[sflag:s0] =	ssyncadd.tile.s32 @!p0 $0x1;
	_ =	shalt  }
.Lfunc_end2:
_tile_overlayer_lowered:
.L_overlay_start_2:
0x35: {  	(tag) =	ssettag $0x2  }
0x36: {  	s0 =	rddreg [dreg:$0x0];
	s2 =	stileid.u32  }
0x37: {  	s1 =	rddreg [dreg:$0x1];
	p0 =	sne.s32 s2, $0x0  }
0x38: {  	s3 =	rddreg [dreg:$0x2];
	[bflag:$0x3] =	sbarrier.arrive $0xFFFF;
	s2 =	simm.s32 @!p0 $0x1C02  }
0x39: {  	[timem:s3], [sflag:s2] =	dma.local @!p0 [hbm:s0], s1  }
0x3a: {  	s0 =	simm.s32 @!p0 $0x2  }
0x3b: {  	_ =	swait.ge @!p0 [sflag:s0], s1  }
0x3c: {  	s1 =	ssub.s32 @!p0 $0x0, s1;
	[sflag:s0] =	ssyncset.done @!p0 $0x0  }
0x3d: {  	[sflag:s0] =	ssyncadd.s32 @!p0 s1  }
0x3e: {  	[bflag:$0x3] =	sbarrier.arrive $0xFFFF  }
0x3f: {  	_ =	shalt  }

// kernel: kernel.9.cloned.1.call-start
scs
__scs_entry_jumppad:
0x0: {  	(pc) =	sbr.rel $0x88, $3  }
0x1: {  	(tag) =	ssettag $0x0;
	lr =	simm.s32 $0x1  }
0x2: {  	[smem:$0x3F79] =	sst lr;
	_ =	strace $0xD0000000  }
0x3: {  	_ = 	snop  }
0x4: {  	_ = 	snop  }
0x5: {  	_ = 	snop  }
0x6: {  	_ = 	snop  }
0x7: {  	_ = 	snop  }
__scs_overlays_trampoline_lowered:
0x8: {  	[smem:$0x3F88] =	sst s0  }
0x9: {  	[smem:$0x3F89] =	sst s1  }
0xa: {  	[smem:$0x3F8A] =	sst s2  }
0xb: {  	[smem:$0x3F8B] =	sst s3  }
0xc: {  	[smem:$0x3F8C] =	sst s4  }
0xd: {  	[smem:$0x3F8D] =	sst s5  }
0xe: {  	[smem:$0x3F8E] =	sst s6  }
0xf: {  	[smem:$0x3F8F] =	sst s7  }
0x10: {  	[smem:$0x3F90] =	sst s8  }
0x11: {  	[smem:$0x3F91] =	sst s9;
	s0 =	simm.s32 @!p0 $0x0  }
0x12: {  	s1 =	sld [smem:$0x3F77];
	s0 =	simm.s32 @p0 $0x1  }
0x13: {  	[smem:$0x3F92] =	sst s0;
	s0 =	simm.s32 @!p1 $0x0  }
0x14: {  	s2 =	sld [smem:$0x3F76];
	s0 =	simm.s32 @p1 $0x1  }
0x15: {  	[smem:$0x3F93] =	sst s0;
	s0 =	simm.s32 @!p2 $0x0  }
0x16: {  	s3 =	sld [smem:$0x3FDB];
	s0 =	simm.s32 @p2 $0x1  }
0x17: {  	s4 =	simm.s32 $0x1BF5;
	[smem:$0x3F95] =	sst s0  }
0x18: {  	s0 =	sld [smem:$0x3F78];
	_ =	swait.ge [sflag:s4], $0x0  }
0x19: {  	s7 =	sld [smem:$0x3F79]  }
0x1a: {  	s8 =	sadd.s32 $0xFFFFE003, lr  }
0x1b: {  	s9 =	sadd.s32 $0xFFFFFEF7, lr;
	s5 =	simm.s32 $0xFFFFFFFF;
	p2 =	slt.u32 s8, $0xFFFFF086  }
0x1c: {  	p1 =	slt.u32 s9, $0xF7A;
	s5 =	simm.s32 @!p2 $0x0  }
0x1d: {  	s5 =	simm.s32 @p1 $0x1;
	p0 =	seq.s32 s7, s2  }
0x1e: {  	s7 =	smul.u32 @!p0 $0xF7A, s2;
	p2 =	seq.s32 @!p0 s5, $0x0  }
0x1f: {  	s9 =	smul.u32 $0xF7A, s1;
	s8 =	simm.s32 @!p0 $0x1BF5;
	p2 =	por !p2, p0  }
0x20: {  	[sflag:s8] =	ssyncset.s32 @!p0 $0xFFFFF086;
	s6 =	sadd.s32 @!p0 s3, s7;
	s7 =	simm.s32 @!p0 $0x108  }
0x21: {  	s3 =	sadd.s32 s3, s9;
	s6 =	sadd.s32 @!p0 $0x88, s6;
	s7 =	simm.s32 @p2 $0x1082  }
0x22: {  	[simem:s7], [sflag:s8] =	dma.local @!p0 [hbm:s6], $0xF7A  }
0x23: {  	s9 =	sor.u32 $0xD0000000, s2;
	s6 =	simm.s32 $0x108;
	_ =	swait.ge @!p0 [sflag:s8], $0x0  }
0x24: {  	s3 =	sadd.s32 $0x88, s3;
	s6 =	simm.s32 @!p1 $0x1082;
	[sflag:s4] =	ssyncset.s32 $0xFFFFF086  }
0x25: {  	[simem:s6], [sflag:s4] =	dma.local [hbm:s3], $0xF7A  }
0x26: {  	[smem:$0x3F79] =	sst s1;
	(tag) =	ssettag s2;
	_ =	strace s9  }
0x27: {  	s1 =	sld [smem:$0x3F89]  }
0x28: {  	s2 =	sld [smem:$0x3F8A]  }
0x29: {  	s4 =	sld [smem:$0x3F8C]  }
0x2a: {  	p0 =	seq.s32 s5, $0x0;
	s5 =	sld [smem:$0x3F8D]  }
0x2b: {  	s6 =	sld [smem:$0x3F8E]  }
0x2c: {  	s7 =	sld [smem:$0x3F8F]  }
0x2d: {  	s3 =	simm.s32 $0x108;
	s8 =	sld [smem:$0x3F90]  }
0x2e: {  	s3 =	simm.s32 @!p0 $0x1082;
	s9 =	sld [smem:$0x3F91]  }
0x2f: {  	lr =	sadd.s32 s0, s3;
	s0 =	sld [smem:$0x3F88]  }
0x30: {  	s3 =	sld [smem:$0x3F8B]  }
0x31: {  	[smem:$0x3F94] =	sst s10  }
0x32: {  	s10 =	sld [smem:$0x3F92];
	_ =	sdelay $0x3  }
0x33: {  	p0 =	seq.s32 s10, $0x1;
	s10 =	sld [smem:$0x3F94];
	_ =	sdelay $0x3  }
0x34: {  	[smem:$0x3F94] =	sst s10  }
0x35: {  	s10 =	sld [smem:$0x3F93];
	_ =	sdelay $0x3  }
0x36: {  	p1 =	seq.s32 s10, $0x1;
	s10 =	sld [smem:$0x3F94];
	_ =	sdelay $0x3  }
0x37: {  	[smem:$0x3F94] =	sst s10  }
0x38: {  	s10 =	sld [smem:$0x3F95]  }
0x39: {  	_ = 	snop;
	(pc) =	sbr.ind lr, $3  }
0x3a: {  	_ = 	snop  }
0x3b: {  	_ = 	snop  }
0x3c: {  	p2 =	seq.s32 s10, $0x1;
	s10 =	sld [smem:$0x3F94]  }
0x3d: {  	_ =	shalt  }
0x3e: {  	_ =	shalt  }
0x3f: {  	_ =	shalt  }
0x40: {  	_ =	shalt  }
0x41: {  	_ =	shalt  }
0x42: {  	_ =	shalt  }
0x43: {  	_ =	shalt  }
0x44: {  	_ =	shalt  }
0x45: {  	_ =	shalt  }
0x46: {  	_ =	shalt  }
0x47: {  	_ =	shalt  }
0x48: {  	_ =	shalt  }
0x49: {  	_ =	shalt  }
0x4a: {  	_ =	shalt  }
0x4b: {  	_ =	shalt  }
0x4c: {  	_ =	shalt  }
0x4d: {  	_ =	shalt  }
0x4e: {  	_ =	shalt  }
0x4f: {  	_ =	shalt  }
0x50: {  	_ =	shalt  }
0x51: {  	_ =	shalt  }
0x52: {  	_ =	shalt  }
0x53: {  	_ =	shalt  }
0x54: {  	_ =	shalt  }
0x55: {  	_ =	shalt  }
0x56: {  	_ =	shalt  }
0x57: {  	_ =	shalt  }
0x58: {  	_ =	shalt  }
0x59: {  	_ =	shalt  }
0x5a: {  	_ =	shalt  }
0x5b: {  	_ =	shalt  }
0x5c: {  	_ =	shalt  }
0x5d: {  	_ =	shalt  }
0x5e: {  	_ =	shalt  }
0x5f: {  	_ =	shalt  }
0x60: {  	_ =	shalt  }
0x61: {  	_ =	shalt  }
0x62: {  	_ =	shalt  }
0x63: {  	_ =	shalt  }
0x64: {  	_ =	shalt  }
0x65: {  	_ =	shalt  }
0x66: {  	_ =	shalt  }
0x67: {  	_ =	shalt  }
0x68: {  	_ =	shalt  }
0x69: {  	_ =	shalt  }
0x6a: {  	_ =	shalt  }
0x6b: {  	_ =	shalt  }
0x6c: {  	_ =	shalt  }
0x6d: {  	_ =	shalt  }
0x6e: {  	_ =	shalt  }
0x6f: {  	_ =	shalt  }
0x70: {  	_ =	shalt  }
0x71: {  	_ =	shalt  }
0x72: {  	_ =	shalt  }
0x73: {  	_ =	shalt  }
0x74: {  	_ =	shalt  }
0x75: {  	_ =	shalt  }
0x76: {  	_ =	shalt  }
0x77: {  	_ =	shalt  }
0x78: {  	_ =	shalt  }
0x79: {  	_ =	shalt  }
0x7a: {  	_ =	shalt  }
0x7b: {  	_ =	shalt  }
0x7c: {  	_ =	shalt  }
0x7d: {  	_ =	shalt  }
0x7e: {  	_ =	shalt  }
0x7f: {  	_ =	shalt  }
0x80: {  	_ =	shalt  }
0x81: {  	_ =	shalt  }
0x82: {  	_ =	shalt  }
0x83: {  	_ =	shalt  }
0x84: {  	_ =	shalt  }
0x85: {  	_ =	shalt  }
0x86: {  	_ =	shalt  }
0x87: {  	_ =	shalt  }
.Lfunc_end0:
.L_simem_size_0:
called_computation_lowered:
.L_overlay_start_0:
0x88: {  	s2 =	sld [smem:$0x3FD9]  }
0x89: {  	s3 =	sld [smem:$0x3FFE];
	_ =	sdelay $0x1  }
0x8a: {  	s1 =	srdreg.scid  }
0x8b: {  	s0 =	sand.u32 $0x1, s1  }
0x8c: {  	s16 =	sshll.u32 s0, $0xA;
	s2 =	sadd.s32 s3, s2  }
0x8d: {  	s2 =	sadd.s32 s2, s16  }
0x8e: {  	[smem:$0x3FA0] =	sst s2  }
0x8f: {  	_ = 	snop  }
0x90: {  	(tm) =	ssettm $0x1  }
0x91: {  	s17 =	sld [smem:$0x3FFB];
	_ =	sdelay $0x3  }
0x92: {  	_ =	strace s17  }
0x93: {  	s2 =	sld [smem:$0x3FFC];
	_ =	sdelay $0x3  }
0x94: {  	_ =	strace s2  }
0x95: {  	s2 =	sld [smem:$0x3FFD];
	_ =	sdelay $0x3  }
0x96: {  	_ =	strace s2  }
0x97: {  	_ =	strace $0x8FFFFFFF  }
0x98: {  	s18 =	sld [smem:$0x3FDB];
	_ =	sdelay $0x1  }
0x99: {  	s19 =	simm.s32 $_scs_section_size  }
0x9a: {  	s4 =	simm.s32 $_size__tile_overlayer_lowered;
	s5 =	simm.s32 $_tile_overlayer_lowered  }
0x9b: {  	s22 =	simm.s32 $0x1BFF;
	s21 =	sshll.u32 s5, $0x1;
	s2 =	sadd.s32 s19, s18  }
0x9c: {  	s6 =	simm.s32 $0x0;
	s20 =	sshll.u32 s4, $0x1;
	s4 =	sadd.s32 s21, s2  }
0x9d: {  	[timem:s6], [sflag:s22] =	dma.local [hbm:s4], s20  }
0x9e: {  	_ =	swait.ge [sflag:s22], s20  }
0x9f: {  	s3 =	ssub.s32 $0x0, s20;
	[sflag:s22] =	ssyncset.done $0x0  }
0xa0: {  	[sflag:s22] =	ssyncadd.s32 s3;
	_ =	sdelay $0x1  }
0xa1: {  	s23 =	simm.s32 $0x1B8B  }
0xa2: {  	_ =	swait.ge [sflag:s23], $0x1  }
0xa3: {  	[sflag:s23] =	ssyncset.done $0x0  }
0xa4: {  	s25 =	simm.s32 $0x1B8E;
	s24 =	sld [smem:$0x3FFE];
	[sflag:s23] =	ssyncadd.s32 $0xFFFFFFFF  }
0xa5: {  	s26 =	simm.s32 $execute0_lowered;
	[smem:$0x3FD2] =	sst s25  }
0xa6: {  	s4 =	sshll.u32 s26, $0x1;
	_ =	strace $0x80000046;
	[dreg:$0x1] =	wrdreg $0xFFFFFFFF  }
0xa7: {  	s28 =	simm.s32 $_size_execute0_lowered;
	s2 =	sadd.s32 s2, s4;
	[dreg:$0x0] =	wrdreg $0x0  }
0xa8: {  	s4 =	sshll.u32 s28, $0x1;
	[dreg:$0x2] =	wrdreg s2  }
0xa9: {  	[dreg:$0x3] =	wrdreg s4  }
0xaa: {  	[dreg:$0x4] =	wrdreg $0xC0  }
0xab: {  	_ =	task [dreg:s6], $0x5FFFF  }
0xac: {  	[dreg:$0x1] =	wrdreg $0xFFFFFFFF  }
0xad: {  	[dreg:$0x0] =	wrdreg $0x60  }
0xae: {  	[dreg:$0x2] =	wrdreg s24  }
0xaf: {  	[dreg:$0x3] =	wrdreg $0x9  }
0xb0: {  	_ =	task.clear_ibuf [dreg:s6], $0x4FFFF;
	_ =	strace $0x90000046  }
0xb1: {  	s29 =	simm.s32 $0x9;
	_ =	strace $0x80000048  }
0xb2: {  	_ =	swait.ge [sflag:s29], $0x1  }
0xb3: {  	[sflag:s29] =	ssyncadd.s32 $0xFFFFFFFF  }
0xb4: {  	_ =	strace $0x90000048  }
0xb5: {  	_ =	sfence  }
0xb6: {  	s30 =	sld [smem:$0x0];
	_ =	sdelay $0x2  }
0xb7: {  	s31 =	sshll.u32 s1, $0xD;
	s1 =	sshrl.u32 s1, $0x2  }
0xb8: {  	s3 =	sand.u32 $0x4000, s31;
	s1 =	sadd.s32 s1, s30  }
0xb9: {  	s0 =	sor.u32 s3, s0;
	s1 =	sshll.u32 s1, $0x11  }
0xba: {  	s0 =	sor.u32 s1, s0  }
0xbb: {  	s0 =	sadd.s32 $0x8F2B, s0  }
0xbc: {  	[sflag:s0] =	ssyncadd.remote.s32 $0x1  }
0xbd: {  	_ =	sfence.sel $0xFFFF  }
0xbe: {  	[dreg:$0x0] =	wrdreg $0xFFFFFFFF;
	(pc) =	sbr.abs _section_cstart, $3  }
0xbf: {  	[dreg:$0x1] =	wrdreg $0xFFFFFFFF  }
0xc0: {  	_ =	task.clear_ibuf [dreg:s6], $0x2FFFF;
	_ =	strace $0x9FFFFFFF  }
0xc1: {  	(tm) =	ssettm $0x7FFFFFFF  }
tec
execute0_lowered:
.L_overlay_start_1:
0x0: {  	(tag) =	ssettag $0x1  }
0x1: {  	s1 =	srdreg.scid  }
0x2: {  	s0 =	stileid.u32;
	s10 =	sand.u32 $0x1, s1  }
0x3: {  	s30 =	sshll.u32 s0, $0xB;
	s2 =	sshll.u32 s10, $0xA  }
0x4: {  	s9 =	rddreg [dreg:$0x0];
	s11 =	sor.u32 s2, s30  }
0x5: {  	s1 =	rddreg [dreg:$0x1];
	s2 =	simm.s32 $0x0;
	s3 =	sshrl.u32 s11, $0x3  }
0x6: {  	[smem:$0x7FF] =	sst s2;
	s3 =	sadd.s32 s3, s9  }
0x7: {  	_ =	strace $0x80000047;
	s4 =	sadd.s32 $0x6800, s3;
	s3 =	simm.s32 $0x2  }
0x8: {  	[tilespmem:s2], [sflag:$0x2] =	stream.linear.gather [hbm4b:s4+s2], $0x400, $0x38;
	[tilespmem:$0x10400] =	vst v63  }
0x9: {  	_ =	swait.ge [sflag:s3], $0x400  }
0xa: {  	s6 =	simm.s32 $0x200;
	s7 =	simm.s32 $0x400;
	[sflag:s3] =	ssyncset.done $0x0  }
0xb: {  	s8 =	simm.s32 $0x1;
	s5 =	sadd.s32 $0x7800, s9;
	[sflag:s3] =	ssyncadd.s32 $0xFFFFFC00  }
0xc: {  	[tilespmem:s7], [sflag:$0x1] =	stream.indirect.gather [hbm4b:s5+s6], $0x80, s2, s6, $0xb8;
	[tilespmem:$0x10400] =	vst v63  }
0xd: {  	s11 =	sshll.u32 s11, $0x4;
	_ =	swait.ge [sflag:s8], $0x10000  }
0xe: {  	s11 =	sadd.s32 s11, s9;
	[sflag:s8] =	ssyncset.done $0x0  }
0xf: {  	s10 =	ssub.s32 $0x2, s10;
	s9 =	sadd.s32 $0x27800, s11;
	[sflag:s8] =	ssyncadd.s32 $0xFFFF0000  }
0x10: {  	[hbm4b:s9+s2] =	stream.linear.scatter [tilespmem:s7], [sflag:$0x2], $0x10000, $0x38;
	[tilespmem:$0x10400] =	vst v63  }
0x11: {  	s12 =	sshrl.u32 s10, $0x1;
	_ =	swait.ge [sflag:s3], $0x10000  }
0x12: {  	s12 =	ssub.s32 s10, s12;
	[sflag:s3] =	ssyncset.done $0x0  }
0x13: {  	s31 =	smax.u32 s12, $0x1;
	[sflag:s3] =	ssyncadd.s32 $0xFFFF0000  }
0x14: {  	[tilespmem:s7], [sflag:$0x1] =	stream.indirect.gather [hbm4b:s5+s6], $0x80, s6, s6, $0xb8;
	[tilespmem:$0x10400] =	vst v63  }
0x15: {  	p0 =	sne.s32 s31, $0x1;
	_ =	swait.ge [sflag:s8], $0x10000  }
.Ltmp0:
0x16: {  	[sflag:s8] =	ssyncset.done $0x0;
	(pc) =	sbr.rel @!p0 .LBB2_2-.Ltmp0, $4  }
0x17: {  	s10 =	sadd.s32 $0x29800, s11;
	[sflag:s8] =	ssyncadd.s32 $0xFFFF0000  }
0x18: {  	[hbm4b:s10+s2] =	stream.linear.scatter [tilespmem:s7], [sflag:$0x2], $0x10000, $0x38;
	[tilespmem:$0x10400] =	vst v63  }
0x19: {  	_ =	swait.ge [sflag:s3], $0x10000  }
0x1a: {  	s11 =	sadd.s32 $0xFFFFFFFF, s31;
	[sflag:s3] =	ssyncset.done $0x0  }
.LBB2_1:
0x1b: {  	p0 =	sne.s32 s11, $0x1;
	s11 =	sadd.s32 $0xFFFFFFFF, s11;
	[sflag:s3] =	ssyncadd.s32 $0xFFFF0000  }
0x1c: {  	[tilespmem:s2], [sflag:$0x2] =	stream.linear.gather [hbm4b:s4+s2], $0x400, $0x38;
	[tilespmem:$0x10400] =	vst v63  }
0x1d: {  	_ =	swait.ge [sflag:s3], $0x400  }
0x1e: {  	[sflag:s3] =	ssyncset.done $0x0  }
0x1f: {  	[sflag:s3] =	ssyncadd.s32 $0xFFFFFC00  }
0x20: {  	[tilespmem:s7], [sflag:$0x1] =	stream.indirect.gather [hbm4b:s5+s6], $0x80, s2, s6, $0xb8;
	[tilespmem:$0x10400] =	vst v63  }
0x21: {  	_ =	swait.ge [sflag:s8], $0x10000  }
0x22: {  	[sflag:s8] =	ssyncset.done $0x0  }
0x23: {  	[sflag:s8] =	ssyncadd.s32 $0xFFFF0000  }
0x24: {  	[hbm4b:s9+s2] =	stream.linear.scatter [tilespmem:s7], [sflag:$0x2], $0x10000, $0x38;
	[tilespmem:$0x10400] =	vst v63  }
0x25: {  	_ =	swait.ge [sflag:s3], $0x10000  }
0x26: {  	[sflag:s3] =	ssyncset.done $0x0  }
0x27: {  	[sflag:s3] =	ssyncadd.s32 $0xFFFF0000  }
0x28: {  	[tilespmem:s7], [sflag:$0x1] =	stream.indirect.gather [hbm4b:s5+s6], $0x80, s6, s6, $0xb8;
	[tilespmem:$0x10400] =	vst v63  }
0x29: {  	_ =	swait.ge [sflag:s8], $0x10000  }
.Ltmp1:
0x2a: {  	[sflag:s8] =	ssyncset.done $0x0;
	(pc) =	sbr.rel @p0 .LBB2_1-.Ltmp1, $4  }
0x2b: {  	[sflag:s8] =	ssyncadd.s32 $0xFFFF0000  }
0x2c: {  	[hbm4b:s10+s2] =	stream.linear.scatter [tilespmem:s7], [sflag:$0x2], $0x10000, $0x38;
	[tilespmem:$0x10400] =	vst v63  }
0x2d: {  	_ =	swait.ge [sflag:s3], $0x10000  }
0x2e: {  	[sflag:s3] =	ssyncset.done $0x0  }
.LBB2_2:
0x2f: {  	[sflag:s3] =	ssyncadd.s32 $0xFFFF0000  }
0x30: {  	_ =	sfence.sel $0x180000  }
0x31: {  	[bflag:$0x0] =	sbarrier.arrive $0xFFFF  }
0x32: {  	p0 =	sne.s32 s0, $0x0;
	_ =	strace $0x90000047  }
0x33: {  	s0 =	sadd.s32 @!p0 $0x100000, s1;
	[bflag:$0x2] =	sbarrier.arrive $0xFFFF  }
0x34: {  	[sflag:s0] =	ssyncadd.tile.s32 @!p0 $0x1;
	_ =	shalt  }
.Lfunc_end2:
_tile_overlayer_lowered:
.L_overlay_start_2:
0x35: {  	(tag) =	ssettag $0x2  }
0x36: {  	s0 =	rddreg [dreg:$0x0];
	s2 =	stileid.u32  }
0x37: {  	s1 =	rddreg [dreg:$0x1];
	p0 =	sne.s32 s2, $0x0  }
0x38: {  	s3 =	rddreg [dreg:$0x2];
	[bflag:$0x3] =	sbarrier.arrive $0xFFFF;
	s2 =	simm.s32 @!p0 $0x1C02  }
0x39: {  	[timem:s3], [sflag:s2] =	dma.local @!p0 [hbm:s0], s1  }
0x3a: {  	s0 =	simm.s32 @!p0 $0x2  }
0x3b: {  	_ =	swait.ge @!p0 [sflag:s0], s1  }
0x3c: {  	s1 =	ssub.s32 @!p0 $0x0, s1;
	[sflag:s0] =	ssyncset.done @!p0 $0x0  }
0x3d: {  	[sflag:s0] =	ssyncadd.s32 @!p0 s1  }
0x3e: {  	[bflag:$0x3] =	sbarrier.arrive $0xFFFF  }
0x3f: {  	_ =	shalt  }

</sc_bundles>
